<compile_context>
chip_gen: v7x
topology: tpu7x:2x2x1
jax: 0.10.2.dev20260603
libtpu: 0.0.44.dev20260713+nightly
codegen_flags: <defaults>
</compile_context>

<pallas_src>
import functools

import jax
import jax.numpy as jnp
from jax import lax
from jax.experimental import pallas as pl
from jax.experimental.pallas import tpu as pltpu
from jax.experimental.pallas import tpu_sc as plsc

N_FIELDS = 26
FACTOR_DIM = 16
FIELD_SIZE = 100000
IDXW = 128
RELAYOUT_BW = 1024


def _treesum(vals):
    vals = list(vals)
    while len(vals) > 1:
        nxt = [vals[i] + vals[i + 1] for i in range(0, len(vals) - 1, 2)]
        if len(vals) % 2:
            nxt.append(vals[-1])
        vals = nxt
    return vals[0]


@jax.jit
def _fm_sparse(xf, table):
    B = xf.shape[0] * xf.shape[1] // N_FIELDS
    info = plsc.get_sparse_core_info()
    nw = info.num_cores * info.num_subcores
    rpw = B // nw
    C = 64
    n_chunks = rpw // C
    jrows = C * N_FIELDS // IDXW
    wrows = rpw * N_FIELDS // IDXW

    mesh = plsc.VectorSubcoreMesh(core_axis_name="c", subcore_axis_name="s")

    @functools.partial(
        pl.kernel,
        mesh=mesh,
        compiler_params=pltpu.CompilerParams(use_tc_tiling_on_sc=False),
        out_type=jax.ShapeDtypeStruct((B,), jnp.float32),
        scratch_types=[
            pltpu.VMEM((wrows, IDXW), jnp.int32),
            [pltpu.VMEM((C * N_FIELDS, FACTOR_DIM), jnp.float32)] * 2,
            pltpu.VMEM((rpw,), jnp.float32),
            [pltpu.SemaphoreType.DMA] * 2,
        ],
    )
    def fm_kernel(xf_hbm, table_hbm, out_hbm, idx_v, rows_v, out_v, sem):
        wid = lax.axis_index("s") * info.num_cores + lax.axis_index("c")
        lanes = lax.iota(jnp.int32, 16)

        gbase = wid * wrows
        pltpu.sync_copy(xf_hbm.at[pl.ds(gbase, wrows)], idx_v)

        def off_body(j, carry):
            for s in range(IDXW // 16):
                pos = (gbase + j) * IDXW + s * 16 + lanes
                f = lax.rem(pos, N_FIELDS)
                sl = pl.ds(s * 16, 16)
                idx_v[j, sl] = idx_v[j, sl] + f * FIELD_SIZE
            return carry

        lax.fori_loop(0, wrows, off_body, 0)

        def fire(ck, k):
            for j in range(jrows):
                pltpu.async_copy(
                    table_hbm.at[idx_v.at[ck * jrows + j]],
                    rows_v[k].at[pl.ds(j * IDXW, IDXW)],
                    sem[k],
                )

        def drain(ck, k):
            for j in range(jrows):
                pltpu.make_async_copy(
                    table_hbm.at[idx_v.at[ck * jrows + j]],
                    rows_v[k].at[pl.ds(j * IDXW, IDXW)],
                    sem[k],
                ).wait()

        def chunk_body(ck, k):
            drain(ck, k)

            rot_idx = [lax.rem(lanes + sh, 16) for sh in (8, 4, 2, 1)]

            def group_body(g, carry2):
                base = g * (16 * N_FIELDS)
                out_vec = jnp.zeros((16,), jnp.float32)
                for r in range(16):
                    rows = [
                        rows_v[k][base + r * N_FIELDS + f, :]
                        for f in range(N_FIELDS)
                    ]
                    acc = _treesum(rows)
                    acc2 = _treesum([v * v for v in rows])
                    val = acc * acc - acc2
                    for ri in rot_idx:
                        val = val + val[ri]
                    out_vec = jnp.where(lanes == r, val, out_vec)
                out_v[pl.ds(ck * C + g * 16, 16)] = out_vec * 0.5
                return carry2

            lax.fori_loop(0, C // 16, group_body, 0)

        fire(0, 0)
        fire(1, 1)

        def round_body(r, carry):
            for k in range(2):
                chunk_body(2 * r + k, k)

                @pl.when(r < (n_chunks // 2) - 1)
                def _():
                    fire(2 * (r + 1) + k, k)

            return carry

        lax.fori_loop(0, n_chunks // 2, round_body, 0)
        pltpu.sync_copy(out_v, out_hbm.at[pl.ds(wid * rpw, rpw)])

    return fm_kernel(xf, table)


@jax.jit
def _to_row_major(tt, tail_flat):
    D, V = tt.shape
    BW = RELAYOUT_BW
    K = 3
    n_full = V // BW
    nw = 32
    per_w = (n_full + nw - 1) // nw
    rounds = (per_w + K - 1) // K
    mesh = plsc.VectorSubcoreMesh(core_axis_name="c", subcore_axis_name="s")

    @functools.partial(
        pl.kernel,
        mesh=mesh,
        compiler_params=pltpu.CompilerParams(
            use_tc_tiling_on_sc=True, needs_layout_passes=False
        ),
        out_type=jax.ShapeDtypeStruct((V * D,), jnp.float32),
        scratch_types=[
            [pltpu.VMEM((D, BW), jnp.float32)] * K,
            [pltpu.VMEM((D * BW,), jnp.float32)] * K,
            [pltpu.SemaphoreType.DMA] * K,
            [pltpu.SemaphoreType.DMA] * K,
        ],
    )
    def relayout(tt_hbm, tail_hbm, out_hbm, blk_v, tr_v, sem_i, sem_o):
        wid = lax.axis_index("s") * 2 + lax.axis_index("c")
        lanes = lax.iota(jnp.int32, 16)
        col_idx = [lanes * D + d for d in range(D)]

        def blk_of(r, k):
            return wid + nw * (r * K + k)

        def fire_in(r, k):
            blk = blk_of(r, k)

            @pl.when(blk < n_full)
            def _():
                pltpu.async_copy(
                    tt_hbm.at[:, pl.ds(blk * BW, BW)], blk_v[k], sem_i[k]
                )

        def wait_in(r, k):
            blk = blk_of(r, k)
            pltpu.make_async_copy(
                tt_hbm.at[:, pl.ds(blk * BW, BW)], blk_v[k], sem_i[k]
            ).wait()

        def fire_out(r, k):
            blk = blk_of(r, k)
            pltpu.async_copy(
                tr_v[k], out_hbm.at[pl.ds(blk * BW * D, BW * D)], sem_o[k]
            )

        def wait_out(r, k):
            blk = blk_of(r, k)
            pltpu.make_async_copy(
                tr_v[k], out_hbm.at[pl.ds(blk * BW * D, BW * D)], sem_o[k]
            ).wait()

        for k in range(K):
            fire_in(0, k)

        def body(r, carry):
            for k in range(K):
                blk = blk_of(r, k)

                @pl.when(blk < n_full)
                def _():
                    wait_in(r, k)

                    @pl.when(r > 0)
                    def _():
                        wait_out(r - 1, k)

                    def inner(g, c2):
                        base = g * (16 * D)
                        for d in range(D):
                            v = blk_v[k][d, pl.ds(g * 16, 16)]
                            plsc.store_scatter(
                                tr_v[k], [base + col_idx[d]], v
                            )
                        return c2

                    lax.fori_loop(0, BW // 16, inner, 0, unroll=8)
                    fire_out(r, k)

                fire_in(r + 1, k)
            return carry

        lax.fori_loop(0, rounds, body, 0)
        for k in range(K):
            blk = blk_of(rounds - 1, k)

            @pl.when(blk < n_full)
            def _():
                wait_out(rounds - 1, k)

        @pl.when(wid == 0)
        def _():
            n_tail = (V - n_full * BW) * D
            pltpu.sync_copy(tail_hbm, tr_v[0].at[pl.ds(0, n_tail)])
            pltpu.sync_copy(
                tr_v[0].at[pl.ds(0, n_tail)],
                out_hbm.at[pl.ds(n_full * BW * D, n_tail)],
            )

    return relayout(tt, tail_flat)


def kernel(x, table):
    B, F = x.shape
    V, D = table.shape
    xf = x.reshape(B * F // IDXW, IDXW)
    n_main = (V // RELAYOUT_BW) * RELAYOUT_BW
    tail_flat = table[n_main:].reshape(-1)
    table_rm = _to_row_major(table.T, tail_flat).reshape(V, D)
    return _fm_sparse(xf, table_rm)

# --- scband reference (transcript-rebuilt; emitter-appended) ---
"""Pipeline reference for scband-fmlayer-sparse-44908178047702 (READ-ONLY COPY).

The authoritative reference and input builder live on the scoring server;
editing this copy changes nothing except your own understanding.
"""

import jax, jax.numpy as jnp
import numpy as np

FIELD_DIMS = [100000] * 26
OFFSETS = np.array([0] + list(np.cumsum(FIELD_DIMS)[:-1]), dtype=np.int64)
TOTAL_VOCAB = int(np.sum(FIELD_DIMS))
FACTOR_DIM = 16
BATCH = 16384
N_FIELDS = 26


def setup_inputs(seed: int = 0) -> dict:
    key = jax.random.key(seed)
    k1, k2 = jax.random.split(key)
    x = jax.random.randint(k1, (BATCH, N_FIELDS), 0, 100000, dtype=jnp.int32)
    # Embedding table (xavier-uniform-like init): bound = sqrt(6/(fan_in+fan_out))
    bound = float(np.sqrt(6.0 / (TOTAL_VOCAB + FACTOR_DIM)))
    table = jax.random.uniform(k2, (TOTAL_VOCAB, FACTOR_DIM), dtype=jnp.float32, minval=-bound, maxval=bound)
    return {"x": x, "table": table}


def reference(x, table):
    # FeaturesEmbedding: add per-field offsets, then lookup
    offsets = jnp.asarray(OFFSETS, dtype=x.dtype)[None, :]
    idx = x + offsets
    emb = jnp.take(table, idx, axis=0)  # [B, F, D]
    # FM second-order interaction
    square_of_sum = jnp.sum(emb, axis=1) ** 2        # [B, D]
    sum_of_square = jnp.sum(emb ** 2, axis=1)        # [B, D]
    out = 0.5 * jnp.sum(square_of_sum - sum_of_square, axis=1)  # [B]
    return out

if __name__ == "__main__":
    import jax
    _d = setup_inputs()
    print(jax.jit(kernel)(*tuple(_d.values())))

</pallas_src>

<mosaic_0001>
#map = affine_map<(d0, d1) -> (0, 0)>
#map1 = affine_map<(d0, d1) -> (0)>
module attributes {stable_mosaic.version = 14 : i64} {
  func.func @relayout(%arg0: i32, %arg1: i32, %arg2: memref<16x2600000xf32, #tpu.memory_space<hbm>>, %arg3: memref<1024xf32, #tpu.memory_space<hbm>>, %arg4: memref<41600000xf32, #tpu.memory_space<hbm>>, %arg5: memref<16x1024xf32, #tpu.memory_space<vmem>>, %arg6: memref<16x1024xf32, #tpu.memory_space<vmem>>, %arg7: memref<16x1024xf32, #tpu.memory_space<vmem>>, %arg8: memref<16384xf32, #tpu.memory_space<vmem>>, %arg9: memref<16384xf32, #tpu.memory_space<vmem>>, %arg10: memref<16384xf32, #tpu.memory_space<vmem>>, %arg11: memref<!tpu.dma_semaphore, #tpu.memory_space<semaphore_mem>>, %arg12: memref<!tpu.dma_semaphore, #tpu.memory_space<semaphore_mem>>, %arg13: memref<!tpu.dma_semaphore, #tpu.memory_space<semaphore_mem>>, %arg14: memref<!tpu.dma_semaphore, #tpu.memory_space<semaphore_mem>>, %arg15: memref<!tpu.dma_semaphore, #tpu.memory_space<semaphore_mem>>, %arg16: memref<!tpu.dma_semaphore, #tpu.memory_space<semaphore_mem>>) attributes {dimension_semantics = [#tpu.dimension_semantics<core_parallel>, #tpu.dimension_semantics<subcore_parallel>], iteration_bounds = array<i64: 2, 16>, scalar_prefetch = 0 : i64, scratch_operands = 12 : i64, tpu.core_type = #tpu.core_type<sc_vector_subcore>, window_params = [{transform_indices = #map}, {transform_indices = #map1}, {transform_indices = #map1}]} {
    %mul3A = arith.constant 2 : i32
    %mul3A_0 = arith.muli %arg1, %mul3A : i32
    %add3A = arith.addi %mul3A_0, %arg0 : i32
    %iota3A = tpu.iota {dimensions = array<i32: 0>} : vector<16xi32>
    %mul3A_1 = arith.constant 16 : i32
    %mul3A_2 = vector.broadcast %mul3A_1 : i32 to vector<16xi32>
    %mul3A_3 = arith.muli %iota3A, %mul3A_2 : vector<16xi32>
    %add3A_4 = arith.constant 0 : i32
    %add3A_5 = vector.broadcast %add3A_4 : i32 to vector<16xi32>
    %add3A_6 = arith.addi %mul3A_3, %add3A_5 : vector<16xi32>
    %mul3A_7 = arith.constant 16 : i32
    %mul3A_8 = vector.broadcast %mul3A_7 : i32 to vector<16xi32>
    %mul3A_9 = arith.muli %iota3A, %mul3A_8 : vector<16xi32>
    %add3A_10 = arith.constant 1 : i32
    %add3A_11 = vector.broadcast %add3A_10 : i32 to vector<16xi32>
    %add3A_12 = arith.addi %mul3A_9, %add3A_11 : vector<16xi32>
    %mul3A_13 = arith.constant 16 : i32
    %mul3A_14 = vector.broadcast %mul3A_13 : i32 to vector<16xi32>
    %mul3A_15 = arith.muli %iota3A, %mul3A_14 : vector<16xi32>
    %add3A_16 = arith.constant 2 : i32
    %add3A_17 = vector.broadcast %add3A_16 : i32 to vector<16xi32>
    %add3A_18 = arith.addi %mul3A_15, %add3A_17 : vector<16xi32>
    %mul3A_19 = arith.constant 16 : i32
    %mul3A_20 = vector.broadcast %mul3A_19 : i32 to vector<16xi32>
    %mul3A_21 = arith.muli %iota3A, %mul3A_20 : vector<16xi32>
    %add3A_22 = arith.constant 3 : i32
    %add3A_23 = vector.broadcast %add3A_22 : i32 to vector<16xi32>
    %add3A_24 = arith.addi %mul3A_21, %add3A_23 : vector<16xi32>
    %mul3A_25 = arith.constant 16 : i32
    %mul3A_26 = vector.broadcast %mul3A_25 : i32 to vector<16xi32>
    %mul3A_27 = arith.muli %iota3A, %mul3A_26 : vector<16xi32>
    %add3A_28 = arith.constant 4 : i32
    %add3A_29 = vector.broadcast %add3A_28 : i32 to vector<16xi32>
    %add3A_30 = arith.addi %mul3A_27, %add3A_29 : vector<16xi32>
    %mul3A_31 = arith.constant 16 : i32
    %mul3A_32 = vector.broadcast %mul3A_31 : i32 to vector<16xi32>
    %mul3A_33 = arith.muli %iota3A, %mul3A_32 : vector<16xi32>
    %add3A_34 = arith.constant 5 : i32
    %add3A_35 = vector.broadcast %add3A_34 : i32 to vector<16xi32>
    %add3A_36 = arith.addi %mul3A_33, %add3A_35 : vector<16xi32>
    %mul3A_37 = arith.constant 16 : i32
    %mul3A_38 = vector.broadcast %mul3A_37 : i32 to vector<16xi32>
    %mul3A_39 = arith.muli %iota3A, %mul3A_38 : vector<16xi32>
    %add3A_40 = arith.constant 6 : i32
    %add3A_41 = vector.broadcast %add3A_40 : i32 to vector<16xi32>
    %add3A_42 = arith.addi %mul3A_39, %add3A_41 : vector<16xi32>
    %mul3A_43 = arith.constant 16 : i32
    %mul3A_44 = vector.broadcast %mul3A_43 : i32 to vector<16xi32>
    %mul3A_45 = arith.muli %iota3A, %mul3A_44 : vector<16xi32>
    %add3A_46 = arith.constant 7 : i32
    %add3A_47 = vector.broadcast %add3A_46 : i32 to vector<16xi32>
    %add3A_48 = arith.addi %mul3A_45, %add3A_47 : vector<16xi32>
    %mul3A_49 = arith.constant 16 : i32
    %mul3A_50 = vector.broadcast %mul3A_49 : i32 to vector<16xi32>
    %mul3A_51 = arith.muli %iota3A, %mul3A_50 : vector<16xi32>
    %add3A_52 = arith.constant 8 : i32
    %add3A_53 = vector.broadcast %add3A_52 : i32 to vector<16xi32>
    %add3A_54 = arith.addi %mul3A_51, %add3A_53 : vector<16xi32>
    %mul3A_55 = arith.constant 16 : i32
    %mul3A_56 = vector.broadcast %mul3A_55 : i32 to vector<16xi32>
    %mul3A_57 = arith.muli %iota3A, %mul3A_56 : vector<16xi32>
    %add3A_58 = arith.constant 9 : i32
    %add3A_59 = vector.broadcast %add3A_58 : i32 to vector<16xi32>
    %add3A_60 = arith.addi %mul3A_57, %add3A_59 : vector<16xi32>
    %mul3A_61 = arith.constant 16 : i32
    %mul3A_62 = vector.broadcast %mul3A_61 : i32 to vector<16xi32>
    %mul3A_63 = arith.muli %iota3A, %mul3A_62 : vector<16xi32>
    %add3A_64 = arith.constant 10 : i32
    %add3A_65 = vector.broadcast %add3A_64 : i32 to vector<16xi32>
    %add3A_66 = arith.addi %mul3A_63, %add3A_65 : vector<16xi32>
    %mul3A_67 = arith.constant 16 : i32
    %mul3A_68 = vector.broadcast %mul3A_67 : i32 to vector<16xi32>
    %mul3A_69 = arith.muli %iota3A, %mul3A_68 : vector<16xi32>
    %add3A_70 = arith.constant 11 : i32
    %add3A_71 = vector.broadcast %add3A_70 : i32 to vector<16xi32>
    %add3A_72 = arith.addi %mul3A_69, %add3A_71 : vector<16xi32>
    %mul3A_73 = arith.constant 16 : i32
    %mul3A_74 = vector.broadcast %mul3A_73 : i32 to vector<16xi32>
    %mul3A_75 = arith.muli %iota3A, %mul3A_74 : vector<16xi32>
    %add3A_76 = arith.constant 12 : i32
    %add3A_77 = vector.broadcast %add3A_76 : i32 to vector<16xi32>
    %add3A_78 = arith.addi %mul3A_75, %add3A_77 : vector<16xi32>
    %mul3A_79 = arith.constant 16 : i32
    %mul3A_80 = vector.broadcast %mul3A_79 : i32 to vector<16xi32>
    %mul3A_81 = arith.muli %iota3A, %mul3A_80 : vector<16xi32>
    %add3A_82 = arith.constant 13 : i32
    %add3A_83 = vector.broadcast %add3A_82 : i32 to vector<16xi32>
    %add3A_84 = arith.addi %mul3A_81, %add3A_83 : vector<16xi32>
    %mul3A_85 = arith.constant 16 : i32
    %mul3A_86 = vector.broadcast %mul3A_85 : i32 to vector<16xi32>
    %mul3A_87 = arith.muli %iota3A, %mul3A_86 : vector<16xi32>
    %add3A_88 = arith.constant 14 : i32
    %add3A_89 = vector.broadcast %add3A_88 : i32 to vector<16xi32>
    %add3A_90 = arith.addi %mul3A_87, %add3A_89 : vector<16xi32>
    %mul3A_91 = arith.constant 16 : i32
    %mul3A_92 = vector.broadcast %mul3A_91 : i32 to vector<16xi32>
    %mul3A_93 = arith.muli %iota3A, %mul3A_92 : vector<16xi32>
    %add3A_94 = arith.constant 15 : i32
    %add3A_95 = vector.broadcast %add3A_94 : i32 to vector<16xi32>
    %add3A_96 = arith.addi %mul3A_93, %add3A_95 : vector<16xi32>
    %add3A_97 = arith.constant 0 : i32
    %add3A_98 = arith.addi %add3A, %add3A_97 : i32
    %lt3A = arith.constant 2539 : i32
    %lt3A_99 = arith.cmpi slt, %add3A_98, %lt3A : i32
    %convert_element_type3A = arith.extui %lt3A_99 : i1 to i32
    %cond3A = arith.constant 0 : i32
    %cond3A_100 = arith.cmpi ne, %convert_element_type3A, %cond3A : i32
    scf.if %cond3A_100 {
      %mul3A_145 = arith.constant 1024 : i32
      %mul3A_146 = arith.muli %add3A_98, %mul3A_145 : i32
      %dma_start3A = arith.constant 0 : i32
      %dma_start3A_147 = tpu.memref_slice %arg2[%dma_start3A, %mul3A_146] : memref<16x2600000xf32, #tpu.memory_space<hbm>> -> memref<16x1024xf32, #tpu.memory_space<hbm>>
      %dma_start3A_148 = arith.constant 0 : i32
      %dma_start3A_149 = tpu.memref_slice %arg2[%dma_start3A_148, %mul3A_146] : memref<16x2600000xf32, #tpu.memory_space<hbm>> -> memref<16x1024xf32, #tpu.memory_space<hbm>>
      tpu.enqueue_dma source(%dma_start3A_149 : memref<16x1024xf32, #tpu.memory_space<hbm>>) target(%arg5 : memref<16x1024xf32, #tpu.memory_space<vmem>>) target_semaphore(%arg11 : memref<!tpu.dma_semaphore, #tpu.memory_space<semaphore_mem>>)
    } else {
    }
    %add3A_101 = arith.constant 32 : i32
    %add3A_102 = arith.addi %add3A, %add3A_101 : i32
    %lt3A_103 = arith.constant 2539 : i32
    %lt3A_104 = arith.cmpi slt, %add3A_102, %lt3A_103 : i32
    %convert_element_type3A_105 = arith.extui %lt3A_104 : i1 to i32
    %cond3A_106 = arith.constant 0 : i32
    %cond3A_107 = arith.cmpi ne, %convert_element_type3A_105, %cond3A_106 : i32
    scf.if %cond3A_107 {
      %mul3A_145 = arith.constant 1024 : i32
      %mul3A_146 = arith.muli %add3A_102, %mul3A_145 : i32
      %dma_start3A = arith.constant 0 : i32
      %dma_start3A_147 = tpu.memref_slice %arg2[%dma_start3A, %mul3A_146] : memref<16x2600000xf32, #tpu.memory_space<hbm>> -> memref<16x1024xf32, #tpu.memory_space<hbm>>
      %dma_start3A_148 = arith.constant 0 : i32
      %dma_start3A_149 = tpu.memref_slice %arg2[%dma_start3A_148, %mul3A_146] : memref<16x2600000xf32, #tpu.memory_space<hbm>> -> memref<16x1024xf32, #tpu.memory_space<hbm>>
      tpu.enqueue_dma source(%dma_start3A_149 : memref<16x1024xf32, #tpu.memory_space<hbm>>) target(%arg6 : memref<16x1024xf32, #tpu.memory_space<vmem>>) target_semaphore(%arg12 : memref<!tpu.dma_semaphore, #tpu.memory_space<semaphore_mem>>)
    } else {
    }
    %add3A_108 = arith.constant 64 : i32
    %add3A_109 = arith.addi %add3A, %add3A_108 : i32
    %lt3A_110 = arith.constant 2539 : i32
    %lt3A_111 = arith.cmpi slt, %add3A_109, %lt3A_110 : i32
    %convert_element_type3A_112 = arith.extui %lt3A_111 : i1 to i32
    %cond3A_113 = arith.constant 0 : i32
    %cond3A_114 = arith.cmpi ne, %convert_element_type3A_112, %cond3A_113 : i32
    scf.if %cond3A_114 {
      %mul3A_145 = arith.constant 1024 : i32
      %mul3A_146 = arith.muli %add3A_109, %mul3A_145 : i32
      %dma_start3A = arith.constant 0 : i32
      %dma_start3A_147 = tpu.memref_slice %arg2[%dma_start3A, %mul3A_146] : memref<16x2600000xf32, #tpu.memory_space<hbm>> -> memref<16x1024xf32, #tpu.memory_space<hbm>>
      %dma_start3A_148 = arith.constant 0 : i32
      %dma_start3A_149 = tpu.memref_slice %arg2[%dma_start3A_148, %mul3A_146] : memref<16x2600000xf32, #tpu.memory_space<hbm>> -> memref<16x1024xf32, #tpu.memory_space<hbm>>
      tpu.enqueue_dma source(%dma_start3A_149 : memref<16x1024xf32, #tpu.memory_space<hbm>>) target(%arg7 : memref<16x1024xf32, #tpu.memory_space<vmem>>) target_semaphore(%arg13 : memref<!tpu.dma_semaphore, #tpu.memory_space<semaphore_mem>>)
    } else {
    }
    %scan3A = arith.constant 0 : i32
    %scan3A_115 = arith.constant 0 : i32
    %scan3A_116 = arith.constant 27 : i32
    %scan3A_117 = arith.addi %scan3A_115, %scan3A_116 : i32
    %scan3A_118 = arith.constant 1 : i32
    scf.for %scan3A_145 = %scan3A_115 to %scan3A_117 step %scan3A_118  : i32 {
      %mul3A_146 = arith.constant 3 : i32
      %mul3A_147 = arith.muli %scan3A_145, %mul3A_146 : i32
      %add3A_148 = arith.constant 0 : i32
      %add3A_149 = arith.addi %mul3A_147, %add3A_148 : i32
      %mul3A_150 = arith.constant 32 : i32
      %mul3A_151 = arith.muli %mul3A_150, %add3A_149 : i32
      %add3A_152 = arith.addi %add3A, %mul3A_151 : i32
      %lt3A_153 = arith.constant 2539 : i32
      %lt3A_154 = arith.cmpi slt, %add3A_152, %lt3A_153 : i32
      %convert_element_type3A_155 = arith.extui %lt3A_154 : i1 to i32
      %cond3A_156 = arith.constant 0 : i32
      %cond3A_157 = arith.cmpi ne, %convert_element_type3A_155, %cond3A_156 : i32
      scf.if %cond3A_157 {
        %mul3A_224 = arith.constant 3 : i32
        %mul3A_225 = arith.muli %scan3A_145, %mul3A_224 : i32
        %add3A_226 = arith.constant 0 : i32
        %add3A_227 = arith.addi %mul3A_225, %add3A_226 : i32
        %mul3A_228 = arith.constant 32 : i32
        %mul3A_229 = arith.muli %mul3A_228, %add3A_227 : i32
        %add3A_230 = arith.addi %add3A, %mul3A_229 : i32
        %mul3A_231 = arith.constant 1024 : i32
        %mul3A_232 = arith.muli %add3A_230, %mul3A_231 : i32
        %dma_wait3A = arith.constant 0 : i32
        %dma_wait3A_233 = tpu.memref_slice %arg2[%dma_wait3A, %mul3A_232] : memref<16x2600000xf32, #tpu.memory_space<hbm>> -> memref<16x1024xf32, #tpu.memory_space<hbm>>
        %dma_wait3A_234 = arith.constant 0 : i32
        %dma_wait3A_235 = tpu.memref_slice %arg2[%dma_wait3A_234, %mul3A_232] : memref<16x2600000xf32, #tpu.memory_space<hbm>> -> memref<16x1024xf32, #tpu.memory_space<hbm>>
        tpu.wait_dma2 semaphore(%arg11 : memref<!tpu.dma_semaphore, #tpu.memory_space<semaphore_mem>>) src(%dma_wait3A_235 : memref<16x1024xf32, #tpu.memory_space<hbm>>) dst(%arg5 : memref<16x1024xf32, #tpu.memory_space<vmem>>)
        %gt3A = arith.constant 0 : i32
        %gt3A_236 = arith.cmpi sgt, %scan3A_145, %gt3A : i32
        %convert_element_type3A_237 = arith.extui %gt3A_236 : i1 to i32
        %cond3A_238 = arith.constant 0 : i32
        %cond3A_239 = arith.cmpi ne, %convert_element_type3A_237, %cond3A_238 : i32
        scf.if %cond3A_239 {
          %sub3A = arith.constant 1 : i32
          %sub3A_258 = arith.subi %scan3A_145, %sub3A : i32
          %mul3A_259 = arith.constant 3 : i32
          %mul3A_260 = arith.muli %sub3A_258, %mul3A_259 : i32
          %add3A_261 = arith.constant 0 : i32
          %add3A_262 = arith.addi %mul3A_260, %add3A_261 : i32
          %mul3A_263 = arith.constant 32 : i32
          %mul3A_264 = arith.muli %mul3A_263, %add3A_262 : i32
          %add3A_265 = arith.addi %add3A, %mul3A_264 : i32
          %mul3A_266 = arith.constant 1024 : i32
          %mul3A_267 = arith.muli %add3A_265, %mul3A_266 : i32
          %mul3A_268 = arith.constant 16 : i32
          %mul3A_269 = arith.muli %mul3A_267, %mul3A_268 : i32
          %dma_wait3A_270 = tpu.memref_slice %arg4[%mul3A_269] : memref<41600000xf32, #tpu.memory_space<hbm>> -> memref<16384xf32, #tpu.memory_space<hbm>>
          %dma_wait3A_271 = tpu.memref_slice %arg4[%mul3A_269] : memref<41600000xf32, #tpu.memory_space<hbm>> -> memref<16384xf32, #tpu.memory_space<hbm>>
          tpu.wait_dma2 semaphore(%arg14 : memref<!tpu.dma_semaphore, #tpu.memory_space<semaphore_mem>>) src(%arg8 : memref<16384xf32, #tpu.memory_space<vmem>>) dst(%dma_wait3A_271 : memref<16384xf32, #tpu.memory_space<hbm>>)
        } else {
        }
        %scan3A_240 = arith.constant 0 : i32
        %scan3A_241 = arith.constant 0 : i32
        %scan3A_242 = arith.constant 64 : i32
        %scan3A_243 = arith.addi %scan3A_241, %scan3A_242 : i32
        %scan3A_244 = arith.constant 8 : i32
        scf.for %scan3A_258 = %scan3A_241 to %scan3A_243 step %scan3A_244  : i32 {
          %mul3A_259 = arith.constant 256 : i32
          %mul3A_260 = arith.muli %scan3A_258, %mul3A_259 : i32
          %mul3A_261 = arith.constant 16 : i32
          %mul3A_262 = arith.muli %scan3A_258, %mul3A_261 : i32
          %get3A = arith.constant 0 : i32
          %get3A_263 = arith.index_cast %get3A : i32 to index
          %get3A_264 = arith.index_cast %mul3A_262 : i32 to index
          %get3A_265 = tpu.vector_load %arg5[%get3A_263, %get3A_264] {strides = array<i32>} : memref<16x1024xf32, #tpu.memory_space<vmem>>, vector<16xf32>,
          %add3A_266 = vector.broadcast %mul3A_260 : i32 to vector<16xi32>
          %add3A_267 = arith.addi %add3A_266, %add3A_6 : vector<16xi32>
          tpu.vector_store_idx %arg8[%add3A_267], %get3A_265 : memref<16384xf32, #tpu.memory_space<vmem>>[vector<16xi32>], vector<16xf32>,
          %mul3A_268 = arith.constant 16 : i32
          %mul3A_269 = arith.muli %scan3A_258, %mul3A_268 : i32
          %get3A_270 = arith.constant 1 : i32
          %get3A_271 = arith.index_cast %get3A_270 : i32 to index
          %get3A_272 = arith.index_cast %mul3A_269 : i32 to index
          %get3A_273 = tpu.vector_load %arg5[%get3A_271, %get3A_272] {strides = array<i32>} : memref<16x1024xf32, #tpu.memory_space<vmem>>, vector<16xf32>,
          %add3A_274 = vector.broadcast %mul3A_260 : i32 to vector<16xi32>
          %add3A_275 = arith.addi %add3A_274, %add3A_12 : vector<16xi32>
          tpu.vector_store_idx %arg8[%add3A_275], %get3A_273 : memref<16384xf32, #tpu.memory_space<vmem>>[vector<16xi32>], vector<16xf32>,
          %mul3A_276 = arith.constant 16 : i32
          %mul3A_277 = arith.muli %scan3A_258, %mul3A_276 : i32
          %get3A_278 = arith.constant 2 : i32
          %get3A_279 = arith.index_cast %get3A_278 : i32 to index
          %get3A_280 = arith.index_cast %mul3A_277 : i32 to index
          %get3A_281 = tpu.vector_load %arg5[%get3A_279, %get3A_280] {strides = array<i32>} : memref<16x1024xf32, #tpu.memory_space<vmem>>, vector<16xf32>,
          %add3A_282 = vector.broadcast %mul3A_260 : i32 to vector<16xi32>
          %add3A_283 = arith.addi %add3A_282, %add3A_18 : vector<16xi32>
          tpu.vector_store_idx %arg8[%add3A_283], %get3A_281 : memref<16384xf32, #tpu.memory_space<vmem>>[vector<16xi32>], vector<16xf32>,
          %mul3A_284 = arith.constant 16 : i32
          %mul3A_285 = arith.muli %scan3A_258, %mul3A_284 : i32
          %get3A_286 = arith.constant 3 : i32
          %get3A_287 = arith.index_cast %get3A_286 : i32 to index
          %get3A_288 = arith.index_cast %mul3A_285 : i32 to index
          %get3A_289 = tpu.vector_load %arg5[%get3A_287, %get3A_288] {strides = array<i32>} : memref<16x1024xf32, #tpu.memory_space<vmem>>, vector<16xf32>,
          %add3A_290 = vector.broadcast %mul3A_260 : i32 to vector<16xi32>
          %add3A_291 = arith.addi %add3A_290, %add3A_24 : vector<16xi32>
          tpu.vector_store_idx %arg8[%add3A_291], %get3A_289 : memref<16384xf32, #tpu.memory_space<vmem>>[vector<16xi32>], vector<16xf32>,
          %mul3A_292 = arith.constant 16 : i32
          %mul3A_293 = arith.muli %scan3A_258, %mul3A_292 : i32
          %get3A_294 = arith.constant 4 : i32
          %get3A_295 = arith.index_cast %get3A_294 : i32 to index
          %get3A_296 = arith.index_cast %mul3A_293 : i32 to index
          %get3A_297 = tpu.vector_load %arg5[%get3A_295, %get3A_296] {strides = array<i32>} : memref<16x1024xf32, #tpu.memory_space<vmem>>, vector<16xf32>,
          %add3A_298 = vector.broadcast %mul3A_260 : i32 to vector<16xi32>
          %add3A_299 = arith.addi %add3A_298, %add3A_30 : vector<16xi32>
          tpu.vector_store_idx %arg8[%add3A_299], %get3A_297 : memref<16384xf32, #tpu.memory_space<vmem>>[vector<16xi32>], vector<16xf32>,
          %mul3A_300 = arith.constant 16 : i32
          %mul3A_301 = arith.muli %scan3A_258, %mul3A_300 : i32
          %get3A_302 = arith.constant 5 : i32
          %get3A_303 = arith.index_cast %get3A_302 : i32 to index
          %get3A_304 = arith.index_cast %mul3A_301 : i32 to index
          %get3A_305 = tpu.vector_load %arg5[%get3A_303, %get3A_304] {strides = array<i32>} : memref<16x1024xf32, #tpu.memory_space<vmem>>, vector<16xf32>,
          %add3A_306 = vector.broadcast %mul3A_260 : i32 to vector<16xi32>
          %add3A_307 = arith.addi %add3A_306, %add3A_36 : vector<16xi32>
          tpu.vector_store_idx %arg8[%add3A_307], %get3A_305 : memref<16384xf32, #tpu.memory_space<vmem>>[vector<16xi32>], vector<16xf32>,
          %mul3A_308 = arith.constant 16 : i32
          %mul3A_309 = arith.muli %scan3A_258, %mul3A_308 : i32
          %get3A_310 = arith.constant 6 : i32
          %get3A_311 = arith.index_cast %get3A_310 : i32 to index
          %get3A_312 = arith.index_cast %mul3A_309 : i32 to index
          %get3A_313 = tpu.vector_load %arg5[%get3A_311, %get3A_312] {strides = array<i32>} : memref<16x1024xf32, #tpu.memory_space<vmem>>, vector<16xf32>,
          %add3A_314 = vector.broadcast %mul3A_260 : i32 to vector<16xi32>
          %add3A_315 = arith.addi %add3A_314, %add3A_42 : vector<16xi32>
          tpu.vector_store_idx %arg8[%add3A_315], %get3A_313 : memref<16384xf32, #tpu.memory_space<vmem>>[vector<16xi32>], vector<16xf32>,
          %mul3A_316 = arith.constant 16 : i32
          %mul3A_317 = arith.muli %scan3A_258, %mul3A_316 : i32
          %get3A_318 = arith.constant 7 : i32
          %get3A_319 = arith.index_cast %get3A_318 : i32 to index
          %get3A_320 = arith.index_cast %mul3A_317 : i32 to index
          %get3A_321 = tpu.vector_load %arg5[%get3A_319, %get3A_320] {strides = array<i32>} : memref<16x1024xf32, #tpu.memory_space<vmem>>, vector<16xf32>,
          %add3A_322 = vector.broadcast %mul3A_260 : i32 to vector<16xi32>
          %add3A_323 = arith.addi %add3A_322, %add3A_48 : vector<16xi32>
          tpu.vector_store_idx %arg8[%add3A_323], %get3A_321 : memref<16384xf32, #tpu.memory_space<vmem>>[vector<16xi32>], vector<16xf32>,
          %mul3A_324 = arith.constant 16 : i32
          %mul3A_325 = arith.muli %scan3A_258, %mul3A_324 : i32
          %get3A_326 = arith.constant 8 : i32
          %get3A_327 = arith.index_cast %get3A_326 : i32 to index
          %get3A_328 = arith.index_cast %mul3A_325 : i32 to index
          %get3A_329 = tpu.vector_load %arg5[%get3A_327, %get3A_328] {strides = array<i32>} : memref<16x1024xf32, #tpu.memory_space<vmem>>, vector<16xf32>,
          %add3A_330 = vector.broadcast %mul3A_260 : i32 to vector<16xi32>
          %add3A_331 = arith.addi %add3A_330, %add3A_54 : vector<16xi32>
          tpu.vector_store_idx %arg8[%add3A_331], %get3A_329 : memref<16384xf32, #tpu.memory_space<vmem>>[vector<16xi32>], vector<16xf32>,
          %mul3A_332 = arith.constant 16 : i32
          %mul3A_333 = arith.muli %scan3A_258, %mul3A_332 : i32
          %get3A_334 = arith.constant 9 : i32
          %get3A_335 = arith.index_cast %get3A_334 : i32 to index
          %get3A_336 = arith.index_cast %mul3A_333 : i32 to index
          %get3A_337 = tpu.vector_load %arg5[%get3A_335, %get3A_336] {strides = array<i32>} : memref<16x1024xf32, #tpu.memory_space<vmem>>, vector<16xf32>,
          %add3A_338 = vector.broadcast %mul3A_260 : i32 to vector<16xi32>
          %add3A_339 = arith.addi %add3A_338, %add3A_60 : vector<16xi32>
          tpu.vector_store_idx %arg8[%add3A_339], %get3A_337 : memref<16384xf32, #tpu.memory_space<vmem>>[vector<16xi32>], vector<16xf32>,
          %mul3A_340 = arith.constant 16 : i32
          %mul3A_341 = arith.muli %scan3A_258, %mul3A_340 : i32
          %get3A_342 = arith.constant 10 : i32
          %get3A_343 = arith.index_cast %get3A_342 : i32 to index
          %get3A_344 = arith.index_cast %mul3A_341 : i32 to index
          %get3A_345 = tpu.vector_load %arg5[%get3A_343, %get3A_344] {strides = array<i32>} : memref<16x1024xf32, #tpu.memory_space<vmem>>, vector<16xf32>,
          %add3A_346 = vector.broadcast %mul3A_260 : i32 to vector<16xi32>
          %add3A_347 = arith.addi %add3A_346, %add3A_66 : vector<16xi32>
          tpu.vector_store_idx %arg8[%add3A_347], %get3A_345 : memref<16384xf32, #tpu.memory_space<vmem>>[vector<16xi32>], vector<16xf32>,
          %mul3A_348 = arith.constant 16 : i32
          %mul3A_349 = arith.muli %scan3A_258, %mul3A_348 : i32
          %get3A_350 = arith.constant 11 : i32
          %get3A_351 = arith.index_cast %get3A_350 : i32 to index
          %get3A_352 = arith.index_cast %mul3A_349 : i32 to index
          %get3A_353 = tpu.vector_load %arg5[%get3A_351, %get3A_352] {strides = array<i32>} : memref<16x1024xf32, #tpu.memory_space<vmem>>, vector<16xf32>,
          %add3A_354 = vector.broadcast %mul3A_260 : i32 to vector<16xi32>
          %add3A_355 = arith.addi %add3A_354, %add3A_72 : vector<16xi32>
          tpu.vector_store_idx %arg8[%add3A_355], %get3A_353 : memref<16384xf32, #tpu.memory_space<vmem>>[vector<16xi32>], vector<16xf32>,
          %mul3A_356 = arith.constant 16 : i32
          %mul3A_357 = arith.muli %scan3A_258, %mul3A_356 : i32
          %get3A_358 = arith.constant 12 : i32
          %get3A_359 = arith.index_cast %get3A_358 : i32 to index
          %get3A_360 = arith.index_cast %mul3A_357 : i32 to index
          %get3A_361 = tpu.vector_load %arg5[%get3A_359, %get3A_360] {strides = array<i32>} : memref<16x1024xf32, #tpu.memory_space<vmem>>, vector<16xf32>,
          %add3A_362 = vector.broadcast %mul3A_260 : i32 to vector<16xi32>
          %add3A_363 = arith.addi %add3A_362, %add3A_78 : vector<16xi32>
          tpu.vector_store_idx %arg8[%add3A_363], %get3A_361 : memref<16384xf32, #tpu.memory_space<vmem>>[vector<16xi32>], vector<16xf32>,
          %mul3A_364 = arith.constant 16 : i32
          %mul3A_365 = arith.muli %scan3A_258, %mul3A_364 : i32
          %get3A_366 = arith.constant 13 : i32
          %get3A_367 = arith.index_cast %get3A_366 : i32 to index
          %get3A_368 = arith.index_cast %mul3A_365 : i32 to index
          %get3A_369 = tpu.vector_load %arg5[%get3A_367, %get3A_368] {strides = array<i32>} : memref<16x1024xf32, #tpu.memory_space<vmem>>, vector<16xf32>,
          %add3A_370 = vector.broadcast %mul3A_260 : i32 to vector<16xi32>
          %add3A_371 = arith.addi %add3A_370, %add3A_84 : vector<16xi32>
          tpu.vector_store_idx %arg8[%add3A_371], %get3A_369 : memref<16384xf32, #tpu.memory_space<vmem>>[vector<16xi32>], vector<16xf32>,
          %mul3A_372 = arith.constant 16 : i32
          %mul3A_373 = arith.muli %scan3A_258, %mul3A_372 : i32
          %get3A_374 = arith.constant 14 : i32
          %get3A_375 = arith.index_cast %get3A_374 : i32 to index
          %get3A_376 = arith.index_cast %mul3A_373 : i32 to index
          %get3A_377 = tpu.vector_load %arg5[%get3A_375, %get3A_376] {strides = array<i32>} : memref<16x1024xf32, #tpu.memory_space<vmem>>, vector<16xf32>,
          %add3A_378 = vector.broadcast %mul3A_260 : i32 to vector<16xi32>
          %add3A_379 = arith.addi %add3A_378, %add3A_90 : vector<16xi32>
          tpu.vector_store_idx %arg8[%add3A_379], %get3A_377 : memref<16384xf32, #tpu.memory_space<vmem>>[vector<16xi32>], vector<16xf32>,
          %mul3A_380 = arith.constant 16 : i32
          %mul3A_381 = arith.muli %scan3A_258, %mul3A_380 : i32
          %get3A_382 = arith.constant 15 : i32
          %get3A_383 = arith.index_cast %get3A_382 : i32 to index
          %get3A_384 = arith.index_cast %mul3A_381 : i32 to index
          %get3A_385 = tpu.vector_load %arg5[%get3A_383, %get3A_384] {strides = array<i32>} : memref<16x1024xf32, #tpu.memory_space<vmem>>, vector<16xf32>,
          %add3A_386 = vector.broadcast %mul3A_260 : i32 to vector<16xi32>
          %add3A_387 = arith.addi %add3A_386, %add3A_96 : vector<16xi32>
          tpu.vector_store_idx %arg8[%add3A_387], %get3A_385 : memref<16384xf32, #tpu.memory_space<vmem>>[vector<16xi32>], vector<16xf32>,
          %scan3A_388 = arith.constant 1 : i32
          %scan3A_389 = arith.addi %scan3A_258, %scan3A_388 : i32
          %mul3A_390 = arith.constant 256 : i32
          %mul3A_391 = arith.muli %scan3A_389, %mul3A_390 : i32
          %mul3A_392 = arith.constant 16 : i32
          %mul3A_393 = arith.muli %scan3A_389, %mul3A_392 : i32
          %get3A_394 = arith.constant 0 : i32
          %get3A_395 = arith.index_cast %get3A_394 : i32 to index
          %get3A_396 = arith.index_cast %mul3A_393 : i32 to index
          %get3A_397 = tpu.vector_load %arg5[%get3A_395, %get3A_396] {strides = array<i32>} : memref<16x1024xf32, #tpu.memory_space<vmem>>, vector<16xf32>,
          %add3A_398 = vector.broadcast %mul3A_391 : i32 to vector<16xi32>
          %add3A_399 = arith.addi %add3A_398, %add3A_6 : vector<16xi32>
          tpu.vector_store_idx %arg8[%add3A_399], %get3A_397 : memref<16384xf32, #tpu.memory_space<vmem>>[vector<16xi32>], vector<16xf32>,
          %mul3A_400 = arith.constant 16 : i32
          %mul3A_401 = arith.muli %scan3A_389, %mul3A_400 : i32
          %get3A_402 = arith.constant 1 : i32
          %get3A_403 = arith.index_cast %get3A_402 : i32 to index
          %get3A_404 = arith.index_cast %mul3A_401 : i32 to index
          %get3A_405 = tpu.vector_load %arg5[%get3A_403, %get3A_404] {strides = array<i32>} : memref<16x1024xf32, #tpu.memory_space<vmem>>, vector<16xf32>,
          %add3A_406 = vector.broadcast %mul3A_391 : i32 to vector<16xi32>
          %add3A_407 = arith.addi %add3A_406, %add3A_12 : vector<16xi32>
          tpu.vector_store_idx %arg8[%add3A_407], %get3A_405 : memref<16384xf32, #tpu.memory_space<vmem>>[vector<16xi32>], vector<16xf32>,
          %mul3A_408 = arith.constant 16 : i32
          %mul3A_409 = arith.muli %scan3A_389, %mul3A_408 : i32
          %get3A_410 = arith.constant 2 : i32
          %get3A_411 = arith.index_cast %get3A_410 : i32 to index
          %get3A_412 = arith.index_cast %mul3A_409 : i32 to index
          %get3A_413 = tpu.vector_load %arg5[%get3A_411, %get3A_412] {strides = array<i32>} : memref<16x1024xf32, #tpu.memory_space<vmem>>, vector<16xf32>,
          %add3A_414 = vector.broadcast %mul3A_391 : i32 to vector<16xi32>
          %add3A_415 = arith.addi %add3A_414, %add3A_18 : vector<16xi32>
          tpu.vector_store_idx %arg8[%add3A_415], %get3A_413 : memref<16384xf32, #tpu.memory_space<vmem>>[vector<16xi32>], vector<16xf32>,
          %mul3A_416 = arith.constant 16 : i32
          %mul3A_417 = arith.muli %scan3A_389, %mul3A_416 : i32
          %get3A_418 = arith.constant 3 : i32
          %get3A_419 = arith.index_cast %get3A_418 : i32 to index
          %get3A_420 = arith.index_cast %mul3A_417 : i32 to index
          %get3A_421 = tpu.vector_load %arg5[%get3A_419, %get3A_420] {strides = array<i32>} : memref<16x1024xf32, #tpu.memory_space<vmem>>, vector<16xf32>,
          %add3A_422 = vector.broadcast %mul3A_391 : i32 to vector<16xi32>
          %add3A_423 = arith.addi %add3A_422, %add3A_24 : vector<16xi32>
          tpu.vector_store_idx %arg8[%add3A_423], %get3A_421 : memref<16384xf32, #tpu.memory_space<vmem>>[vector<16xi32>], vector<16xf32>,
          %mul3A_424 = arith.constant 16 : i32
          %mul3A_425 = arith.muli %scan3A_389, %mul3A_424 : i32
          %get3A_426 = arith.constant 4 : i32
          %get3A_427 = arith.index_cast %get3A_426 : i32 to index
          %get3A_428 = arith.index_cast %mul3A_425 : i32 to index
          %get3A_429 = tpu.vector_load %arg5[%get3A_427, %get3A_428] {strides = array<i32>} : memref<16x1024xf32, #tpu.memory_space<vmem>>, vector<16xf32>,
          %add3A_430 = vector.broadcast %mul3A_391 : i32 to vector<16xi32>
          %add3A_431 = arith.addi %add3A_430, %add3A_30 : vector<16xi32>
          tpu.vector_store_idx %arg8[%add3A_431], %get3A_429 : memref<16384xf32, #tpu.memory_space<vmem>>[vector<16xi32>], vector<16xf32>,
          %mul3A_432 = arith.constant 16 : i32
          %mul3A_433 = arith.muli %scan3A_389, %mul3A_432 : i32
          %get3A_434 = arith.constant 5 : i32
          %get3A_435 = arith.index_cast %get3A_434 : i32 to index
          %get3A_436 = arith.index_cast %mul3A_433 : i32 to index
          %get3A_437 = tpu.vector_load %arg5[%get3A_435, %get3A_436] {strides = array<i32>} : memref<16x1024xf32, #tpu.memory_space<vmem>>, vector<16xf32>,
          %add3A_438 = vector.broadcast %mul3A_391 : i32 to vector<16xi32>
          %add3A_439 = arith.addi %add3A_438, %add3A_36 : vector<16xi32>
          tpu.vector_store_idx %arg8[%add3A_439], %get3A_437 : memref<16384xf32, #tpu.memory_space<vmem>>[vector<16xi32>], vector<16xf32>,
          %mul3A_440 = arith.constant 16 : i32
          %mul3A_441 = arith.muli %scan3A_389, %mul3A_440 : i32
          %get3A_442 = arith.constant 6 : i32
          %get3A_443 = arith.index_cast %get3A_442 : i32 to index
          %get3A_444 = arith.index_cast %mul3A_441 : i32 to index
          %get3A_445 = tpu.vector_load %arg5[%get3A_443, %get3A_444] {strides = array<i32>} : memref<16x1024xf32, #tpu.memory_space<vmem>>, vector<16xf32>,
          %add3A_446 = vector.broadcast %mul3A_391 : i32 to vector<16xi32>
          %add3A_447 = arith.addi %add3A_446, %add3A_42 : vector<16xi32>
          tpu.vector_store_idx %arg8[%add3A_447], %get3A_445 : memref<16384xf32, #tpu.memory_space<vmem>>[vector<16xi32>], vector<16xf32>,
          %mul3A_448 = arith.constant 16 : i32
          %mul3A_449 = arith.muli %scan3A_389, %mul3A_448 : i32
          %get3A_450 = arith.constant 7 : i32
          %get3A_451 = arith.index_cast %get3A_450 : i32 to index
          %get3A_452 = arith.index_cast %mul3A_449 : i32 to index
          %get3A_453 = tpu.vector_load %arg5[%get3A_451, %get3A_452] {strides = array<i32>} : memref<16x1024xf32, #tpu.memory_space<vmem>>, vector<16xf32>,
          %add3A_454 = vector.broadcast %mul3A_391 : i32 to vector<16xi32>
          %add3A_455 = arith.addi %add3A_454, %add3A_48 : vector<16xi32>
          tpu.vector_store_idx %arg8[%add3A_455], %get3A_453 : memref<16384xf32, #tpu.memory_space<vmem>>[vector<16xi32>], vector<16xf32>,
          %mul3A_456 = arith.constant 16 : i32
          %mul3A_457 = arith.muli %scan3A_389, %mul3A_456 : i32
          %get3A_458 = arith.constant 8 : i32
          %get3A_459 = arith.index_cast %get3A_458 : i32 to index
          %get3A_460 = arith.index_cast %mul3A_457 : i32 to index
          %get3A_461 = tpu.vector_load %arg5[%get3A_459, %get3A_460] {strides = array<i32>} : memref<16x1024xf32, #tpu.memory_space<vmem>>, vector<16xf32>,
          %add3A_462 = vector.broadcast %mul3A_391 : i32 to vector<16xi32>
          %add3A_463 = arith.addi %add3A_462, %add3A_54 : vector<16xi32>
          tpu.vector_store_idx %arg8[%add3A_463], %get3A_461 : memref<16384xf32, #tpu.memory_space<vmem>>[vector<16xi32>], vector<16xf32>,
          %mul3A_464 = arith.constant 16 : i32
          %mul3A_465 = arith.muli %scan3A_389, %mul3A_464 : i32
          %get3A_466 = arith.constant 9 : i32
          %get3A_467 = arith.index_cast %get3A_466 : i32 to index
          %get3A_468 = arith.index_cast %mul3A_465 : i32 to index
          %get3A_469 = tpu.vector_load %arg5[%get3A_467, %get3A_468] {strides = array<i32>} : memref<16x1024xf32, #tpu.memory_space<vmem>>, vector<16xf32>,
          %add3A_470 = vector.broadcast %mul3A_391 : i32 to vector<16xi32>
          %add3A_471 = arith.addi %add3A_470, %add3A_60 : vector<16xi32>
          tpu.vector_store_idx %arg8[%add3A_471], %get3A_469 : memref<16384xf32, #tpu.memory_space<vmem>>[vector<16xi32>], vector<16xf32>,
          %mul3A_472 = arith.constant 16 : i32
          %mul3A_473 = arith.muli %scan3A_389, %mul3A_472 : i32
          %get3A_474 = arith.constant 10 : i32
          %get3A_475 = arith.index_cast %get3A_474 : i32 to index
          %get3A_476 = arith.index_cast %mul3A_473 : i32 to index
          %get3A_477 = tpu.vector_load %arg5[%get3A_475, %get3A_476] {strides = array<i32>} : memref<16x1024xf32, #tpu.memory_space<vmem>>, vector<16xf32>,
          %add3A_478 = vector.broadcast %mul3A_391 : i32 to vector<16xi32>
          %add3A_479 = arith.addi %add3A_478, %add3A_66 : vector<16xi32>
          tpu.vector_store_idx %arg8[%add3A_479], %get3A_477 : memref<16384xf32, #tpu.memory_space<vmem>>[vector<16xi32>], vector<16xf32>,
          %mul3A_480 = arith.constant 16 : i32
          %mul3A_481 = arith.muli %scan3A_389, %mul3A_480 : i32
          %get3A_482 = arith.constant 11 : i32
          %get3A_483 = arith.index_cast %get3A_482 : i32 to index
          %get3A_484 = arith.index_cast %mul3A_481 : i32 to index
          %get3A_485 = tpu.vector_load %arg5[%get3A_483, %get3A_484] {strides = array<i32>} : memref<16x1024xf32, #tpu.memory_space<vmem>>, vector<16xf32>,
          %add3A_486 = vector.broadcast %mul3A_391 : i32 to vector<16xi32>
          %add3A_487 = arith.addi %add3A_486, %add3A_72 : vector<16xi32>
          tpu.vector_store_idx %arg8[%add3A_487], %get3A_485 : memref<16384xf32, #tpu.memory_space<vmem>>[vector<16xi32>], vector<16xf32>,
          %mul3A_488 = arith.constant 16 : i32
          %mul3A_489 = arith.muli %scan3A_389, %mul3A_488 : i32
          %get3A_490 = arith.constant 12 : i32
          %get3A_491 = arith.index_cast %get3A_490 : i32 to index
          %get3A_492 = arith.index_cast %mul3A_489 : i32 to index
          %get3A_493 = tpu.vector_load %arg5[%get3A_491, %get3A_492] {strides = array<i32>} : memref<16x1024xf32, #tpu.memory_space<vmem>>, vector<16xf32>,
          %add3A_494 = vector.broadcast %mul3A_391 : i32 to vector<16xi32>
          %add3A_495 = arith.addi %add3A_494, %add3A_78 : vector<16xi32>
          tpu.vector_store_idx %arg8[%add3A_495], %get3A_493 : memref<16384xf32, #tpu.memory_space<vmem>>[vector<16xi32>], vector<16xf32>,
          %mul3A_496 = arith.constant 16 : i32
          %mul3A_497 = arith.muli %scan3A_389, %mul3A_496 : i32
          %get3A_498 = arith.constant 13 : i32
          %get3A_499 = arith.index_cast %get3A_498 : i32 to index
          %get3A_500 = arith.index_cast %mul3A_497 : i32 to index
          %get3A_501 = tpu.vector_load %arg5[%get3A_499, %get3A_500] {strides = array<i32>} : memref<16x1024xf32, #tpu.memory_space<vmem>>, vector<16xf32>,
          %add3A_502 = vector.broadcast %mul3A_391 : i32 to vector<16xi32>
          %add3A_503 = arith.addi %add3A_502, %add3A_84 : vector<16xi32>
          tpu.vector_store_idx %arg8[%add3A_503], %get3A_501 : memref<16384xf32, #tpu.memory_space<vmem>>[vector<16xi32>], vector<16xf32>,
          %mul3A_504 = arith.constant 16 : i32
          %mul3A_505 = arith.muli %scan3A_389, %mul3A_504 : i32
          %get3A_506 = arith.constant 14 : i32
          %get3A_507 = arith.index_cast %get3A_506 : i32 to index
          %get3A_508 = arith.index_cast %mul3A_505 : i32 to index
          %get3A_509 = tpu.vector_load %arg5[%get3A_507, %get3A_508] {strides = array<i32>} : memref<16x1024xf32, #tpu.memory_space<vmem>>, vector<16xf32>,
          %add3A_510 = vector.broadcast %mul3A_391 : i32 to vector<16xi32>
          %add3A_511 = arith.addi %add3A_510, %add3A_90 : vector<16xi32>
          tpu.vector_store_idx %arg8[%add3A_511], %get3A_509 : memref<16384xf32, #tpu.memory_space<vmem>>[vector<16xi32>], vector<16xf32>,
          %mul3A_512 = arith.constant 16 : i32
          %mul3A_513 = arith.muli %scan3A_389, %mul3A_512 : i32
          %get3A_514 = arith.constant 15 : i32
          %get3A_515 = arith.index_cast %get3A_514 : i32 to index
          %get3A_516 = arith.index_cast %mul3A_513 : i32 to index
          %get3A_517 = tpu.vector_load %arg5[%get3A_515, %get3A_516] {strides = array<i32>} : memref<16x1024xf32, #tpu.memory_space<vmem>>, vector<16xf32>,
          %add3A_518 = vector.broadcast %mul3A_391 : i32 to vector<16xi32>
          %add3A_519 = arith.addi %add3A_518, %add3A_96 : vector<16xi32>
          tpu.vector_store_idx %arg8[%add3A_519], %get3A_517 : memref<16384xf32, #tpu.memory_space<vmem>>[vector<16xi32>], vector<16xf32>,
          %scan3A_520 = arith.constant 2 : i32
          %scan3A_521 = arith.addi %scan3A_258, %scan3A_520 : i32
          %mul3A_522 = arith.constant 256 : i32
          %mul3A_523 = arith.muli %scan3A_521, %mul3A_522 : i32
          %mul3A_524 = arith.constant 16 : i32
          %mul3A_525 = arith.muli %scan3A_521, %mul3A_524 : i32
          %get3A_526 = arith.constant 0 : i32
          %get3A_527 = arith.index_cast %get3A_526 : i32 to index
          %get3A_528 = arith.index_cast %mul3A_525 : i32 to index
          %get3A_529 = tpu.vector_load %arg5[%get3A_527, %get3A_528] {strides = array<i32>} : memref<16x1024xf32, #tpu.memory_space<vmem>>, vector<16xf32>,
          %add3A_530 = vector.broadcast %mul3A_523 : i32 to vector<16xi32>
          %add3A_531 = arith.addi %add3A_530, %add3A_6 : vector<16xi32>
          tpu.vector_store_idx %arg8[%add3A_531], %get3A_529 : memref<16384xf32, #tpu.memory_space<vmem>>[vector<16xi32>], vector<16xf32>,
          %mul3A_532 = arith.constant 16 : i32
          %mul3A_533 = arith.muli %scan3A_521, %mul3A_532 : i32
          %get3A_534 = arith.constant 1 : i32
          %get3A_535 = arith.index_cast %get3A_534 : i32 to index
          %get3A_536 = arith.index_cast %mul3A_533 : i32 to index
          %get3A_537 = tpu.vector_load %arg5[%get3A_535, %get3A_536] {strides = array<i32>} : memref<16x1024xf32, #tpu.memory_space<vmem>>, vector<16xf32>,
          %add3A_538 = vector.broadcast %mul3A_523 : i32 to vector<16xi32>
          %add3A_539 = arith.addi %add3A_538, %add3A_12 : vector<16xi32>
          tpu.vector_store_idx %arg8[%add3A_539], %get3A_537 : memref<16384xf32, #tpu.memory_space<vmem>>[vector<16xi32>], vector<16xf32>,
          %mul3A_540 = arith.constant 16 : i32
          %mul3A_541 = arith.muli %scan3A_521, %mul3A_540 : i32
          %get3A_542 = arith.constant 2 : i32
          %get3A_543 = arith.index_cast %get3A_542 : i32 to index
          %get3A_544 = arith.index_cast %mul3A_541 : i32 to index
          %get3A_545 = tpu.vector_load %arg5[%get3A_543, %get3A_544] {strides = array<i32>} : memref<16x1024xf32, #tpu.memory_space<vmem>>, vector<16xf32>,
          %add3A_546 = vector.broadcast %mul3A_523 : i32 to vector<16xi32>
          %add3A_547 = arith.addi %add3A_546, %add3A_18 : vector<16xi32>
          tpu.vector_store_idx %arg8[%add3A_547], %get3A_545 : memref<16384xf32, #tpu.memory_space<vmem>>[vector<16xi32>], vector<16xf32>,
          %mul3A_548 = arith.constant 16 : i32
          %mul3A_549 = arith.muli %scan3A_521, %mul3A_548 : i32
          %get3A_550 = arith.constant 3 : i32
          %get3A_551 = arith.index_cast %get3A_550 : i32 to index
          %get3A_552 = arith.index_cast %mul3A_549 : i32 to index
          %get3A_553 = tpu.vector_load %arg5[%get3A_551, %get3A_552] {strides = array<i32>} : memref<16x1024xf32, #tpu.memory_space<vmem>>, vector<16xf32>,
          %add3A_554 = vector.broadcast %mul3A_523 : i32 to vector<16xi32>
          %add3A_555 = arith.addi %add3A_554, %add3A_24 : vector<16xi32>
          tpu.vector_store_idx %arg8[%add3A_555], %get3A_553 : memref<16384xf32, #tpu.memory_space<vmem>>[vector<16xi32>], vector<16xf32>,
          %mul3A_556 = arith.constant 16 : i32
          %mul3A_557 = arith.muli %scan3A_521, %mul3A_556 : i32
          %get3A_558 = arith.constant 4 : i32
          %get3A_559 = arith.index_cast %get3A_558 : i32 to index
          %get3A_560 = arith.index_cast %mul3A_557 : i32 to index
          %get3A_561 = tpu.vector_load %arg5[%get3A_559, %get3A_560] {strides = array<i32>} : memref<16x1024xf32, #tpu.memory_space<vmem>>, vector<16xf32>,
          %add3A_562 = vector.broadcast %mul3A_523 : i32 to vector<16xi32>
          %add3A_563 = arith.addi %add3A_562, %add3A_30 : vector<16xi32>
          tpu.vector_store_idx %arg8[%add3A_563], %get3A_561 : memref<16384xf32, #tpu.memory_space<vmem>>[vector<16xi32>], vector<16xf32>,
          %mul3A_564 = arith.constant 16 : i32
          %mul3A_565 = arith.muli %scan3A_521, %mul3A_564 : i32
          %get3A_566 = arith.constant 5 : i32
          %get3A_567 = arith.index_cast %get3A_566 : i32 to index
          %get3A_568 = arith.index_cast %mul3A_565 : i32 to index
          %get3A_569 = tpu.vector_load %arg5[%get3A_567, %get3A_568] {strides = array<i32>} : memref<16x1024xf32, #tpu.memory_space<vmem>>, vector<16xf32>,
          %add3A_570 = vector.broadcast %mul3A_523 : i32 to vector<16xi32>
          %add3A_571 = arith.addi %add3A_570, %add3A_36 : vector<16xi32>
          tpu.vector_store_idx %arg8[%add3A_571], %get3A_569 : memref<16384xf32, #tpu.memory_space<vmem>>[vector<16xi32>], vector<16xf32>,
          %mul3A_572 = arith.constant 16 : i32
          %mul3A_573 = arith.muli %scan3A_521, %mul3A_572 : i32
          %get3A_574 = arith.constant 6 : i32
          %get3A_575 = arith.index_cast %get3A_574 : i32 to index
          %get3A_576 = arith.index_cast %mul3A_573 : i32 to index
          %get3A_577 = tpu.vector_load %arg5[%get3A_575, %get3A_576] {strides = array<i32>} : memref<16x1024xf32, #tpu.memory_space<vmem>>, vector<16xf32>,
          %add3A_578 = vector.broadcast %mul3A_523 : i32 to vector<16xi32>
          %add3A_579 = arith.addi %add3A_578, %add3A_42 : vector<16xi32>
          tpu.vector_store_idx %arg8[%add3A_579], %get3A_577 : memref<16384xf32, #tpu.memory_space<vmem>>[vector<16xi32>], vector<16xf32>,
          %mul3A_580 = arith.constant 16 : i32
          %mul3A_581 = arith.muli %scan3A_521, %mul3A_580 : i32
          %get3A_582 = arith.constant 7 : i32
          %get3A_583 = arith.index_cast %get3A_582 : i32 to index
          %get3A_584 = arith.index_cast %mul3A_581 : i32 to index
          %get3A_585 = tpu.vector_load %arg5[%get3A_583, %get3A_584] {strides = array<i32>} : memref<16x1024xf32, #tpu.memory_space<vmem>>, vector<16xf32>,
          %add3A_586 = vector.broadcast %mul3A_523 : i32 to vector<16xi32>
          %add3A_587 = arith.addi %add3A_586, %add3A_48 : vector<16xi32>
          tpu.vector_store_idx %arg8[%add3A_587], %get3A_585 : memref<16384xf32, #tpu.memory_space<vmem>>[vector<16xi32>], vector<16xf32>,
          %mul3A_588 = arith.constant 16 : i32
          %mul3A_589 = arith.muli %scan3A_521, %mul3A_588 : i32
          %get3A_590 = arith.constant 8 : i32
          %get3A_591 = arith.index_cast %get3A_590 : i32 to index
          %get3A_592 = arith.index_cast %mul3A_589 : i32 to index
          %get3A_593 = tpu.vector_load %arg5[%get3A_591, %get3A_592] {strides = array<i32>} : memref<16x1024xf32, #tpu.memory_space<vmem>>, vector<16xf32>,
          %add3A_594 = vector.broadcast %mul3A_523 : i32 to vector<16xi32>
          %add3A_595 = arith.addi %add3A_594, %add3A_54 : vector<16xi32>
          tpu.vector_store_idx %arg8[%add3A_595], %get3A_593 : memref<16384xf32, #tpu.memory_space<vmem>>[vector<16xi32>], vector<16xf32>,
          %mul3A_596 = arith.constant 16 : i32
          %mul3A_597 = arith.muli %scan3A_521, %mul3A_596 : i32
          %get3A_598 = arith.constant 9 : i32
          %get3A_599 = arith.index_cast %get3A_598 : i32 to index
          %get3A_600 = arith.index_cast %mul3A_597 : i32 to index
          %get3A_601 = tpu.vector_load %arg5[%get3A_599, %get3A_600] {strides = array<i32>} : memref<16x1024xf32, #tpu.memory_space<vmem>>, vector<16xf32>,
          %add3A_602 = vector.broadcast %mul3A_523 : i32 to vector<16xi32>
          %add3A_603 = arith.addi %add3A_602, %add3A_60 : vector<16xi32>
          tpu.vector_store_idx %arg8[%add3A_603], %get3A_601 : memref<16384xf32, #tpu.memory_space<vmem>>[vector<16xi32>], vector<16xf32>,
          %mul3A_604 = arith.constant 16 : i32
          %mul3A_605 = arith.muli %scan3A_521, %mul3A_604 : i32
          %get3A_606 = arith.constant 10 : i32
          %get3A_607 = arith.index_cast %get3A_606 : i32 to index
          %get3A_608 = arith.index_cast %mul3A_605 : i32 to index
          %get3A_609 = tpu.vector_load %arg5[%get3A_607, %get3A_608] {strides = array<i32>} : memref<16x1024xf32, #tpu.memory_space<vmem>>, vector<16xf32>,
          %add3A_610 = vector.broadcast %mul3A_523 : i32 to vector<16xi32>
          %add3A_611 = arith.addi %add3A_610, %add3A_66 : vector<16xi32>
          tpu.vector_store_idx %arg8[%add3A_611], %get3A_609 : memref<16384xf32, #tpu.memory_space<vmem>>[vector<16xi32>], vector<16xf32>,
          %mul3A_612 = arith.constant 16 : i32
          %mul3A_613 = arith.muli %scan3A_521, %mul3A_612 : i32
          %get3A_614 = arith.constant 11 : i32
          %get3A_615 = arith.index_cast %get3A_614 : i32 to index
          %get3A_616 = arith.index_cast %mul3A_613 : i32 to index
          %get3A_617 = tpu.vector_load %arg5[%get3A_615, %get3A_616] {strides = array<i32>} : memref<16x1024xf32, #tpu.memory_space<vmem>>, vector<16xf32>,
          %add3A_618 = vector.broadcast %mul3A_523 : i32 to vector<16xi32>
          %add3A_619 = arith.addi %add3A_618, %add3A_72 : vector<16xi32>
          tpu.vector_store_idx %arg8[%add3A_619], %get3A_617 : memref<16384xf32, #tpu.memory_space<vmem>>[vector<16xi32>], vector<16xf32>,
          %mul3A_620 = arith.constant 16 : i32
          %mul3A_621 = arith.muli %scan3A_521, %mul3A_620 : i32
          %get3A_622 = arith.constant 12 : i32
          %get3A_623 = arith.index_cast %get3A_622 : i32 to index
          %get3A_624 = arith.index_cast %mul3A_621 : i32 to index
          %get3A_625 = tpu.vector_load %arg5[%get3A_623, %get3A_624] {strides = array<i32>} : memref<16x1024xf32, #tpu.memory_space<vmem>>, vector<16xf32>,
          %add3A_626 = vector.broadcast %mul3A_523 : i32 to vector<16xi32>
          %add3A_627 = arith.addi %add3A_626, %add3A_78 : vector<16xi32>
          tpu.vector_store_idx %arg8[%add3A_627], %get3A_625 : memref<16384xf32, #tpu.memory_space<vmem>>[vector<16xi32>], vector<16xf32>,
          %mul3A_628 = arith.constant 16 : i32
          %mul3A_629 = arith.muli %scan3A_521, %mul3A_628 : i32
          %get3A_630 = arith.constant 13 : i32
          %get3A_631 = arith.index_cast %get3A_630 : i32 to index
          %get3A_632 = arith.index_cast %mul3A_629 : i32 to index
          %get3A_633 = tpu.vector_load %arg5[%get3A_631, %get3A_632] {strides = array<i32>} : memref<16x1024xf32, #tpu.memory_space<vmem>>, vector<16xf32>,
          %add3A_634 = vector.broadcast %mul3A_523 : i32 to vector<16xi32>
          %add3A_635 = arith.addi %add3A_634, %add3A_84 : vector<16xi32>
          tpu.vector_store_idx %arg8[%add3A_635], %get3A_633 : memref<16384xf32, #tpu.memory_space<vmem>>[vector<16xi32>], vector<16xf32>,
          %mul3A_636 = arith.constant 16 : i32
          %mul3A_637 = arith.muli %scan3A_521, %mul3A_636 : i32
          %get3A_638 = arith.constant 14 : i32
          %get3A_639 = arith.index_cast %get3A_638 : i32 to index
          %get3A_640 = arith.index_cast %mul3A_637 : i32 to index
          %get3A_641 = tpu.vector_load %arg5[%get3A_639, %get3A_640] {strides = array<i32>} : memref<16x1024xf32, #tpu.memory_space<vmem>>, vector<16xf32>,
          %add3A_642 = vector.broadcast %mul3A_523 : i32 to vector<16xi32>
          %add3A_643 = arith.addi %add3A_642, %add3A_90 : vector<16xi32>
          tpu.vector_store_idx %arg8[%add3A_643], %get3A_641 : memref<16384xf32, #tpu.memory_space<vmem>>[vector<16xi32>], vector<16xf32>,
          %mul3A_644 = arith.constant 16 : i32
          %mul3A_645 = arith.muli %scan3A_521, %mul3A_644 : i32
          %get3A_646 = arith.constant 15 : i32
          %get3A_647 = arith.index_cast %get3A_646 : i32 to index
          %get3A_648 = arith.index_cast %mul3A_645 : i32 to index
          %get3A_649 = tpu.vector_load %arg5[%get3A_647, %get3A_648] {strides = array<i32>} : memref<16x1024xf32, #tpu.memory_space<vmem>>, vector<16xf32>,
          %add3A_650 = vector.broadcast %mul3A_523 : i32 to vector<16xi32>
          %add3A_651 = arith.addi %add3A_650, %add3A_96 : vector<16xi32>
          tpu.vector_store_idx %arg8[%add3A_651], %get3A_649 : memref<16384xf32, #tpu.memory_space<vmem>>[vector<16xi32>], vector<16xf32>,
          %scan3A_652 = arith.constant 3 : i32
          %scan3A_653 = arith.addi %scan3A_258, %scan3A_652 : i32
          %mul3A_654 = arith.constant 256 : i32
          %mul3A_655 = arith.muli %scan3A_653, %mul3A_654 : i32
          %mul3A_656 = arith.constant 16 : i32
          %mul3A_657 = arith.muli %scan3A_653, %mul3A_656 : i32
          %get3A_658 = arith.constant 0 : i32
          %get3A_659 = arith.index_cast %get3A_658 : i32 to index
          %get3A_660 = arith.index_cast %mul3A_657 : i32 to index
          %get3A_661 = tpu.vector_load %arg5[%get3A_659, %get3A_660] {strides = array<i32>} : memref<16x1024xf32, #tpu.memory_space<vmem>>, vector<16xf32>,
          %add3A_662 = vector.broadcast %mul3A_655 : i32 to vector<16xi32>
          %add3A_663 = arith.addi %add3A_662, %add3A_6 : vector<16xi32>
          tpu.vector_store_idx %arg8[%add3A_663], %get3A_661 : memref<16384xf32, #tpu.memory_space<vmem>>[vector<16xi32>], vector<16xf32>,
          %mul3A_664 = arith.constant 16 : i32
          %mul3A_665 = arith.muli %scan3A_653, %mul3A_664 : i32
          %get3A_666 = arith.constant 1 : i32
          %get3A_667 = arith.index_cast %get3A_666 : i32 to index
          %get3A_668 = arith.index_cast %mul3A_665 : i32 to index
          %get3A_669 = tpu.vector_load %arg5[%get3A_667, %get3A_668] {strides = array<i32>} : memref<16x1024xf32, #tpu.memory_space<vmem>>, vector<16xf32>,
          %add3A_670 = vector.broadcast %mul3A_655 : i32 to vector<16xi32>
          %add3A_671 = arith.addi %add3A_670, %add3A_12 : vector<16xi32>
          tpu.vector_store_idx %arg8[%add3A_671], %get3A_669 : memref<16384xf32, #tpu.memory_space<vmem>>[vector<16xi32>], vector<16xf32>,
          %mul3A_672 = arith.constant 16 : i32
          %mul3A_673 = arith.muli %scan3A_653, %mul3A_672 : i32
          %get3A_674 = arith.constant 2 : i32
          %get3A_675 = arith.index_cast %get3A_674 : i32 to index
          %get3A_676 = arith.index_cast %mul3A_673 : i32 to index
          %get3A_677 = tpu.vector_load %arg5[%get3A_675, %get3A_676] {strides = array<i32>} : memref<16x1024xf32, #tpu.memory_space<vmem>>, vector<16xf32>,
          %add3A_678 = vector.broadcast %mul3A_655 : i32 to vector<16xi32>
          %add3A_679 = arith.addi %add3A_678, %add3A_18 : vector<16xi32>
          tpu.vector_store_idx %arg8[%add3A_679], %get3A_677 : memref<16384xf32, #tpu.memory_space<vmem>>[vector<16xi32>], vector<16xf32>,
          %mul3A_680 = arith.constant 16 : i32
          %mul3A_681 = arith.muli %scan3A_653, %mul3A_680 : i32
          %get3A_682 = arith.constant 3 : i32
          %get3A_683 = arith.index_cast %get3A_682 : i32 to index
          %get3A_684 = arith.index_cast %mul3A_681 : i32 to index
          %get3A_685 = tpu.vector_load %arg5[%get3A_683, %get3A_684] {strides = array<i32>} : memref<16x1024xf32, #tpu.memory_space<vmem>>, vector<16xf32>,
          %add3A_686 = vector.broadcast %mul3A_655 : i32 to vector<16xi32>
          %add3A_687 = arith.addi %add3A_686, %add3A_24 : vector<16xi32>
          tpu.vector_store_idx %arg8[%add3A_687], %get3A_685 : memref<16384xf32, #tpu.memory_space<vmem>>[vector<16xi32>], vector<16xf32>,
          %mul3A_688 = arith.constant 16 : i32
          %mul3A_689 = arith.muli %scan3A_653, %mul3A_688 : i32
          %get3A_690 = arith.constant 4 : i32
          %get3A_691 = arith.index_cast %get3A_690 : i32 to index
          %get3A_692 = arith.index_cast %mul3A_689 : i32 to index
          %get3A_693 = tpu.vector_load %arg5[%get3A_691, %get3A_692] {strides = array<i32>} : memref<16x1024xf32, #tpu.memory_space<vmem>>, vector<16xf32>,
          %add3A_694 = vector.broadcast %mul3A_655 : i32 to vector<16xi32>
          %add3A_695 = arith.addi %add3A_694, %add3A_30 : vector<16xi32>
          tpu.vector_store_idx %arg8[%add3A_695], %get3A_693 : memref<16384xf32, #tpu.memory_space<vmem>>[vector<16xi32>], vector<16xf32>,
          %mul3A_696 = arith.constant 16 : i32
          %mul3A_697 = arith.muli %scan3A_653, %mul3A_696 : i32
          %get3A_698 = arith.constant 5 : i32
          %get3A_699 = arith.index_cast %get3A_698 : i32 to index
          %get3A_700 = arith.index_cast %mul3A_697 : i32 to index
          %get3A_701 = tpu.vector_load %arg5[%get3A_699, %get3A_700] {strides = array<i32>} : memref<16x1024xf32, #tpu.memory_space<vmem>>, vector<16xf32>,
          %add3A_702 = vector.broadcast %mul3A_655 : i32 to vector<16xi32>
          %add3A_703 = arith.addi %add3A_702, %add3A_36 : vector<16xi32>
          tpu.vector_store_idx %arg8[%add3A_703], %get3A_701 : memref<16384xf32, #tpu.memory_space<vmem>>[vector<16xi32>], vector<16xf32>,
          %mul3A_704 = arith.constant 16 : i32
          %mul3A_705 = arith.muli %scan3A_653, %mul3A_704 : i32
          %get3A_706 = arith.constant 6 : i32
          %get3A_707 = arith.index_cast %get3A_706 : i32 to index
          %get3A_708 = arith.index_cast %mul3A_705 : i32 to index
          %get3A_709 = tpu.vector_load %arg5[%get3A_707, %get3A_708] {strides = array<i32>} : memref<16x1024xf32, #tpu.memory_space<vmem>>, vector<16xf32>,
          %add3A_710 = vector.broadcast %mul3A_655 : i32 to vector<16xi32>
          %add3A_711 = arith.addi %add3A_710, %add3A_42 : vector<16xi32>
          tpu.vector_store_idx %arg8[%add3A_711], %get3A_709 : memref<16384xf32, #tpu.memory_space<vmem>>[vector<16xi32>], vector<16xf32>,
          %mul3A_712 = arith.constant 16 : i32
          %mul3A_713 = arith.muli %scan3A_653, %mul3A_712 : i32
          %get3A_714 = arith.constant 7 : i32
          %get3A_715 = arith.index_cast %get3A_714 : i32 to index
          %get3A_716 = arith.index_cast %mul3A_713 : i32 to index
          %get3A_717 = tpu.vector_load %arg5[%get3A_715, %get3A_716] {strides = array<i32>} : memref<16x1024xf32, #tpu.memory_space<vmem>>, vector<16xf32>,
          %add3A_718 = vector.broadcast %mul3A_655 : i32 to vector<16xi32>
          %add3A_719 = arith.addi %add3A_718, %add3A_48 : vector<16xi32>
          tpu.vector_store_idx %arg8[%add3A_719], %get3A_717 : memref<16384xf32, #tpu.memory_space<vmem>>[vector<16xi32>], vector<16xf32>,
          %mul3A_720 = arith.constant 16 : i32
          %mul3A_721 = arith.muli %scan3A_653, %mul3A_720 : i32
          %get3A_722 = arith.constant 8 : i32
          %get3A_723 = arith.index_cast %get3A_722 : i32 to index
          %get3A_724 = arith.index_cast %mul3A_721 : i32 to index
          %get3A_725 = tpu.vector_load %arg5[%get3A_723, %get3A_724] {strides = array<i32>} : memref<16x1024xf32, #tpu.memory_space<vmem>>, vector<16xf32>,
          %add3A_726 = vector.broadcast %mul3A_655 : i32 to vector<16xi32>
          %add3A_727 = arith.addi %add3A_726, %add3A_54 : vector<16xi32>
          tpu.vector_store_idx %arg8[%add3A_727], %get3A_725 : memref<16384xf32, #tpu.memory_space<vmem>>[vector<16xi32>], vector<16xf32>,
          %mul3A_728 = arith.constant 16 : i32
          %mul3A_729 = arith.muli %scan3A_653, %mul3A_728 : i32
          %get3A_730 = arith.constant 9 : i32
          %get3A_731 = arith.index_cast %get3A_730 : i32 to index
          %get3A_732 = arith.index_cast %mul3A_729 : i32 to index
          %get3A_733 = tpu.vector_load %arg5[%get3A_731, %get3A_732] {strides = array<i32>} : memref<16x1024xf32, #tpu.memory_space<vmem>>, vector<16xf32>,
          %add3A_734 = vector.broadcast %mul3A_655 : i32 to vector<16xi32>
          %add3A_735 = arith.addi %add3A_734, %add3A_60 : vector<16xi32>
          tpu.vector_store_idx %arg8[%add3A_735], %get3A_733 : memref<16384xf32, #tpu.memory_space<vmem>>[vector<16xi32>], vector<16xf32>,
          %mul3A_736 = arith.constant 16 : i32
          %mul3A_737 = arith.muli %scan3A_653, %mul3A_736 : i32
          %get3A_738 = arith.constant 10 : i32
          %get3A_739 = arith.index_cast %get3A_738 : i32 to index
          %get3A_740 = arith.index_cast %mul3A_737 : i32 to index
          %get3A_741 = tpu.vector_load %arg5[%get3A_739, %get3A_740] {strides = array<i32>} : memref<16x1024xf32, #tpu.memory_space<vmem>>, vector<16xf32>,
          %add3A_742 = vector.broadcast %mul3A_655 : i32 to vector<16xi32>
          %add3A_743 = arith.addi %add3A_742, %add3A_66 : vector<16xi32>
          tpu.vector_store_idx %arg8[%add3A_743], %get3A_741 : memref<16384xf32, #tpu.memory_space<vmem>>[vector<16xi32>], vector<16xf32>,
          %mul3A_744 = arith.constant 16 : i32
          %mul3A_745 = arith.muli %scan3A_653, %mul3A_744 : i32
          %get3A_746 = arith.constant 11 : i32
          %get3A_747 = arith.index_cast %get3A_746 : i32 to index
          %get3A_748 = arith.index_cast %mul3A_745 : i32 to index
          %get3A_749 = tpu.vector_load %arg5[%get3A_747, %get3A_748] {strides = array<i32>} : memref<16x1024xf32, #tpu.memory_space<vmem>>, vector<16xf32>,
          %add3A_750 = vector.broadcast %mul3A_655 : i32 to vector<16xi32>
          %add3A_751 = arith.addi %add3A_750, %add3A_72 : vector<16xi32>
          tpu.vector_store_idx %arg8[%add3A_751], %get3A_749 : memref<16384xf32, #tpu.memory_space<vmem>>[vector<16xi32>], vector<16xf32>,
          %mul3A_752 = arith.constant 16 : i32
          %mul3A_753 = arith.muli %scan3A_653, %mul3A_752 : i32
          %get3A_754 = arith.constant 12 : i32
          %get3A_755 = arith.index_cast %get3A_754 : i32 to index
          %get3A_756 = arith.index_cast %mul3A_753 : i32 to index
          %get3A_757 = tpu.vector_load %arg5[%get3A_755, %get3A_756] {strides = array<i32>} : memref<16x1024xf32, #tpu.memory_space<vmem>>, vector<16xf32>,
          %add3A_758 = vector.broadcast %mul3A_655 : i32 to vector<16xi32>
          %add3A_759 = arith.addi %add3A_758, %add3A_78 : vector<16xi32>
          tpu.vector_store_idx %arg8[%add3A_759], %get3A_757 : memref<16384xf32, #tpu.memory_space<vmem>>[vector<16xi32>], vector<16xf32>,
          %mul3A_760 = arith.constant 16 : i32
          %mul3A_761 = arith.muli %scan3A_653, %mul3A_760 : i32
          %get3A_762 = arith.constant 13 : i32
          %get3A_763 = arith.index_cast %get3A_762 : i32 to index
          %get3A_764 = arith.index_cast %mul3A_761 : i32 to index
          %get3A_765 = tpu.vector_load %arg5[%get3A_763, %get3A_764] {strides = array<i32>} : memref<16x1024xf32, #tpu.memory_space<vmem>>, vector<16xf32>,
          %add3A_766 = vector.broadcast %mul3A_655 : i32 to vector<16xi32>
          %add3A_767 = arith.addi %add3A_766, %add3A_84 : vector<16xi32>
          tpu.vector_store_idx %arg8[%add3A_767], %get3A_765 : memref<16384xf32, #tpu.memory_space<vmem>>[vector<16xi32>], vector<16xf32>,
          %mul3A_768 = arith.constant 16 : i32
          %mul3A_769 = arith.muli %scan3A_653, %mul3A_768 : i32
          %get3A_770 = arith.constant 14 : i32
          %get3A_771 = arith.index_cast %get3A_770 : i32 to index
          %get3A_772 = arith.index_cast %mul3A_769 : i32 to index
          %get3A_773 = tpu.vector_load %arg5[%get3A_771, %get3A_772] {strides = array<i32>} : memref<16x1024xf32, #tpu.memory_space<vmem>>, vector<16xf32>,
          %add3A_774 = vector.broadcast %mul3A_655 : i32 to vector<16xi32>
          %add3A_775 = arith.addi %add3A_774, %add3A_90 : vector<16xi32>
          tpu.vector_store_idx %arg8[%add3A_775], %get3A_773 : memref<16384xf32, #tpu.memory_space<vmem>>[vector<16xi32>], vector<16xf32>,
          %mul3A_776 = arith.constant 16 : i32
          %mul3A_777 = arith.muli %scan3A_653, %mul3A_776 : i32
          %get3A_778 = arith.constant 15 : i32
          %get3A_779 = arith.index_cast %get3A_778 : i32 to index
          %get3A_780 = arith.index_cast %mul3A_777 : i32 to index
          %get3A_781 = tpu.vector_load %arg5[%get3A_779, %get3A_780] {strides = array<i32>} : memref<16x1024xf32, #tpu.memory_space<vmem>>, vector<16xf32>,
          %add3A_782 = vector.broadcast %mul3A_655 : i32 to vector<16xi32>
          %add3A_783 = arith.addi %add3A_782, %add3A_96 : vector<16xi32>
          tpu.vector_store_idx %arg8[%add3A_783], %get3A_781 : memref<16384xf32, #tpu.memory_space<vmem>>[vector<16xi32>], vector<16xf32>,
          %scan3A_784 = arith.constant 4 : i32
          %scan3A_785 = arith.addi %scan3A_258, %scan3A_784 : i32
          %mul3A_786 = arith.constant 256 : i32
          %mul3A_787 = arith.muli %scan3A_785, %mul3A_786 : i32
          %mul3A_788 = arith.constant 16 : i32
          %mul3A_789 = arith.muli %scan3A_785, %mul3A_788 : i32
          %get3A_790 = arith.constant 0 : i32
          %get3A_791 = arith.index_cast %get3A_790 : i32 to index
          %get3A_792 = arith.index_cast %mul3A_789 : i32 to index
          %get3A_793 = tpu.vector_load %arg5[%get3A_791, %get3A_792] {strides = array<i32>} : memref<16x1024xf32, #tpu.memory_space<vmem>>, vector<16xf32>,
          %add3A_794 = vector.broadcast %mul3A_787 : i32 to vector<16xi32>
          %add3A_795 = arith.addi %add3A_794, %add3A_6 : vector<16xi32>
          tpu.vector_store_idx %arg8[%add3A_795], %get3A_793 : memref<16384xf32, #tpu.memory_space<vmem>>[vector<16xi32>], vector<16xf32>,
          %mul3A_796 = arith.constant 16 : i32
          %mul3A_797 = arith.muli %scan3A_785, %mul3A_796 : i32
          %get3A_798 = arith.constant 1 : i32
          %get3A_799 = arith.index_cast %get3A_798 : i32 to index
          %get3A_800 = arith.index_cast %mul3A_797 : i32 to index
          %get3A_801 = tpu.vector_load %arg5[%get3A_799, %get3A_800] {strides = array<i32>} : memref<16x1024xf32, #tpu.memory_space<vmem>>, vector<16xf32>,
          %add3A_802 = vector.broadcast %mul3A_787 : i32 to vector<16xi32>
          %add3A_803 = arith.addi %add3A_802, %add3A_12 : vector<16xi32>
          tpu.vector_store_idx %arg8[%add3A_803], %get3A_801 : memref<16384xf32, #tpu.memory_space<vmem>>[vector<16xi32>], vector<16xf32>,
          %mul3A_804 = arith.constant 16 : i32
          %mul3A_805 = arith.muli %scan3A_785, %mul3A_804 : i32
          %get3A_806 = arith.constant 2 : i32
          %get3A_807 = arith.index_cast %get3A_806 : i32 to index
          %get3A_808 = arith.index_cast %mul3A_805 : i32 to index
          %get3A_809 = tpu.vector_load %arg5[%get3A_807, %get3A_808] {strides = array<i32>} : memref<16x1024xf32, #tpu.memory_space<vmem>>, vector<16xf32>,
          %add3A_810 = vector.broadcast %mul3A_787 : i32 to vector<16xi32>
          %add3A_811 = arith.addi %add3A_810, %add3A_18 : vector<16xi32>
          tpu.vector_store_idx %arg8[%add3A_811], %get3A_809 : memref<16384xf32, #tpu.memory_space<vmem>>[vector<16xi32>], vector<16xf32>,
          %mul3A_812 = arith.constant 16 : i32
          %mul3A_813 = arith.muli %scan3A_785, %mul3A_812 : i32
          %get3A_814 = arith.constant 3 : i32
          %get3A_815 = arith.index_cast %get3A_814 : i32 to index
          %get3A_816 = arith.index_cast %mul3A_813 : i32 to index
          %get3A_817 = tpu.vector_load %arg5[%get3A_815, %get3A_816] {strides = array<i32>} : memref<16x1024xf32, #tpu.memory_space<vmem>>, vector<16xf32>,
          %add3A_818 = vector.broadcast %mul3A_787 : i32 to vector<16xi32>
          %add3A_819 = arith.addi %add3A_818, %add3A_24 : vector<16xi32>
          tpu.vector_store_idx %arg8[%add3A_819], %get3A_817 : memref<16384xf32, #tpu.memory_space<vmem>>[vector<16xi32>], vector<16xf32>,
          %mul3A_820 = arith.constant 16 : i32
          %mul3A_821 = arith.muli %scan3A_785, %mul3A_820 : i32
          %get3A_822 = arith.constant 4 : i32
          %get3A_823 = arith.index_cast %get3A_822 : i32 to index
          %get3A_824 = arith.index_cast %mul3A_821 : i32 to index
          %get3A_825 = tpu.vector_load %arg5[%get3A_823, %get3A_824] {strides = array<i32>} : memref<16x1024xf32, #tpu.memory_space<vmem>>, vector<16xf32>,
          %add3A_826 = vector.broadcast %mul3A_787 : i32 to vector<16xi32>
          %add3A_827 = arith.addi %add3A_826, %add3A_30 : vector<16xi32>
          tpu.vector_store_idx %arg8[%add3A_827], %get3A_825 : memref<16384xf32, #tpu.memory_space<vmem>>[vector<16xi32>], vector<16xf32>,
          %mul3A_828 = arith.constant 16 : i32
          %mul3A_829 = arith.muli %scan3A_785, %mul3A_828 : i32
          %get3A_830 = arith.constant 5 : i32
          %get3A_831 = arith.index_cast %get3A_830 : i32 to index
          %get3A_832 = arith.index_cast %mul3A_829 : i32 to index
          %get3A_833 = tpu.vector_load %arg5[%get3A_831, %get3A_832] {strides = array<i32>} : memref<16x1024xf32, #tpu.memory_space<vmem>>, vector<16xf32>,
          %add3A_834 = vector.broadcast %mul3A_787 : i32 to vector<16xi32>
          %add3A_835 = arith.addi %add3A_834, %add3A_36 : vector<16xi32>
          tpu.vector_store_idx %arg8[%add3A_835], %get3A_833 : memref<16384xf32, #tpu.memory_space<vmem>>[vector<16xi32>], vector<16xf32>,
          %mul3A_836 = arith.constant 16 : i32
          %mul3A_837 = arith.muli %scan3A_785, %mul3A_836 : i32
          %get3A_838 = arith.constant 6 : i32
          %get3A_839 = arith.index_cast %get3A_838 : i32 to index
          %get3A_840 = arith.index_cast %mul3A_837 : i32 to index
          %get3A_841 = tpu.vector_load %arg5[%get3A_839, %get3A_840] {strides = array<i32>} : memref<16x1024xf32, #tpu.memory_space<vmem>>, vector<16xf32>,
          %add3A_842 = vector.broadcast %mul3A_787 : i32 to vector<16xi32>
          %add3A_843 = arith.addi %add3A_842, %add3A_42 : vector<16xi32>
          tpu.vector_store_idx %arg8[%add3A_843], %get3A_841 : memref<16384xf32, #tpu.memory_space<vmem>>[vector<16xi32>], vector<16xf32>,
          %mul3A_844 = arith.constant 16 : i32
          %mul3A_845 = arith.muli %scan3A_785, %mul3A_844 : i32
          %get3A_846 = arith.constant 7 : i32
          %get3A_847 = arith.index_cast %get3A_846 : i32 to index
          %get3A_848 = arith.index_cast %mul3A_845 : i32 to index
          %get3A_849 = tpu.vector_load %arg5[%get3A_847, %get3A_848] {strides = array<i32>} : memref<16x1024xf32, #tpu.memory_space<vmem>>, vector<16xf32>,
          %add3A_850 = vector.broadcast %mul3A_787 : i32 to vector<16xi32>
          %add3A_851 = arith.addi %add3A_850, %add3A_48 : vector<16xi32>
          tpu.vector_store_idx %arg8[%add3A_851], %get3A_849 : memref<16384xf32, #tpu.memory_space<vmem>>[vector<16xi32>], vector<16xf32>,
          %mul3A_852 = arith.constant 16 : i32
          %mul3A_853 = arith.muli %scan3A_785, %mul3A_852 : i32
          %get3A_854 = arith.constant 8 : i32
          %get3A_855 = arith.index_cast %get3A_854 : i32 to index
          %get3A_856 = arith.index_cast %mul3A_853 : i32 to index
          %get3A_857 = tpu.vector_load %arg5[%get3A_855, %get3A_856] {strides = array<i32>} : memref<16x1024xf32, #tpu.memory_space<vmem>>, vector<16xf32>,
          %add3A_858 = vector.broadcast %mul3A_787 : i32 to vector<16xi32>
          %add3A_859 = arith.addi %add3A_858, %add3A_54 : vector<16xi32>
          tpu.vector_store_idx %arg8[%add3A_859], %get3A_857 : memref<16384xf32, #tpu.memory_space<vmem>>[vector<16xi32>], vector<16xf32>,
          %mul3A_860 = arith.constant 16 : i32
          %mul3A_861 = arith.muli %scan3A_785, %mul3A_860 : i32
          %get3A_862 = arith.constant 9 : i32
          %get3A_863 = arith.index_cast %get3A_862 : i32 to index
          %get3A_864 = arith.index_cast %mul3A_861 : i32 to index
          %get3A_865 = tpu.vector_load %arg5[%get3A_863, %get3A_864] {strides = array<i32>} : memref<16x1024xf32, #tpu.memory_space<vmem>>, vector<16xf32>,
          %add3A_866 = vector.broadcast %mul3A_787 : i32 to vector<16xi32>
          %add3A_867 = arith.addi %add3A_866, %add3A_60 : vector<16xi32>
          tpu.vector_store_idx %arg8[%add3A_867], %get3A_865 : memref<16384xf32, #tpu.memory_space<vmem>>[vector<16xi32>], vector<16xf32>,
          %mul3A_868 = arith.constant 16 : i32
          %mul3A_869 = arith.muli %scan3A_785, %mul3A_868 : i32
          %get3A_870 = arith.constant 10 : i32
          %get3A_871 = arith.index_cast %get3A_870 : i32 to index
          %get3A_872 = arith.index_cast %mul3A_869 : i32 to index
          %get3A_873 = tpu.vector_load %arg5[%get3A_871, %get3A_872] {strides = array<i32>} : memref<16x1024xf32, #tpu.memory_space<vmem>>, vector<16xf32>,
          %add3A_874 = vector.broadcast %mul3A_787 : i32 to vector<16xi32>
          %add3A_875 = arith.addi %add3A_874, %add3A_66 : vector<16xi32>
          tpu.vector_store_idx %arg8[%add3A_875], %get3A_873 : memref<16384xf32, #tpu.memory_space<vmem>>[vector<16xi32>], vector<16xf32>,
          %mul3A_876 = arith.constant 16 : i32
          %mul3A_877 = arith.muli %scan3A_785, %mul3A_876 : i32
          %get3A_878 = arith.constant 11 : i32
          %get3A_879 = arith.index_cast %get3A_878 : i32 to index
          %get3A_880 = arith.index_cast %mul3A_877 : i32 to index
          %get3A_881 = tpu.vector_load %arg5[%get3A_879, %get3A_880] {strides = array<i32>} : memref<16x1024xf32, #tpu.memory_space<vmem>>, vector<16xf32>,
          %add3A_882 = vector.broadcast %mul3A_787 : i32 to vector<16xi32>
          %add3A_883 = arith.addi %add3A_882, %add3A_72 : vector<16xi32>
          tpu.vector_store_idx %arg8[%add3A_883], %get3A_881 : memref<16384xf32, #tpu.memory_space<vmem>>[vector<16xi32>], vector<16xf32>,
          %mul3A_884 = arith.constant 16 : i32
          %mul3A_885 = arith.muli %scan3A_785, %mul3A_884 : i32
          %get3A_886 = arith.constant 12 : i32
          %get3A_887 = arith.index_cast %get3A_886 : i32 to index
          %get3A_888 = arith.index_cast %mul3A_885 : i32 to index
          %get3A_889 = tpu.vector_load %arg5[%get3A_887, %get3A_888] {strides = array<i32>} : memref<16x1024xf32, #tpu.memory_space<vmem>>, vector<16xf32>,
          %add3A_890 = vector.broadcast %mul3A_787 : i32 to vector<16xi32>
          %add3A_891 = arith.addi %add3A_890, %add3A_78 : vector<16xi32>
          tpu.vector_store_idx %arg8[%add3A_891], %get3A_889 : memref<16384xf32, #tpu.memory_space<vmem>>[vector<16xi32>], vector<16xf32>,
          %mul3A_892 = arith.constant 16 : i32
          %mul3A_893 = arith.muli %scan3A_785, %mul3A_892 : i32
          %get3A_894 = arith.constant 13 : i32
          %get3A_895 = arith.index_cast %get3A_894 : i32 to index
          %get3A_896 = arith.index_cast %mul3A_893 : i32 to index
          %get3A_897 = tpu.vector_load %arg5[%get3A_895, %get3A_896] {strides = array<i32>} : memref<16x1024xf32, #tpu.memory_space<vmem>>, vector<16xf32>,
          %add3A_898 = vector.broadcast %mul3A_787 : i32 to vector<16xi32>
          %add3A_899 = arith.addi %add3A_898, %add3A_84 : vector<16xi32>
          tpu.vector_store_idx %arg8[%add3A_899], %get3A_897 : memref<16384xf32, #tpu.memory_space<vmem>>[vector<16xi32>], vector<16xf32>,
          %mul3A_900 = arith.constant 16 : i32
          %mul3A_901 = arith.muli %scan3A_785, %mul3A_900 : i32
          %get3A_902 = arith.constant 14 : i32
          %get3A_903 = arith.index_cast %get3A_902 : i32 to index
          %get3A_904 = arith.index_cast %mul3A_901 : i32 to index
          %get3A_905 = tpu.vector_load %arg5[%get3A_903, %get3A_904] {strides = array<i32>} : memref<16x1024xf32, #tpu.memory_space<vmem>>, vector<16xf32>,
          %add3A_906 = vector.broadcast %mul3A_787 : i32 to vector<16xi32>
          %add3A_907 = arith.addi %add3A_906, %add3A_90 : vector<16xi32>
          tpu.vector_store_idx %arg8[%add3A_907], %get3A_905 : memref<16384xf32, #tpu.memory_space<vmem>>[vector<16xi32>], vector<16xf32>,
          %mul3A_908 = arith.constant 16 : i32
          %mul3A_909 = arith.muli %scan3A_785, %mul3A_908 : i32
          %get3A_910 = arith.constant 15 : i32
          %get3A_911 = arith.index_cast %get3A_910 : i32 to index
          %get3A_912 = arith.index_cast %mul3A_909 : i32 to index
          %get3A_913 = tpu.vector_load %arg5[%get3A_911, %get3A_912] {strides = array<i32>} : memref<16x1024xf32, #tpu.memory_space<vmem>>, vector<16xf32>,
          %add3A_914 = vector.broadcast %mul3A_787 : i32 to vector<16xi32>
          %add3A_915 = arith.addi %add3A_914, %add3A_96 : vector<16xi32>
          tpu.vector_store_idx %arg8[%add3A_915], %get3A_913 : memref<16384xf32, #tpu.memory_space<vmem>>[vector<16xi32>], vector<16xf32>,
          %scan3A_916 = arith.constant 5 : i32
          %scan3A_917 = arith.addi %scan3A_258, %scan3A_916 : i32
          %mul3A_918 = arith.constant 256 : i32
          %mul3A_919 = arith.muli %scan3A_917, %mul3A_918 : i32
          %mul3A_920 = arith.constant 16 : i32
          %mul3A_921 = arith.muli %scan3A_917, %mul3A_920 : i32
          %get3A_922 = arith.constant 0 : i32
          %get3A_923 = arith.index_cast %get3A_922 : i32 to index
          %get3A_924 = arith.index_cast %mul3A_921 : i32 to index
          %get3A_925 = tpu.vector_load %arg5[%get3A_923, %get3A_924] {strides = array<i32>} : memref<16x1024xf32, #tpu.memory_space<vmem>>, vector<16xf32>,
          %add3A_926 = vector.broadcast %mul3A_919 : i32 to vector<16xi32>
          %add3A_927 = arith.addi %add3A_926, %add3A_6 : vector<16xi32>
          tpu.vector_store_idx %arg8[%add3A_927], %get3A_925 : memref<16384xf32, #tpu.memory_space<vmem>>[vector<16xi32>], vector<16xf32>,
          %mul3A_928 = arith.constant 16 : i32
          %mul3A_929 = arith.muli %scan3A_917, %mul3A_928 : i32
          %get3A_930 = arith.constant 1 : i32
          %get3A_931 = arith.index_cast %get3A_930 : i32 to index
          %get3A_932 = arith.index_cast %mul3A_929 : i32 to index
          %get3A_933 = tpu.vector_load %arg5[%get3A_931, %get3A_932] {strides = array<i32>} : memref<16x1024xf32, #tpu.memory_space<vmem>>, vector<16xf32>,
          %add3A_934 = vector.broadcast %mul3A_919 : i32 to vector<16xi32>
          %add3A_935 = arith.addi %add3A_934, %add3A_12 : vector<16xi32>
          tpu.vector_store_idx %arg8[%add3A_935], %get3A_933 : memref<16384xf32, #tpu.memory_space<vmem>>[vector<16xi32>], vector<16xf32>,
          %mul3A_936 = arith.constant 16 : i32
          %mul3A_937 = arith.muli %scan3A_917, %mul3A_936 : i32
          %get3A_938 = arith.constant 2 : i32
          %get3A_939 = arith.index_cast %get3A_938 : i32 to index
          %get3A_940 = arith.index_cast %mul3A_937 : i32 to index
          %get3A_941 = tpu.vector_load %arg5[%get3A_939, %get3A_940] {strides = array<i32>} : memref<16x1024xf32, #tpu.memory_space<vmem>>, vector<16xf32>,
          %add3A_942 = vector.broadcast %mul3A_919 : i32 to vector<16xi32>
          %add3A_943 = arith.addi %add3A_942, %add3A_18 : vector<16xi32>
          tpu.vector_store_idx %arg8[%add3A_943], %get3A_941 : memref<16384xf32, #tpu.memory_space<vmem>>[vector<16xi32>], vector<16xf32>,
          %mul3A_944 = arith.constant 16 : i32
          %mul3A_945 = arith.muli %scan3A_917, %mul3A_944 : i32
          %get3A_946 = arith.constant 3 : i32
          %get3A_947 = arith.index_cast %get3A_946 : i32 to index
          %get3A_948 = arith.index_cast %mul3A_945 : i32 to index
          %get3A_949 = tpu.vector_load %arg5[%get3A_947, %get3A_948] {strides = array<i32>} : memref<16x1024xf32, #tpu.memory_space<vmem>>, vector<16xf32>,
          %add3A_950 = vector.broadcast %mul3A_919 : i32 to vector<16xi32>
          %add3A_951 = arith.addi %add3A_950, %add3A_24 : vector<16xi32>
          tpu.vector_store_idx %arg8[%add3A_951], %get3A_949 : memref<16384xf32, #tpu.memory_space<vmem>>[vector<16xi32>], vector<16xf32>,
          %mul3A_952 = arith.constant 16 : i32
          %mul3A_953 = arith.muli %scan3A_917, %mul3A_952 : i32
          %get3A_954 = arith.constant 4 : i32
          %get3A_955 = arith.index_cast %get3A_954 : i32 to index
          %get3A_956 = arith.index_cast %mul3A_953 : i32 to index
          %get3A_957 = tpu.vector_load %arg5[%get3A_955, %get3A_956] {strides = array<i32>} : memref<16x1024xf32, #tpu.memory_space<vmem>>, vector<16xf32>,
          %add3A_958 = vector.broadcast %mul3A_919 : i32 to vector<16xi32>
          %add3A_959 = arith.addi %add3A_958, %add3A_30 : vector<16xi32>
          tpu.vector_store_idx %arg8[%add3A_959], %get3A_957 : memref<16384xf32, #tpu.memory_space<vmem>>[vector<16xi32>], vector<16xf32>,
          %mul3A_960 = arith.constant 16 : i32
          %mul3A_961 = arith.muli %scan3A_917, %mul3A_960 : i32
          %get3A_962 = arith.constant 5 : i32
          %get3A_963 = arith.index_cast %get3A_962 : i32 to index
          %get3A_964 = arith.index_cast %mul3A_961 : i32 to index
          %get3A_965 = tpu.vector_load %arg5[%get3A_963, %get3A_964] {strides = array<i32>} : memref<16x1024xf32, #tpu.memory_space<vmem>>, vector<16xf32>,
          %add3A_966 = vector.broadcast %mul3A_919 : i32 to vector<16xi32>
          %add3A_967 = arith.addi %add3A_966, %add3A_36 : vector<16xi32>
          tpu.vector_store_idx %arg8[%add3A_967], %get3A_965 : memref<16384xf32, #tpu.memory_space<vmem>>[vector<16xi32>], vector<16xf32>,
          %mul3A_968 = arith.constant 16 : i32
          %mul3A_969 = arith.muli %scan3A_917, %mul3A_968 : i32
          %get3A_970 = arith.constant 6 : i32
          %get3A_971 = arith.index_cast %get3A_970 : i32 to index
          %get3A_972 = arith.index_cast %mul3A_969 : i32 to index
          %get3A_973 = tpu.vector_load %arg5[%get3A_971, %get3A_972] {strides = array<i32>} : memref<16x1024xf32, #tpu.memory_space<vmem>>, vector<16xf32>,
          %add3A_974 = vector.broadcast %mul3A_919 : i32 to vector<16xi32>
          %add3A_975 = arith.addi %add3A_974, %add3A_42 : vector<16xi32>
          tpu.vector_store_idx %arg8[%add3A_975], %get3A_973 : memref<16384xf32, #tpu.memory_space<vmem>>[vector<16xi32>], vector<16xf32>,
          %mul3A_976 = arith.constant 16 : i32
          %mul3A_977 = arith.muli %scan3A_917, %mul3A_976 : i32
          %get3A_978 = arith.constant 7 : i32
          %get3A_979 = arith.index_cast %get3A_978 : i32 to index
          %get3A_980 = arith.index_cast %mul3A_977 : i32 to index
          %get3A_981 = tpu.vector_load %arg5[%get3A_979, %get3A_980] {strides = array<i32>} : memref<16x1024xf32, #tpu.memory_space<vmem>>, vector<16xf32>,
          %add3A_982 = vector.broadcast %mul3A_919 : i32 to vector<16xi32>
          %add3A_983 = arith.addi %add3A_982, %add3A_48 : vector<16xi32>
          tpu.vector_store_idx %arg8[%add3A_983], %get3A_981 : memref<16384xf32, #tpu.memory_space<vmem>>[vector<16xi32>], vector<16xf32>,
          %mul3A_984 = arith.constant 16 : i32
          %mul3A_985 = arith.muli %scan3A_917, %mul3A_984 : i32
          %get3A_986 = arith.constant 8 : i32
          %get3A_987 = arith.index_cast %get3A_986 : i32 to index
          %get3A_988 = arith.index_cast %mul3A_985 : i32 to index
          %get3A_989 = tpu.vector_load %arg5[%get3A_987, %get3A_988] {strides = array<i32>} : memref<16x1024xf32, #tpu.memory_space<vmem>>, vector<16xf32>,
          %add3A_990 = vector.broadcast %mul3A_919 : i32 to vector<16xi32>
          %add3A_991 = arith.addi %add3A_990, %add3A_54 : vector<16xi32>
          tpu.vector_store_idx %arg8[%add3A_991], %get3A_989 : memref<16384xf32, #tpu.memory_space<vmem>>[vector<16xi32>], vector<16xf32>,
          %mul3A_992 = arith.constant 16 : i32
          %mul3A_993 = arith.muli %scan3A_917, %mul3A_992 : i32
          %get3A_994 = arith.constant 9 : i32
          %get3A_995 = arith.index_cast %get3A_994 : i32 to index
          %get3A_996 = arith.index_cast %mul3A_993 : i32 to index
          %get3A_997 = tpu.vector_load %arg5[%get3A_995, %get3A_996] {strides = array<i32>} : memref<16x1024xf32, #tpu.memory_space<vmem>>, vector<16xf32>,
          %add3A_998 = vector.broadcast %mul3A_919 : i32 to vector<16xi32>
          %add3A_999 = arith.addi %add3A_998, %add3A_60 : vector<16xi32>
          tpu.vector_store_idx %arg8[%add3A_999], %get3A_997 : memref<16384xf32, #tpu.memory_space<vmem>>[vector<16xi32>], vector<16xf32>,
          %mul3A_1000 = arith.constant 16 : i32
          %mul3A_1001 = arith.muli %scan3A_917, %mul3A_1000 : i32
          %get3A_1002 = arith.constant 10 : i32
          %get3A_1003 = arith.index_cast %get3A_1002 : i32 to index
          %get3A_1004 = arith.index_cast %mul3A_1001 : i32 to index
          %get3A_1005 = tpu.vector_load %arg5[%get3A_1003, %get3A_1004] {strides = array<i32>} : memref<16x1024xf32, #tpu.memory_space<vmem>>, vector<16xf32>,
          %add3A_1006 = vector.broadcast %mul3A_919 : i32 to vector<16xi32>
          %add3A_1007 = arith.addi %add3A_1006, %add3A_66 : vector<16xi32>
          tpu.vector_store_idx %arg8[%add3A_1007], %get3A_1005 : memref<16384xf32, #tpu.memory_space<vmem>>[vector<16xi32>], vector<16xf32>,
          %mul3A_1008 = arith.constant 16 : i32
          %mul3A_1009 = arith.muli %scan3A_917, %mul3A_1008 : i32
          %get3A_1010 = arith.constant 11 : i32
          %get3A_1011 = arith.index_cast %get3A_1010 : i32 to index
          %get3A_1012 = arith.index_cast %mul3A_1009 : i32 to index
          %get3A_1013 = tpu.vector_load %arg5[%get3A_1011, %get3A_1012] {strides = array<i32>} : memref<16x1024xf32, #tpu.memory_space<vmem>>, vector<16xf32>,
          %add3A_1014 = vector.broadcast %mul3A_919 : i32 to vector<16xi32>
          %add3A_1015 = arith.addi %add3A_1014, %add3A_72 : vector<16xi32>
          tpu.vector_store_idx %arg8[%add3A_1015], %get3A_1013 : memref<16384xf32, #tpu.memory_space<vmem>>[vector<16xi32>], vector<16xf32>,
          %mul3A_1016 = arith.constant 16 : i32
          %mul3A_1017 = arith.muli %scan3A_917, %mul3A_1016 : i32
          %get3A_1018 = arith.constant 12 : i32
          %get3A_1019 = arith.index_cast %get3A_1018 : i32 to index
          %get3A_1020 = arith.index_cast %mul3A_1017 : i32 to index
          %get3A_1021 = tpu.vector_load %arg5[%get3A_1019, %get3A_1020] {strides = array<i32>} : memref<16x1024xf32, #tpu.memory_space<vmem>>, vector<16xf32>,
          %add3A_1022 = vector.broadcast %mul3A_919 : i32 to vector<16xi32>
          %add3A_1023 = arith.addi %add3A_1022, %add3A_78 : vector<16xi32>
          tpu.vector_store_idx %arg8[%add3A_1023], %get3A_1021 : memref<16384xf32, #tpu.memory_space<vmem>>[vector<16xi32>], vector<16xf32>,
          %mul3A_1024 = arith.constant 16 : i32
          %mul3A_1025 = arith.muli %scan3A_917, %mul3A_1024 : i32
          %get3A_1026 = arith.constant 13 : i32
          %get3A_1027 = arith.index_cast %get3A_1026 : i32 to index
          %get3A_1028 = arith.index_cast %mul3A_1025 : i32 to index
          %get3A_1029 = tpu.vector_load %arg5[%get3A_1027, %get3A_1028] {strides = array<i32>} : memref<16x1024xf32, #tpu.memory_space<vmem>>, vector<16xf32>,
          %add3A_1030 = vector.broadcast %mul3A_919 : i32 to vector<16xi32>
          %add3A_1031 = arith.addi %add3A_1030, %add3A_84 : vector<16xi32>
          tpu.vector_store_idx %arg8[%add3A_1031], %get3A_1029 : memref<16384xf32, #tpu.memory_space<vmem>>[vector<16xi32>], vector<16xf32>,
          %mul3A_1032 = arith.constant 16 : i32
          %mul3A_1033 = arith.muli %scan3A_917, %mul3A_1032 : i32
          %get3A_1034 = arith.constant 14 : i32
          %get3A_1035 = arith.index_cast %get3A_1034 : i32 to index
          %get3A_1036 = arith.index_cast %mul3A_1033 : i32 to index
          %get3A_1037 = tpu.vector_load %arg5[%get3A_1035, %get3A_1036] {strides = array<i32>} : memref<16x1024xf32, #tpu.memory_space<vmem>>, vector<16xf32>,
          %add3A_1038 = vector.broadcast %mul3A_919 : i32 to vector<16xi32>
          %add3A_1039 = arith.addi %add3A_1038, %add3A_90 : vector<16xi32>
          tpu.vector_store_idx %arg8[%add3A_1039], %get3A_1037 : memref<16384xf32, #tpu.memory_space<vmem>>[vector<16xi32>], vector<16xf32>,
          %mul3A_1040 = arith.constant 16 : i32
          %mul3A_1041 = arith.muli %scan3A_917, %mul3A_1040 : i32
          %get3A_1042 = arith.constant 15 : i32
          %get3A_1043 = arith.index_cast %get3A_1042 : i32 to index
          %get3A_1044 = arith.index_cast %mul3A_1041 : i32 to index
          %get3A_1045 = tpu.vector_load %arg5[%get3A_1043, %get3A_1044] {strides = array<i32>} : memref<16x1024xf32, #tpu.memory_space<vmem>>, vector<16xf32>,
          %add3A_1046 = vector.broadcast %mul3A_919 : i32 to vector<16xi32>
          %add3A_1047 = arith.addi %add3A_1046, %add3A_96 : vector<16xi32>
          tpu.vector_store_idx %arg8[%add3A_1047], %get3A_1045 : memref<16384xf32, #tpu.memory_space<vmem>>[vector<16xi32>], vector<16xf32>,
          %scan3A_1048 = arith.constant 6 : i32
          %scan3A_1049 = arith.addi %scan3A_258, %scan3A_1048 : i32
          %mul3A_1050 = arith.constant 256 : i32
          %mul3A_1051 = arith.muli %scan3A_1049, %mul3A_1050 : i32
          %mul3A_1052 = arith.constant 16 : i32
          %mul3A_1053 = arith.muli %scan3A_1049, %mul3A_1052 : i32
          %get3A_1054 = arith.constant 0 : i32
          %get3A_1055 = arith.index_cast %get3A_1054 : i32 to index
          %get3A_1056 = arith.index_cast %mul3A_1053 : i32 to index
          %get3A_1057 = tpu.vector_load %arg5[%get3A_1055, %get3A_1056] {strides = array<i32>} : memref<16x1024xf32, #tpu.memory_space<vmem>>, vector<16xf32>,
          %add3A_1058 = vector.broadcast %mul3A_1051 : i32 to vector<16xi32>
          %add3A_1059 = arith.addi %add3A_1058, %add3A_6 : vector<16xi32>
          tpu.vector_store_idx %arg8[%add3A_1059], %get3A_1057 : memref<16384xf32, #tpu.memory_space<vmem>>[vector<16xi32>], vector<16xf32>,
          %mul3A_1060 = arith.constant 16 : i32
          %mul3A_1061 = arith.muli %scan3A_1049, %mul3A_1060 : i32
          %get3A_1062 = arith.constant 1 : i32
          %get3A_1063 = arith.index_cast %get3A_1062 : i32 to index
          %get3A_1064 = arith.index_cast %mul3A_1061 : i32 to index
          %get3A_1065 = tpu.vector_load %arg5[%get3A_1063, %get3A_1064] {strides = array<i32>} : memref<16x1024xf32, #tpu.memory_space<vmem>>, vector<16xf32>,
          %add3A_1066 = vector.broadcast %mul3A_1051 : i32 to vector<16xi32>
          %add3A_1067 = arith.addi %add3A_1066, %add3A_12 : vector<16xi32>
          tpu.vector_store_idx %arg8[%add3A_1067], %get3A_1065 : memref<16384xf32, #tpu.memory_space<vmem>>[vector<16xi32>], vector<16xf32>,
          %mul3A_1068 = arith.constant 16 : i32
          %mul3A_1069 = arith.muli %scan3A_1049, %mul3A_1068 : i32
          %get3A_1070 = arith.constant 2 : i32
          %get3A_1071 = arith.index_cast %get3A_1070 : i32 to index
          %get3A_1072 = arith.index_cast %mul3A_1069 : i32 to index
          %get3A_1073 = tpu.vector_load %arg5[%get3A_1071, %get3A_1072] {strides = array<i32>} : memref<16x1024xf32, #tpu.memory_space<vmem>>, vector<16xf32>,
          %add3A_1074 = vector.broadcast %mul3A_1051 : i32 to vector<16xi32>
          %add3A_1075 = arith.addi %add3A_1074, %add3A_18 : vector<16xi32>
          tpu.vector_store_idx %arg8[%add3A_1075], %get3A_1073 : memref<16384xf32, #tpu.memory_space<vmem>>[vector<16xi32>], vector<16xf32>,
          %mul3A_1076 = arith.constant 16 : i32
          %mul3A_1077 = arith.muli %scan3A_1049, %mul3A_1076 : i32
          %get3A_1078 = arith.constant 3 : i32
          %get3A_1079 = arith.index_cast %get3A_1078 : i32 to index
          %get3A_1080 = arith.index_cast %mul3A_1077 : i32 to index
          %get3A_1081 = tpu.vector_load %arg5[%get3A_1079, %get3A_1080] {strides = array<i32>} : memref<16x1024xf32, #tpu.memory_space<vmem>>, vector<16xf32>,
          %add3A_1082 = vector.broadcast %mul3A_1051 : i32 to vector<16xi32>
          %add3A_1083 = arith.addi %add3A_1082, %add3A_24 : vector<16xi32>
          tpu.vector_store_idx %arg8[%add3A_1083], %get3A_1081 : memref<16384xf32, #tpu.memory_space<vmem>>[vector<16xi32>], vector<16xf32>,
          %mul3A_1084 = arith.constant 16 : i32
          %mul3A_1085 = arith.muli %scan3A_1049, %mul3A_1084 : i32
          %get3A_1086 = arith.constant 4 : i32
          %get3A_1087 = arith.index_cast %get3A_1086 : i32 to index
          %get3A_1088 = arith.index_cast %mul3A_1085 : i32 to index
          %get3A_1089 = tpu.vector_load %arg5[%get3A_1087, %get3A_1088] {strides = array<i32>} : memref<16x1024xf32, #tpu.memory_space<vmem>>, vector<16xf32>,
          %add3A_1090 = vector.broadcast %mul3A_1051 : i32 to vector<16xi32>
          %add3A_1091 = arith.addi %add3A_1090, %add3A_30 : vector<16xi32>
          tpu.vector_store_idx %arg8[%add3A_1091], %get3A_1089 : memref<16384xf32, #tpu.memory_space<vmem>>[vector<16xi32>], vector<16xf32>,
          %mul3A_1092 = arith.constant 16 : i32
          %mul3A_1093 = arith.muli %scan3A_1049, %mul3A_1092 : i32
          %get3A_1094 = arith.constant 5 : i32
          %get3A_1095 = arith.index_cast %get3A_1094 : i32 to index
          %get3A_1096 = arith.index_cast %mul3A_1093 : i32 to index
          %get3A_1097 = tpu.vector_load %arg5[%get3A_1095, %get3A_1096] {strides = array<i32>} : memref<16x1024xf32, #tpu.memory_space<vmem>>, vector<16xf32>,
          %add3A_1098 = vector.broadcast %mul3A_1051 : i32 to vector<16xi32>
          %add3A_1099 = arith.addi %add3A_1098, %add3A_36 : vector<16xi32>
          tpu.vector_store_idx %arg8[%add3A_1099], %get3A_1097 : memref<16384xf32, #tpu.memory_space<vmem>>[vector<16xi32>], vector<16xf32>,
          %mul3A_1100 = arith.constant 16 : i32
          %mul3A_1101 = arith.muli %scan3A_1049, %mul3A_1100 : i32
          %get3A_1102 = arith.constant 6 : i32
          %get3A_1103 = arith.index_cast %get3A_1102 : i32 to index
          %get3A_1104 = arith.index_cast %mul3A_1101 : i32 to index
          %get3A_1105 = tpu.vector_load %arg5[%get3A_1103, %get3A_1104] {strides = array<i32>} : memref<16x1024xf32, #tpu.memory_space<vmem>>, vector<16xf32>,
          %add3A_1106 = vector.broadcast %mul3A_1051 : i32 to vector<16xi32>
          %add3A_1107 = arith.addi %add3A_1106, %add3A_42 : vector<16xi32>
          tpu.vector_store_idx %arg8[%add3A_1107], %get3A_1105 : memref<16384xf32, #tpu.memory_space<vmem>>[vector<16xi32>], vector<16xf32>,
          %mul3A_1108 = arith.constant 16 : i32
          %mul3A_1109 = arith.muli %scan3A_1049, %mul3A_1108 : i32
          %get3A_1110 = arith.constant 7 : i32
          %get3A_1111 = arith.index_cast %get3A_1110 : i32 to index
          %get3A_1112 = arith.index_cast %mul3A_1109 : i32 to index
          %get3A_1113 = tpu.vector_load %arg5[%get3A_1111, %get3A_1112] {strides = array<i32>} : memref<16x1024xf32, #tpu.memory_space<vmem>>, vector<16xf32>,
          %add3A_1114 = vector.broadcast %mul3A_1051 : i32 to vector<16xi32>
          %add3A_1115 = arith.addi %add3A_1114, %add3A_48 : vector<16xi32>
          tpu.vector_store_idx %arg8[%add3A_1115], %get3A_1113 : memref<16384xf32, #tpu.memory_space<vmem>>[vector<16xi32>], vector<16xf32>,
          %mul3A_1116 = arith.constant 16 : i32
          %mul3A_1117 = arith.muli %scan3A_1049, %mul3A_1116 : i32
          %get3A_1118 = arith.constant 8 : i32
          %get3A_1119 = arith.index_cast %get3A_1118 : i32 to index
          %get3A_1120 = arith.index_cast %mul3A_1117 : i32 to index
          %get3A_1121 = tpu.vector_load %arg5[%get3A_1119, %get3A_1120] {strides = array<i32>} : memref<16x1024xf32, #tpu.memory_space<vmem>>, vector<16xf32>,
          %add3A_1122 = vector.broadcast %mul3A_1051 : i32 to vector<16xi32>
          %add3A_1123 = arith.addi %add3A_1122, %add3A_54 : vector<16xi32>
          tpu.vector_store_idx %arg8[%add3A_1123], %get3A_1121 : memref<16384xf32, #tpu.memory_space<vmem>>[vector<16xi32>], vector<16xf32>,
          %mul3A_1124 = arith.constant 16 : i32
          %mul3A_1125 = arith.muli %scan3A_1049, %mul3A_1124 : i32
          %get3A_1126 = arith.constant 9 : i32
          %get3A_1127 = arith.index_cast %get3A_1126 : i32 to index
          %get3A_1128 = arith.index_cast %mul3A_1125 : i32 to index
          %get3A_1129 = tpu.vector_load %arg5[%get3A_1127, %get3A_1128] {strides = array<i32>} : memref<16x1024xf32, #tpu.memory_space<vmem>>, vector<16xf32>,
          %add3A_1130 = vector.broadcast %mul3A_1051 : i32 to vector<16xi32>
          %add3A_1131 = arith.addi %add3A_1130, %add3A_60 : vector<16xi32>
          tpu.vector_store_idx %arg8[%add3A_1131], %get3A_1129 : memref<16384xf32, #tpu.memory_space<vmem>>[vector<16xi32>], vector<16xf32>,
          %mul3A_1132 = arith.constant 16 : i32
          %mul3A_1133 = arith.muli %scan3A_1049, %mul3A_1132 : i32
          %get3A_1134 = arith.constant 10 : i32
          %get3A_1135 = arith.index_cast %get3A_1134 : i32 to index
          %get3A_1136 = arith.index_cast %mul3A_1133 : i32 to index
          %get3A_1137 = tpu.vector_load %arg5[%get3A_1135, %get3A_1136] {strides = array<i32>} : memref<16x1024xf32, #tpu.memory_space<vmem>>, vector<16xf32>,
          %add3A_1138 = vector.broadcast %mul3A_1051 : i32 to vector<16xi32>
          %add3A_1139 = arith.addi %add3A_1138, %add3A_66 : vector<16xi32>
          tpu.vector_store_idx %arg8[%add3A_1139], %get3A_1137 : memref<16384xf32, #tpu.memory_space<vmem>>[vector<16xi32>], vector<16xf32>,
          %mul3A_1140 = arith.constant 16 : i32
          %mul3A_1141 = arith.muli %scan3A_1049, %mul3A_1140 : i32
          %get3A_1142 = arith.constant 11 : i32
          %get3A_1143 = arith.index_cast %get3A_1142 : i32 to index
          %get3A_1144 = arith.index_cast %mul3A_1141 : i32 to index
          %get3A_1145 = tpu.vector_load %arg5[%get3A_1143, %get3A_1144] {strides = array<i32>} : memref<16x1024xf32, #tpu.memory_space<vmem>>, vector<16xf32>,
          %add3A_1146 = vector.broadcast %mul3A_1051 : i32 to vector<16xi32>
          %add3A_1147 = arith.addi %add3A_1146, %add3A_72 : vector<16xi32>
          tpu.vector_store_idx %arg8[%add3A_1147], %get3A_1145 : memref<16384xf32, #tpu.memory_space<vmem>>[vector<16xi32>], vector<16xf32>,
          %mul3A_1148 = arith.constant 16 : i32
          %mul3A_1149 = arith.muli %scan3A_1049, %mul3A_1148 : i32
          %get3A_1150 = arith.constant 12 : i32
          %get3A_1151 = arith.index_cast %get3A_1150 : i32 to index
          %get3A_1152 = arith.index_cast %mul3A_1149 : i32 to index
          %get3A_1153 = tpu.vector_load %arg5[%get3A_1151, %get3A_1152] {strides = array<i32>} : memref<16x1024xf32, #tpu.memory_space<vmem>>, vector<16xf32>,
          %add3A_1154 = vector.broadcast %mul3A_1051 : i32 to vector<16xi32>
          %add3A_1155 = arith.addi %add3A_1154, %add3A_78 : vector<16xi32>
          tpu.vector_store_idx %arg8[%add3A_1155], %get3A_1153 : memref<16384xf32, #tpu.memory_space<vmem>>[vector<16xi32>], vector<16xf32>,
          %mul3A_1156 = arith.constant 16 : i32
          %mul3A_1157 = arith.muli %scan3A_1049, %mul3A_1156 : i32
          %get3A_1158 = arith.constant 13 : i32
          %get3A_1159 = arith.index_cast %get3A_1158 : i32 to index
          %get3A_1160 = arith.index_cast %mul3A_1157 : i32 to index
          %get3A_1161 = tpu.vector_load %arg5[%get3A_1159, %get3A_1160] {strides = array<i32>} : memref<16x1024xf32, #tpu.memory_space<vmem>>, vector<16xf32>,
          %add3A_1162 = vector.broadcast %mul3A_1051 : i32 to vector<16xi32>
          %add3A_1163 = arith.addi %add3A_1162, %add3A_84 : vector<16xi32>
          tpu.vector_store_idx %arg8[%add3A_1163], %get3A_1161 : memref<16384xf32, #tpu.memory_space<vmem>>[vector<16xi32>], vector<16xf32>,
          %mul3A_1164 = arith.constant 16 : i32
          %mul3A_1165 = arith.muli %scan3A_1049, %mul3A_1164 : i32
          %get3A_1166 = arith.constant 14 : i32
          %get3A_1167 = arith.index_cast %get3A_1166 : i32 to index
          %get3A_1168 = arith.index_cast %mul3A_1165 : i32 to index
          %get3A_1169 = tpu.vector_load %arg5[%get3A_1167, %get3A_1168] {strides = array<i32>} : memref<16x1024xf32, #tpu.memory_space<vmem>>, vector<16xf32>,
          %add3A_1170 = vector.broadcast %mul3A_1051 : i32 to vector<16xi32>
          %add3A_1171 = arith.addi %add3A_1170, %add3A_90 : vector<16xi32>
          tpu.vector_store_idx %arg8[%add3A_1171], %get3A_1169 : memref<16384xf32, #tpu.memory_space<vmem>>[vector<16xi32>], vector<16xf32>,
          %mul3A_1172 = arith.constant 16 : i32
          %mul3A_1173 = arith.muli %scan3A_1049, %mul3A_1172 : i32
          %get3A_1174 = arith.constant 15 : i32
          %get3A_1175 = arith.index_cast %get3A_1174 : i32 to index
          %get3A_1176 = arith.index_cast %mul3A_1173 : i32 to index
          %get3A_1177 = tpu.vector_load %arg5[%get3A_1175, %get3A_1176] {strides = array<i32>} : memref<16x1024xf32, #tpu.memory_space<vmem>>, vector<16xf32>,
          %add3A_1178 = vector.broadcast %mul3A_1051 : i32 to vector<16xi32>
          %add3A_1179 = arith.addi %add3A_1178, %add3A_96 : vector<16xi32>
          tpu.vector_store_idx %arg8[%add3A_1179], %get3A_1177 : memref<16384xf32, #tpu.memory_space<vmem>>[vector<16xi32>], vector<16xf32>,
          %scan3A_1180 = arith.constant 7 : i32
          %scan3A_1181 = arith.addi %scan3A_258, %scan3A_1180 : i32
          %mul3A_1182 = arith.constant 256 : i32
          %mul3A_1183 = arith.muli %scan3A_1181, %mul3A_1182 : i32
          %mul3A_1184 = arith.constant 16 : i32
          %mul3A_1185 = arith.muli %scan3A_1181, %mul3A_1184 : i32
          %get3A_1186 = arith.constant 0 : i32
          %get3A_1187 = arith.index_cast %get3A_1186 : i32 to index
          %get3A_1188 = arith.index_cast %mul3A_1185 : i32 to index
          %get3A_1189 = tpu.vector_load %arg5[%get3A_1187, %get3A_1188] {strides = array<i32>} : memref<16x1024xf32, #tpu.memory_space<vmem>>, vector<16xf32>,
          %add3A_1190 = vector.broadcast %mul3A_1183 : i32 to vector<16xi32>
          %add3A_1191 = arith.addi %add3A_1190, %add3A_6 : vector<16xi32>
          tpu.vector_store_idx %arg8[%add3A_1191], %get3A_1189 : memref<16384xf32, #tpu.memory_space<vmem>>[vector<16xi32>], vector<16xf32>,
          %mul3A_1192 = arith.constant 16 : i32
          %mul3A_1193 = arith.muli %scan3A_1181, %mul3A_1192 : i32
          %get3A_1194 = arith.constant 1 : i32
          %get3A_1195 = arith.index_cast %get3A_1194 : i32 to index
          %get3A_1196 = arith.index_cast %mul3A_1193 : i32 to index
          %get3A_1197 = tpu.vector_load %arg5[%get3A_1195, %get3A_1196] {strides = array<i32>} : memref<16x1024xf32, #tpu.memory_space<vmem>>, vector<16xf32>,
          %add3A_1198 = vector.broadcast %mul3A_1183 : i32 to vector<16xi32>
          %add3A_1199 = arith.addi %add3A_1198, %add3A_12 : vector<16xi32>
          tpu.vector_store_idx %arg8[%add3A_1199], %get3A_1197 : memref<16384xf32, #tpu.memory_space<vmem>>[vector<16xi32>], vector<16xf32>,
          %mul3A_1200 = arith.constant 16 : i32
          %mul3A_1201 = arith.muli %scan3A_1181, %mul3A_1200 : i32
          %get3A_1202 = arith.constant 2 : i32
          %get3A_1203 = arith.index_cast %get3A_1202 : i32 to index
          %get3A_1204 = arith.index_cast %mul3A_1201 : i32 to index
          %get3A_1205 = tpu.vector_load %arg5[%get3A_1203, %get3A_1204] {strides = array<i32>} : memref<16x1024xf32, #tpu.memory_space<vmem>>, vector<16xf32>,
          %add3A_1206 = vector.broadcast %mul3A_1183 : i32 to vector<16xi32>
          %add3A_1207 = arith.addi %add3A_1206, %add3A_18 : vector<16xi32>
          tpu.vector_store_idx %arg8[%add3A_1207], %get3A_1205 : memref<16384xf32, #tpu.memory_space<vmem>>[vector<16xi32>], vector<16xf32>,
          %mul3A_1208 = arith.constant 16 : i32
          %mul3A_1209 = arith.muli %scan3A_1181, %mul3A_1208 : i32
          %get3A_1210 = arith.constant 3 : i32
          %get3A_1211 = arith.index_cast %get3A_1210 : i32 to index
          %get3A_1212 = arith.index_cast %mul3A_1209 : i32 to index
          %get3A_1213 = tpu.vector_load %arg5[%get3A_1211, %get3A_1212] {strides = array<i32>} : memref<16x1024xf32, #tpu.memory_space<vmem>>, vector<16xf32>,
          %add3A_1214 = vector.broadcast %mul3A_1183 : i32 to vector<16xi32>
          %add3A_1215 = arith.addi %add3A_1214, %add3A_24 : vector<16xi32>
          tpu.vector_store_idx %arg8[%add3A_1215], %get3A_1213 : memref<16384xf32, #tpu.memory_space<vmem>>[vector<16xi32>], vector<16xf32>,
          %mul3A_1216 = arith.constant 16 : i32
          %mul3A_1217 = arith.muli %scan3A_1181, %mul3A_1216 : i32
          %get3A_1218 = arith.constant 4 : i32
          %get3A_1219 = arith.index_cast %get3A_1218 : i32 to index
          %get3A_1220 = arith.index_cast %mul3A_1217 : i32 to index
          %get3A_1221 = tpu.vector_load %arg5[%get3A_1219, %get3A_1220] {strides = array<i32>} : memref<16x1024xf32, #tpu.memory_space<vmem>>, vector<16xf32>,
          %add3A_1222 = vector.broadcast %mul3A_1183 : i32 to vector<16xi32>
          %add3A_1223 = arith.addi %add3A_1222, %add3A_30 : vector<16xi32>
          tpu.vector_store_idx %arg8[%add3A_1223], %get3A_1221 : memref<16384xf32, #tpu.memory_space<vmem>>[vector<16xi32>], vector<16xf32>,
          %mul3A_1224 = arith.constant 16 : i32
          %mul3A_1225 = arith.muli %scan3A_1181, %mul3A_1224 : i32
          %get3A_1226 = arith.constant 5 : i32
          %get3A_1227 = arith.index_cast %get3A_1226 : i32 to index
          %get3A_1228 = arith.index_cast %mul3A_1225 : i32 to index
          %get3A_1229 = tpu.vector_load %arg5[%get3A_1227, %get3A_1228] {strides = array<i32>} : memref<16x1024xf32, #tpu.memory_space<vmem>>, vector<16xf32>,
          %add3A_1230 = vector.broadcast %mul3A_1183 : i32 to vector<16xi32>
          %add3A_1231 = arith.addi %add3A_1230, %add3A_36 : vector<16xi32>
          tpu.vector_store_idx %arg8[%add3A_1231], %get3A_1229 : memref<16384xf32, #tpu.memory_space<vmem>>[vector<16xi32>], vector<16xf32>,
          %mul3A_1232 = arith.constant 16 : i32
          %mul3A_1233 = arith.muli %scan3A_1181, %mul3A_1232 : i32
          %get3A_1234 = arith.constant 6 : i32
          %get3A_1235 = arith.index_cast %get3A_1234 : i32 to index
          %get3A_1236 = arith.index_cast %mul3A_1233 : i32 to index
          %get3A_1237 = tpu.vector_load %arg5[%get3A_1235, %get3A_1236] {strides = array<i32>} : memref<16x1024xf32, #tpu.memory_space<vmem>>, vector<16xf32>,
          %add3A_1238 = vector.broadcast %mul3A_1183 : i32 to vector<16xi32>
          %add3A_1239 = arith.addi %add3A_1238, %add3A_42 : vector<16xi32>
          tpu.vector_store_idx %arg8[%add3A_1239], %get3A_1237 : memref<16384xf32, #tpu.memory_space<vmem>>[vector<16xi32>], vector<16xf32>,
          %mul3A_1240 = arith.constant 16 : i32
          %mul3A_1241 = arith.muli %scan3A_1181, %mul3A_1240 : i32
          %get3A_1242 = arith.constant 7 : i32
          %get3A_1243 = arith.index_cast %get3A_1242 : i32 to index
          %get3A_1244 = arith.index_cast %mul3A_1241 : i32 to index
          %get3A_1245 = tpu.vector_load %arg5[%get3A_1243, %get3A_1244] {strides = array<i32>} : memref<16x1024xf32, #tpu.memory_space<vmem>>, vector<16xf32>,
          %add3A_1246 = vector.broadcast %mul3A_1183 : i32 to vector<16xi32>
          %add3A_1247 = arith.addi %add3A_1246, %add3A_48 : vector<16xi32>
          tpu.vector_store_idx %arg8[%add3A_1247], %get3A_1245 : memref<16384xf32, #tpu.memory_space<vmem>>[vector<16xi32>], vector<16xf32>,
          %mul3A_1248 = arith.constant 16 : i32
          %mul3A_1249 = arith.muli %scan3A_1181, %mul3A_1248 : i32
          %get3A_1250 = arith.constant 8 : i32
          %get3A_1251 = arith.index_cast %get3A_1250 : i32 to index
          %get3A_1252 = arith.index_cast %mul3A_1249 : i32 to index
          %get3A_1253 = tpu.vector_load %arg5[%get3A_1251, %get3A_1252] {strides = array<i32>} : memref<16x1024xf32, #tpu.memory_space<vmem>>, vector<16xf32>,
          %add3A_1254 = vector.broadcast %mul3A_1183 : i32 to vector<16xi32>
          %add3A_1255 = arith.addi %add3A_1254, %add3A_54 : vector<16xi32>
          tpu.vector_store_idx %arg8[%add3A_1255], %get3A_1253 : memref<16384xf32, #tpu.memory_space<vmem>>[vector<16xi32>], vector<16xf32>,
          %mul3A_1256 = arith.constant 16 : i32
          %mul3A_1257 = arith.muli %scan3A_1181, %mul3A_1256 : i32
          %get3A_1258 = arith.constant 9 : i32
          %get3A_1259 = arith.index_cast %get3A_1258 : i32 to index
          %get3A_1260 = arith.index_cast %mul3A_1257 : i32 to index
          %get3A_1261 = tpu.vector_load %arg5[%get3A_1259, %get3A_1260] {strides = array<i32>} : memref<16x1024xf32, #tpu.memory_space<vmem>>, vector<16xf32>,
          %add3A_1262 = vector.broadcast %mul3A_1183 : i32 to vector<16xi32>
          %add3A_1263 = arith.addi %add3A_1262, %add3A_60 : vector<16xi32>
          tpu.vector_store_idx %arg8[%add3A_1263], %get3A_1261 : memref<16384xf32, #tpu.memory_space<vmem>>[vector<16xi32>], vector<16xf32>,
          %mul3A_1264 = arith.constant 16 : i32
          %mul3A_1265 = arith.muli %scan3A_1181, %mul3A_1264 : i32
          %get3A_1266 = arith.constant 10 : i32
          %get3A_1267 = arith.index_cast %get3A_1266 : i32 to index
          %get3A_1268 = arith.index_cast %mul3A_1265 : i32 to index
          %get3A_1269 = tpu.vector_load %arg5[%get3A_1267, %get3A_1268] {strides = array<i32>} : memref<16x1024xf32, #tpu.memory_space<vmem>>, vector<16xf32>,
          %add3A_1270 = vector.broadcast %mul3A_1183 : i32 to vector<16xi32>
          %add3A_1271 = arith.addi %add3A_1270, %add3A_66 : vector<16xi32>
          tpu.vector_store_idx %arg8[%add3A_1271], %get3A_1269 : memref<16384xf32, #tpu.memory_space<vmem>>[vector<16xi32>], vector<16xf32>,
          %mul3A_1272 = arith.constant 16 : i32
          %mul3A_1273 = arith.muli %scan3A_1181, %mul3A_1272 : i32
          %get3A_1274 = arith.constant 11 : i32
          %get3A_1275 = arith.index_cast %get3A_1274 : i32 to index
          %get3A_1276 = arith.index_cast %mul3A_1273 : i32 to index
          %get3A_1277 = tpu.vector_load %arg5[%get3A_1275, %get3A_1276] {strides = array<i32>} : memref<16x1024xf32, #tpu.memory_space<vmem>>, vector<16xf32>,
          %add3A_1278 = vector.broadcast %mul3A_1183 : i32 to vector<16xi32>
          %add3A_1279 = arith.addi %add3A_1278, %add3A_72 : vector<16xi32>
          tpu.vector_store_idx %arg8[%add3A_1279], %get3A_1277 : memref<16384xf32, #tpu.memory_space<vmem>>[vector<16xi32>], vector<16xf32>,
          %mul3A_1280 = arith.constant 16 : i32
          %mul3A_1281 = arith.muli %scan3A_1181, %mul3A_1280 : i32
          %get3A_1282 = arith.constant 12 : i32
          %get3A_1283 = arith.index_cast %get3A_1282 : i32 to index
          %get3A_1284 = arith.index_cast %mul3A_1281 : i32 to index
          %get3A_1285 = tpu.vector_load %arg5[%get3A_1283, %get3A_1284] {strides = array<i32>} : memref<16x1024xf32, #tpu.memory_space<vmem>>, vector<16xf32>,
          %add3A_1286 = vector.broadcast %mul3A_1183 : i32 to vector<16xi32>
          %add3A_1287 = arith.addi %add3A_1286, %add3A_78 : vector<16xi32>
          tpu.vector_store_idx %arg8[%add3A_1287], %get3A_1285 : memref<16384xf32, #tpu.memory_space<vmem>>[vector<16xi32>], vector<16xf32>,
          %mul3A_1288 = arith.constant 16 : i32
          %mul3A_1289 = arith.muli %scan3A_1181, %mul3A_1288 : i32
          %get3A_1290 = arith.constant 13 : i32
          %get3A_1291 = arith.index_cast %get3A_1290 : i32 to index
          %get3A_1292 = arith.index_cast %mul3A_1289 : i32 to index
          %get3A_1293 = tpu.vector_load %arg5[%get3A_1291, %get3A_1292] {strides = array<i32>} : memref<16x1024xf32, #tpu.memory_space<vmem>>, vector<16xf32>,
          %add3A_1294 = vector.broadcast %mul3A_1183 : i32 to vector<16xi32>
          %add3A_1295 = arith.addi %add3A_1294, %add3A_84 : vector<16xi32>
          tpu.vector_store_idx %arg8[%add3A_1295], %get3A_1293 : memref<16384xf32, #tpu.memory_space<vmem>>[vector<16xi32>], vector<16xf32>,
          %mul3A_1296 = arith.constant 16 : i32
          %mul3A_1297 = arith.muli %scan3A_1181, %mul3A_1296 : i32
          %get3A_1298 = arith.constant 14 : i32
          %get3A_1299 = arith.index_cast %get3A_1298 : i32 to index
          %get3A_1300 = arith.index_cast %mul3A_1297 : i32 to index
          %get3A_1301 = tpu.vector_load %arg5[%get3A_1299, %get3A_1300] {strides = array<i32>} : memref<16x1024xf32, #tpu.memory_space<vmem>>, vector<16xf32>,
          %add3A_1302 = vector.broadcast %mul3A_1183 : i32 to vector<16xi32>
          %add3A_1303 = arith.addi %add3A_1302, %add3A_90 : vector<16xi32>
          tpu.vector_store_idx %arg8[%add3A_1303], %get3A_1301 : memref<16384xf32, #tpu.memory_space<vmem>>[vector<16xi32>], vector<16xf32>,
          %mul3A_1304 = arith.constant 16 : i32
          %mul3A_1305 = arith.muli %scan3A_1181, %mul3A_1304 : i32
          %get3A_1306 = arith.constant 15 : i32
          %get3A_1307 = arith.index_cast %get3A_1306 : i32 to index
          %get3A_1308 = arith.index_cast %mul3A_1305 : i32 to index
          %get3A_1309 = tpu.vector_load %arg5[%get3A_1307, %get3A_1308] {strides = array<i32>} : memref<16x1024xf32, #tpu.memory_space<vmem>>, vector<16xf32>,
          %add3A_1310 = vector.broadcast %mul3A_1183 : i32 to vector<16xi32>
          %add3A_1311 = arith.addi %add3A_1310, %add3A_96 : vector<16xi32>
          tpu.vector_store_idx %arg8[%add3A_1311], %get3A_1309 : memref<16384xf32, #tpu.memory_space<vmem>>[vector<16xi32>], vector<16xf32>,
        }
        %scan3A_245 = arith.constant 64 : i32
        %mul3A_246 = arith.constant 3 : i32
        %mul3A_247 = arith.muli %scan3A_145, %mul3A_246 : i32
        %add3A_248 = arith.constant 0 : i32
        %add3A_249 = arith.addi %mul3A_247, %add3A_248 : i32
        %mul3A_250 = arith.constant 32 : i32
        %mul3A_251 = arith.muli %mul3A_250, %add3A_249 : i32
        %add3A_252 = arith.addi %add3A, %mul3A_251 : i32
        %mul3A_253 = arith.constant 1024 : i32
        %mul3A_254 = arith.muli %add3A_252, %mul3A_253 : i32
        %mul3A_255 = arith.constant 16 : i32
        %mul3A_256 = arith.muli %mul3A_254, %mul3A_255 : i32
        %dma_start3A = tpu.memref_slice %arg4[%mul3A_256] : memref<41600000xf32, #tpu.memory_space<hbm>> -> memref<16384xf32, #tpu.memory_space<hbm>>
        %dma_start3A_257 = tpu.memref_slice %arg4[%mul3A_256] : memref<41600000xf32, #tpu.memory_space<hbm>> -> memref<16384xf32, #tpu.memory_space<hbm>>
        tpu.enqueue_dma source(%arg8 : memref<16384xf32, #tpu.memory_space<vmem>>) target(%dma_start3A_257 : memref<16384xf32, #tpu.memory_space<hbm>>) target_semaphore(%arg14 : memref<!tpu.dma_semaphore, #tpu.memory_space<semaphore_mem>>)
      } else {
      }
      %add3A_158 = arith.constant 1 : i32
      %add3A_159 = arith.addi %scan3A_145, %add3A_158 : i32
      %mul3A_160 = arith.constant 3 : i32
      %mul3A_161 = arith.muli %add3A_159, %mul3A_160 : i32
      %add3A_162 = arith.constant 0 : i32
      %add3A_163 = arith.addi %mul3A_161, %add3A_162 : i32
      %mul3A_164 = arith.constant 32 : i32
      %mul3A_165 = arith.muli %mul3A_164, %add3A_163 : i32
      %add3A_166 = arith.addi %add3A, %mul3A_165 : i32
      %lt3A_167 = arith.constant 2539 : i32
      %lt3A_168 = arith.cmpi slt, %add3A_166, %lt3A_167 : i32
      %convert_element_type3A_169 = arith.extui %lt3A_168 : i1 to i32
      %cond3A_170 = arith.constant 0 : i32
      %cond3A_171 = arith.cmpi ne, %convert_element_type3A_169, %cond3A_170 : i32
      scf.if %cond3A_171 {
        %mul3A_224 = arith.constant 1024 : i32
        %mul3A_225 = arith.muli %add3A_166, %mul3A_224 : i32
        %dma_start3A = arith.constant 0 : i32
        %dma_start3A_226 = tpu.memref_slice %arg2[%dma_start3A, %mul3A_225] : memref<16x2600000xf32, #tpu.memory_space<hbm>> -> memref<16x1024xf32, #tpu.memory_space<hbm>>
        %dma_start3A_227 = arith.constant 0 : i32
        %dma_start3A_228 = tpu.memref_slice %arg2[%dma_start3A_227, %mul3A_225] : memref<16x2600000xf32, #tpu.memory_space<hbm>> -> memref<16x1024xf32, #tpu.memory_space<hbm>>
        tpu.enqueue_dma source(%dma_start3A_228 : memref<16x1024xf32, #tpu.memory_space<hbm>>) target(%arg5 : memref<16x1024xf32, #tpu.memory_space<vmem>>) target_semaphore(%arg11 : memref<!tpu.dma_semaphore, #tpu.memory_space<semaphore_mem>>)
      } else {
      }
      %mul3A_172 = arith.constant 3 : i32
      %mul3A_173 = arith.muli %scan3A_145, %mul3A_172 : i32
      %add3A_174 = arith.constant 1 : i32
      %add3A_175 = arith.addi %mul3A_173, %add3A_174 : i32
      %mul3A_176 = arith.constant 32 : i32
      %mul3A_177 = arith.muli %mul3A_176, %add3A_175 : i32
      %add3A_178 = arith.addi %add3A, %mul3A_177 : i32
      %lt3A_179 = arith.constant 2539 : i32
      %lt3A_180 = arith.cmpi slt, %add3A_178, %lt3A_179 : i32
      %convert_element_type3A_181 = arith.extui %lt3A_180 : i1 to i32
      %cond3A_182 = arith.constant 0 : i32
      %cond3A_183 = arith.cmpi ne, %convert_element_type3A_181, %cond3A_182 : i32
      scf.if %cond3A_183 {
        %mul3A_224 = arith.constant 3 : i32
        %mul3A_225 = arith.muli %scan3A_145, %mul3A_224 : i32
        %add3A_226 = arith.constant 1 : i32
        %add3A_227 = arith.addi %mul3A_225, %add3A_226 : i32
        %mul3A_228 = arith.constant 32 : i32
        %mul3A_229 = arith.muli %mul3A_228, %add3A_227 : i32
        %add3A_230 = arith.addi %add3A, %mul3A_229 : i32
        %mul3A_231 = arith.constant 1024 : i32
        %mul3A_232 = arith.muli %add3A_230, %mul3A_231 : i32
        %dma_wait3A = arith.constant 0 : i32
        %dma_wait3A_233 = tpu.memref_slice %arg2[%dma_wait3A, %mul3A_232] : memref<16x2600000xf32, #tpu.memory_space<hbm>> -> memref<16x1024xf32, #tpu.memory_space<hbm>>
        %dma_wait3A_234 = arith.constant 0 : i32
        %dma_wait3A_235 = tpu.memref_slice %arg2[%dma_wait3A_234, %mul3A_232] : memref<16x2600000xf32, #tpu.memory_space<hbm>> -> memref<16x1024xf32, #tpu.memory_space<hbm>>
        tpu.wait_dma2 semaphore(%arg12 : memref<!tpu.dma_semaphore, #tpu.memory_space<semaphore_mem>>) src(%dma_wait3A_235 : memref<16x1024xf32, #tpu.memory_space<hbm>>) dst(%arg6 : memref<16x1024xf32, #tpu.memory_space<vmem>>)
        %gt3A = arith.constant 0 : i32
        %gt3A_236 = arith.cmpi sgt, %scan3A_145, %gt3A : i32
        %convert_element_type3A_237 = arith.extui %gt3A_236 : i1 to i32
        %cond3A_238 = arith.constant 0 : i32
        %cond3A_239 = arith.cmpi ne, %convert_element_type3A_237, %cond3A_238 : i32
        scf.if %cond3A_239 {
          %sub3A = arith.constant 1 : i32
          %sub3A_258 = arith.subi %scan3A_145, %sub3A : i32
          %mul3A_259 = arith.constant 3 : i32
          %mul3A_260 = arith.muli %sub3A_258, %mul3A_259 : i32
          %add3A_261 = arith.constant 1 : i32
          %add3A_262 = arith.addi %mul3A_260, %add3A_261 : i32
          %mul3A_263 = arith.constant 32 : i32
          %mul3A_264 = arith.muli %mul3A_263, %add3A_262 : i32
          %add3A_265 = arith.addi %add3A, %mul3A_264 : i32
          %mul3A_266 = arith.constant 1024 : i32
          %mul3A_267 = arith.muli %add3A_265, %mul3A_266 : i32
          %mul3A_268 = arith.constant 16 : i32
          %mul3A_269 = arith.muli %mul3A_267, %mul3A_268 : i32
          %dma_wait3A_270 = tpu.memref_slice %arg4[%mul3A_269] : memref<41600000xf32, #tpu.memory_space<hbm>> -> memref<16384xf32, #tpu.memory_space<hbm>>
          %dma_wait3A_271 = tpu.memref_slice %arg4[%mul3A_269] : memref<41600000xf32, #tpu.memory_space<hbm>> -> memref<16384xf32, #tpu.memory_space<hbm>>
          tpu.wait_dma2 semaphore(%arg15 : memref<!tpu.dma_semaphore, #tpu.memory_space<semaphore_mem>>) src(%arg9 : memref<16384xf32, #tpu.memory_space<vmem>>) dst(%dma_wait3A_271 : memref<16384xf32, #tpu.memory_space<hbm>>)
        } else {
        }
        %scan3A_240 = arith.constant 0 : i32
        %scan3A_241 = arith.constant 0 : i32
        %scan3A_242 = arith.constant 64 : i32
        %scan3A_243 = arith.addi %scan3A_241, %scan3A_242 : i32
        %scan3A_244 = arith.constant 8 : i32
        scf.for %scan3A_258 = %scan3A_241 to %scan3A_243 step %scan3A_244  : i32 {
          %mul3A_259 = arith.constant 256 : i32
          %mul3A_260 = arith.muli %scan3A_258, %mul3A_259 : i32
          %mul3A_261 = arith.constant 16 : i32
          %mul3A_262 = arith.muli %scan3A_258, %mul3A_261 : i32
          %get3A = arith.constant 0 : i32
          %get3A_263 = arith.index_cast %get3A : i32 to index
          %get3A_264 = arith.index_cast %mul3A_262 : i32 to index
          %get3A_265 = tpu.vector_load %arg6[%get3A_263, %get3A_264] {strides = array<i32>} : memref<16x1024xf32, #tpu.memory_space<vmem>>, vector<16xf32>,
          %add3A_266 = vector.broadcast %mul3A_260 : i32 to vector<16xi32>
          %add3A_267 = arith.addi %add3A_266, %add3A_6 : vector<16xi32>
          tpu.vector_store_idx %arg9[%add3A_267], %get3A_265 : memref<16384xf32, #tpu.memory_space<vmem>>[vector<16xi32>], vector<16xf32>,
          %mul3A_268 = arith.constant 16 : i32
          %mul3A_269 = arith.muli %scan3A_258, %mul3A_268 : i32
          %get3A_270 = arith.constant 1 : i32
          %get3A_271 = arith.index_cast %get3A_270 : i32 to index
          %get3A_272 = arith.index_cast %mul3A_269 : i32 to index
          %get3A_273 = tpu.vector_load %arg6[%get3A_271, %get3A_272] {strides = array<i32>} : memref<16x1024xf32, #tpu.memory_space<vmem>>, vector<16xf32>,
          %add3A_274 = vector.broadcast %mul3A_260 : i32 to vector<16xi32>
          %add3A_275 = arith.addi %add3A_274, %add3A_12 : vector<16xi32>
          tpu.vector_store_idx %arg9[%add3A_275], %get3A_273 : memref<16384xf32, #tpu.memory_space<vmem>>[vector<16xi32>], vector<16xf32>,
          %mul3A_276 = arith.constant 16 : i32
          %mul3A_277 = arith.muli %scan3A_258, %mul3A_276 : i32
          %get3A_278 = arith.constant 2 : i32
          %get3A_279 = arith.index_cast %get3A_278 : i32 to index
          %get3A_280 = arith.index_cast %mul3A_277 : i32 to index
          %get3A_281 = tpu.vector_load %arg6[%get3A_279, %get3A_280] {strides = array<i32>} : memref<16x1024xf32, #tpu.memory_space<vmem>>, vector<16xf32>,
          %add3A_282 = vector.broadcast %mul3A_260 : i32 to vector<16xi32>
          %add3A_283 = arith.addi %add3A_282, %add3A_18 : vector<16xi32>
          tpu.vector_store_idx %arg9[%add3A_283], %get3A_281 : memref<16384xf32, #tpu.memory_space<vmem>>[vector<16xi32>], vector<16xf32>,
          %mul3A_284 = arith.constant 16 : i32
          %mul3A_285 = arith.muli %scan3A_258, %mul3A_284 : i32
          %get3A_286 = arith.constant 3 : i32
          %get3A_287 = arith.index_cast %get3A_286 : i32 to index
          %get3A_288 = arith.index_cast %mul3A_285 : i32 to index
          %get3A_289 = tpu.vector_load %arg6[%get3A_287, %get3A_288] {strides = array<i32>} : memref<16x1024xf32, #tpu.memory_space<vmem>>, vector<16xf32>,
          %add3A_290 = vector.broadcast %mul3A_260 : i32 to vector<16xi32>
          %add3A_291 = arith.addi %add3A_290, %add3A_24 : vector<16xi32>
          tpu.vector_store_idx %arg9[%add3A_291], %get3A_289 : memref<16384xf32, #tpu.memory_space<vmem>>[vector<16xi32>], vector<16xf32>,
          %mul3A_292 = arith.constant 16 : i32
          %mul3A_293 = arith.muli %scan3A_258, %mul3A_292 : i32
          %get3A_294 = arith.constant 4 : i32
          %get3A_295 = arith.index_cast %get3A_294 : i32 to index
          %get3A_296 = arith.index_cast %mul3A_293 : i32 to index
          %get3A_297 = tpu.vector_load %arg6[%get3A_295, %get3A_296] {strides = array<i32>} : memref<16x1024xf32, #tpu.memory_space<vmem>>, vector<16xf32>,
          %add3A_298 = vector.broadcast %mul3A_260 : i32 to vector<16xi32>
          %add3A_299 = arith.addi %add3A_298, %add3A_30 : vector<16xi32>
          tpu.vector_store_idx %arg9[%add3A_299], %get3A_297 : memref<16384xf32, #tpu.memory_space<vmem>>[vector<16xi32>], vector<16xf32>,
          %mul3A_300 = arith.constant 16 : i32
          %mul3A_301 = arith.muli %scan3A_258, %mul3A_300 : i32
          %get3A_302 = arith.constant 5 : i32
          %get3A_303 = arith.index_cast %get3A_302 : i32 to index
          %get3A_304 = arith.index_cast %mul3A_301 : i32 to index
          %get3A_305 = tpu.vector_load %arg6[%get3A_303, %get3A_304] {strides = array<i32>} : memref<16x1024xf32, #tpu.memory_space<vmem>>, vector<16xf32>,
          %add3A_306 = vector.broadcast %mul3A_260 : i32 to vector<16xi32>
          %add3A_307 = arith.addi %add3A_306, %add3A_36 : vector<16xi32>
          tpu.vector_store_idx %arg9[%add3A_307], %get3A_305 : memref<16384xf32, #tpu.memory_space<vmem>>[vector<16xi32>], vector<16xf32>,
          %mul3A_308 = arith.constant 16 : i32
          %mul3A_309 = arith.muli %scan3A_258, %mul3A_308 : i32
          %get3A_310 = arith.constant 6 : i32
          %get3A_311 = arith.index_cast %get3A_310 : i32 to index
          %get3A_312 = arith.index_cast %mul3A_309 : i32 to index
          %get3A_313 = tpu.vector_load %arg6[%get3A_311, %get3A_312] {strides = array<i32>} : memref<16x1024xf32, #tpu.memory_space<vmem>>, vector<16xf32>,
          %add3A_314 = vector.broadcast %mul3A_260 : i32 to vector<16xi32>
          %add3A_315 = arith.addi %add3A_314, %add3A_42 : vector<16xi32>
          tpu.vector_store_idx %arg9[%add3A_315], %get3A_313 : memref<16384xf32, #tpu.memory_space<vmem>>[vector<16xi32>], vector<16xf32>,
          %mul3A_316 = arith.constant 16 : i32
          %mul3A_317 = arith.muli %scan3A_258, %mul3A_316 : i32
          %get3A_318 = arith.constant 7 : i32
          %get3A_319 = arith.index_cast %get3A_318 : i32 to index
          %get3A_320 = arith.index_cast %mul3A_317 : i32 to index
          %get3A_321 = tpu.vector_load %arg6[%get3A_319, %get3A_320] {strides = array<i32>} : memref<16x1024xf32, #tpu.memory_space<vmem>>, vector<16xf32>,
          %add3A_322 = vector.broadcast %mul3A_260 : i32 to vector<16xi32>
          %add3A_323 = arith.addi %add3A_322, %add3A_48 : vector<16xi32>
          tpu.vector_store_idx %arg9[%add3A_323], %get3A_321 : memref<16384xf32, #tpu.memory_space<vmem>>[vector<16xi32>], vector<16xf32>,
          %mul3A_324 = arith.constant 16 : i32
          %mul3A_325 = arith.muli %scan3A_258, %mul3A_324 : i32
          %get3A_326 = arith.constant 8 : i32
          %get3A_327 = arith.index_cast %get3A_326 : i32 to index
          %get3A_328 = arith.index_cast %mul3A_325 : i32 to index
          %get3A_329 = tpu.vector_load %arg6[%get3A_327, %get3A_328] {strides = array<i32>} : memref<16x1024xf32, #tpu.memory_space<vmem>>, vector<16xf32>,
          %add3A_330 = vector.broadcast %mul3A_260 : i32 to vector<16xi32>
          %add3A_331 = arith.addi %add3A_330, %add3A_54 : vector<16xi32>
          tpu.vector_store_idx %arg9[%add3A_331], %get3A_329 : memref<16384xf32, #tpu.memory_space<vmem>>[vector<16xi32>], vector<16xf32>,
          %mul3A_332 = arith.constant 16 : i32
          %mul3A_333 = arith.muli %scan3A_258, %mul3A_332 : i32
          %get3A_334 = arith.constant 9 : i32
          %get3A_335 = arith.index_cast %get3A_334 : i32 to index
          %get3A_336 = arith.index_cast %mul3A_333 : i32 to index
          %get3A_337 = tpu.vector_load %arg6[%get3A_335, %get3A_336] {strides = array<i32>} : memref<16x1024xf32, #tpu.memory_space<vmem>>, vector<16xf32>,
          %add3A_338 = vector.broadcast %mul3A_260 : i32 to vector<16xi32>
          %add3A_339 = arith.addi %add3A_338, %add3A_60 : vector<16xi32>
          tpu.vector_store_idx %arg9[%add3A_339], %get3A_337 : memref<16384xf32, #tpu.memory_space<vmem>>[vector<16xi32>], vector<16xf32>,
          %mul3A_340 = arith.constant 16 : i32
          %mul3A_341 = arith.muli %scan3A_258, %mul3A_340 : i32
          %get3A_342 = arith.constant 10 : i32
          %get3A_343 = arith.index_cast %get3A_342 : i32 to index
          %get3A_344 = arith.index_cast %mul3A_341 : i32 to index
          %get3A_345 = tpu.vector_load %arg6[%get3A_343, %get3A_344] {strides = array<i32>} : memref<16x1024xf32, #tpu.memory_space<vmem>>, vector<16xf32>,
          %add3A_346 = vector.broadcast %mul3A_260 : i32 to vector<16xi32>
          %add3A_347 = arith.addi %add3A_346, %add3A_66 : vector<16xi32>
          tpu.vector_store_idx %arg9[%add3A_347], %get3A_345 : memref<16384xf32, #tpu.memory_space<vmem>>[vector<16xi32>], vector<16xf32>,
          %mul3A_348 = arith.constant 16 : i32
          %mul3A_349 = arith.muli %scan3A_258, %mul3A_348 : i32
          %get3A_350 = arith.constant 11 : i32
          %get3A_351 = arith.index_cast %get3A_350 : i32 to index
          %get3A_352 = arith.index_cast %mul3A_349 : i32 to index
          %get3A_353 = tpu.vector_load %arg6[%get3A_351, %get3A_352] {strides = array<i32>} : memref<16x1024xf32, #tpu.memory_space<vmem>>, vector<16xf32>,
          %add3A_354 = vector.broadcast %mul3A_260 : i32 to vector<16xi32>
          %add3A_355 = arith.addi %add3A_354, %add3A_72 : vector<16xi32>
          tpu.vector_store_idx %arg9[%add3A_355], %get3A_353 : memref<16384xf32, #tpu.memory_space<vmem>>[vector<16xi32>], vector<16xf32>,
          %mul3A_356 = arith.constant 16 : i32
          %mul3A_357 = arith.muli %scan3A_258, %mul3A_356 : i32
          %get3A_358 = arith.constant 12 : i32
          %get3A_359 = arith.index_cast %get3A_358 : i32 to index
          %get3A_360 = arith.index_cast %mul3A_357 : i32 to index
          %get3A_361 = tpu.vector_load %arg6[%get3A_359, %get3A_360] {strides = array<i32>} : memref<16x1024xf32, #tpu.memory_space<vmem>>, vector<16xf32>,
          %add3A_362 = vector.broadcast %mul3A_260 : i32 to vector<16xi32>
          %add3A_363 = arith.addi %add3A_362, %add3A_78 : vector<16xi32>
          tpu.vector_store_idx %arg9[%add3A_363], %get3A_361 : memref<16384xf32, #tpu.memory_space<vmem>>[vector<16xi32>], vector<16xf32>,
          %mul3A_364 = arith.constant 16 : i32
          %mul3A_365 = arith.muli %scan3A_258, %mul3A_364 : i32
          %get3A_366 = arith.constant 13 : i32
          %get3A_367 = arith.index_cast %get3A_366 : i32 to index
          %get3A_368 = arith.index_cast %mul3A_365 : i32 to index
          %get3A_369 = tpu.vector_load %arg6[%get3A_367, %get3A_368] {strides = array<i32>} : memref<16x1024xf32, #tpu.memory_space<vmem>>, vector<16xf32>,
          %add3A_370 = vector.broadcast %mul3A_260 : i32 to vector<16xi32>
          %add3A_371 = arith.addi %add3A_370, %add3A_84 : vector<16xi32>
          tpu.vector_store_idx %arg9[%add3A_371], %get3A_369 : memref<16384xf32, #tpu.memory_space<vmem>>[vector<16xi32>], vector<16xf32>,
          %mul3A_372 = arith.constant 16 : i32
          %mul3A_373 = arith.muli %scan3A_258, %mul3A_372 : i32
          %get3A_374 = arith.constant 14 : i32
          %get3A_375 = arith.index_cast %get3A_374 : i32 to index
          %get3A_376 = arith.index_cast %mul3A_373 : i32 to index
          %get3A_377 = tpu.vector_load %arg6[%get3A_375, %get3A_376] {strides = array<i32>} : memref<16x1024xf32, #tpu.memory_space<vmem>>, vector<16xf32>,
          %add3A_378 = vector.broadcast %mul3A_260 : i32 to vector<16xi32>
          %add3A_379 = arith.addi %add3A_378, %add3A_90 : vector<16xi32>
          tpu.vector_store_idx %arg9[%add3A_379], %get3A_377 : memref<16384xf32, #tpu.memory_space<vmem>>[vector<16xi32>], vector<16xf32>,
          %mul3A_380 = arith.constant 16 : i32
          %mul3A_381 = arith.muli %scan3A_258, %mul3A_380 : i32
          %get3A_382 = arith.constant 15 : i32
          %get3A_383 = arith.index_cast %get3A_382 : i32 to index
          %get3A_384 = arith.index_cast %mul3A_381 : i32 to index
          %get3A_385 = tpu.vector_load %arg6[%get3A_383, %get3A_384] {strides = array<i32>} : memref<16x1024xf32, #tpu.memory_space<vmem>>, vector<16xf32>,
          %add3A_386 = vector.broadcast %mul3A_260 : i32 to vector<16xi32>
          %add3A_387 = arith.addi %add3A_386, %add3A_96 : vector<16xi32>
          tpu.vector_store_idx %arg9[%add3A_387], %get3A_385 : memref<16384xf32, #tpu.memory_space<vmem>>[vector<16xi32>], vector<16xf32>,
          %scan3A_388 = arith.constant 1 : i32
          %scan3A_389 = arith.addi %scan3A_258, %scan3A_388 : i32
          %mul3A_390 = arith.constant 256 : i32
          %mul3A_391 = arith.muli %scan3A_389, %mul3A_390 : i32
          %mul3A_392 = arith.constant 16 : i32
          %mul3A_393 = arith.muli %scan3A_389, %mul3A_392 : i32
          %get3A_394 = arith.constant 0 : i32
          %get3A_395 = arith.index_cast %get3A_394 : i32 to index
          %get3A_396 = arith.index_cast %mul3A_393 : i32 to index
          %get3A_397 = tpu.vector_load %arg6[%get3A_395, %get3A_396] {strides = array<i32>} : memref<16x1024xf32, #tpu.memory_space<vmem>>, vector<16xf32>,
          %add3A_398 = vector.broadcast %mul3A_391 : i32 to vector<16xi32>
          %add3A_399 = arith.addi %add3A_398, %add3A_6 : vector<16xi32>
          tpu.vector_store_idx %arg9[%add3A_399], %get3A_397 : memref<16384xf32, #tpu.memory_space<vmem>>[vector<16xi32>], vector<16xf32>,
          %mul3A_400 = arith.constant 16 : i32
          %mul3A_401 = arith.muli %scan3A_389, %mul3A_400 : i32
          %get3A_402 = arith.constant 1 : i32
          %get3A_403 = arith.index_cast %get3A_402 : i32 to index
          %get3A_404 = arith.index_cast %mul3A_401 : i32 to index
          %get3A_405 = tpu.vector_load %arg6[%get3A_403, %get3A_404] {strides = array<i32>} : memref<16x1024xf32, #tpu.memory_space<vmem>>, vector<16xf32>,
          %add3A_406 = vector.broadcast %mul3A_391 : i32 to vector<16xi32>
          %add3A_407 = arith.addi %add3A_406, %add3A_12 : vector<16xi32>
          tpu.vector_store_idx %arg9[%add3A_407], %get3A_405 : memref<16384xf32, #tpu.memory_space<vmem>>[vector<16xi32>], vector<16xf32>,
          %mul3A_408 = arith.constant 16 : i32
          %mul3A_409 = arith.muli %scan3A_389, %mul3A_408 : i32
          %get3A_410 = arith.constant 2 : i32
          %get3A_411 = arith.index_cast %get3A_410 : i32 to index
          %get3A_412 = arith.index_cast %mul3A_409 : i32 to index
          %get3A_413 = tpu.vector_load %arg6[%get3A_411, %get3A_412] {strides = array<i32>} : memref<16x1024xf32, #tpu.memory_space<vmem>>, vector<16xf32>,
          %add3A_414 = vector.broadcast %mul3A_391 : i32 to vector<16xi32>
          %add3A_415 = arith.addi %add3A_414, %add3A_18 : vector<16xi32>
          tpu.vector_store_idx %arg9[%add3A_415], %get3A_413 : memref<16384xf32, #tpu.memory_space<vmem>>[vector<16xi32>], vector<16xf32>,
          %mul3A_416 = arith.constant 16 : i32
          %mul3A_417 = arith.muli %scan3A_389, %mul3A_416 : i32
          %get3A_418 = arith.constant 3 : i32
          %get3A_419 = arith.index_cast %get3A_418 : i32 to index
          %get3A_420 = arith.index_cast %mul3A_417 : i32 to index
          %get3A_421 = tpu.vector_load %arg6[%get3A_419, %get3A_420] {strides = array<i32>} : memref<16x1024xf32, #tpu.memory_space<vmem>>, vector<16xf32>,
          %add3A_422 = vector.broadcast %mul3A_391 : i32 to vector<16xi32>
          %add3A_423 = arith.addi %add3A_422, %add3A_24 : vector<16xi32>
          tpu.vector_store_idx %arg9[%add3A_423], %get3A_421 : memref<16384xf32, #tpu.memory_space<vmem>>[vector<16xi32>], vector<16xf32>,
          %mul3A_424 = arith.constant 16 : i32
          %mul3A_425 = arith.muli %scan3A_389, %mul3A_424 : i32
          %get3A_426 = arith.constant 4 : i32
          %get3A_427 = arith.index_cast %get3A_426 : i32 to index
          %get3A_428 = arith.index_cast %mul3A_425 : i32 to index
          %get3A_429 = tpu.vector_load %arg6[%get3A_427, %get3A_428] {strides = array<i32>} : memref<16x1024xf32, #tpu.memory_space<vmem>>, vector<16xf32>,
          %add3A_430 = vector.broadcast %mul3A_391 : i32 to vector<16xi32>
          %add3A_431 = arith.addi %add3A_430, %add3A_30 : vector<16xi32>
          tpu.vector_store_idx %arg9[%add3A_431], %get3A_429 : memref<16384xf32, #tpu.memory_space<vmem>>[vector<16xi32>], vector<16xf32>,
          %mul3A_432 = arith.constant 16 : i32
          %mul3A_433 = arith.muli %scan3A_389, %mul3A_432 : i32
          %get3A_434 = arith.constant 5 : i32
          %get3A_435 = arith.index_cast %get3A_434 : i32 to index
          %get3A_436 = arith.index_cast %mul3A_433 : i32 to index
          %get3A_437 = tpu.vector_load %arg6[%get3A_435, %get3A_436] {strides = array<i32>} : memref<16x1024xf32, #tpu.memory_space<vmem>>, vector<16xf32>,
          %add3A_438 = vector.broadcast %mul3A_391 : i32 to vector<16xi32>
          %add3A_439 = arith.addi %add3A_438, %add3A_36 : vector<16xi32>
          tpu.vector_store_idx %arg9[%add3A_439], %get3A_437 : memref<16384xf32, #tpu.memory_space<vmem>>[vector<16xi32>], vector<16xf32>,
          %mul3A_440 = arith.constant 16 : i32
          %mul3A_441 = arith.muli %scan3A_389, %mul3A_440 : i32
          %get3A_442 = arith.constant 6 : i32
          %get3A_443 = arith.index_cast %get3A_442 : i32 to index
          %get3A_444 = arith.index_cast %mul3A_441 : i32 to index
          %get3A_445 = tpu.vector_load %arg6[%get3A_443, %get3A_444] {strides = array<i32>} : memref<16x1024xf32, #tpu.memory_space<vmem>>, vector<16xf32>,
          %add3A_446 = vector.broadcast %mul3A_391 : i32 to vector<16xi32>
          %add3A_447 = arith.addi %add3A_446, %add3A_42 : vector<16xi32>
          tpu.vector_store_idx %arg9[%add3A_447], %get3A_445 : memref<16384xf32, #tpu.memory_space<vmem>>[vector<16xi32>], vector<16xf32>,
          %mul3A_448 = arith.constant 16 : i32
          %mul3A_449 = arith.muli %scan3A_389, %mul3A_448 : i32
          %get3A_450 = arith.constant 7 : i32
          %get3A_451 = arith.index_cast %get3A_450 : i32 to index
          %get3A_452 = arith.index_cast %mul3A_449 : i32 to index
          %get3A_453 = tpu.vector_load %arg6[%get3A_451, %get3A_452] {strides = array<i32>} : memref<16x1024xf32, #tpu.memory_space<vmem>>, vector<16xf32>,
          %add3A_454 = vector.broadcast %mul3A_391 : i32 to vector<16xi32>
          %add3A_455 = arith.addi %add3A_454, %add3A_48 : vector<16xi32>
          tpu.vector_store_idx %arg9[%add3A_455], %get3A_453 : memref<16384xf32, #tpu.memory_space<vmem>>[vector<16xi32>], vector<16xf32>,
          %mul3A_456 = arith.constant 16 : i32
          %mul3A_457 = arith.muli %scan3A_389, %mul3A_456 : i32
          %get3A_458 = arith.constant 8 : i32
          %get3A_459 = arith.index_cast %get3A_458 : i32 to index
          %get3A_460 = arith.index_cast %mul3A_457 : i32 to index
          %get3A_461 = tpu.vector_load %arg6[%get3A_459, %get3A_460] {strides = array<i32>} : memref<16x1024xf32, #tpu.memory_space<vmem>>, vector<16xf32>,
          %add3A_462 = vector.broadcast %mul3A_391 : i32 to vector<16xi32>
          %add3A_463 = arith.addi %add3A_462, %add3A_54 : vector<16xi32>
          tpu.vector_store_idx %arg9[%add3A_463], %get3A_461 : memref<16384xf32, #tpu.memory_space<vmem>>[vector<16xi32>], vector<16xf32>,
          %mul3A_464 = arith.constant 16 : i32
          %mul3A_465 = arith.muli %scan3A_389, %mul3A_464 : i32
          %get3A_466 = arith.constant 9 : i32
          %get3A_467 = arith.index_cast %get3A_466 : i32 to index
          %get3A_468 = arith.index_cast %mul3A_465 : i32 to index
          %get3A_469 = tpu.vector_load %arg6[%get3A_467, %get3A_468] {strides = array<i32>} : memref<16x1024xf32, #tpu.memory_space<vmem>>, vector<16xf32>,
          %add3A_470 = vector.broadcast %mul3A_391 : i32 to vector<16xi32>
          %add3A_471 = arith.addi %add3A_470, %add3A_60 : vector<16xi32>
          tpu.vector_store_idx %arg9[%add3A_471], %get3A_469 : memref<16384xf32, #tpu.memory_space<vmem>>[vector<16xi32>], vector<16xf32>,
          %mul3A_472 = arith.constant 16 : i32
          %mul3A_473 = arith.muli %scan3A_389, %mul3A_472 : i32
          %get3A_474 = arith.constant 10 : i32
          %get3A_475 = arith.index_cast %get3A_474 : i32 to index
          %get3A_476 = arith.index_cast %mul3A_473 : i32 to index
          %get3A_477 = tpu.vector_load %arg6[%get3A_475, %get3A_476] {strides = array<i32>} : memref<16x1024xf32, #tpu.memory_space<vmem>>, vector<16xf32>,
          %add3A_478 = vector.broadcast %mul3A_391 : i32 to vector<16xi32>
          %add3A_479 = arith.addi %add3A_478, %add3A_66 : vector<16xi32>
          tpu.vector_store_idx %arg9[%add3A_479], %get3A_477 : memref<16384xf32, #tpu.memory_space<vmem>>[vector<16xi32>], vector<16xf32>,
          %mul3A_480 = arith.constant 16 : i32
          %mul3A_481 = arith.muli %scan3A_389, %mul3A_480 : i32
          %get3A_482 = arith.constant 11 : i32
          %get3A_483 = arith.index_cast %get3A_482 : i32 to index
          %get3A_484 = arith.index_cast %mul3A_481 : i32 to index
          %get3A_485 = tpu.vector_load %arg6[%get3A_483, %get3A_484] {strides = array<i32>} : memref<16x1024xf32, #tpu.memory_space<vmem>>, vector<16xf32>,
          %add3A_486 = vector.broadcast %mul3A_391 : i32 to vector<16xi32>
          %add3A_487 = arith.addi %add3A_486, %add3A_72 : vector<16xi32>
          tpu.vector_store_idx %arg9[%add3A_487], %get3A_485 : memref<16384xf32, #tpu.memory_space<vmem>>[vector<16xi32>], vector<16xf32>,
          %mul3A_488 = arith.constant 16 : i32
          %mul3A_489 = arith.muli %scan3A_389, %mul3A_488 : i32
          %get3A_490 = arith.constant 12 : i32
          %get3A_491 = arith.index_cast %get3A_490 : i32 to index
          %get3A_492 = arith.index_cast %mul3A_489 : i32 to index
          %get3A_493 = tpu.vector_load %arg6[%get3A_491, %get3A_492] {strides = array<i32>} : memref<16x1024xf32, #tpu.memory_space<vmem>>, vector<16xf32>,
          %add3A_494 = vector.broadcast %mul3A_391 : i32 to vector<16xi32>
          %add3A_495 = arith.addi %add3A_494, %add3A_78 : vector<16xi32>
          tpu.vector_store_idx %arg9[%add3A_495], %get3A_493 : memref<16384xf32, #tpu.memory_space<vmem>>[vector<16xi32>], vector<16xf32>,
          %mul3A_496 = arith.constant 16 : i32
          %mul3A_497 = arith.muli %scan3A_389, %mul3A_496 : i32
          %get3A_498 = arith.constant 13 : i32
          %get3A_499 = arith.index_cast %get3A_498 : i32 to index
          %get3A_500 = arith.index_cast %mul3A_497 : i32 to index
          %get3A_501 = tpu.vector_load %arg6[%get3A_499, %get3A_500] {strides = array<i32>} : memref<16x1024xf32, #tpu.memory_space<vmem>>, vector<16xf32>,
          %add3A_502 = vector.broadcast %mul3A_391 : i32 to vector<16xi32>
          %add3A_503 = arith.addi %add3A_502, %add3A_84 : vector<16xi32>
          tpu.vector_store_idx %arg9[%add3A_503], %get3A_501 : memref<16384xf32, #tpu.memory_space<vmem>>[vector<16xi32>], vector<16xf32>,
          %mul3A_504 = arith.constant 16 : i32
          %mul3A_505 = arith.muli %scan3A_389, %mul3A_504 : i32
          %get3A_506 = arith.constant 14 : i32
          %get3A_507 = arith.index_cast %get3A_506 : i32 to index
          %get3A_508 = arith.index_cast %mul3A_505 : i32 to index
          %get3A_509 = tpu.vector_load %arg6[%get3A_507, %get3A_508] {strides = array<i32>} : memref<16x1024xf32, #tpu.memory_space<vmem>>, vector<16xf32>,
          %add3A_510 = vector.broadcast %mul3A_391 : i32 to vector<16xi32>
          %add3A_511 = arith.addi %add3A_510, %add3A_90 : vector<16xi32>
          tpu.vector_store_idx %arg9[%add3A_511], %get3A_509 : memref<16384xf32, #tpu.memory_space<vmem>>[vector<16xi32>], vector<16xf32>,
          %mul3A_512 = arith.constant 16 : i32
          %mul3A_513 = arith.muli %scan3A_389, %mul3A_512 : i32
          %get3A_514 = arith.constant 15 : i32
          %get3A_515 = arith.index_cast %get3A_514 : i32 to index
          %get3A_516 = arith.index_cast %mul3A_513 : i32 to index
          %get3A_517 = tpu.vector_load %arg6[%get3A_515, %get3A_516] {strides = array<i32>} : memref<16x1024xf32, #tpu.memory_space<vmem>>, vector<16xf32>,
          %add3A_518 = vector.broadcast %mul3A_391 : i32 to vector<16xi32>
          %add3A_519 = arith.addi %add3A_518, %add3A_96 : vector<16xi32>
          tpu.vector_store_idx %arg9[%add3A_519], %get3A_517 : memref<16384xf32, #tpu.memory_space<vmem>>[vector<16xi32>], vector<16xf32>,
          %scan3A_520 = arith.constant 2 : i32
          %scan3A_521 = arith.addi %scan3A_258, %scan3A_520 : i32
          %mul3A_522 = arith.constant 256 : i32
          %mul3A_523 = arith.muli %scan3A_521, %mul3A_522 : i32
          %mul3A_524 = arith.constant 16 : i32
          %mul3A_525 = arith.muli %scan3A_521, %mul3A_524 : i32
          %get3A_526 = arith.constant 0 : i32
          %get3A_527 = arith.index_cast %get3A_526 : i32 to index
          %get3A_528 = arith.index_cast %mul3A_525 : i32 to index
          %get3A_529 = tpu.vector_load %arg6[%get3A_527, %get3A_528] {strides = array<i32>} : memref<16x1024xf32, #tpu.memory_space<vmem>>, vector<16xf32>,
          %add3A_530 = vector.broadcast %mul3A_523 : i32 to vector<16xi32>
          %add3A_531 = arith.addi %add3A_530, %add3A_6 : vector<16xi32>
          tpu.vector_store_idx %arg9[%add3A_531], %get3A_529 : memref<16384xf32, #tpu.memory_space<vmem>>[vector<16xi32>], vector<16xf32>,
          %mul3A_532 = arith.constant 16 : i32
          %mul3A_533 = arith.muli %scan3A_521, %mul3A_532 : i32
          %get3A_534 = arith.constant 1 : i32
          %get3A_535 = arith.index_cast %get3A_534 : i32 to index
          %get3A_536 = arith.index_cast %mul3A_533 : i32 to index
          %get3A_537 = tpu.vector_load %arg6[%get3A_535, %get3A_536] {strides = array<i32>} : memref<16x1024xf32, #tpu.memory_space<vmem>>, vector<16xf32>,
          %add3A_538 = vector.broadcast %mul3A_523 : i32 to vector<16xi32>
          %add3A_539 = arith.addi %add3A_538, %add3A_12 : vector<16xi32>
          tpu.vector_store_idx %arg9[%add3A_539], %get3A_537 : memref<16384xf32, #tpu.memory_space<vmem>>[vector<16xi32>], vector<16xf32>,
          %mul3A_540 = arith.constant 16 : i32
          %mul3A_541 = arith.muli %scan3A_521, %mul3A_540 : i32
          %get3A_542 = arith.constant 2 : i32
          %get3A_543 = arith.index_cast %get3A_542 : i32 to index
          %get3A_544 = arith.index_cast %mul3A_541 : i32 to index
          %get3A_545 = tpu.vector_load %arg6[%get3A_543, %get3A_544] {strides = array<i32>} : memref<16x1024xf32, #tpu.memory_space<vmem>>, vector<16xf32>,
          %add3A_546 = vector.broadcast %mul3A_523 : i32 to vector<16xi32>
          %add3A_547 = arith.addi %add3A_546, %add3A_18 : vector<16xi32>
          tpu.vector_store_idx %arg9[%add3A_547], %get3A_545 : memref<16384xf32, #tpu.memory_space<vmem>>[vector<16xi32>], vector<16xf32>,
          %mul3A_548 = arith.constant 16 : i32
          %mul3A_549 = arith.muli %scan3A_521, %mul3A_548 : i32
          %get3A_550 = arith.constant 3 : i32
          %get3A_551 = arith.index_cast %get3A_550 : i32 to index
          %get3A_552 = arith.index_cast %mul3A_549 : i32 to index
          %get3A_553 = tpu.vector_load %arg6[%get3A_551, %get3A_552] {strides = array<i32>} : memref<16x1024xf32, #tpu.memory_space<vmem>>, vector<16xf32>,
          %add3A_554 = vector.broadcast %mul3A_523 : i32 to vector<16xi32>
          %add3A_555 = arith.addi %add3A_554, %add3A_24 : vector<16xi32>
          tpu.vector_store_idx %arg9[%add3A_555], %get3A_553 : memref<16384xf32, #tpu.memory_space<vmem>>[vector<16xi32>], vector<16xf32>,
          %mul3A_556 = arith.constant 16 : i32
          %mul3A_557 = arith.muli %scan3A_521, %mul3A_556 : i32
          %get3A_558 = arith.constant 4 : i32
          %get3A_559 = arith.index_cast %get3A_558 : i32 to index
          %get3A_560 = arith.index_cast %mul3A_557 : i32 to index
          %get3A_561 = tpu.vector_load %arg6[%get3A_559, %get3A_560] {strides = array<i32>} : memref<16x1024xf32, #tpu.memory_space<vmem>>, vector<16xf32>,
          %add3A_562 = vector.broadcast %mul3A_523 : i32 to vector<16xi32>
          %add3A_563 = arith.addi %add3A_562, %add3A_30 : vector<16xi32>
          tpu.vector_store_idx %arg9[%add3A_563], %get3A_561 : memref<16384xf32, #tpu.memory_space<vmem>>[vector<16xi32>], vector<16xf32>,
          %mul3A_564 = arith.constant 16 : i32
          %mul3A_565 = arith.muli %scan3A_521, %mul3A_564 : i32
          %get3A_566 = arith.constant 5 : i32
          %get3A_567 = arith.index_cast %get3A_566 : i32 to index
          %get3A_568 = arith.index_cast %mul3A_565 : i32 to index
          %get3A_569 = tpu.vector_load %arg6[%get3A_567, %get3A_568] {strides = array<i32>} : memref<16x1024xf32, #tpu.memory_space<vmem>>, vector<16xf32>,
          %add3A_570 = vector.broadcast %mul3A_523 : i32 to vector<16xi32>
          %add3A_571 = arith.addi %add3A_570, %add3A_36 : vector<16xi32>
          tpu.vector_store_idx %arg9[%add3A_571], %get3A_569 : memref<16384xf32, #tpu.memory_space<vmem>>[vector<16xi32>], vector<16xf32>,
          %mul3A_572 = arith.constant 16 : i32
          %mul3A_573 = arith.muli %scan3A_521, %mul3A_572 : i32
          %get3A_574 = arith.constant 6 : i32
          %get3A_575 = arith.index_cast %get3A_574 : i32 to index
          %get3A_576 = arith.index_cast %mul3A_573 : i32 to index
          %get3A_577 = tpu.vector_load %arg6[%get3A_575, %get3A_576] {strides = array<i32>} : memref<16x1024xf32, #tpu.memory_space<vmem>>, vector<16xf32>,
          %add3A_578 = vector.broadcast %mul3A_523 : i32 to vector<16xi32>
          %add3A_579 = arith.addi %add3A_578, %add3A_42 : vector<16xi32>
          tpu.vector_store_idx %arg9[%add3A_579], %get3A_577 : memref<16384xf32, #tpu.memory_space<vmem>>[vector<16xi32>], vector<16xf32>,
          %mul3A_580 = arith.constant 16 : i32
          %mul3A_581 = arith.muli %scan3A_521, %mul3A_580 : i32
          %get3A_582 = arith.constant 7 : i32
          %get3A_583 = arith.index_cast %get3A_582 : i32 to index
          %get3A_584 = arith.index_cast %mul3A_581 : i32 to index
          %get3A_585 = tpu.vector_load %arg6[%get3A_583, %get3A_584] {strides = array<i32>} : memref<16x1024xf32, #tpu.memory_space<vmem>>, vector<16xf32>,
          %add3A_586 = vector.broadcast %mul3A_523 : i32 to vector<16xi32>
          %add3A_587 = arith.addi %add3A_586, %add3A_48 : vector<16xi32>
          tpu.vector_store_idx %arg9[%add3A_587], %get3A_585 : memref<16384xf32, #tpu.memory_space<vmem>>[vector<16xi32>], vector<16xf32>,
          %mul3A_588 = arith.constant 16 : i32
          %mul3A_589 = arith.muli %scan3A_521, %mul3A_588 : i32
          %get3A_590 = arith.constant 8 : i32
          %get3A_591 = arith.index_cast %get3A_590 : i32 to index
          %get3A_592 = arith.index_cast %mul3A_589 : i32 to index
          %get3A_593 = tpu.vector_load %arg6[%get3A_591, %get3A_592] {strides = array<i32>} : memref<16x1024xf32, #tpu.memory_space<vmem>>, vector<16xf32>,
          %add3A_594 = vector.broadcast %mul3A_523 : i32 to vector<16xi32>
          %add3A_595 = arith.addi %add3A_594, %add3A_54 : vector<16xi32>
          tpu.vector_store_idx %arg9[%add3A_595], %get3A_593 : memref<16384xf32, #tpu.memory_space<vmem>>[vector<16xi32>], vector<16xf32>,
          %mul3A_596 = arith.constant 16 : i32
          %mul3A_597 = arith.muli %scan3A_521, %mul3A_596 : i32
          %get3A_598 = arith.constant 9 : i32
          %get3A_599 = arith.index_cast %get3A_598 : i32 to index
          %get3A_600 = arith.index_cast %mul3A_597 : i32 to index
          %get3A_601 = tpu.vector_load %arg6[%get3A_599, %get3A_600] {strides = array<i32>} : memref<16x1024xf32, #tpu.memory_space<vmem>>, vector<16xf32>,
          %add3A_602 = vector.broadcast %mul3A_523 : i32 to vector<16xi32>
          %add3A_603 = arith.addi %add3A_602, %add3A_60 : vector<16xi32>
          tpu.vector_store_idx %arg9[%add3A_603], %get3A_601 : memref<16384xf32, #tpu.memory_space<vmem>>[vector<16xi32>], vector<16xf32>,
          %mul3A_604 = arith.constant 16 : i32
          %mul3A_605 = arith.muli %scan3A_521, %mul3A_604 : i32
          %get3A_606 = arith.constant 10 : i32
          %get3A_607 = arith.index_cast %get3A_606 : i32 to index
          %get3A_608 = arith.index_cast %mul3A_605 : i32 to index
          %get3A_609 = tpu.vector_load %arg6[%get3A_607, %get3A_608] {strides = array<i32>} : memref<16x1024xf32, #tpu.memory_space<vmem>>, vector<16xf32>,
          %add3A_610 = vector.broadcast %mul3A_523 : i32 to vector<16xi32>
          %add3A_611 = arith.addi %add3A_610, %add3A_66 : vector<16xi32>
          tpu.vector_store_idx %arg9[%add3A_611], %get3A_609 : memref<16384xf32, #tpu.memory_space<vmem>>[vector<16xi32>], vector<16xf32>,
          %mul3A_612 = arith.constant 16 : i32
          %mul3A_613 = arith.muli %scan3A_521, %mul3A_612 : i32
          %get3A_614 = arith.constant 11 : i32
          %get3A_615 = arith.index_cast %get3A_614 : i32 to index
          %get3A_616 = arith.index_cast %mul3A_613 : i32 to index
          %get3A_617 = tpu.vector_load %arg6[%get3A_615, %get3A_616] {strides = array<i32>} : memref<16x1024xf32, #tpu.memory_space<vmem>>, vector<16xf32>,
          %add3A_618 = vector.broadcast %mul3A_523 : i32 to vector<16xi32>
          %add3A_619 = arith.addi %add3A_618, %add3A_72 : vector<16xi32>
          tpu.vector_store_idx %arg9[%add3A_619], %get3A_617 : memref<16384xf32, #tpu.memory_space<vmem>>[vector<16xi32>], vector<16xf32>,
          %mul3A_620 = arith.constant 16 : i32
          %mul3A_621 = arith.muli %scan3A_521, %mul3A_620 : i32
          %get3A_622 = arith.constant 12 : i32
          %get3A_623 = arith.index_cast %get3A_622 : i32 to index
          %get3A_624 = arith.index_cast %mul3A_621 : i32 to index
          %get3A_625 = tpu.vector_load %arg6[%get3A_623, %get3A_624] {strides = array<i32>} : memref<16x1024xf32, #tpu.memory_space<vmem>>, vector<16xf32>,
          %add3A_626 = vector.broadcast %mul3A_523 : i32 to vector<16xi32>
          %add3A_627 = arith.addi %add3A_626, %add3A_78 : vector<16xi32>
          tpu.vector_store_idx %arg9[%add3A_627], %get3A_625 : memref<16384xf32, #tpu.memory_space<vmem>>[vector<16xi32>], vector<16xf32>,
          %mul3A_628 = arith.constant 16 : i32
          %mul3A_629 = arith.muli %scan3A_521, %mul3A_628 : i32
          %get3A_630 = arith.constant 13 : i32
          %get3A_631 = arith.index_cast %get3A_630 : i32 to index
          %get3A_632 = arith.index_cast %mul3A_629 : i32 to index
          %get3A_633 = tpu.vector_load %arg6[%get3A_631, %get3A_632] {strides = array<i32>} : memref<16x1024xf32, #tpu.memory_space<vmem>>, vector<16xf32>,
          %add3A_634 = vector.broadcast %mul3A_523 : i32 to vector<16xi32>
          %add3A_635 = arith.addi %add3A_634, %add3A_84 : vector<16xi32>
          tpu.vector_store_idx %arg9[%add3A_635], %get3A_633 : memref<16384xf32, #tpu.memory_space<vmem>>[vector<16xi32>], vector<16xf32>,
          %mul3A_636 = arith.constant 16 : i32
          %mul3A_637 = arith.muli %scan3A_521, %mul3A_636 : i32
          %get3A_638 = arith.constant 14 : i32
          %get3A_639 = arith.index_cast %get3A_638 : i32 to index
          %get3A_640 = arith.index_cast %mul3A_637 : i32 to index
          %get3A_641 = tpu.vector_load %arg6[%get3A_639, %get3A_640] {strides = array<i32>} : memref<16x1024xf32, #tpu.memory_space<vmem>>, vector<16xf32>,
          %add3A_642 = vector.broadcast %mul3A_523 : i32 to vector<16xi32>
          %add3A_643 = arith.addi %add3A_642, %add3A_90 : vector<16xi32>
          tpu.vector_store_idx %arg9[%add3A_643], %get3A_641 : memref<16384xf32, #tpu.memory_space<vmem>>[vector<16xi32>], vector<16xf32>,
          %mul3A_644 = arith.constant 16 : i32
          %mul3A_645 = arith.muli %scan3A_521, %mul3A_644 : i32
          %get3A_646 = arith.constant 15 : i32
          %get3A_647 = arith.index_cast %get3A_646 : i32 to index
          %get3A_648 = arith.index_cast %mul3A_645 : i32 to index
          %get3A_649 = tpu.vector_load %arg6[%get3A_647, %get3A_648] {strides = array<i32>} : memref<16x1024xf32, #tpu.memory_space<vmem>>, vector<16xf32>,
          %add3A_650 = vector.broadcast %mul3A_523 : i32 to vector<16xi32>
          %add3A_651 = arith.addi %add3A_650, %add3A_96 : vector<16xi32>
          tpu.vector_store_idx %arg9[%add3A_651], %get3A_649 : memref<16384xf32, #tpu.memory_space<vmem>>[vector<16xi32>], vector<16xf32>,
          %scan3A_652 = arith.constant 3 : i32
          %scan3A_653 = arith.addi %scan3A_258, %scan3A_652 : i32
          %mul3A_654 = arith.constant 256 : i32
          %mul3A_655 = arith.muli %scan3A_653, %mul3A_654 : i32
          %mul3A_656 = arith.constant 16 : i32
          %mul3A_657 = arith.muli %scan3A_653, %mul3A_656 : i32
          %get3A_658 = arith.constant 0 : i32
          %get3A_659 = arith.index_cast %get3A_658 : i32 to index
          %get3A_660 = arith.index_cast %mul3A_657 : i32 to index
          %get3A_661 = tpu.vector_load %arg6[%get3A_659, %get3A_660] {strides = array<i32>} : memref<16x1024xf32, #tpu.memory_space<vmem>>, vector<16xf32>,
          %add3A_662 = vector.broadcast %mul3A_655 : i32 to vector<16xi32>
          %add3A_663 = arith.addi %add3A_662, %add3A_6 : vector<16xi32>
          tpu.vector_store_idx %arg9[%add3A_663], %get3A_661 : memref<16384xf32, #tpu.memory_space<vmem>>[vector<16xi32>], vector<16xf32>,
          %mul3A_664 = arith.constant 16 : i32
          %mul3A_665 = arith.muli %scan3A_653, %mul3A_664 : i32
          %get3A_666 = arith.constant 1 : i32
          %get3A_667 = arith.index_cast %get3A_666 : i32 to index
          %get3A_668 = arith.index_cast %mul3A_665 : i32 to index
          %get3A_669 = tpu.vector_load %arg6[%get3A_667, %get3A_668] {strides = array<i32>} : memref<16x1024xf32, #tpu.memory_space<vmem>>, vector<16xf32>,
          %add3A_670 = vector.broadcast %mul3A_655 : i32 to vector<16xi32>
          %add3A_671 = arith.addi %add3A_670, %add3A_12 : vector<16xi32>
          tpu.vector_store_idx %arg9[%add3A_671], %get3A_669 : memref<16384xf32, #tpu.memory_space<vmem>>[vector<16xi32>], vector<16xf32>,
          %mul3A_672 = arith.constant 16 : i32
          %mul3A_673 = arith.muli %scan3A_653, %mul3A_672 : i32
          %get3A_674 = arith.constant 2 : i32
          %get3A_675 = arith.index_cast %get3A_674 : i32 to index
          %get3A_676 = arith.index_cast %mul3A_673 : i32 to index
          %get3A_677 = tpu.vector_load %arg6[%get3A_675, %get3A_676] {strides = array<i32>} : memref<16x1024xf32, #tpu.memory_space<vmem>>, vector<16xf32>,
          %add3A_678 = vector.broadcast %mul3A_655 : i32 to vector<16xi32>
          %add3A_679 = arith.addi %add3A_678, %add3A_18 : vector<16xi32>
          tpu.vector_store_idx %arg9[%add3A_679], %get3A_677 : memref<16384xf32, #tpu.memory_space<vmem>>[vector<16xi32>], vector<16xf32>,
          %mul3A_680 = arith.constant 16 : i32
          %mul3A_681 = arith.muli %scan3A_653, %mul3A_680 : i32
          %get3A_682 = arith.constant 3 : i32
          %get3A_683 = arith.index_cast %get3A_682 : i32 to index
          %get3A_684 = arith.index_cast %mul3A_681 : i32 to index
          %get3A_685 = tpu.vector_load %arg6[%get3A_683, %get3A_684] {strides = array<i32>} : memref<16x1024xf32, #tpu.memory_space<vmem>>, vector<16xf32>,
          %add3A_686 = vector.broadcast %mul3A_655 : i32 to vector<16xi32>
          %add3A_687 = arith.addi %add3A_686, %add3A_24 : vector<16xi32>
          tpu.vector_store_idx %arg9[%add3A_687], %get3A_685 : memref<16384xf32, #tpu.memory_space<vmem>>[vector<16xi32>], vector<16xf32>,
          %mul3A_688 = arith.constant 16 : i32
          %mul3A_689 = arith.muli %scan3A_653, %mul3A_688 : i32
          %get3A_690 = arith.constant 4 : i32
          %get3A_691 = arith.index_cast %get3A_690 : i32 to index
          %get3A_692 = arith.index_cast %mul3A_689 : i32 to index
          %get3A_693 = tpu.vector_load %arg6[%get3A_691, %get3A_692] {strides = array<i32>} : memref<16x1024xf32, #tpu.memory_space<vmem>>, vector<16xf32>,
          %add3A_694 = vector.broadcast %mul3A_655 : i32 to vector<16xi32>
          %add3A_695 = arith.addi %add3A_694, %add3A_30 : vector<16xi32>
          tpu.vector_store_idx %arg9[%add3A_695], %get3A_693 : memref<16384xf32, #tpu.memory_space<vmem>>[vector<16xi32>], vector<16xf32>,
          %mul3A_696 = arith.constant 16 : i32
          %mul3A_697 = arith.muli %scan3A_653, %mul3A_696 : i32
          %get3A_698 = arith.constant 5 : i32
          %get3A_699 = arith.index_cast %get3A_698 : i32 to index
          %get3A_700 = arith.index_cast %mul3A_697 : i32 to index
          %get3A_701 = tpu.vector_load %arg6[%get3A_699, %get3A_700] {strides = array<i32>} : memref<16x1024xf32, #tpu.memory_space<vmem>>, vector<16xf32>,
          %add3A_702 = vector.broadcast %mul3A_655 : i32 to vector<16xi32>
          %add3A_703 = arith.addi %add3A_702, %add3A_36 : vector<16xi32>
          tpu.vector_store_idx %arg9[%add3A_703], %get3A_701 : memref<16384xf32, #tpu.memory_space<vmem>>[vector<16xi32>], vector<16xf32>,
          %mul3A_704 = arith.constant 16 : i32
          %mul3A_705 = arith.muli %scan3A_653, %mul3A_704 : i32
          %get3A_706 = arith.constant 6 : i32
          %get3A_707 = arith.index_cast %get3A_706 : i32 to index
          %get3A_708 = arith.index_cast %mul3A_705 : i32 to index
          %get3A_709 = tpu.vector_load %arg6[%get3A_707, %get3A_708] {strides = array<i32>} : memref<16x1024xf32, #tpu.memory_space<vmem>>, vector<16xf32>,
          %add3A_710 = vector.broadcast %mul3A_655 : i32 to vector<16xi32>
          %add3A_711 = arith.addi %add3A_710, %add3A_42 : vector<16xi32>
          tpu.vector_store_idx %arg9[%add3A_711], %get3A_709 : memref<16384xf32, #tpu.memory_space<vmem>>[vector<16xi32>], vector<16xf32>,
          %mul3A_712 = arith.constant 16 : i32
          %mul3A_713 = arith.muli %scan3A_653, %mul3A_712 : i32
          %get3A_714 = arith.constant 7 : i32
          %get3A_715 = arith.index_cast %get3A_714 : i32 to index
          %get3A_716 = arith.index_cast %mul3A_713 : i32 to index
          %get3A_717 = tpu.vector_load %arg6[%get3A_715, %get3A_716] {strides = array<i32>} : memref<16x1024xf32, #tpu.memory_space<vmem>>, vector<16xf32>,
          %add3A_718 = vector.broadcast %mul3A_655 : i32 to vector<16xi32>
          %add3A_719 = arith.addi %add3A_718, %add3A_48 : vector<16xi32>
          tpu.vector_store_idx %arg9[%add3A_719], %get3A_717 : memref<16384xf32, #tpu.memory_space<vmem>>[vector<16xi32>], vector<16xf32>,
          %mul3A_720 = arith.constant 16 : i32
          %mul3A_721 = arith.muli %scan3A_653, %mul3A_720 : i32
          %get3A_722 = arith.constant 8 : i32
          %get3A_723 = arith.index_cast %get3A_722 : i32 to index
          %get3A_724 = arith.index_cast %mul3A_721 : i32 to index
          %get3A_725 = tpu.vector_load %arg6[%get3A_723, %get3A_724] {strides = array<i32>} : memref<16x1024xf32, #tpu.memory_space<vmem>>, vector<16xf32>,
          %add3A_726 = vector.broadcast %mul3A_655 : i32 to vector<16xi32>
          %add3A_727 = arith.addi %add3A_726, %add3A_54 : vector<16xi32>
          tpu.vector_store_idx %arg9[%add3A_727], %get3A_725 : memref<16384xf32, #tpu.memory_space<vmem>>[vector<16xi32>], vector<16xf32>,
          %mul3A_728 = arith.constant 16 : i32
          %mul3A_729 = arith.muli %scan3A_653, %mul3A_728 : i32
          %get3A_730 = arith.constant 9 : i32
          %get3A_731 = arith.index_cast %get3A_730 : i32 to index
          %get3A_732 = arith.index_cast %mul3A_729 : i32 to index
          %get3A_733 = tpu.vector_load %arg6[%get3A_731, %get3A_732] {strides = array<i32>} : memref<16x1024xf32, #tpu.memory_space<vmem>>, vector<16xf32>,
          %add3A_734 = vector.broadcast %mul3A_655 : i32 to vector<16xi32>
          %add3A_735 = arith.addi %add3A_734, %add3A_60 : vector<16xi32>
          tpu.vector_store_idx %arg9[%add3A_735], %get3A_733 : memref<16384xf32, #tpu.memory_space<vmem>>[vector<16xi32>], vector<16xf32>,
          %mul3A_736 = arith.constant 16 : i32
          %mul3A_737 = arith.muli %scan3A_653, %mul3A_736 : i32
          %get3A_738 = arith.constant 10 : i32
          %get3A_739 = arith.index_cast %get3A_738 : i32 to index
          %get3A_740 = arith.index_cast %mul3A_737 : i32 to index
          %get3A_741 = tpu.vector_load %arg6[%get3A_739, %get3A_740] {strides = array<i32>} : memref<16x1024xf32, #tpu.memory_space<vmem>>, vector<16xf32>,
          %add3A_742 = vector.broadcast %mul3A_655 : i32 to vector<16xi32>
          %add3A_743 = arith.addi %add3A_742, %add3A_66 : vector<16xi32>
          tpu.vector_store_idx %arg9[%add3A_743], %get3A_741 : memref<16384xf32, #tpu.memory_space<vmem>>[vector<16xi32>], vector<16xf32>,
          %mul3A_744 = arith.constant 16 : i32
          %mul3A_745 = arith.muli %scan3A_653, %mul3A_744 : i32
          %get3A_746 = arith.constant 11 : i32
          %get3A_747 = arith.index_cast %get3A_746 : i32 to index
          %get3A_748 = arith.index_cast %mul3A_745 : i32 to index
          %get3A_749 = tpu.vector_load %arg6[%get3A_747, %get3A_748] {strides = array<i32>} : memref<16x1024xf32, #tpu.memory_space<vmem>>, vector<16xf32>,
          %add3A_750 = vector.broadcast %mul3A_655 : i32 to vector<16xi32>
          %add3A_751 = arith.addi %add3A_750, %add3A_72 : vector<16xi32>
          tpu.vector_store_idx %arg9[%add3A_751], %get3A_749 : memref<16384xf32, #tpu.memory_space<vmem>>[vector<16xi32>], vector<16xf32>,
          %mul3A_752 = arith.constant 16 : i32
          %mul3A_753 = arith.muli %scan3A_653, %mul3A_752 : i32
          %get3A_754 = arith.constant 12 : i32
          %get3A_755 = arith.index_cast %get3A_754 : i32 to index
          %get3A_756 = arith.index_cast %mul3A_753 : i32 to index
          %get3A_757 = tpu.vector_load %arg6[%get3A_755, %get3A_756] {strides = array<i32>} : memref<16x1024xf32, #tpu.memory_space<vmem>>, vector<16xf32>,
          %add3A_758 = vector.broadcast %mul3A_655 : i32 to vector<16xi32>
          %add3A_759 = arith.addi %add3A_758, %add3A_78 : vector<16xi32>
          tpu.vector_store_idx %arg9[%add3A_759], %get3A_757 : memref<16384xf32, #tpu.memory_space<vmem>>[vector<16xi32>], vector<16xf32>,
          %mul3A_760 = arith.constant 16 : i32
          %mul3A_761 = arith.muli %scan3A_653, %mul3A_760 : i32
          %get3A_762 = arith.constant 13 : i32
          %get3A_763 = arith.index_cast %get3A_762 : i32 to index
          %get3A_764 = arith.index_cast %mul3A_761 : i32 to index
          %get3A_765 = tpu.vector_load %arg6[%get3A_763, %get3A_764] {strides = array<i32>} : memref<16x1024xf32, #tpu.memory_space<vmem>>, vector<16xf32>,
          %add3A_766 = vector.broadcast %mul3A_655 : i32 to vector<16xi32>
          %add3A_767 = arith.addi %add3A_766, %add3A_84 : vector<16xi32>
          tpu.vector_store_idx %arg9[%add3A_767], %get3A_765 : memref<16384xf32, #tpu.memory_space<vmem>>[vector<16xi32>], vector<16xf32>,
          %mul3A_768 = arith.constant 16 : i32
          %mul3A_769 = arith.muli %scan3A_653, %mul3A_768 : i32
          %get3A_770 = arith.constant 14 : i32
          %get3A_771 = arith.index_cast %get3A_770 : i32 to index
          %get3A_772 = arith.index_cast %mul3A_769 : i32 to index
          %get3A_773 = tpu.vector_load %arg6[%get3A_771, %get3A_772] {strides = array<i32>} : memref<16x1024xf32, #tpu.memory_space<vmem>>, vector<16xf32>,
          %add3A_774 = vector.broadcast %mul3A_655 : i32 to vector<16xi32>
          %add3A_775 = arith.addi %add3A_774, %add3A_90 : vector<16xi32>
          tpu.vector_store_idx %arg9[%add3A_775], %get3A_773 : memref<16384xf32, #tpu.memory_space<vmem>>[vector<16xi32>], vector<16xf32>,
          %mul3A_776 = arith.constant 16 : i32
          %mul3A_777 = arith.muli %scan3A_653, %mul3A_776 : i32
          %get3A_778 = arith.constant 15 : i32
          %get3A_779 = arith.index_cast %get3A_778 : i32 to index
          %get3A_780 = arith.index_cast %mul3A_777 : i32 to index
          %get3A_781 = tpu.vector_load %arg6[%get3A_779, %get3A_780] {strides = array<i32>} : memref<16x1024xf32, #tpu.memory_space<vmem>>, vector<16xf32>,
          %add3A_782 = vector.broadcast %mul3A_655 : i32 to vector<16xi32>
          %add3A_783 = arith.addi %add3A_782, %add3A_96 : vector<16xi32>
          tpu.vector_store_idx %arg9[%add3A_783], %get3A_781 : memref<16384xf32, #tpu.memory_space<vmem>>[vector<16xi32>], vector<16xf32>,
          %scan3A_784 = arith.constant 4 : i32
          %scan3A_785 = arith.addi %scan3A_258, %scan3A_784 : i32
          %mul3A_786 = arith.constant 256 : i32
          %mul3A_787 = arith.muli %scan3A_785, %mul3A_786 : i32
          %mul3A_788 = arith.constant 16 : i32
          %mul3A_789 = arith.muli %scan3A_785, %mul3A_788 : i32
          %get3A_790 = arith.constant 0 : i32
          %get3A_791 = arith.index_cast %get3A_790 : i32 to index
          %get3A_792 = arith.index_cast %mul3A_789 : i32 to index
          %get3A_793 = tpu.vector_load %arg6[%get3A_791, %get3A_792] {strides = array<i32>} : memref<16x1024xf32, #tpu.memory_space<vmem>>, vector<16xf32>,
          %add3A_794 = vector.broadcast %mul3A_787 : i32 to vector<16xi32>
          %add3A_795 = arith.addi %add3A_794, %add3A_6 : vector<16xi32>
          tpu.vector_store_idx %arg9[%add3A_795], %get3A_793 : memref<16384xf32, #tpu.memory_space<vmem>>[vector<16xi32>], vector<16xf32>,
          %mul3A_796 = arith.constant 16 : i32
          %mul3A_797 = arith.muli %scan3A_785, %mul3A_796 : i32
          %get3A_798 = arith.constant 1 : i32
          %get3A_799 = arith.index_cast %get3A_798 : i32 to index
          %get3A_800 = arith.index_cast %mul3A_797 : i32 to index
          %get3A_801 = tpu.vector_load %arg6[%get3A_799, %get3A_800] {strides = array<i32>} : memref<16x1024xf32, #tpu.memory_space<vmem>>, vector<16xf32>,
          %add3A_802 = vector.broadcast %mul3A_787 : i32 to vector<16xi32>
          %add3A_803 = arith.addi %add3A_802, %add3A_12 : vector<16xi32>
          tpu.vector_store_idx %arg9[%add3A_803], %get3A_801 : memref<16384xf32, #tpu.memory_space<vmem>>[vector<16xi32>], vector<16xf32>,
          %mul3A_804 = arith.constant 16 : i32
          %mul3A_805 = arith.muli %scan3A_785, %mul3A_804 : i32
          %get3A_806 = arith.constant 2 : i32
          %get3A_807 = arith.index_cast %get3A_806 : i32 to index
          %get3A_808 = arith.index_cast %mul3A_805 : i32 to index
          %get3A_809 = tpu.vector_load %arg6[%get3A_807, %get3A_808] {strides = array<i32>} : memref<16x1024xf32, #tpu.memory_space<vmem>>, vector<16xf32>,
          %add3A_810 = vector.broadcast %mul3A_787 : i32 to vector<16xi32>
          %add3A_811 = arith.addi %add3A_810, %add3A_18 : vector<16xi32>
          tpu.vector_store_idx %arg9[%add3A_811], %get3A_809 : memref<16384xf32, #tpu.memory_space<vmem>>[vector<16xi32>], vector<16xf32>,
          %mul3A_812 = arith.constant 16 : i32
          %mul3A_813 = arith.muli %scan3A_785, %mul3A_812 : i32
          %get3A_814 = arith.constant 3 : i32
          %get3A_815 = arith.index_cast %get3A_814 : i32 to index
          %get3A_816 = arith.index_cast %mul3A_813 : i32 to index
          %get3A_817 = tpu.vector_load %arg6[%get3A_815, %get3A_816] {strides = array<i32>} : memref<16x1024xf32, #tpu.memory_space<vmem>>, vector<16xf32>,
          %add3A_818 = vector.broadcast %mul3A_787 : i32 to vector<16xi32>
          %add3A_819 = arith.addi %add3A_818, %add3A_24 : vector<16xi32>
          tpu.vector_store_idx %arg9[%add3A_819], %get3A_817 : memref<16384xf32, #tpu.memory_space<vmem>>[vector<16xi32>], vector<16xf32>,
          %mul3A_820 = arith.constant 16 : i32
          %mul3A_821 = arith.muli %scan3A_785, %mul3A_820 : i32
          %get3A_822 = arith.constant 4 : i32
          %get3A_823 = arith.index_cast %get3A_822 : i32 to index
          %get3A_824 = arith.index_cast %mul3A_821 : i32 to index
          %get3A_825 = tpu.vector_load %arg6[%get3A_823, %get3A_824] {strides = array<i32>} : memref<16x1024xf32, #tpu.memory_space<vmem>>, vector<16xf32>,
          %add3A_826 = vector.broadcast %mul3A_787 : i32 to vector<16xi32>
          %add3A_827 = arith.addi %add3A_826, %add3A_30 : vector<16xi32>
          tpu.vector_store_idx %arg9[%add3A_827], %get3A_825 : memref<16384xf32, #tpu.memory_space<vmem>>[vector<16xi32>], vector<16xf32>,
          %mul3A_828 = arith.constant 16 : i32
          %mul3A_829 = arith.muli %scan3A_785, %mul3A_828 : i32
          %get3A_830 = arith.constant 5 : i32
          %get3A_831 = arith.index_cast %get3A_830 : i32 to index
          %get3A_832 = arith.index_cast %mul3A_829 : i32 to index
          %get3A_833 = tpu.vector_load %arg6[%get3A_831, %get3A_832] {strides = array<i32>} : memref<16x1024xf32, #tpu.memory_space<vmem>>, vector<16xf32>,
          %add3A_834 = vector.broadcast %mul3A_787 : i32 to vector<16xi32>
          %add3A_835 = arith.addi %add3A_834, %add3A_36 : vector<16xi32>
          tpu.vector_store_idx %arg9[%add3A_835], %get3A_833 : memref<16384xf32, #tpu.memory_space<vmem>>[vector<16xi32>], vector<16xf32>,
          %mul3A_836 = arith.constant 16 : i32
          %mul3A_837 = arith.muli %scan3A_785, %mul3A_836 : i32
          %get3A_838 = arith.constant 6 : i32
          %get3A_839 = arith.index_cast %get3A_838 : i32 to index
          %get3A_840 = arith.index_cast %mul3A_837 : i32 to index
          %get3A_841 = tpu.vector_load %arg6[%get3A_839, %get3A_840] {strides = array<i32>} : memref<16x1024xf32, #tpu.memory_space<vmem>>, vector<16xf32>,
          %add3A_842 = vector.broadcast %mul3A_787 : i32 to vector<16xi32>
          %add3A_843 = arith.addi %add3A_842, %add3A_42 : vector<16xi32>
          tpu.vector_store_idx %arg9[%add3A_843], %get3A_841 : memref<16384xf32, #tpu.memory_space<vmem>>[vector<16xi32>], vector<16xf32>,
          %mul3A_844 = arith.constant 16 : i32
          %mul3A_845 = arith.muli %scan3A_785, %mul3A_844 : i32
          %get3A_846 = arith.constant 7 : i32
          %get3A_847 = arith.index_cast %get3A_846 : i32 to index
          %get3A_848 = arith.index_cast %mul3A_845 : i32 to index
          %get3A_849 = tpu.vector_load %arg6[%get3A_847, %get3A_848] {strides = array<i32>} : memref<16x1024xf32, #tpu.memory_space<vmem>>, vector<16xf32>,
          %add3A_850 = vector.broadcast %mul3A_787 : i32 to vector<16xi32>
          %add3A_851 = arith.addi %add3A_850, %add3A_48 : vector<16xi32>
          tpu.vector_store_idx %arg9[%add3A_851], %get3A_849 : memref<16384xf32, #tpu.memory_space<vmem>>[vector<16xi32>], vector<16xf32>,
          %mul3A_852 = arith.constant 16 : i32
          %mul3A_853 = arith.muli %scan3A_785, %mul3A_852 : i32
          %get3A_854 = arith.constant 8 : i32
          %get3A_855 = arith.index_cast %get3A_854 : i32 to index
          %get3A_856 = arith.index_cast %mul3A_853 : i32 to index
          %get3A_857 = tpu.vector_load %arg6[%get3A_855, %get3A_856] {strides = array<i32>} : memref<16x1024xf32, #tpu.memory_space<vmem>>, vector<16xf32>,
          %add3A_858 = vector.broadcast %mul3A_787 : i32 to vector<16xi32>
          %add3A_859 = arith.addi %add3A_858, %add3A_54 : vector<16xi32>
          tpu.vector_store_idx %arg9[%add3A_859], %get3A_857 : memref<16384xf32, #tpu.memory_space<vmem>>[vector<16xi32>], vector<16xf32>,
          %mul3A_860 = arith.constant 16 : i32
          %mul3A_861 = arith.muli %scan3A_785, %mul3A_860 : i32
          %get3A_862 = arith.constant 9 : i32
          %get3A_863 = arith.index_cast %get3A_862 : i32 to index
          %get3A_864 = arith.index_cast %mul3A_861 : i32 to index
          %get3A_865 = tpu.vector_load %arg6[%get3A_863, %get3A_864] {strides = array<i32>} : memref<16x1024xf32, #tpu.memory_space<vmem>>, vector<16xf32>,
          %add3A_866 = vector.broadcast %mul3A_787 : i32 to vector<16xi32>
          %add3A_867 = arith.addi %add3A_866, %add3A_60 : vector<16xi32>
          tpu.vector_store_idx %arg9[%add3A_867], %get3A_865 : memref<16384xf32, #tpu.memory_space<vmem>>[vector<16xi32>], vector<16xf32>,
          %mul3A_868 = arith.constant 16 : i32
          %mul3A_869 = arith.muli %scan3A_785, %mul3A_868 : i32
          %get3A_870 = arith.constant 10 : i32
          %get3A_871 = arith.index_cast %get3A_870 : i32 to index
          %get3A_872 = arith.index_cast %mul3A_869 : i32 to index
          %get3A_873 = tpu.vector_load %arg6[%get3A_871, %get3A_872] {strides = array<i32>} : memref<16x1024xf32, #tpu.memory_space<vmem>>, vector<16xf32>,
          %add3A_874 = vector.broadcast %mul3A_787 : i32 to vector<16xi32>
          %add3A_875 = arith.addi %add3A_874, %add3A_66 : vector<16xi32>
          tpu.vector_store_idx %arg9[%add3A_875], %get3A_873 : memref<16384xf32, #tpu.memory_space<vmem>>[vector<16xi32>], vector<16xf32>,
          %mul3A_876 = arith.constant 16 : i32
          %mul3A_877 = arith.muli %scan3A_785, %mul3A_876 : i32
          %get3A_878 = arith.constant 11 : i32
          %get3A_879 = arith.index_cast %get3A_878 : i32 to index
          %get3A_880 = arith.index_cast %mul3A_877 : i32 to index
          %get3A_881 = tpu.vector_load %arg6[%get3A_879, %get3A_880] {strides = array<i32>} : memref<16x1024xf32, #tpu.memory_space<vmem>>, vector<16xf32>,
          %add3A_882 = vector.broadcast %mul3A_787 : i32 to vector<16xi32>
          %add3A_883 = arith.addi %add3A_882, %add3A_72 : vector<16xi32>
          tpu.vector_store_idx %arg9[%add3A_883], %get3A_881 : memref<16384xf32, #tpu.memory_space<vmem>>[vector<16xi32>], vector<16xf32>,
          %mul3A_884 = arith.constant 16 : i32
          %mul3A_885 = arith.muli %scan3A_785, %mul3A_884 : i32
          %get3A_886 = arith.constant 12 : i32
          %get3A_887 = arith.index_cast %get3A_886 : i32 to index
          %get3A_888 = arith.index_cast %mul3A_885 : i32 to index
          %get3A_889 = tpu.vector_load %arg6[%get3A_887, %get3A_888] {strides = array<i32>} : memref<16x1024xf32, #tpu.memory_space<vmem>>, vector<16xf32>,
          %add3A_890 = vector.broadcast %mul3A_787 : i32 to vector<16xi32>
          %add3A_891 = arith.addi %add3A_890, %add3A_78 : vector<16xi32>
          tpu.vector_store_idx %arg9[%add3A_891], %get3A_889 : memref<16384xf32, #tpu.memory_space<vmem>>[vector<16xi32>], vector<16xf32>,
          %mul3A_892 = arith.constant 16 : i32
          %mul3A_893 = arith.muli %scan3A_785, %mul3A_892 : i32
          %get3A_894 = arith.constant 13 : i32
          %get3A_895 = arith.index_cast %get3A_894 : i32 to index
          %get3A_896 = arith.index_cast %mul3A_893 : i32 to index
          %get3A_897 = tpu.vector_load %arg6[%get3A_895, %get3A_896] {strides = array<i32>} : memref<16x1024xf32, #tpu.memory_space<vmem>>, vector<16xf32>,
          %add3A_898 = vector.broadcast %mul3A_787 : i32 to vector<16xi32>
          %add3A_899 = arith.addi %add3A_898, %add3A_84 : vector<16xi32>
          tpu.vector_store_idx %arg9[%add3A_899], %get3A_897 : memref<16384xf32, #tpu.memory_space<vmem>>[vector<16xi32>], vector<16xf32>,
          %mul3A_900 = arith.constant 16 : i32
          %mul3A_901 = arith.muli %scan3A_785, %mul3A_900 : i32
          %get3A_902 = arith.constant 14 : i32
          %get3A_903 = arith.index_cast %get3A_902 : i32 to index
          %get3A_904 = arith.index_cast %mul3A_901 : i32 to index
          %get3A_905 = tpu.vector_load %arg6[%get3A_903, %get3A_904] {strides = array<i32>} : memref<16x1024xf32, #tpu.memory_space<vmem>>, vector<16xf32>,
          %add3A_906 = vector.broadcast %mul3A_787 : i32 to vector<16xi32>
          %add3A_907 = arith.addi %add3A_906, %add3A_90 : vector<16xi32>
          tpu.vector_store_idx %arg9[%add3A_907], %get3A_905 : memref<16384xf32, #tpu.memory_space<vmem>>[vector<16xi32>], vector<16xf32>,
          %mul3A_908 = arith.constant 16 : i32
          %mul3A_909 = arith.muli %scan3A_785, %mul3A_908 : i32
          %get3A_910 = arith.constant 15 : i32
          %get3A_911 = arith.index_cast %get3A_910 : i32 to index
          %get3A_912 = arith.index_cast %mul3A_909 : i32 to index
          %get3A_913 = tpu.vector_load %arg6[%get3A_911, %get3A_912] {strides = array<i32>} : memref<16x1024xf32, #tpu.memory_space<vmem>>, vector<16xf32>,
          %add3A_914 = vector.broadcast %mul3A_787 : i32 to vector<16xi32>
          %add3A_915 = arith.addi %add3A_914, %add3A_96 : vector<16xi32>
          tpu.vector_store_idx %arg9[%add3A_915], %get3A_913 : memref<16384xf32, #tpu.memory_space<vmem>>[vector<16xi32>], vector<16xf32>,
          %scan3A_916 = arith.constant 5 : i32
          %scan3A_917 = arith.addi %scan3A_258, %scan3A_916 : i32
          %mul3A_918 = arith.constant 256 : i32
          %mul3A_919 = arith.muli %scan3A_917, %mul3A_918 : i32
          %mul3A_920 = arith.constant 16 : i32
          %mul3A_921 = arith.muli %scan3A_917, %mul3A_920 : i32
          %get3A_922 = arith.constant 0 : i32
          %get3A_923 = arith.index_cast %get3A_922 : i32 to index
          %get3A_924 = arith.index_cast %mul3A_921 : i32 to index
          %get3A_925 = tpu.vector_load %arg6[%get3A_923, %get3A_924] {strides = array<i32>} : memref<16x1024xf32, #tpu.memory_space<vmem>>, vector<16xf32>,
          %add3A_926 = vector.broadcast %mul3A_919 : i32 to vector<16xi32>
          %add3A_927 = arith.addi %add3A_926, %add3A_6 : vector<16xi32>
          tpu.vector_store_idx %arg9[%add3A_927], %get3A_925 : memref<16384xf32, #tpu.memory_space<vmem>>[vector<16xi32>], vector<16xf32>,
          %mul3A_928 = arith.constant 16 : i32
          %mul3A_929 = arith.muli %scan3A_917, %mul3A_928 : i32
          %get3A_930 = arith.constant 1 : i32
          %get3A_931 = arith.index_cast %get3A_930 : i32 to index
          %get3A_932 = arith.index_cast %mul3A_929 : i32 to index
          %get3A_933 = tpu.vector_load %arg6[%get3A_931, %get3A_932] {strides = array<i32>} : memref<16x1024xf32, #tpu.memory_space<vmem>>, vector<16xf32>,
          %add3A_934 = vector.broadcast %mul3A_919 : i32 to vector<16xi32>
          %add3A_935 = arith.addi %add3A_934, %add3A_12 : vector<16xi32>
          tpu.vector_store_idx %arg9[%add3A_935], %get3A_933 : memref<16384xf32, #tpu.memory_space<vmem>>[vector<16xi32>], vector<16xf32>,
          %mul3A_936 = arith.constant 16 : i32
          %mul3A_937 = arith.muli %scan3A_917, %mul3A_936 : i32
          %get3A_938 = arith.constant 2 : i32
          %get3A_939 = arith.index_cast %get3A_938 : i32 to index
          %get3A_940 = arith.index_cast %mul3A_937 : i32 to index
          %get3A_941 = tpu.vector_load %arg6[%get3A_939, %get3A_940] {strides = array<i32>} : memref<16x1024xf32, #tpu.memory_space<vmem>>, vector<16xf32>,
          %add3A_942 = vector.broadcast %mul3A_919 : i32 to vector<16xi32>
          %add3A_943 = arith.addi %add3A_942, %add3A_18 : vector<16xi32>
          tpu.vector_store_idx %arg9[%add3A_943], %get3A_941 : memref<16384xf32, #tpu.memory_space<vmem>>[vector<16xi32>], vector<16xf32>,
          %mul3A_944 = arith.constant 16 : i32
          %mul3A_945 = arith.muli %scan3A_917, %mul3A_944 : i32
          %get3A_946 = arith.constant 3 : i32
          %get3A_947 = arith.index_cast %get3A_946 : i32 to index
          %get3A_948 = arith.index_cast %mul3A_945 : i32 to index
          %get3A_949 = tpu.vector_load %arg6[%get3A_947, %get3A_948] {strides = array<i32>} : memref<16x1024xf32, #tpu.memory_space<vmem>>, vector<16xf32>,
          %add3A_950 = vector.broadcast %mul3A_919 : i32 to vector<16xi32>
          %add3A_951 = arith.addi %add3A_950, %add3A_24 : vector<16xi32>
          tpu.vector_store_idx %arg9[%add3A_951], %get3A_949 : memref<16384xf32, #tpu.memory_space<vmem>>[vector<16xi32>], vector<16xf32>,
          %mul3A_952 = arith.constant 16 : i32
          %mul3A_953 = arith.muli %scan3A_917, %mul3A_952 : i32
          %get3A_954 = arith.constant 4 : i32
          %get3A_955 = arith.index_cast %get3A_954 : i32 to index
          %get3A_956 = arith.index_cast %mul3A_953 : i32 to index
          %get3A_957 = tpu.vector_load %arg6[%get3A_955, %get3A_956] {strides = array<i32>} : memref<16x1024xf32, #tpu.memory_space<vmem>>, vector<16xf32>,
          %add3A_958 = vector.broadcast %mul3A_919 : i32 to vector<16xi32>
          %add3A_959 = arith.addi %add3A_958, %add3A_30 : vector<16xi32>
          tpu.vector_store_idx %arg9[%add3A_959], %get3A_957 : memref<16384xf32, #tpu.memory_space<vmem>>[vector<16xi32>], vector<16xf32>,
          %mul3A_960 = arith.constant 16 : i32
          %mul3A_961 = arith.muli %scan3A_917, %mul3A_960 : i32
          %get3A_962 = arith.constant 5 : i32
          %get3A_963 = arith.index_cast %get3A_962 : i32 to index
          %get3A_964 = arith.index_cast %mul3A_961 : i32 to index
          %get3A_965 = tpu.vector_load %arg6[%get3A_963, %get3A_964] {strides = array<i32>} : memref<16x1024xf32, #tpu.memory_space<vmem>>, vector<16xf32>,
          %add3A_966 = vector.broadcast %mul3A_919 : i32 to vector<16xi32>
          %add3A_967 = arith.addi %add3A_966, %add3A_36 : vector<16xi32>
          tpu.vector_store_idx %arg9[%add3A_967], %get3A_965 : memref<16384xf32, #tpu.memory_space<vmem>>[vector<16xi32>], vector<16xf32>,
          %mul3A_968 = arith.constant 16 : i32
          %mul3A_969 = arith.muli %scan3A_917, %mul3A_968 : i32
          %get3A_970 = arith.constant 6 : i32
          %get3A_971 = arith.index_cast %get3A_970 : i32 to index
          %get3A_972 = arith.index_cast %mul3A_969 : i32 to index
          %get3A_973 = tpu.vector_load %arg6[%get3A_971, %get3A_972] {strides = array<i32>} : memref<16x1024xf32, #tpu.memory_space<vmem>>, vector<16xf32>,
          %add3A_974 = vector.broadcast %mul3A_919 : i32 to vector<16xi32>
          %add3A_975 = arith.addi %add3A_974, %add3A_42 : vector<16xi32>
          tpu.vector_store_idx %arg9[%add3A_975], %get3A_973 : memref<16384xf32, #tpu.memory_space<vmem>>[vector<16xi32>], vector<16xf32>,
          %mul3A_976 = arith.constant 16 : i32
          %mul3A_977 = arith.muli %scan3A_917, %mul3A_976 : i32
          %get3A_978 = arith.constant 7 : i32
          %get3A_979 = arith.index_cast %get3A_978 : i32 to index
          %get3A_980 = arith.index_cast %mul3A_977 : i32 to index
          %get3A_981 = tpu.vector_load %arg6[%get3A_979, %get3A_980] {strides = array<i32>} : memref<16x1024xf32, #tpu.memory_space<vmem>>, vector<16xf32>,
          %add3A_982 = vector.broadcast %mul3A_919 : i32 to vector<16xi32>
          %add3A_983 = arith.addi %add3A_982, %add3A_48 : vector<16xi32>
          tpu.vector_store_idx %arg9[%add3A_983], %get3A_981 : memref<16384xf32, #tpu.memory_space<vmem>>[vector<16xi32>], vector<16xf32>,
          %mul3A_984 = arith.constant 16 : i32
          %mul3A_985 = arith.muli %scan3A_917, %mul3A_984 : i32
          %get3A_986 = arith.constant 8 : i32
          %get3A_987 = arith.index_cast %get3A_986 : i32 to index
          %get3A_988 = arith.index_cast %mul3A_985 : i32 to index
          %get3A_989 = tpu.vector_load %arg6[%get3A_987, %get3A_988] {strides = array<i32>} : memref<16x1024xf32, #tpu.memory_space<vmem>>, vector<16xf32>,
          %add3A_990 = vector.broadcast %mul3A_919 : i32 to vector<16xi32>
          %add3A_991 = arith.addi %add3A_990, %add3A_54 : vector<16xi32>
          tpu.vector_store_idx %arg9[%add3A_991], %get3A_989 : memref<16384xf32, #tpu.memory_space<vmem>>[vector<16xi32>], vector<16xf32>,
          %mul3A_992 = arith.constant 16 : i32
          %mul3A_993 = arith.muli %scan3A_917, %mul3A_992 : i32
          %get3A_994 = arith.constant 9 : i32
          %get3A_995 = arith.index_cast %get3A_994 : i32 to index
          %get3A_996 = arith.index_cast %mul3A_993 : i32 to index
          %get3A_997 = tpu.vector_load %arg6[%get3A_995, %get3A_996] {strides = array<i32>} : memref<16x1024xf32, #tpu.memory_space<vmem>>, vector<16xf32>,
          %add3A_998 = vector.broadcast %mul3A_919 : i32 to vector<16xi32>
          %add3A_999 = arith.addi %add3A_998, %add3A_60 : vector<16xi32>
          tpu.vector_store_idx %arg9[%add3A_999], %get3A_997 : memref<16384xf32, #tpu.memory_space<vmem>>[vector<16xi32>], vector<16xf32>,
          %mul3A_1000 = arith.constant 16 : i32
          %mul3A_1001 = arith.muli %scan3A_917, %mul3A_1000 : i32
          %get3A_1002 = arith.constant 10 : i32
          %get3A_1003 = arith.index_cast %get3A_1002 : i32 to index
          %get3A_1004 = arith.index_cast %mul3A_1001 : i32 to index
          %get3A_1005 = tpu.vector_load %arg6[%get3A_1003, %get3A_1004] {strides = array<i32>} : memref<16x1024xf32, #tpu.memory_space<vmem>>, vector<16xf32>,
          %add3A_1006 = vector.broadcast %mul3A_919 : i32 to vector<16xi32>
          %add3A_1007 = arith.addi %add3A_1006, %add3A_66 : vector<16xi32>
          tpu.vector_store_idx %arg9[%add3A_1007], %get3A_1005 : memref<16384xf32, #tpu.memory_space<vmem>>[vector<16xi32>], vector<16xf32>,
          %mul3A_1008 = arith.constant 16 : i32
          %mul3A_1009 = arith.muli %scan3A_917, %mul3A_1008 : i32
          %get3A_1010 = arith.constant 11 : i32
          %get3A_1011 = arith.index_cast %get3A_1010 : i32 to index
          %get3A_1012 = arith.index_cast %mul3A_1009 : i32 to index
          %get3A_1013 = tpu.vector_load %arg6[%get3A_1011, %get3A_1012] {strides = array<i32>} : memref<16x1024xf32, #tpu.memory_space<vmem>>, vector<16xf32>,
          %add3A_1014 = vector.broadcast %mul3A_919 : i32 to vector<16xi32>
          %add3A_1015 = arith.addi %add3A_1014, %add3A_72 : vector<16xi32>
          tpu.vector_store_idx %arg9[%add3A_1015], %get3A_1013 : memref<16384xf32, #tpu.memory_space<vmem>>[vector<16xi32>], vector<16xf32>,
          %mul3A_1016 = arith.constant 16 : i32
          %mul3A_1017 = arith.muli %scan3A_917, %mul3A_1016 : i32
          %get3A_1018 = arith.constant 12 : i32
          %get3A_1019 = arith.index_cast %get3A_1018 : i32 to index
          %get3A_1020 = arith.index_cast %mul3A_1017 : i32 to index
          %get3A_1021 = tpu.vector_load %arg6[%get3A_1019, %get3A_1020] {strides = array<i32>} : memref<16x1024xf32, #tpu.memory_space<vmem>>, vector<16xf32>,
          %add3A_1022 = vector.broadcast %mul3A_919 : i32 to vector<16xi32>
          %add3A_1023 = arith.addi %add3A_1022, %add3A_78 : vector<16xi32>
          tpu.vector_store_idx %arg9[%add3A_1023], %get3A_1021 : memref<16384xf32, #tpu.memory_space<vmem>>[vector<16xi32>], vector<16xf32>,
          %mul3A_1024 = arith.constant 16 : i32
          %mul3A_1025 = arith.muli %scan3A_917, %mul3A_1024 : i32
          %get3A_1026 = arith.constant 13 : i32
          %get3A_1027 = arith.index_cast %get3A_1026 : i32 to index
          %get3A_1028 = arith.index_cast %mul3A_1025 : i32 to index
          %get3A_1029 = tpu.vector_load %arg6[%get3A_1027, %get3A_1028] {strides = array<i32>} : memref<16x1024xf32, #tpu.memory_space<vmem>>, vector<16xf32>,
          %add3A_1030 = vector.broadcast %mul3A_919 : i32 to vector<16xi32>
          %add3A_1031 = arith.addi %add3A_1030, %add3A_84 : vector<16xi32>
          tpu.vector_store_idx %arg9[%add3A_1031], %get3A_1029 : memref<16384xf32, #tpu.memory_space<vmem>>[vector<16xi32>], vector<16xf32>,
          %mul3A_1032 = arith.constant 16 : i32
          %mul3A_1033 = arith.muli %scan3A_917, %mul3A_1032 : i32
          %get3A_1034 = arith.constant 14 : i32
          %get3A_1035 = arith.index_cast %get3A_1034 : i32 to index
          %get3A_1036 = arith.index_cast %mul3A_1033 : i32 to index
          %get3A_1037 = tpu.vector_load %arg6[%get3A_1035, %get3A_1036] {strides = array<i32>} : memref<16x1024xf32, #tpu.memory_space<vmem>>, vector<16xf32>,
          %add3A_1038 = vector.broadcast %mul3A_919 : i32 to vector<16xi32>
          %add3A_1039 = arith.addi %add3A_1038, %add3A_90 : vector<16xi32>
          tpu.vector_store_idx %arg9[%add3A_1039], %get3A_1037 : memref<16384xf32, #tpu.memory_space<vmem>>[vector<16xi32>], vector<16xf32>,
          %mul3A_1040 = arith.constant 16 : i32
          %mul3A_1041 = arith.muli %scan3A_917, %mul3A_1040 : i32
          %get3A_1042 = arith.constant 15 : i32
          %get3A_1043 = arith.index_cast %get3A_1042 : i32 to index
          %get3A_1044 = arith.index_cast %mul3A_1041 : i32 to index
          %get3A_1045 = tpu.vector_load %arg6[%get3A_1043, %get3A_1044] {strides = array<i32>} : memref<16x1024xf32, #tpu.memory_space<vmem>>, vector<16xf32>,
          %add3A_1046 = vector.broadcast %mul3A_919 : i32 to vector<16xi32>
          %add3A_1047 = arith.addi %add3A_1046, %add3A_96 : vector<16xi32>
          tpu.vector_store_idx %arg9[%add3A_1047], %get3A_1045 : memref<16384xf32, #tpu.memory_space<vmem>>[vector<16xi32>], vector<16xf32>,
          %scan3A_1048 = arith.constant 6 : i32
          %scan3A_1049 = arith.addi %scan3A_258, %scan3A_1048 : i32
          %mul3A_1050 = arith.constant 256 : i32
          %mul3A_1051 = arith.muli %scan3A_1049, %mul3A_1050 : i32
          %mul3A_1052 = arith.constant 16 : i32
          %mul3A_1053 = arith.muli %scan3A_1049, %mul3A_1052 : i32
          %get3A_1054 = arith.constant 0 : i32
          %get3A_1055 = arith.index_cast %get3A_1054 : i32 to index
          %get3A_1056 = arith.index_cast %mul3A_1053 : i32 to index
          %get3A_1057 = tpu.vector_load %arg6[%get3A_1055, %get3A_1056] {strides = array<i32>} : memref<16x1024xf32, #tpu.memory_space<vmem>>, vector<16xf32>,
          %add3A_1058 = vector.broadcast %mul3A_1051 : i32 to vector<16xi32>
          %add3A_1059 = arith.addi %add3A_1058, %add3A_6 : vector<16xi32>
          tpu.vector_store_idx %arg9[%add3A_1059], %get3A_1057 : memref<16384xf32, #tpu.memory_space<vmem>>[vector<16xi32>], vector<16xf32>,
          %mul3A_1060 = arith.constant 16 : i32
          %mul3A_1061 = arith.muli %scan3A_1049, %mul3A_1060 : i32
          %get3A_1062 = arith.constant 1 : i32
          %get3A_1063 = arith.index_cast %get3A_1062 : i32 to index
          %get3A_1064 = arith.index_cast %mul3A_1061 : i32 to index
          %get3A_1065 = tpu.vector_load %arg6[%get3A_1063, %get3A_1064] {strides = array<i32>} : memref<16x1024xf32, #tpu.memory_space<vmem>>, vector<16xf32>,
          %add3A_1066 = vector.broadcast %mul3A_1051 : i32 to vector<16xi32>
          %add3A_1067 = arith.addi %add3A_1066, %add3A_12 : vector<16xi32>
          tpu.vector_store_idx %arg9[%add3A_1067], %get3A_1065 : memref<16384xf32, #tpu.memory_space<vmem>>[vector<16xi32>], vector<16xf32>,
          %mul3A_1068 = arith.constant 16 : i32
          %mul3A_1069 = arith.muli %scan3A_1049, %mul3A_1068 : i32
          %get3A_1070 = arith.constant 2 : i32
          %get3A_1071 = arith.index_cast %get3A_1070 : i32 to index
          %get3A_1072 = arith.index_cast %mul3A_1069 : i32 to index
          %get3A_1073 = tpu.vector_load %arg6[%get3A_1071, %get3A_1072] {strides = array<i32>} : memref<16x1024xf32, #tpu.memory_space<vmem>>, vector<16xf32>,
          %add3A_1074 = vector.broadcast %mul3A_1051 : i32 to vector<16xi32>
          %add3A_1075 = arith.addi %add3A_1074, %add3A_18 : vector<16xi32>
          tpu.vector_store_idx %arg9[%add3A_1075], %get3A_1073 : memref<16384xf32, #tpu.memory_space<vmem>>[vector<16xi32>], vector<16xf32>,
          %mul3A_1076 = arith.constant 16 : i32
          %mul3A_1077 = arith.muli %scan3A_1049, %mul3A_1076 : i32
          %get3A_1078 = arith.constant 3 : i32
          %get3A_1079 = arith.index_cast %get3A_1078 : i32 to index
          %get3A_1080 = arith.index_cast %mul3A_1077 : i32 to index
          %get3A_1081 = tpu.vector_load %arg6[%get3A_1079, %get3A_1080] {strides = array<i32>} : memref<16x1024xf32, #tpu.memory_space<vmem>>, vector<16xf32>,
          %add3A_1082 = vector.broadcast %mul3A_1051 : i32 to vector<16xi32>
          %add3A_1083 = arith.addi %add3A_1082, %add3A_24 : vector<16xi32>
          tpu.vector_store_idx %arg9[%add3A_1083], %get3A_1081 : memref<16384xf32, #tpu.memory_space<vmem>>[vector<16xi32>], vector<16xf32>,
          %mul3A_1084 = arith.constant 16 : i32
          %mul3A_1085 = arith.muli %scan3A_1049, %mul3A_1084 : i32
          %get3A_1086 = arith.constant 4 : i32
          %get3A_1087 = arith.index_cast %get3A_1086 : i32 to index
          %get3A_1088 = arith.index_cast %mul3A_1085 : i32 to index
          %get3A_1089 = tpu.vector_load %arg6[%get3A_1087, %get3A_1088] {strides = array<i32>} : memref<16x1024xf32, #tpu.memory_space<vmem>>, vector<16xf32>,
          %add3A_1090 = vector.broadcast %mul3A_1051 : i32 to vector<16xi32>
          %add3A_1091 = arith.addi %add3A_1090, %add3A_30 : vector<16xi32>
          tpu.vector_store_idx %arg9[%add3A_1091], %get3A_1089 : memref<16384xf32, #tpu.memory_space<vmem>>[vector<16xi32>], vector<16xf32>,
          %mul3A_1092 = arith.constant 16 : i32
          %mul3A_1093 = arith.muli %scan3A_1049, %mul3A_1092 : i32
          %get3A_1094 = arith.constant 5 : i32
          %get3A_1095 = arith.index_cast %get3A_1094 : i32 to index
          %get3A_1096 = arith.index_cast %mul3A_1093 : i32 to index
          %get3A_1097 = tpu.vector_load %arg6[%get3A_1095, %get3A_1096] {strides = array<i32>} : memref<16x1024xf32, #tpu.memory_space<vmem>>, vector<16xf32>,
          %add3A_1098 = vector.broadcast %mul3A_1051 : i32 to vector<16xi32>
          %add3A_1099 = arith.addi %add3A_1098, %add3A_36 : vector<16xi32>
          tpu.vector_store_idx %arg9[%add3A_1099], %get3A_1097 : memref<16384xf32, #tpu.memory_space<vmem>>[vector<16xi32>], vector<16xf32>,
          %mul3A_1100 = arith.constant 16 : i32
          %mul3A_1101 = arith.muli %scan3A_1049, %mul3A_1100 : i32
          %get3A_1102 = arith.constant 6 : i32
          %get3A_1103 = arith.index_cast %get3A_1102 : i32 to index
          %get3A_1104 = arith.index_cast %mul3A_1101 : i32 to index
          %get3A_1105 = tpu.vector_load %arg6[%get3A_1103, %get3A_1104] {strides = array<i32>} : memref<16x1024xf32, #tpu.memory_space<vmem>>, vector<16xf32>,
          %add3A_1106 = vector.broadcast %mul3A_1051 : i32 to vector<16xi32>
          %add3A_1107 = arith.addi %add3A_1106, %add3A_42 : vector<16xi32>
          tpu.vector_store_idx %arg9[%add3A_1107], %get3A_1105 : memref<16384xf32, #tpu.memory_space<vmem>>[vector<16xi32>], vector<16xf32>,
          %mul3A_1108 = arith.constant 16 : i32
          %mul3A_1109 = arith.muli %scan3A_1049, %mul3A_1108 : i32
          %get3A_1110 = arith.constant 7 : i32
          %get3A_1111 = arith.index_cast %get3A_1110 : i32 to index
          %get3A_1112 = arith.index_cast %mul3A_1109 : i32 to index
          %get3A_1113 = tpu.vector_load %arg6[%get3A_1111, %get3A_1112] {strides = array<i32>} : memref<16x1024xf32, #tpu.memory_space<vmem>>, vector<16xf32>,
          %add3A_1114 = vector.broadcast %mul3A_1051 : i32 to vector<16xi32>
          %add3A_1115 = arith.addi %add3A_1114, %add3A_48 : vector<16xi32>
          tpu.vector_store_idx %arg9[%add3A_1115], %get3A_1113 : memref<16384xf32, #tpu.memory_space<vmem>>[vector<16xi32>], vector<16xf32>,
          %mul3A_1116 = arith.constant 16 : i32
          %mul3A_1117 = arith.muli %scan3A_1049, %mul3A_1116 : i32
          %get3A_1118 = arith.constant 8 : i32
          %get3A_1119 = arith.index_cast %get3A_1118 : i32 to index
          %get3A_1120 = arith.index_cast %mul3A_1117 : i32 to index
          %get3A_1121 = tpu.vector_load %arg6[%get3A_1119, %get3A_1120] {strides = array<i32>} : memref<16x1024xf32, #tpu.memory_space<vmem>>, vector<16xf32>,
          %add3A_1122 = vector.broadcast %mul3A_1051 : i32 to vector<16xi32>
          %add3A_1123 = arith.addi %add3A_1122, %add3A_54 : vector<16xi32>
          tpu.vector_store_idx %arg9[%add3A_1123], %get3A_1121 : memref<16384xf32, #tpu.memory_space<vmem>>[vector<16xi32>], vector<16xf32>,
          %mul3A_1124 = arith.constant 16 : i32
          %mul3A_1125 = arith.muli %scan3A_1049, %mul3A_1124 : i32
          %get3A_1126 = arith.constant 9 : i32
          %get3A_1127 = arith.index_cast %get3A_1126 : i32 to index
          %get3A_1128 = arith.index_cast %mul3A_1125 : i32 to index
          %get3A_1129 = tpu.vector_load %arg6[%get3A_1127, %get3A_1128] {strides = array<i32>} : memref<16x1024xf32, #tpu.memory_space<vmem>>, vector<16xf32>,
          %add3A_1130 = vector.broadcast %mul3A_1051 : i32 to vector<16xi32>
          %add3A_1131 = arith.addi %add3A_1130, %add3A_60 : vector<16xi32>
          tpu.vector_store_idx %arg9[%add3A_1131], %get3A_1129 : memref<16384xf32, #tpu.memory_space<vmem>>[vector<16xi32>], vector<16xf32>,
          %mul3A_1132 = arith.constant 16 : i32
          %mul3A_1133 = arith.muli %scan3A_1049, %mul3A_1132 : i32
          %get3A_1134 = arith.constant 10 : i32
          %get3A_1135 = arith.index_cast %get3A_1134 : i32 to index
          %get3A_1136 = arith.index_cast %mul3A_1133 : i32 to index
          %get3A_1137 = tpu.vector_load %arg6[%get3A_1135, %get3A_1136] {strides = array<i32>} : memref<16x1024xf32, #tpu.memory_space<vmem>>, vector<16xf32>,
          %add3A_1138 = vector.broadcast %mul3A_1051 : i32 to vector<16xi32>
          %add3A_1139 = arith.addi %add3A_1138, %add3A_66 : vector<16xi32>
          tpu.vector_store_idx %arg9[%add3A_1139], %get3A_1137 : memref<16384xf32, #tpu.memory_space<vmem>>[vector<16xi32>], vector<16xf32>,
          %mul3A_1140 = arith.constant 16 : i32
          %mul3A_1141 = arith.muli %scan3A_1049, %mul3A_1140 : i32
          %get3A_1142 = arith.constant 11 : i32
          %get3A_1143 = arith.index_cast %get3A_1142 : i32 to index
          %get3A_1144 = arith.index_cast %mul3A_1141 : i32 to index
          %get3A_1145 = tpu.vector_load %arg6[%get3A_1143, %get3A_1144] {strides = array<i32>} : memref<16x1024xf32, #tpu.memory_space<vmem>>, vector<16xf32>,
          %add3A_1146 = vector.broadcast %mul3A_1051 : i32 to vector<16xi32>
          %add3A_1147 = arith.addi %add3A_1146, %add3A_72 : vector<16xi32>
          tpu.vector_store_idx %arg9[%add3A_1147], %get3A_1145 : memref<16384xf32, #tpu.memory_space<vmem>>[vector<16xi32>], vector<16xf32>,
          %mul3A_1148 = arith.constant 16 : i32
          %mul3A_1149 = arith.muli %scan3A_1049, %mul3A_1148 : i32
          %get3A_1150 = arith.constant 12 : i32
          %get3A_1151 = arith.index_cast %get3A_1150 : i32 to index
          %get3A_1152 = arith.index_cast %mul3A_1149 : i32 to index
          %get3A_1153 = tpu.vector_load %arg6[%get3A_1151, %get3A_1152] {strides = array<i32>} : memref<16x1024xf32, #tpu.memory_space<vmem>>, vector<16xf32>,
          %add3A_1154 = vector.broadcast %mul3A_1051 : i32 to vector<16xi32>
          %add3A_1155 = arith.addi %add3A_1154, %add3A_78 : vector<16xi32>
          tpu.vector_store_idx %arg9[%add3A_1155], %get3A_1153 : memref<16384xf32, #tpu.memory_space<vmem>>[vector<16xi32>], vector<16xf32>,
          %mul3A_1156 = arith.constant 16 : i32
          %mul3A_1157 = arith.muli %scan3A_1049, %mul3A_1156 : i32
          %get3A_1158 = arith.constant 13 : i32
          %get3A_1159 = arith.index_cast %get3A_1158 : i32 to index
          %get3A_1160 = arith.index_cast %mul3A_1157 : i32 to index
          %get3A_1161 = tpu.vector_load %arg6[%get3A_1159, %get3A_1160] {strides = array<i32>} : memref<16x1024xf32, #tpu.memory_space<vmem>>, vector<16xf32>,
          %add3A_1162 = vector.broadcast %mul3A_1051 : i32 to vector<16xi32>
          %add3A_1163 = arith.addi %add3A_1162, %add3A_84 : vector<16xi32>
          tpu.vector_store_idx %arg9[%add3A_1163], %get3A_1161 : memref<16384xf32, #tpu.memory_space<vmem>>[vector<16xi32>], vector<16xf32>,
          %mul3A_1164 = arith.constant 16 : i32
          %mul3A_1165 = arith.muli %scan3A_1049, %mul3A_1164 : i32
          %get3A_1166 = arith.constant 14 : i32
          %get3A_1167 = arith.index_cast %get3A_1166 : i32 to index
          %get3A_1168 = arith.index_cast %mul3A_1165 : i32 to index
          %get3A_1169 = tpu.vector_load %arg6[%get3A_1167, %get3A_1168] {strides = array<i32>} : memref<16x1024xf32, #tpu.memory_space<vmem>>, vector<16xf32>,
          %add3A_1170 = vector.broadcast %mul3A_1051 : i32 to vector<16xi32>
          %add3A_1171 = arith.addi %add3A_1170, %add3A_90 : vector<16xi32>
          tpu.vector_store_idx %arg9[%add3A_1171], %get3A_1169 : memref<16384xf32, #tpu.memory_space<vmem>>[vector<16xi32>], vector<16xf32>,
          %mul3A_1172 = arith.constant 16 : i32
          %mul3A_1173 = arith.muli %scan3A_1049, %mul3A_1172 : i32
          %get3A_1174 = arith.constant 15 : i32
          %get3A_1175 = arith.index_cast %get3A_1174 : i32 to index
          %get3A_1176 = arith.index_cast %mul3A_1173 : i32 to index
          %get3A_1177 = tpu.vector_load %arg6[%get3A_1175, %get3A_1176] {strides = array<i32>} : memref<16x1024xf32, #tpu.memory_space<vmem>>, vector<16xf32>,
          %add3A_1178 = vector.broadcast %mul3A_1051 : i32 to vector<16xi32>
          %add3A_1179 = arith.addi %add3A_1178, %add3A_96 : vector<16xi32>
          tpu.vector_store_idx %arg9[%add3A_1179], %get3A_1177 : memref<16384xf32, #tpu.memory_space<vmem>>[vector<16xi32>], vector<16xf32>,
          %scan3A_1180 = arith.constant 7 : i32
          %scan3A_1181 = arith.addi %scan3A_258, %scan3A_1180 : i32
          %mul3A_1182 = arith.constant 256 : i32
          %mul3A_1183 = arith.muli %scan3A_1181, %mul3A_1182 : i32
          %mul3A_1184 = arith.constant 16 : i32
          %mul3A_1185 = arith.muli %scan3A_1181, %mul3A_1184 : i32
          %get3A_1186 = arith.constant 0 : i32
          %get3A_1187 = arith.index_cast %get3A_1186 : i32 to index
          %get3A_1188 = arith.index_cast %mul3A_1185 : i32 to index
          %get3A_1189 = tpu.vector_load %arg6[%get3A_1187, %get3A_1188] {strides = array<i32>} : memref<16x1024xf32, #tpu.memory_space<vmem>>, vector<16xf32>,
          %add3A_1190 = vector.broadcast %mul3A_1183 : i32 to vector<16xi32>
          %add3A_1191 = arith.addi %add3A_1190, %add3A_6 : vector<16xi32>
          tpu.vector_store_idx %arg9[%add3A_1191], %get3A_1189 : memref<16384xf32, #tpu.memory_space<vmem>>[vector<16xi32>], vector<16xf32>,
          %mul3A_1192 = arith.constant 16 : i32
          %mul3A_1193 = arith.muli %scan3A_1181, %mul3A_1192 : i32
          %get3A_1194 = arith.constant 1 : i32
          %get3A_1195 = arith.index_cast %get3A_1194 : i32 to index
          %get3A_1196 = arith.index_cast %mul3A_1193 : i32 to index
          %get3A_1197 = tpu.vector_load %arg6[%get3A_1195, %get3A_1196] {strides = array<i32>} : memref<16x1024xf32, #tpu.memory_space<vmem>>, vector<16xf32>,
          %add3A_1198 = vector.broadcast %mul3A_1183 : i32 to vector<16xi32>
          %add3A_1199 = arith.addi %add3A_1198, %add3A_12 : vector<16xi32>
          tpu.vector_store_idx %arg9[%add3A_1199], %get3A_1197 : memref<16384xf32, #tpu.memory_space<vmem>>[vector<16xi32>], vector<16xf32>,
          %mul3A_1200 = arith.constant 16 : i32
          %mul3A_1201 = arith.muli %scan3A_1181, %mul3A_1200 : i32
          %get3A_1202 = arith.constant 2 : i32
          %get3A_1203 = arith.index_cast %get3A_1202 : i32 to index
          %get3A_1204 = arith.index_cast %mul3A_1201 : i32 to index
          %get3A_1205 = tpu.vector_load %arg6[%get3A_1203, %get3A_1204] {strides = array<i32>} : memref<16x1024xf32, #tpu.memory_space<vmem>>, vector<16xf32>,
          %add3A_1206 = vector.broadcast %mul3A_1183 : i32 to vector<16xi32>
          %add3A_1207 = arith.addi %add3A_1206, %add3A_18 : vector<16xi32>
          tpu.vector_store_idx %arg9[%add3A_1207], %get3A_1205 : memref<16384xf32, #tpu.memory_space<vmem>>[vector<16xi32>], vector<16xf32>,
          %mul3A_1208 = arith.constant 16 : i32
          %mul3A_1209 = arith.muli %scan3A_1181, %mul3A_1208 : i32
          %get3A_1210 = arith.constant 3 : i32
          %get3A_1211 = arith.index_cast %get3A_1210 : i32 to index
          %get3A_1212 = arith.index_cast %mul3A_1209 : i32 to index
          %get3A_1213 = tpu.vector_load %arg6[%get3A_1211, %get3A_1212] {strides = array<i32>} : memref<16x1024xf32, #tpu.memory_space<vmem>>, vector<16xf32>,
          %add3A_1214 = vector.broadcast %mul3A_1183 : i32 to vector<16xi32>
          %add3A_1215 = arith.addi %add3A_1214, %add3A_24 : vector<16xi32>
          tpu.vector_store_idx %arg9[%add3A_1215], %get3A_1213 : memref<16384xf32, #tpu.memory_space<vmem>>[vector<16xi32>], vector<16xf32>,
          %mul3A_1216 = arith.constant 16 : i32
          %mul3A_1217 = arith.muli %scan3A_1181, %mul3A_1216 : i32
          %get3A_1218 = arith.constant 4 : i32
          %get3A_1219 = arith.index_cast %get3A_1218 : i32 to index
          %get3A_1220 = arith.index_cast %mul3A_1217 : i32 to index
          %get3A_1221 = tpu.vector_load %arg6[%get3A_1219, %get3A_1220] {strides = array<i32>} : memref<16x1024xf32, #tpu.memory_space<vmem>>, vector<16xf32>,
          %add3A_1222 = vector.broadcast %mul3A_1183 : i32 to vector<16xi32>
          %add3A_1223 = arith.addi %add3A_1222, %add3A_30 : vector<16xi32>
          tpu.vector_store_idx %arg9[%add3A_1223], %get3A_1221 : memref<16384xf32, #tpu.memory_space<vmem>>[vector<16xi32>], vector<16xf32>,
          %mul3A_1224 = arith.constant 16 : i32
          %mul3A_1225 = arith.muli %scan3A_1181, %mul3A_1224 : i32
          %get3A_1226 = arith.constant 5 : i32
          %get3A_1227 = arith.index_cast %get3A_1226 : i32 to index
          %get3A_1228 = arith.index_cast %mul3A_1225 : i32 to index
          %get3A_1229 = tpu.vector_load %arg6[%get3A_1227, %get3A_1228] {strides = array<i32>} : memref<16x1024xf32, #tpu.memory_space<vmem>>, vector<16xf32>,
          %add3A_1230 = vector.broadcast %mul3A_1183 : i32 to vector<16xi32>
          %add3A_1231 = arith.addi %add3A_1230, %add3A_36 : vector<16xi32>
          tpu.vector_store_idx %arg9[%add3A_1231], %get3A_1229 : memref<16384xf32, #tpu.memory_space<vmem>>[vector<16xi32>], vector<16xf32>,
          %mul3A_1232 = arith.constant 16 : i32
          %mul3A_1233 = arith.muli %scan3A_1181, %mul3A_1232 : i32
          %get3A_1234 = arith.constant 6 : i32
          %get3A_1235 = arith.index_cast %get3A_1234 : i32 to index
          %get3A_1236 = arith.index_cast %mul3A_1233 : i32 to index
          %get3A_1237 = tpu.vector_load %arg6[%get3A_1235, %get3A_1236] {strides = array<i32>} : memref<16x1024xf32, #tpu.memory_space<vmem>>, vector<16xf32>,
          %add3A_1238 = vector.broadcast %mul3A_1183 : i32 to vector<16xi32>
          %add3A_1239 = arith.addi %add3A_1238, %add3A_42 : vector<16xi32>
          tpu.vector_store_idx %arg9[%add3A_1239], %get3A_1237 : memref<16384xf32, #tpu.memory_space<vmem>>[vector<16xi32>], vector<16xf32>,
          %mul3A_1240 = arith.constant 16 : i32
          %mul3A_1241 = arith.muli %scan3A_1181, %mul3A_1240 : i32
          %get3A_1242 = arith.constant 7 : i32
          %get3A_1243 = arith.index_cast %get3A_1242 : i32 to index
          %get3A_1244 = arith.index_cast %mul3A_1241 : i32 to index
          %get3A_1245 = tpu.vector_load %arg6[%get3A_1243, %get3A_1244] {strides = array<i32>} : memref<16x1024xf32, #tpu.memory_space<vmem>>, vector<16xf32>,
          %add3A_1246 = vector.broadcast %mul3A_1183 : i32 to vector<16xi32>
          %add3A_1247 = arith.addi %add3A_1246, %add3A_48 : vector<16xi32>
          tpu.vector_store_idx %arg9[%add3A_1247], %get3A_1245 : memref<16384xf32, #tpu.memory_space<vmem>>[vector<16xi32>], vector<16xf32>,
          %mul3A_1248 = arith.constant 16 : i32
          %mul3A_1249 = arith.muli %scan3A_1181, %mul3A_1248 : i32
          %get3A_1250 = arith.constant 8 : i32
          %get3A_1251 = arith.index_cast %get3A_1250 : i32 to index
          %get3A_1252 = arith.index_cast %mul3A_1249 : i32 to index
          %get3A_1253 = tpu.vector_load %arg6[%get3A_1251, %get3A_1252] {strides = array<i32>} : memref<16x1024xf32, #tpu.memory_space<vmem>>, vector<16xf32>,
          %add3A_1254 = vector.broadcast %mul3A_1183 : i32 to vector<16xi32>
          %add3A_1255 = arith.addi %add3A_1254, %add3A_54 : vector<16xi32>
          tpu.vector_store_idx %arg9[%add3A_1255], %get3A_1253 : memref<16384xf32, #tpu.memory_space<vmem>>[vector<16xi32>], vector<16xf32>,
          %mul3A_1256 = arith.constant 16 : i32
          %mul3A_1257 = arith.muli %scan3A_1181, %mul3A_1256 : i32
          %get3A_1258 = arith.constant 9 : i32
          %get3A_1259 = arith.index_cast %get3A_1258 : i32 to index
          %get3A_1260 = arith.index_cast %mul3A_1257 : i32 to index
          %get3A_1261 = tpu.vector_load %arg6[%get3A_1259, %get3A_1260] {strides = array<i32>} : memref<16x1024xf32, #tpu.memory_space<vmem>>, vector<16xf32>,
          %add3A_1262 = vector.broadcast %mul3A_1183 : i32 to vector<16xi32>
          %add3A_1263 = arith.addi %add3A_1262, %add3A_60 : vector<16xi32>
          tpu.vector_store_idx %arg9[%add3A_1263], %get3A_1261 : memref<16384xf32, #tpu.memory_space<vmem>>[vector<16xi32>], vector<16xf32>,
          %mul3A_1264 = arith.constant 16 : i32
          %mul3A_1265 = arith.muli %scan3A_1181, %mul3A_1264 : i32
          %get3A_1266 = arith.constant 10 : i32
          %get3A_1267 = arith.index_cast %get3A_1266 : i32 to index
          %get3A_1268 = arith.index_cast %mul3A_1265 : i32 to index
          %get3A_1269 = tpu.vector_load %arg6[%get3A_1267, %get3A_1268] {strides = array<i32>} : memref<16x1024xf32, #tpu.memory_space<vmem>>, vector<16xf32>,
          %add3A_1270 = vector.broadcast %mul3A_1183 : i32 to vector<16xi32>
          %add3A_1271 = arith.addi %add3A_1270, %add3A_66 : vector<16xi32>
          tpu.vector_store_idx %arg9[%add3A_1271], %get3A_1269 : memref<16384xf32, #tpu.memory_space<vmem>>[vector<16xi32>], vector<16xf32>,
          %mul3A_1272 = arith.constant 16 : i32
          %mul3A_1273 = arith.muli %scan3A_1181, %mul3A_1272 : i32
          %get3A_1274 = arith.constant 11 : i32
          %get3A_1275 = arith.index_cast %get3A_1274 : i32 to index
          %get3A_1276 = arith.index_cast %mul3A_1273 : i32 to index
          %get3A_1277 = tpu.vector_load %arg6[%get3A_1275, %get3A_1276] {strides = array<i32>} : memref<16x1024xf32, #tpu.memory_space<vmem>>, vector<16xf32>,
          %add3A_1278 = vector.broadcast %mul3A_1183 : i32 to vector<16xi32>
          %add3A_1279 = arith.addi %add3A_1278, %add3A_72 : vector<16xi32>
          tpu.vector_store_idx %arg9[%add3A_1279], %get3A_1277 : memref<16384xf32, #tpu.memory_space<vmem>>[vector<16xi32>], vector<16xf32>,
          %mul3A_1280 = arith.constant 16 : i32
          %mul3A_1281 = arith.muli %scan3A_1181, %mul3A_1280 : i32
          %get3A_1282 = arith.constant 12 : i32
          %get3A_1283 = arith.index_cast %get3A_1282 : i32 to index
          %get3A_1284 = arith.index_cast %mul3A_1281 : i32 to index
          %get3A_1285 = tpu.vector_load %arg6[%get3A_1283, %get3A_1284] {strides = array<i32>} : memref<16x1024xf32, #tpu.memory_space<vmem>>, vector<16xf32>,
          %add3A_1286 = vector.broadcast %mul3A_1183 : i32 to vector<16xi32>
          %add3A_1287 = arith.addi %add3A_1286, %add3A_78 : vector<16xi32>
          tpu.vector_store_idx %arg9[%add3A_1287], %get3A_1285 : memref<16384xf32, #tpu.memory_space<vmem>>[vector<16xi32>], vector<16xf32>,
          %mul3A_1288 = arith.constant 16 : i32
          %mul3A_1289 = arith.muli %scan3A_1181, %mul3A_1288 : i32
          %get3A_1290 = arith.constant 13 : i32
          %get3A_1291 = arith.index_cast %get3A_1290 : i32 to index
          %get3A_1292 = arith.index_cast %mul3A_1289 : i32 to index
          %get3A_1293 = tpu.vector_load %arg6[%get3A_1291, %get3A_1292] {strides = array<i32>} : memref<16x1024xf32, #tpu.memory_space<vmem>>, vector<16xf32>,
          %add3A_1294 = vector.broadcast %mul3A_1183 : i32 to vector<16xi32>
          %add3A_1295 = arith.addi %add3A_1294, %add3A_84 : vector<16xi32>
          tpu.vector_store_idx %arg9[%add3A_1295], %get3A_1293 : memref<16384xf32, #tpu.memory_space<vmem>>[vector<16xi32>], vector<16xf32>,
          %mul3A_1296 = arith.constant 16 : i32
          %mul3A_1297 = arith.muli %scan3A_1181, %mul3A_1296 : i32
          %get3A_1298 = arith.constant 14 : i32
          %get3A_1299 = arith.index_cast %get3A_1298 : i32 to index
          %get3A_1300 = arith.index_cast %mul3A_1297 : i32 to index
          %get3A_1301 = tpu.vector_load %arg6[%get3A_1299, %get3A_1300] {strides = array<i32>} : memref<16x1024xf32, #tpu.memory_space<vmem>>, vector<16xf32>,
          %add3A_1302 = vector.broadcast %mul3A_1183 : i32 to vector<16xi32>
          %add3A_1303 = arith.addi %add3A_1302, %add3A_90 : vector<16xi32>
          tpu.vector_store_idx %arg9[%add3A_1303], %get3A_1301 : memref<16384xf32, #tpu.memory_space<vmem>>[vector<16xi32>], vector<16xf32>,
          %mul3A_1304 = arith.constant 16 : i32
          %mul3A_1305 = arith.muli %scan3A_1181, %mul3A_1304 : i32
          %get3A_1306 = arith.constant 15 : i32
          %get3A_1307 = arith.index_cast %get3A_1306 : i32 to index
          %get3A_1308 = arith.index_cast %mul3A_1305 : i32 to index
          %get3A_1309 = tpu.vector_load %arg6[%get3A_1307, %get3A_1308] {strides = array<i32>} : memref<16x1024xf32, #tpu.memory_space<vmem>>, vector<16xf32>,
          %add3A_1310 = vector.broadcast %mul3A_1183 : i32 to vector<16xi32>
          %add3A_1311 = arith.addi %add3A_1310, %add3A_96 : vector<16xi32>
          tpu.vector_store_idx %arg9[%add3A_1311], %get3A_1309 : memref<16384xf32, #tpu.memory_space<vmem>>[vector<16xi32>], vector<16xf32>,
        }
        %scan3A_245 = arith.constant 64 : i32
        %mul3A_246 = arith.constant 3 : i32
        %mul3A_247 = arith.muli %scan3A_145, %mul3A_246 : i32
        %add3A_248 = arith.constant 1 : i32
        %add3A_249 = arith.addi %mul3A_247, %add3A_248 : i32
        %mul3A_250 = arith.constant 32 : i32
        %mul3A_251 = arith.muli %mul3A_250, %add3A_249 : i32
        %add3A_252 = arith.addi %add3A, %mul3A_251 : i32
        %mul3A_253 = arith.constant 1024 : i32
        %mul3A_254 = arith.muli %add3A_252, %mul3A_253 : i32
        %mul3A_255 = arith.constant 16 : i32
        %mul3A_256 = arith.muli %mul3A_254, %mul3A_255 : i32
        %dma_start3A = tpu.memref_slice %arg4[%mul3A_256] : memref<41600000xf32, #tpu.memory_space<hbm>> -> memref<16384xf32, #tpu.memory_space<hbm>>
        %dma_start3A_257 = tpu.memref_slice %arg4[%mul3A_256] : memref<41600000xf32, #tpu.memory_space<hbm>> -> memref<16384xf32, #tpu.memory_space<hbm>>
        tpu.enqueue_dma source(%arg9 : memref<16384xf32, #tpu.memory_space<vmem>>) target(%dma_start3A_257 : memref<16384xf32, #tpu.memory_space<hbm>>) target_semaphore(%arg15 : memref<!tpu.dma_semaphore, #tpu.memory_space<semaphore_mem>>)
      } else {
      }
      %add3A_184 = arith.constant 1 : i32
      %add3A_185 = arith.addi %scan3A_145, %add3A_184 : i32
      %mul3A_186 = arith.constant 3 : i32
      %mul3A_187 = arith.muli %add3A_185, %mul3A_186 : i32
      %add3A_188 = arith.constant 1 : i32
      %add3A_189 = arith.addi %mul3A_187, %add3A_188 : i32
      %mul3A_190 = arith.constant 32 : i32
      %mul3A_191 = arith.muli %mul3A_190, %add3A_189 : i32
      %add3A_192 = arith.addi %add3A, %mul3A_191 : i32
      %lt3A_193 = arith.constant 2539 : i32
      %lt3A_194 = arith.cmpi slt, %add3A_192, %lt3A_193 : i32
      %convert_element_type3A_195 = arith.extui %lt3A_194 : i1 to i32
      %cond3A_196 = arith.constant 0 : i32
      %cond3A_197 = arith.cmpi ne, %convert_element_type3A_195, %cond3A_196 : i32
      scf.if %cond3A_197 {
        %mul3A_224 = arith.constant 1024 : i32
        %mul3A_225 = arith.muli %add3A_192, %mul3A_224 : i32
        %dma_start3A = arith.constant 0 : i32
        %dma_start3A_226 = tpu.memref_slice %arg2[%dma_start3A, %mul3A_225] : memref<16x2600000xf32, #tpu.memory_space<hbm>> -> memref<16x1024xf32, #tpu.memory_space<hbm>>
        %dma_start3A_227 = arith.constant 0 : i32
        %dma_start3A_228 = tpu.memref_slice %arg2[%dma_start3A_227, %mul3A_225] : memref<16x2600000xf32, #tpu.memory_space<hbm>> -> memref<16x1024xf32, #tpu.memory_space<hbm>>
        tpu.enqueue_dma source(%dma_start3A_228 : memref<16x1024xf32, #tpu.memory_space<hbm>>) target(%arg6 : memref<16x1024xf32, #tpu.memory_space<vmem>>) target_semaphore(%arg12 : memref<!tpu.dma_semaphore, #tpu.memory_space<semaphore_mem>>)
      } else {
      }
      %mul3A_198 = arith.constant 3 : i32
      %mul3A_199 = arith.muli %scan3A_145, %mul3A_198 : i32
      %add3A_200 = arith.constant 2 : i32
      %add3A_201 = arith.addi %mul3A_199, %add3A_200 : i32
      %mul3A_202 = arith.constant 32 : i32
      %mul3A_203 = arith.muli %mul3A_202, %add3A_201 : i32
      %add3A_204 = arith.addi %add3A, %mul3A_203 : i32
      %lt3A_205 = arith.constant 2539 : i32
      %lt3A_206 = arith.cmpi slt, %add3A_204, %lt3A_205 : i32
      %convert_element_type3A_207 = arith.extui %lt3A_206 : i1 to i32
      %cond3A_208 = arith.constant 0 : i32
      %cond3A_209 = arith.cmpi ne, %convert_element_type3A_207, %cond3A_208 : i32
      scf.if %cond3A_209 {
        %mul3A_224 = arith.constant 3 : i32
        %mul3A_225 = arith.muli %scan3A_145, %mul3A_224 : i32
        %add3A_226 = arith.constant 2 : i32
        %add3A_227 = arith.addi %mul3A_225, %add3A_226 : i32
        %mul3A_228 = arith.constant 32 : i32
        %mul3A_229 = arith.muli %mul3A_228, %add3A_227 : i32
        %add3A_230 = arith.addi %add3A, %mul3A_229 : i32
        %mul3A_231 = arith.constant 1024 : i32
        %mul3A_232 = arith.muli %add3A_230, %mul3A_231 : i32
        %dma_wait3A = arith.constant 0 : i32
        %dma_wait3A_233 = tpu.memref_slice %arg2[%dma_wait3A, %mul3A_232] : memref<16x2600000xf32, #tpu.memory_space<hbm>> -> memref<16x1024xf32, #tpu.memory_space<hbm>>
        %dma_wait3A_234 = arith.constant 0 : i32
        %dma_wait3A_235 = tpu.memref_slice %arg2[%dma_wait3A_234, %mul3A_232] : memref<16x2600000xf32, #tpu.memory_space<hbm>> -> memref<16x1024xf32, #tpu.memory_space<hbm>>
        tpu.wait_dma2 semaphore(%arg13 : memref<!tpu.dma_semaphore, #tpu.memory_space<semaphore_mem>>) src(%dma_wait3A_235 : memref<16x1024xf32, #tpu.memory_space<hbm>>) dst(%arg7 : memref<16x1024xf32, #tpu.memory_space<vmem>>)
        %gt3A = arith.constant 0 : i32
        %gt3A_236 = arith.cmpi sgt, %scan3A_145, %gt3A : i32
        %convert_element_type3A_237 = arith.extui %gt3A_236 : i1 to i32
        %cond3A_238 = arith.constant 0 : i32
        %cond3A_239 = arith.cmpi ne, %convert_element_type3A_237, %cond3A_238 : i32
        scf.if %cond3A_239 {
          %sub3A = arith.constant 1 : i32
          %sub3A_258 = arith.subi %scan3A_145, %sub3A : i32
          %mul3A_259 = arith.constant 3 : i32
          %mul3A_260 = arith.muli %sub3A_258, %mul3A_259 : i32
          %add3A_261 = arith.constant 2 : i32
          %add3A_262 = arith.addi %mul3A_260, %add3A_261 : i32
          %mul3A_263 = arith.constant 32 : i32
          %mul3A_264 = arith.muli %mul3A_263, %add3A_262 : i32
          %add3A_265 = arith.addi %add3A, %mul3A_264 : i32
          %mul3A_266 = arith.constant 1024 : i32
          %mul3A_267 = arith.muli %add3A_265, %mul3A_266 : i32
          %mul3A_268 = arith.constant 16 : i32
          %mul3A_269 = arith.muli %mul3A_267, %mul3A_268 : i32
          %dma_wait3A_270 = tpu.memref_slice %arg4[%mul3A_269] : memref<41600000xf32, #tpu.memory_space<hbm>> -> memref<16384xf32, #tpu.memory_space<hbm>>
          %dma_wait3A_271 = tpu.memref_slice %arg4[%mul3A_269] : memref<41600000xf32, #tpu.memory_space<hbm>> -> memref<16384xf32, #tpu.memory_space<hbm>>
          tpu.wait_dma2 semaphore(%arg16 : memref<!tpu.dma_semaphore, #tpu.memory_space<semaphore_mem>>) src(%arg10 : memref<16384xf32, #tpu.memory_space<vmem>>) dst(%dma_wait3A_271 : memref<16384xf32, #tpu.memory_space<hbm>>)
        } else {
        }
        %scan3A_240 = arith.constant 0 : i32
        %scan3A_241 = arith.constant 0 : i32
        %scan3A_242 = arith.constant 64 : i32
        %scan3A_243 = arith.addi %scan3A_241, %scan3A_242 : i32
        %scan3A_244 = arith.constant 8 : i32
        scf.for %scan3A_258 = %scan3A_241 to %scan3A_243 step %scan3A_244  : i32 {
          %mul3A_259 = arith.constant 256 : i32
          %mul3A_260 = arith.muli %scan3A_258, %mul3A_259 : i32
          %mul3A_261 = arith.constant 16 : i32
          %mul3A_262 = arith.muli %scan3A_258, %mul3A_261 : i32
          %get3A = arith.constant 0 : i32
          %get3A_263 = arith.index_cast %get3A : i32 to index
          %get3A_264 = arith.index_cast %mul3A_262 : i32 to index
          %get3A_265 = tpu.vector_load %arg7[%get3A_263, %get3A_264] {strides = array<i32>} : memref<16x1024xf32, #tpu.memory_space<vmem>>, vector<16xf32>,
          %add3A_266 = vector.broadcast %mul3A_260 : i32 to vector<16xi32>
          %add3A_267 = arith.addi %add3A_266, %add3A_6 : vector<16xi32>
          tpu.vector_store_idx %arg10[%add3A_267], %get3A_265 : memref<16384xf32, #tpu.memory_space<vmem>>[vector<16xi32>], vector<16xf32>,
          %mul3A_268 = arith.constant 16 : i32
          %mul3A_269 = arith.muli %scan3A_258, %mul3A_268 : i32
          %get3A_270 = arith.constant 1 : i32
          %get3A_271 = arith.index_cast %get3A_270 : i32 to index
          %get3A_272 = arith.index_cast %mul3A_269 : i32 to index
          %get3A_273 = tpu.vector_load %arg7[%get3A_271, %get3A_272] {strides = array<i32>} : memref<16x1024xf32, #tpu.memory_space<vmem>>, vector<16xf32>,
          %add3A_274 = vector.broadcast %mul3A_260 : i32 to vector<16xi32>
          %add3A_275 = arith.addi %add3A_274, %add3A_12 : vector<16xi32>
          tpu.vector_store_idx %arg10[%add3A_275], %get3A_273 : memref<16384xf32, #tpu.memory_space<vmem>>[vector<16xi32>], vector<16xf32>,
          %mul3A_276 = arith.constant 16 : i32
          %mul3A_277 = arith.muli %scan3A_258, %mul3A_276 : i32
          %get3A_278 = arith.constant 2 : i32
          %get3A_279 = arith.index_cast %get3A_278 : i32 to index
          %get3A_280 = arith.index_cast %mul3A_277 : i32 to index
          %get3A_281 = tpu.vector_load %arg7[%get3A_279, %get3A_280] {strides = array<i32>} : memref<16x1024xf32, #tpu.memory_space<vmem>>, vector<16xf32>,
          %add3A_282 = vector.broadcast %mul3A_260 : i32 to vector<16xi32>
          %add3A_283 = arith.addi %add3A_282, %add3A_18 : vector<16xi32>
          tpu.vector_store_idx %arg10[%add3A_283], %get3A_281 : memref<16384xf32, #tpu.memory_space<vmem>>[vector<16xi32>], vector<16xf32>,
          %mul3A_284 = arith.constant 16 : i32
          %mul3A_285 = arith.muli %scan3A_258, %mul3A_284 : i32
          %get3A_286 = arith.constant 3 : i32
          %get3A_287 = arith.index_cast %get3A_286 : i32 to index
          %get3A_288 = arith.index_cast %mul3A_285 : i32 to index
          %get3A_289 = tpu.vector_load %arg7[%get3A_287, %get3A_288] {strides = array<i32>} : memref<16x1024xf32, #tpu.memory_space<vmem>>, vector<16xf32>,
          %add3A_290 = vector.broadcast %mul3A_260 : i32 to vector<16xi32>
          %add3A_291 = arith.addi %add3A_290, %add3A_24 : vector<16xi32>
          tpu.vector_store_idx %arg10[%add3A_291], %get3A_289 : memref<16384xf32, #tpu.memory_space<vmem>>[vector<16xi32>], vector<16xf32>,
          %mul3A_292 = arith.constant 16 : i32
          %mul3A_293 = arith.muli %scan3A_258, %mul3A_292 : i32
          %get3A_294 = arith.constant 4 : i32
          %get3A_295 = arith.index_cast %get3A_294 : i32 to index
          %get3A_296 = arith.index_cast %mul3A_293 : i32 to index
          %get3A_297 = tpu.vector_load %arg7[%get3A_295, %get3A_296] {strides = array<i32>} : memref<16x1024xf32, #tpu.memory_space<vmem>>, vector<16xf32>,
          %add3A_298 = vector.broadcast %mul3A_260 : i32 to vector<16xi32>
          %add3A_299 = arith.addi %add3A_298, %add3A_30 : vector<16xi32>
          tpu.vector_store_idx %arg10[%add3A_299], %get3A_297 : memref<16384xf32, #tpu.memory_space<vmem>>[vector<16xi32>], vector<16xf32>,
          %mul3A_300 = arith.constant 16 : i32
          %mul3A_301 = arith.muli %scan3A_258, %mul3A_300 : i32
          %get3A_302 = arith.constant 5 : i32
          %get3A_303 = arith.index_cast %get3A_302 : i32 to index
          %get3A_304 = arith.index_cast %mul3A_301 : i32 to index
          %get3A_305 = tpu.vector_load %arg7[%get3A_303, %get3A_304] {strides = array<i32>} : memref<16x1024xf32, #tpu.memory_space<vmem>>, vector<16xf32>,
          %add3A_306 = vector.broadcast %mul3A_260 : i32 to vector<16xi32>
          %add3A_307 = arith.addi %add3A_306, %add3A_36 : vector<16xi32>
          tpu.vector_store_idx %arg10[%add3A_307], %get3A_305 : memref<16384xf32, #tpu.memory_space<vmem>>[vector<16xi32>], vector<16xf32>,
          %mul3A_308 = arith.constant 16 : i32
          %mul3A_309 = arith.muli %scan3A_258, %mul3A_308 : i32
          %get3A_310 = arith.constant 6 : i32
          %get3A_311 = arith.index_cast %get3A_310 : i32 to index
          %get3A_312 = arith.index_cast %mul3A_309 : i32 to index
          %get3A_313 = tpu.vector_load %arg7[%get3A_311, %get3A_312] {strides = array<i32>} : memref<16x1024xf32, #tpu.memory_space<vmem>>, vector<16xf32>,
          %add3A_314 = vector.broadcast %mul3A_260 : i32 to vector<16xi32>
          %add3A_315 = arith.addi %add3A_314, %add3A_42 : vector<16xi32>
          tpu.vector_store_idx %arg10[%add3A_315], %get3A_313 : memref<16384xf32, #tpu.memory_space<vmem>>[vector<16xi32>], vector<16xf32>,
          %mul3A_316 = arith.constant 16 : i32
          %mul3A_317 = arith.muli %scan3A_258, %mul3A_316 : i32
          %get3A_318 = arith.constant 7 : i32
          %get3A_319 = arith.index_cast %get3A_318 : i32 to index
          %get3A_320 = arith.index_cast %mul3A_317 : i32 to index
          %get3A_321 = tpu.vector_load %arg7[%get3A_319, %get3A_320] {strides = array<i32>} : memref<16x1024xf32, #tpu.memory_space<vmem>>, vector<16xf32>,
          %add3A_322 = vector.broadcast %mul3A_260 : i32 to vector<16xi32>
          %add3A_323 = arith.addi %add3A_322, %add3A_48 : vector<16xi32>
          tpu.vector_store_idx %arg10[%add3A_323], %get3A_321 : memref<16384xf32, #tpu.memory_space<vmem>>[vector<16xi32>], vector<16xf32>,
          %mul3A_324 = arith.constant 16 : i32
          %mul3A_325 = arith.muli %scan3A_258, %mul3A_324 : i32
          %get3A_326 = arith.constant 8 : i32
          %get3A_327 = arith.index_cast %get3A_326 : i32 to index
          %get3A_328 = arith.index_cast %mul3A_325 : i32 to index
          %get3A_329 = tpu.vector_load %arg7[%get3A_327, %get3A_328] {strides = array<i32>} : memref<16x1024xf32, #tpu.memory_space<vmem>>, vector<16xf32>,
          %add3A_330 = vector.broadcast %mul3A_260 : i32 to vector<16xi32>
          %add3A_331 = arith.addi %add3A_330, %add3A_54 : vector<16xi32>
          tpu.vector_store_idx %arg10[%add3A_331], %get3A_329 : memref<16384xf32, #tpu.memory_space<vmem>>[vector<16xi32>], vector<16xf32>,
          %mul3A_332 = arith.constant 16 : i32
          %mul3A_333 = arith.muli %scan3A_258, %mul3A_332 : i32
          %get3A_334 = arith.constant 9 : i32
          %get3A_335 = arith.index_cast %get3A_334 : i32 to index
          %get3A_336 = arith.index_cast %mul3A_333 : i32 to index
          %get3A_337 = tpu.vector_load %arg7[%get3A_335, %get3A_336] {strides = array<i32>} : memref<16x1024xf32, #tpu.memory_space<vmem>>, vector<16xf32>,
          %add3A_338 = vector.broadcast %mul3A_260 : i32 to vector<16xi32>
          %add3A_339 = arith.addi %add3A_338, %add3A_60 : vector<16xi32>
          tpu.vector_store_idx %arg10[%add3A_339], %get3A_337 : memref<16384xf32, #tpu.memory_space<vmem>>[vector<16xi32>], vector<16xf32>,
          %mul3A_340 = arith.constant 16 : i32
          %mul3A_341 = arith.muli %scan3A_258, %mul3A_340 : i32
          %get3A_342 = arith.constant 10 : i32
          %get3A_343 = arith.index_cast %get3A_342 : i32 to index
          %get3A_344 = arith.index_cast %mul3A_341 : i32 to index
          %get3A_345 = tpu.vector_load %arg7[%get3A_343, %get3A_344] {strides = array<i32>} : memref<16x1024xf32, #tpu.memory_space<vmem>>, vector<16xf32>,
          %add3A_346 = vector.broadcast %mul3A_260 : i32 to vector<16xi32>
          %add3A_347 = arith.addi %add3A_346, %add3A_66 : vector<16xi32>
          tpu.vector_store_idx %arg10[%add3A_347], %get3A_345 : memref<16384xf32, #tpu.memory_space<vmem>>[vector<16xi32>], vector<16xf32>,
          %mul3A_348 = arith.constant 16 : i32
          %mul3A_349 = arith.muli %scan3A_258, %mul3A_348 : i32
          %get3A_350 = arith.constant 11 : i32
          %get3A_351 = arith.index_cast %get3A_350 : i32 to index
          %get3A_352 = arith.index_cast %mul3A_349 : i32 to index
          %get3A_353 = tpu.vector_load %arg7[%get3A_351, %get3A_352] {strides = array<i32>} : memref<16x1024xf32, #tpu.memory_space<vmem>>, vector<16xf32>,
          %add3A_354 = vector.broadcast %mul3A_260 : i32 to vector<16xi32>
          %add3A_355 = arith.addi %add3A_354, %add3A_72 : vector<16xi32>
          tpu.vector_store_idx %arg10[%add3A_355], %get3A_353 : memref<16384xf32, #tpu.memory_space<vmem>>[vector<16xi32>], vector<16xf32>,
          %mul3A_356 = arith.constant 16 : i32
          %mul3A_357 = arith.muli %scan3A_258, %mul3A_356 : i32
          %get3A_358 = arith.constant 12 : i32
          %get3A_359 = arith.index_cast %get3A_358 : i32 to index
          %get3A_360 = arith.index_cast %mul3A_357 : i32 to index
          %get3A_361 = tpu.vector_load %arg7[%get3A_359, %get3A_360] {strides = array<i32>} : memref<16x1024xf32, #tpu.memory_space<vmem>>, vector<16xf32>,
          %add3A_362 = vector.broadcast %mul3A_260 : i32 to vector<16xi32>
          %add3A_363 = arith.addi %add3A_362, %add3A_78 : vector<16xi32>
          tpu.vector_store_idx %arg10[%add3A_363], %get3A_361 : memref<16384xf32, #tpu.memory_space<vmem>>[vector<16xi32>], vector<16xf32>,
          %mul3A_364 = arith.constant 16 : i32
          %mul3A_365 = arith.muli %scan3A_258, %mul3A_364 : i32
          %get3A_366 = arith.constant 13 : i32
          %get3A_367 = arith.index_cast %get3A_366 : i32 to index
          %get3A_368 = arith.index_cast %mul3A_365 : i32 to index
          %get3A_369 = tpu.vector_load %arg7[%get3A_367, %get3A_368] {strides = array<i32>} : memref<16x1024xf32, #tpu.memory_space<vmem>>, vector<16xf32>,
          %add3A_370 = vector.broadcast %mul3A_260 : i32 to vector<16xi32>
          %add3A_371 = arith.addi %add3A_370, %add3A_84 : vector<16xi32>
          tpu.vector_store_idx %arg10[%add3A_371], %get3A_369 : memref<16384xf32, #tpu.memory_space<vmem>>[vector<16xi32>], vector<16xf32>,
          %mul3A_372 = arith.constant 16 : i32
          %mul3A_373 = arith.muli %scan3A_258, %mul3A_372 : i32
          %get3A_374 = arith.constant 14 : i32
          %get3A_375 = arith.index_cast %get3A_374 : i32 to index
          %get3A_376 = arith.index_cast %mul3A_373 : i32 to index
          %get3A_377 = tpu.vector_load %arg7[%get3A_375, %get3A_376] {strides = array<i32>} : memref<16x1024xf32, #tpu.memory_space<vmem>>, vector<16xf32>,
          %add3A_378 = vector.broadcast %mul3A_260 : i32 to vector<16xi32>
          %add3A_379 = arith.addi %add3A_378, %add3A_90 : vector<16xi32>
          tpu.vector_store_idx %arg10[%add3A_379], %get3A_377 : memref<16384xf32, #tpu.memory_space<vmem>>[vector<16xi32>], vector<16xf32>,
          %mul3A_380 = arith.constant 16 : i32
          %mul3A_381 = arith.muli %scan3A_258, %mul3A_380 : i32
          %get3A_382 = arith.constant 15 : i32
          %get3A_383 = arith.index_cast %get3A_382 : i32 to index
          %get3A_384 = arith.index_cast %mul3A_381 : i32 to index
          %get3A_385 = tpu.vector_load %arg7[%get3A_383, %get3A_384] {strides = array<i32>} : memref<16x1024xf32, #tpu.memory_space<vmem>>, vector<16xf32>,
          %add3A_386 = vector.broadcast %mul3A_260 : i32 to vector<16xi32>
          %add3A_387 = arith.addi %add3A_386, %add3A_96 : vector<16xi32>
          tpu.vector_store_idx %arg10[%add3A_387], %get3A_385 : memref<16384xf32, #tpu.memory_space<vmem>>[vector<16xi32>], vector<16xf32>,
          %scan3A_388 = arith.constant 1 : i32
          %scan3A_389 = arith.addi %scan3A_258, %scan3A_388 : i32
          %mul3A_390 = arith.constant 256 : i32
          %mul3A_391 = arith.muli %scan3A_389, %mul3A_390 : i32
          %mul3A_392 = arith.constant 16 : i32
          %mul3A_393 = arith.muli %scan3A_389, %mul3A_392 : i32
          %get3A_394 = arith.constant 0 : i32
          %get3A_395 = arith.index_cast %get3A_394 : i32 to index
          %get3A_396 = arith.index_cast %mul3A_393 : i32 to index
          %get3A_397 = tpu.vector_load %arg7[%get3A_395, %get3A_396] {strides = array<i32>} : memref<16x1024xf32, #tpu.memory_space<vmem>>, vector<16xf32>,
          %add3A_398 = vector.broadcast %mul3A_391 : i32 to vector<16xi32>
          %add3A_399 = arith.addi %add3A_398, %add3A_6 : vector<16xi32>
          tpu.vector_store_idx %arg10[%add3A_399], %get3A_397 : memref<16384xf32, #tpu.memory_space<vmem>>[vector<16xi32>], vector<16xf32>,
          %mul3A_400 = arith.constant 16 : i32
          %mul3A_401 = arith.muli %scan3A_389, %mul3A_400 : i32
          %get3A_402 = arith.constant 1 : i32
          %get3A_403 = arith.index_cast %get3A_402 : i32 to index
          %get3A_404 = arith.index_cast %mul3A_401 : i32 to index
          %get3A_405 = tpu.vector_load %arg7[%get3A_403, %get3A_404] {strides = array<i32>} : memref<16x1024xf32, #tpu.memory_space<vmem>>, vector<16xf32>,
          %add3A_406 = vector.broadcast %mul3A_391 : i32 to vector<16xi32>
          %add3A_407 = arith.addi %add3A_406, %add3A_12 : vector<16xi32>
          tpu.vector_store_idx %arg10[%add3A_407], %get3A_405 : memref<16384xf32, #tpu.memory_space<vmem>>[vector<16xi32>], vector<16xf32>,
          %mul3A_408 = arith.constant 16 : i32
          %mul3A_409 = arith.muli %scan3A_389, %mul3A_408 : i32
          %get3A_410 = arith.constant 2 : i32
          %get3A_411 = arith.index_cast %get3A_410 : i32 to index
          %get3A_412 = arith.index_cast %mul3A_409 : i32 to index
          %get3A_413 = tpu.vector_load %arg7[%get3A_411, %get3A_412] {strides = array<i32>} : memref<16x1024xf32, #tpu.memory_space<vmem>>, vector<16xf32>,
          %add3A_414 = vector.broadcast %mul3A_391 : i32 to vector<16xi32>
          %add3A_415 = arith.addi %add3A_414, %add3A_18 : vector<16xi32>
          tpu.vector_store_idx %arg10[%add3A_415], %get3A_413 : memref<16384xf32, #tpu.memory_space<vmem>>[vector<16xi32>], vector<16xf32>,
          %mul3A_416 = arith.constant 16 : i32
          %mul3A_417 = arith.muli %scan3A_389, %mul3A_416 : i32
          %get3A_418 = arith.constant 3 : i32
          %get3A_419 = arith.index_cast %get3A_418 : i32 to index
          %get3A_420 = arith.index_cast %mul3A_417 : i32 to index
          %get3A_421 = tpu.vector_load %arg7[%get3A_419, %get3A_420] {strides = array<i32>} : memref<16x1024xf32, #tpu.memory_space<vmem>>, vector<16xf32>,
          %add3A_422 = vector.broadcast %mul3A_391 : i32 to vector<16xi32>
          %add3A_423 = arith.addi %add3A_422, %add3A_24 : vector<16xi32>
          tpu.vector_store_idx %arg10[%add3A_423], %get3A_421 : memref<16384xf32, #tpu.memory_space<vmem>>[vector<16xi32>], vector<16xf32>,
          %mul3A_424 = arith.constant 16 : i32
          %mul3A_425 = arith.muli %scan3A_389, %mul3A_424 : i32
          %get3A_426 = arith.constant 4 : i32
          %get3A_427 = arith.index_cast %get3A_426 : i32 to index
          %get3A_428 = arith.index_cast %mul3A_425 : i32 to index
          %get3A_429 = tpu.vector_load %arg7[%get3A_427, %get3A_428] {strides = array<i32>} : memref<16x1024xf32, #tpu.memory_space<vmem>>, vector<16xf32>,
          %add3A_430 = vector.broadcast %mul3A_391 : i32 to vector<16xi32>
          %add3A_431 = arith.addi %add3A_430, %add3A_30 : vector<16xi32>
          tpu.vector_store_idx %arg10[%add3A_431], %get3A_429 : memref<16384xf32, #tpu.memory_space<vmem>>[vector<16xi32>], vector<16xf32>,
          %mul3A_432 = arith.constant 16 : i32
          %mul3A_433 = arith.muli %scan3A_389, %mul3A_432 : i32
          %get3A_434 = arith.constant 5 : i32
          %get3A_435 = arith.index_cast %get3A_434 : i32 to index
          %get3A_436 = arith.index_cast %mul3A_433 : i32 to index
          %get3A_437 = tpu.vector_load %arg7[%get3A_435, %get3A_436] {strides = array<i32>} : memref<16x1024xf32, #tpu.memory_space<vmem>>, vector<16xf32>,
          %add3A_438 = vector.broadcast %mul3A_391 : i32 to vector<16xi32>
          %add3A_439 = arith.addi %add3A_438, %add3A_36 : vector<16xi32>
          tpu.vector_store_idx %arg10[%add3A_439], %get3A_437 : memref<16384xf32, #tpu.memory_space<vmem>>[vector<16xi32>], vector<16xf32>,
          %mul3A_440 = arith.constant 16 : i32
          %mul3A_441 = arith.muli %scan3A_389, %mul3A_440 : i32
          %get3A_442 = arith.constant 6 : i32
          %get3A_443 = arith.index_cast %get3A_442 : i32 to index
          %get3A_444 = arith.index_cast %mul3A_441 : i32 to index
          %get3A_445 = tpu.vector_load %arg7[%get3A_443, %get3A_444] {strides = array<i32>} : memref<16x1024xf32, #tpu.memory_space<vmem>>, vector<16xf32>,
          %add3A_446 = vector.broadcast %mul3A_391 : i32 to vector<16xi32>
          %add3A_447 = arith.addi %add3A_446, %add3A_42 : vector<16xi32>
          tpu.vector_store_idx %arg10[%add3A_447], %get3A_445 : memref<16384xf32, #tpu.memory_space<vmem>>[vector<16xi32>], vector<16xf32>,
          %mul3A_448 = arith.constant 16 : i32
          %mul3A_449 = arith.muli %scan3A_389, %mul3A_448 : i32
          %get3A_450 = arith.constant 7 : i32
          %get3A_451 = arith.index_cast %get3A_450 : i32 to index
          %get3A_452 = arith.index_cast %mul3A_449 : i32 to index
          %get3A_453 = tpu.vector_load %arg7[%get3A_451, %get3A_452] {strides = array<i32>} : memref<16x1024xf32, #tpu.memory_space<vmem>>, vector<16xf32>,
          %add3A_454 = vector.broadcast %mul3A_391 : i32 to vector<16xi32>
          %add3A_455 = arith.addi %add3A_454, %add3A_48 : vector<16xi32>
          tpu.vector_store_idx %arg10[%add3A_455], %get3A_453 : memref<16384xf32, #tpu.memory_space<vmem>>[vector<16xi32>], vector<16xf32>,
          %mul3A_456 = arith.constant 16 : i32
          %mul3A_457 = arith.muli %scan3A_389, %mul3A_456 : i32
          %get3A_458 = arith.constant 8 : i32
          %get3A_459 = arith.index_cast %get3A_458 : i32 to index
          %get3A_460 = arith.index_cast %mul3A_457 : i32 to index
          %get3A_461 = tpu.vector_load %arg7[%get3A_459, %get3A_460] {strides = array<i32>} : memref<16x1024xf32, #tpu.memory_space<vmem>>, vector<16xf32>,
          %add3A_462 = vector.broadcast %mul3A_391 : i32 to vector<16xi32>
          %add3A_463 = arith.addi %add3A_462, %add3A_54 : vector<16xi32>
          tpu.vector_store_idx %arg10[%add3A_463], %get3A_461 : memref<16384xf32, #tpu.memory_space<vmem>>[vector<16xi32>], vector<16xf32>,
          %mul3A_464 = arith.constant 16 : i32
          %mul3A_465 = arith.muli %scan3A_389, %mul3A_464 : i32
          %get3A_466 = arith.constant 9 : i32
          %get3A_467 = arith.index_cast %get3A_466 : i32 to index
          %get3A_468 = arith.index_cast %mul3A_465 : i32 to index
          %get3A_469 = tpu.vector_load %arg7[%get3A_467, %get3A_468] {strides = array<i32>} : memref<16x1024xf32, #tpu.memory_space<vmem>>, vector<16xf32>,
          %add3A_470 = vector.broadcast %mul3A_391 : i32 to vector<16xi32>
          %add3A_471 = arith.addi %add3A_470, %add3A_60 : vector<16xi32>
          tpu.vector_store_idx %arg10[%add3A_471], %get3A_469 : memref<16384xf32, #tpu.memory_space<vmem>>[vector<16xi32>], vector<16xf32>,
          %mul3A_472 = arith.constant 16 : i32
          %mul3A_473 = arith.muli %scan3A_389, %mul3A_472 : i32
          %get3A_474 = arith.constant 10 : i32
          %get3A_475 = arith.index_cast %get3A_474 : i32 to index
          %get3A_476 = arith.index_cast %mul3A_473 : i32 to index
          %get3A_477 = tpu.vector_load %arg7[%get3A_475, %get3A_476] {strides = array<i32>} : memref<16x1024xf32, #tpu.memory_space<vmem>>, vector<16xf32>,
          %add3A_478 = vector.broadcast %mul3A_391 : i32 to vector<16xi32>
          %add3A_479 = arith.addi %add3A_478, %add3A_66 : vector<16xi32>
          tpu.vector_store_idx %arg10[%add3A_479], %get3A_477 : memref<16384xf32, #tpu.memory_space<vmem>>[vector<16xi32>], vector<16xf32>,
          %mul3A_480 = arith.constant 16 : i32
          %mul3A_481 = arith.muli %scan3A_389, %mul3A_480 : i32
          %get3A_482 = arith.constant 11 : i32
          %get3A_483 = arith.index_cast %get3A_482 : i32 to index
          %get3A_484 = arith.index_cast %mul3A_481 : i32 to index
          %get3A_485 = tpu.vector_load %arg7[%get3A_483, %get3A_484] {strides = array<i32>} : memref<16x1024xf32, #tpu.memory_space<vmem>>, vector<16xf32>,
          %add3A_486 = vector.broadcast %mul3A_391 : i32 to vector<16xi32>
          %add3A_487 = arith.addi %add3A_486, %add3A_72 : vector<16xi32>
          tpu.vector_store_idx %arg10[%add3A_487], %get3A_485 : memref<16384xf32, #tpu.memory_space<vmem>>[vector<16xi32>], vector<16xf32>,
          %mul3A_488 = arith.constant 16 : i32
          %mul3A_489 = arith.muli %scan3A_389, %mul3A_488 : i32
          %get3A_490 = arith.constant 12 : i32
          %get3A_491 = arith.index_cast %get3A_490 : i32 to index
          %get3A_492 = arith.index_cast %mul3A_489 : i32 to index
          %get3A_493 = tpu.vector_load %arg7[%get3A_491, %get3A_492] {strides = array<i32>} : memref<16x1024xf32, #tpu.memory_space<vmem>>, vector<16xf32>,
          %add3A_494 = vector.broadcast %mul3A_391 : i32 to vector<16xi32>
          %add3A_495 = arith.addi %add3A_494, %add3A_78 : vector<16xi32>
          tpu.vector_store_idx %arg10[%add3A_495], %get3A_493 : memref<16384xf32, #tpu.memory_space<vmem>>[vector<16xi32>], vector<16xf32>,
          %mul3A_496 = arith.constant 16 : i32
          %mul3A_497 = arith.muli %scan3A_389, %mul3A_496 : i32
          %get3A_498 = arith.constant 13 : i32
          %get3A_499 = arith.index_cast %get3A_498 : i32 to index
          %get3A_500 = arith.index_cast %mul3A_497 : i32 to index
          %get3A_501 = tpu.vector_load %arg7[%get3A_499, %get3A_500] {strides = array<i32>} : memref<16x1024xf32, #tpu.memory_space<vmem>>, vector<16xf32>,
          %add3A_502 = vector.broadcast %mul3A_391 : i32 to vector<16xi32>
          %add3A_503 = arith.addi %add3A_502, %add3A_84 : vector<16xi32>
          tpu.vector_store_idx %arg10[%add3A_503], %get3A_501 : memref<16384xf32, #tpu.memory_space<vmem>>[vector<16xi32>], vector<16xf32>,
          %mul3A_504 = arith.constant 16 : i32
          %mul3A_505 = arith.muli %scan3A_389, %mul3A_504 : i32
          %get3A_506 = arith.constant 14 : i32
          %get3A_507 = arith.index_cast %get3A_506 : i32 to index
          %get3A_508 = arith.index_cast %mul3A_505 : i32 to index
          %get3A_509 = tpu.vector_load %arg7[%get3A_507, %get3A_508] {strides = array<i32>} : memref<16x1024xf32, #tpu.memory_space<vmem>>, vector<16xf32>,
          %add3A_510 = vector.broadcast %mul3A_391 : i32 to vector<16xi32>
          %add3A_511 = arith.addi %add3A_510, %add3A_90 : vector<16xi32>
          tpu.vector_store_idx %arg10[%add3A_511], %get3A_509 : memref<16384xf32, #tpu.memory_space<vmem>>[vector<16xi32>], vector<16xf32>,
          %mul3A_512 = arith.constant 16 : i32
          %mul3A_513 = arith.muli %scan3A_389, %mul3A_512 : i32
          %get3A_514 = arith.constant 15 : i32
          %get3A_515 = arith.index_cast %get3A_514 : i32 to index
          %get3A_516 = arith.index_cast %mul3A_513 : i32 to index
          %get3A_517 = tpu.vector_load %arg7[%get3A_515, %get3A_516] {strides = array<i32>} : memref<16x1024xf32, #tpu.memory_space<vmem>>, vector<16xf32>,
          %add3A_518 = vector.broadcast %mul3A_391 : i32 to vector<16xi32>
          %add3A_519 = arith.addi %add3A_518, %add3A_96 : vector<16xi32>
          tpu.vector_store_idx %arg10[%add3A_519], %get3A_517 : memref<16384xf32, #tpu.memory_space<vmem>>[vector<16xi32>], vector<16xf32>,
          %scan3A_520 = arith.constant 2 : i32
          %scan3A_521 = arith.addi %scan3A_258, %scan3A_520 : i32
          %mul3A_522 = arith.constant 256 : i32
          %mul3A_523 = arith.muli %scan3A_521, %mul3A_522 : i32
          %mul3A_524 = arith.constant 16 : i32
          %mul3A_525 = arith.muli %scan3A_521, %mul3A_524 : i32
          %get3A_526 = arith.constant 0 : i32
          %get3A_527 = arith.index_cast %get3A_526 : i32 to index
          %get3A_528 = arith.index_cast %mul3A_525 : i32 to index
          %get3A_529 = tpu.vector_load %arg7[%get3A_527, %get3A_528] {strides = array<i32>} : memref<16x1024xf32, #tpu.memory_space<vmem>>, vector<16xf32>,
          %add3A_530 = vector.broadcast %mul3A_523 : i32 to vector<16xi32>
          %add3A_531 = arith.addi %add3A_530, %add3A_6 : vector<16xi32>
          tpu.vector_store_idx %arg10[%add3A_531], %get3A_529 : memref<16384xf32, #tpu.memory_space<vmem>>[vector<16xi32>], vector<16xf32>,
          %mul3A_532 = arith.constant 16 : i32
          %mul3A_533 = arith.muli %scan3A_521, %mul3A_532 : i32
          %get3A_534 = arith.constant 1 : i32
          %get3A_535 = arith.index_cast %get3A_534 : i32 to index
          %get3A_536 = arith.index_cast %mul3A_533 : i32 to index
          %get3A_537 = tpu.vector_load %arg7[%get3A_535, %get3A_536] {strides = array<i32>} : memref<16x1024xf32, #tpu.memory_space<vmem>>, vector<16xf32>,
          %add3A_538 = vector.broadcast %mul3A_523 : i32 to vector<16xi32>
          %add3A_539 = arith.addi %add3A_538, %add3A_12 : vector<16xi32>
          tpu.vector_store_idx %arg10[%add3A_539], %get3A_537 : memref<16384xf32, #tpu.memory_space<vmem>>[vector<16xi32>], vector<16xf32>,
          %mul3A_540 = arith.constant 16 : i32
          %mul3A_541 = arith.muli %scan3A_521, %mul3A_540 : i32
          %get3A_542 = arith.constant 2 : i32
          %get3A_543 = arith.index_cast %get3A_542 : i32 to index
          %get3A_544 = arith.index_cast %mul3A_541 : i32 to index
          %get3A_545 = tpu.vector_load %arg7[%get3A_543, %get3A_544] {strides = array<i32>} : memref<16x1024xf32, #tpu.memory_space<vmem>>, vector<16xf32>,
          %add3A_546 = vector.broadcast %mul3A_523 : i32 to vector<16xi32>
          %add3A_547 = arith.addi %add3A_546, %add3A_18 : vector<16xi32>
          tpu.vector_store_idx %arg10[%add3A_547], %get3A_545 : memref<16384xf32, #tpu.memory_space<vmem>>[vector<16xi32>], vector<16xf32>,
          %mul3A_548 = arith.constant 16 : i32
          %mul3A_549 = arith.muli %scan3A_521, %mul3A_548 : i32
          %get3A_550 = arith.constant 3 : i32
          %get3A_551 = arith.index_cast %get3A_550 : i32 to index
          %get3A_552 = arith.index_cast %mul3A_549 : i32 to index
          %get3A_553 = tpu.vector_load %arg7[%get3A_551, %get3A_552] {strides = array<i32>} : memref<16x1024xf32, #tpu.memory_space<vmem>>, vector<16xf32>,
          %add3A_554 = vector.broadcast %mul3A_523 : i32 to vector<16xi32>
          %add3A_555 = arith.addi %add3A_554, %add3A_24 : vector<16xi32>
          tpu.vector_store_idx %arg10[%add3A_555], %get3A_553 : memref<16384xf32, #tpu.memory_space<vmem>>[vector<16xi32>], vector<16xf32>,
          %mul3A_556 = arith.constant 16 : i32
          %mul3A_557 = arith.muli %scan3A_521, %mul3A_556 : i32
          %get3A_558 = arith.constant 4 : i32
          %get3A_559 = arith.index_cast %get3A_558 : i32 to index
          %get3A_560 = arith.index_cast %mul3A_557 : i32 to index
          %get3A_561 = tpu.vector_load %arg7[%get3A_559, %get3A_560] {strides = array<i32>} : memref<16x1024xf32, #tpu.memory_space<vmem>>, vector<16xf32>,
          %add3A_562 = vector.broadcast %mul3A_523 : i32 to vector<16xi32>
          %add3A_563 = arith.addi %add3A_562, %add3A_30 : vector<16xi32>
          tpu.vector_store_idx %arg10[%add3A_563], %get3A_561 : memref<16384xf32, #tpu.memory_space<vmem>>[vector<16xi32>], vector<16xf32>,
          %mul3A_564 = arith.constant 16 : i32
          %mul3A_565 = arith.muli %scan3A_521, %mul3A_564 : i32
          %get3A_566 = arith.constant 5 : i32
          %get3A_567 = arith.index_cast %get3A_566 : i32 to index
          %get3A_568 = arith.index_cast %mul3A_565 : i32 to index
          %get3A_569 = tpu.vector_load %arg7[%get3A_567, %get3A_568] {strides = array<i32>} : memref<16x1024xf32, #tpu.memory_space<vmem>>, vector<16xf32>,
          %add3A_570 = vector.broadcast %mul3A_523 : i32 to vector<16xi32>
          %add3A_571 = arith.addi %add3A_570, %add3A_36 : vector<16xi32>
          tpu.vector_store_idx %arg10[%add3A_571], %get3A_569 : memref<16384xf32, #tpu.memory_space<vmem>>[vector<16xi32>], vector<16xf32>,
          %mul3A_572 = arith.constant 16 : i32
          %mul3A_573 = arith.muli %scan3A_521, %mul3A_572 : i32
          %get3A_574 = arith.constant 6 : i32
          %get3A_575 = arith.index_cast %get3A_574 : i32 to index
          %get3A_576 = arith.index_cast %mul3A_573 : i32 to index
          %get3A_577 = tpu.vector_load %arg7[%get3A_575, %get3A_576] {strides = array<i32>} : memref<16x1024xf32, #tpu.memory_space<vmem>>, vector<16xf32>,
          %add3A_578 = vector.broadcast %mul3A_523 : i32 to vector<16xi32>
          %add3A_579 = arith.addi %add3A_578, %add3A_42 : vector<16xi32>
          tpu.vector_store_idx %arg10[%add3A_579], %get3A_577 : memref<16384xf32, #tpu.memory_space<vmem>>[vector<16xi32>], vector<16xf32>,
          %mul3A_580 = arith.constant 16 : i32
          %mul3A_581 = arith.muli %scan3A_521, %mul3A_580 : i32
          %get3A_582 = arith.constant 7 : i32
          %get3A_583 = arith.index_cast %get3A_582 : i32 to index
          %get3A_584 = arith.index_cast %mul3A_581 : i32 to index
          %get3A_585 = tpu.vector_load %arg7[%get3A_583, %get3A_584] {strides = array<i32>} : memref<16x1024xf32, #tpu.memory_space<vmem>>, vector<16xf32>,
          %add3A_586 = vector.broadcast %mul3A_523 : i32 to vector<16xi32>
          %add3A_587 = arith.addi %add3A_586, %add3A_48 : vector<16xi32>
          tpu.vector_store_idx %arg10[%add3A_587], %get3A_585 : memref<16384xf32, #tpu.memory_space<vmem>>[vector<16xi32>], vector<16xf32>,
          %mul3A_588 = arith.constant 16 : i32
          %mul3A_589 = arith.muli %scan3A_521, %mul3A_588 : i32
          %get3A_590 = arith.constant 8 : i32
          %get3A_591 = arith.index_cast %get3A_590 : i32 to index
          %get3A_592 = arith.index_cast %mul3A_589 : i32 to index
          %get3A_593 = tpu.vector_load %arg7[%get3A_591, %get3A_592] {strides = array<i32>} : memref<16x1024xf32, #tpu.memory_space<vmem>>, vector<16xf32>,
          %add3A_594 = vector.broadcast %mul3A_523 : i32 to vector<16xi32>
          %add3A_595 = arith.addi %add3A_594, %add3A_54 : vector<16xi32>
          tpu.vector_store_idx %arg10[%add3A_595], %get3A_593 : memref<16384xf32, #tpu.memory_space<vmem>>[vector<16xi32>], vector<16xf32>,
          %mul3A_596 = arith.constant 16 : i32
          %mul3A_597 = arith.muli %scan3A_521, %mul3A_596 : i32
          %get3A_598 = arith.constant 9 : i32
          %get3A_599 = arith.index_cast %get3A_598 : i32 to index
          %get3A_600 = arith.index_cast %mul3A_597 : i32 to index
          %get3A_601 = tpu.vector_load %arg7[%get3A_599, %get3A_600] {strides = array<i32>} : memref<16x1024xf32, #tpu.memory_space<vmem>>, vector<16xf32>,
          %add3A_602 = vector.broadcast %mul3A_523 : i32 to vector<16xi32>
          %add3A_603 = arith.addi %add3A_602, %add3A_60 : vector<16xi32>
          tpu.vector_store_idx %arg10[%add3A_603], %get3A_601 : memref<16384xf32, #tpu.memory_space<vmem>>[vector<16xi32>], vector<16xf32>,
          %mul3A_604 = arith.constant 16 : i32
          %mul3A_605 = arith.muli %scan3A_521, %mul3A_604 : i32
          %get3A_606 = arith.constant 10 : i32
          %get3A_607 = arith.index_cast %get3A_606 : i32 to index
          %get3A_608 = arith.index_cast %mul3A_605 : i32 to index
          %get3A_609 = tpu.vector_load %arg7[%get3A_607, %get3A_608] {strides = array<i32>} : memref<16x1024xf32, #tpu.memory_space<vmem>>, vector<16xf32>,
          %add3A_610 = vector.broadcast %mul3A_523 : i32 to vector<16xi32>
          %add3A_611 = arith.addi %add3A_610, %add3A_66 : vector<16xi32>
          tpu.vector_store_idx %arg10[%add3A_611], %get3A_609 : memref<16384xf32, #tpu.memory_space<vmem>>[vector<16xi32>], vector<16xf32>,
          %mul3A_612 = arith.constant 16 : i32
          %mul3A_613 = arith.muli %scan3A_521, %mul3A_612 : i32
          %get3A_614 = arith.constant 11 : i32
          %get3A_615 = arith.index_cast %get3A_614 : i32 to index
          %get3A_616 = arith.index_cast %mul3A_613 : i32 to index
          %get3A_617 = tpu.vector_load %arg7[%get3A_615, %get3A_616] {strides = array<i32>} : memref<16x1024xf32, #tpu.memory_space<vmem>>, vector<16xf32>,
          %add3A_618 = vector.broadcast %mul3A_523 : i32 to vector<16xi32>
          %add3A_619 = arith.addi %add3A_618, %add3A_72 : vector<16xi32>
          tpu.vector_store_idx %arg10[%add3A_619], %get3A_617 : memref<16384xf32, #tpu.memory_space<vmem>>[vector<16xi32>], vector<16xf32>,
          %mul3A_620 = arith.constant 16 : i32
          %mul3A_621 = arith.muli %scan3A_521, %mul3A_620 : i32
          %get3A_622 = arith.constant 12 : i32
          %get3A_623 = arith.index_cast %get3A_622 : i32 to index
          %get3A_624 = arith.index_cast %mul3A_621 : i32 to index
          %get3A_625 = tpu.vector_load %arg7[%get3A_623, %get3A_624] {strides = array<i32>} : memref<16x1024xf32, #tpu.memory_space<vmem>>, vector<16xf32>,
          %add3A_626 = vector.broadcast %mul3A_523 : i32 to vector<16xi32>
          %add3A_627 = arith.addi %add3A_626, %add3A_78 : vector<16xi32>
          tpu.vector_store_idx %arg10[%add3A_627], %get3A_625 : memref<16384xf32, #tpu.memory_space<vmem>>[vector<16xi32>], vector<16xf32>,
          %mul3A_628 = arith.constant 16 : i32
          %mul3A_629 = arith.muli %scan3A_521, %mul3A_628 : i32
          %get3A_630 = arith.constant 13 : i32
          %get3A_631 = arith.index_cast %get3A_630 : i32 to index
          %get3A_632 = arith.index_cast %mul3A_629 : i32 to index
          %get3A_633 = tpu.vector_load %arg7[%get3A_631, %get3A_632] {strides = array<i32>} : memref<16x1024xf32, #tpu.memory_space<vmem>>, vector<16xf32>,
          %add3A_634 = vector.broadcast %mul3A_523 : i32 to vector<16xi32>
          %add3A_635 = arith.addi %add3A_634, %add3A_84 : vector<16xi32>
          tpu.vector_store_idx %arg10[%add3A_635], %get3A_633 : memref<16384xf32, #tpu.memory_space<vmem>>[vector<16xi32>], vector<16xf32>,
          %mul3A_636 = arith.constant 16 : i32
          %mul3A_637 = arith.muli %scan3A_521, %mul3A_636 : i32
          %get3A_638 = arith.constant 14 : i32
          %get3A_639 = arith.index_cast %get3A_638 : i32 to index
          %get3A_640 = arith.index_cast %mul3A_637 : i32 to index
          %get3A_641 = tpu.vector_load %arg7[%get3A_639, %get3A_640] {strides = array<i32>} : memref<16x1024xf32, #tpu.memory_space<vmem>>, vector<16xf32>,
          %add3A_642 = vector.broadcast %mul3A_523 : i32 to vector<16xi32>
          %add3A_643 = arith.addi %add3A_642, %add3A_90 : vector<16xi32>
          tpu.vector_store_idx %arg10[%add3A_643], %get3A_641 : memref<16384xf32, #tpu.memory_space<vmem>>[vector<16xi32>], vector<16xf32>,
          %mul3A_644 = arith.constant 16 : i32
          %mul3A_645 = arith.muli %scan3A_521, %mul3A_644 : i32
          %get3A_646 = arith.constant 15 : i32
          %get3A_647 = arith.index_cast %get3A_646 : i32 to index
          %get3A_648 = arith.index_cast %mul3A_645 : i32 to index
          %get3A_649 = tpu.vector_load %arg7[%get3A_647, %get3A_648] {strides = array<i32>} : memref<16x1024xf32, #tpu.memory_space<vmem>>, vector<16xf32>,
          %add3A_650 = vector.broadcast %mul3A_523 : i32 to vector<16xi32>
          %add3A_651 = arith.addi %add3A_650, %add3A_96 : vector<16xi32>
          tpu.vector_store_idx %arg10[%add3A_651], %get3A_649 : memref<16384xf32, #tpu.memory_space<vmem>>[vector<16xi32>], vector<16xf32>,
          %scan3A_652 = arith.constant 3 : i32
          %scan3A_653 = arith.addi %scan3A_258, %scan3A_652 : i32
          %mul3A_654 = arith.constant 256 : i32
          %mul3A_655 = arith.muli %scan3A_653, %mul3A_654 : i32
          %mul3A_656 = arith.constant 16 : i32
          %mul3A_657 = arith.muli %scan3A_653, %mul3A_656 : i32
          %get3A_658 = arith.constant 0 : i32
          %get3A_659 = arith.index_cast %get3A_658 : i32 to index
          %get3A_660 = arith.index_cast %mul3A_657 : i32 to index
          %get3A_661 = tpu.vector_load %arg7[%get3A_659, %get3A_660] {strides = array<i32>} : memref<16x1024xf32, #tpu.memory_space<vmem>>, vector<16xf32>,
          %add3A_662 = vector.broadcast %mul3A_655 : i32 to vector<16xi32>
          %add3A_663 = arith.addi %add3A_662, %add3A_6 : vector<16xi32>
          tpu.vector_store_idx %arg10[%add3A_663], %get3A_661 : memref<16384xf32, #tpu.memory_space<vmem>>[vector<16xi32>], vector<16xf32>,
          %mul3A_664 = arith.constant 16 : i32
          %mul3A_665 = arith.muli %scan3A_653, %mul3A_664 : i32
          %get3A_666 = arith.constant 1 : i32
          %get3A_667 = arith.index_cast %get3A_666 : i32 to index
          %get3A_668 = arith.index_cast %mul3A_665 : i32 to index
          %get3A_669 = tpu.vector_load %arg7[%get3A_667, %get3A_668] {strides = array<i32>} : memref<16x1024xf32, #tpu.memory_space<vmem>>, vector<16xf32>,
          %add3A_670 = vector.broadcast %mul3A_655 : i32 to vector<16xi32>
          %add3A_671 = arith.addi %add3A_670, %add3A_12 : vector<16xi32>
          tpu.vector_store_idx %arg10[%add3A_671], %get3A_669 : memref<16384xf32, #tpu.memory_space<vmem>>[vector<16xi32>], vector<16xf32>,
          %mul3A_672 = arith.constant 16 : i32
          %mul3A_673 = arith.muli %scan3A_653, %mul3A_672 : i32
          %get3A_674 = arith.constant 2 : i32
          %get3A_675 = arith.index_cast %get3A_674 : i32 to index
          %get3A_676 = arith.index_cast %mul3A_673 : i32 to index
          %get3A_677 = tpu.vector_load %arg7[%get3A_675, %get3A_676] {strides = array<i32>} : memref<16x1024xf32, #tpu.memory_space<vmem>>, vector<16xf32>,
          %add3A_678 = vector.broadcast %mul3A_655 : i32 to vector<16xi32>
          %add3A_679 = arith.addi %add3A_678, %add3A_18 : vector<16xi32>
          tpu.vector_store_idx %arg10[%add3A_679], %get3A_677 : memref<16384xf32, #tpu.memory_space<vmem>>[vector<16xi32>], vector<16xf32>,
          %mul3A_680 = arith.constant 16 : i32
          %mul3A_681 = arith.muli %scan3A_653, %mul3A_680 : i32
          %get3A_682 = arith.constant 3 : i32
          %get3A_683 = arith.index_cast %get3A_682 : i32 to index
          %get3A_684 = arith.index_cast %mul3A_681 : i32 to index
          %get3A_685 = tpu.vector_load %arg7[%get3A_683, %get3A_684] {strides = array<i32>} : memref<16x1024xf32, #tpu.memory_space<vmem>>, vector<16xf32>,
          %add3A_686 = vector.broadcast %mul3A_655 : i32 to vector<16xi32>
          %add3A_687 = arith.addi %add3A_686, %add3A_24 : vector<16xi32>
          tpu.vector_store_idx %arg10[%add3A_687], %get3A_685 : memref<16384xf32, #tpu.memory_space<vmem>>[vector<16xi32>], vector<16xf32>,
          %mul3A_688 = arith.constant 16 : i32
          %mul3A_689 = arith.muli %scan3A_653, %mul3A_688 : i32
          %get3A_690 = arith.constant 4 : i32
          %get3A_691 = arith.index_cast %get3A_690 : i32 to index
          %get3A_692 = arith.index_cast %mul3A_689 : i32 to index
          %get3A_693 = tpu.vector_load %arg7[%get3A_691, %get3A_692] {strides = array<i32>} : memref<16x1024xf32, #tpu.memory_space<vmem>>, vector<16xf32>,
          %add3A_694 = vector.broadcast %mul3A_655 : i32 to vector<16xi32>
          %add3A_695 = arith.addi %add3A_694, %add3A_30 : vector<16xi32>
          tpu.vector_store_idx %arg10[%add3A_695], %get3A_693 : memref<16384xf32, #tpu.memory_space<vmem>>[vector<16xi32>], vector<16xf32>,
          %mul3A_696 = arith.constant 16 : i32
          %mul3A_697 = arith.muli %scan3A_653, %mul3A_696 : i32
          %get3A_698 = arith.constant 5 : i32
          %get3A_699 = arith.index_cast %get3A_698 : i32 to index
          %get3A_700 = arith.index_cast %mul3A_697 : i32 to index
          %get3A_701 = tpu.vector_load %arg7[%get3A_699, %get3A_700] {strides = array<i32>} : memref<16x1024xf32, #tpu.memory_space<vmem>>, vector<16xf32>,
          %add3A_702 = vector.broadcast %mul3A_655 : i32 to vector<16xi32>
          %add3A_703 = arith.addi %add3A_702, %add3A_36 : vector<16xi32>
          tpu.vector_store_idx %arg10[%add3A_703], %get3A_701 : memref<16384xf32, #tpu.memory_space<vmem>>[vector<16xi32>], vector<16xf32>,
          %mul3A_704 = arith.constant 16 : i32
          %mul3A_705 = arith.muli %scan3A_653, %mul3A_704 : i32
          %get3A_706 = arith.constant 6 : i32
          %get3A_707 = arith.index_cast %get3A_706 : i32 to index
          %get3A_708 = arith.index_cast %mul3A_705 : i32 to index
          %get3A_709 = tpu.vector_load %arg7[%get3A_707, %get3A_708] {strides = array<i32>} : memref<16x1024xf32, #tpu.memory_space<vmem>>, vector<16xf32>,
          %add3A_710 = vector.broadcast %mul3A_655 : i32 to vector<16xi32>
          %add3A_711 = arith.addi %add3A_710, %add3A_42 : vector<16xi32>
          tpu.vector_store_idx %arg10[%add3A_711], %get3A_709 : memref<16384xf32, #tpu.memory_space<vmem>>[vector<16xi32>], vector<16xf32>,
          %mul3A_712 = arith.constant 16 : i32
          %mul3A_713 = arith.muli %scan3A_653, %mul3A_712 : i32
          %get3A_714 = arith.constant 7 : i32
          %get3A_715 = arith.index_cast %get3A_714 : i32 to index
          %get3A_716 = arith.index_cast %mul3A_713 : i32 to index
          %get3A_717 = tpu.vector_load %arg7[%get3A_715, %get3A_716] {strides = array<i32>} : memref<16x1024xf32, #tpu.memory_space<vmem>>, vector<16xf32>,
          %add3A_718 = vector.broadcast %mul3A_655 : i32 to vector<16xi32>
          %add3A_719 = arith.addi %add3A_718, %add3A_48 : vector<16xi32>
          tpu.vector_store_idx %arg10[%add3A_719], %get3A_717 : memref<16384xf32, #tpu.memory_space<vmem>>[vector<16xi32>], vector<16xf32>,
          %mul3A_720 = arith.constant 16 : i32
          %mul3A_721 = arith.muli %scan3A_653, %mul3A_720 : i32
          %get3A_722 = arith.constant 8 : i32
          %get3A_723 = arith.index_cast %get3A_722 : i32 to index
          %get3A_724 = arith.index_cast %mul3A_721 : i32 to index
          %get3A_725 = tpu.vector_load %arg7[%get3A_723, %get3A_724] {strides = array<i32>} : memref<16x1024xf32, #tpu.memory_space<vmem>>, vector<16xf32>,
          %add3A_726 = vector.broadcast %mul3A_655 : i32 to vector<16xi32>
          %add3A_727 = arith.addi %add3A_726, %add3A_54 : vector<16xi32>
          tpu.vector_store_idx %arg10[%add3A_727], %get3A_725 : memref<16384xf32, #tpu.memory_space<vmem>>[vector<16xi32>], vector<16xf32>,
          %mul3A_728 = arith.constant 16 : i32
          %mul3A_729 = arith.muli %scan3A_653, %mul3A_728 : i32
          %get3A_730 = arith.constant 9 : i32
          %get3A_731 = arith.index_cast %get3A_730 : i32 to index
          %get3A_732 = arith.index_cast %mul3A_729 : i32 to index
          %get3A_733 = tpu.vector_load %arg7[%get3A_731, %get3A_732] {strides = array<i32>} : memref<16x1024xf32, #tpu.memory_space<vmem>>, vector<16xf32>,
          %add3A_734 = vector.broadcast %mul3A_655 : i32 to vector<16xi32>
          %add3A_735 = arith.addi %add3A_734, %add3A_60 : vector<16xi32>
          tpu.vector_store_idx %arg10[%add3A_735], %get3A_733 : memref<16384xf32, #tpu.memory_space<vmem>>[vector<16xi32>], vector<16xf32>,
          %mul3A_736 = arith.constant 16 : i32
          %mul3A_737 = arith.muli %scan3A_653, %mul3A_736 : i32
          %get3A_738 = arith.constant 10 : i32
          %get3A_739 = arith.index_cast %get3A_738 : i32 to index
          %get3A_740 = arith.index_cast %mul3A_737 : i32 to index
          %get3A_741 = tpu.vector_load %arg7[%get3A_739, %get3A_740] {strides = array<i32>} : memref<16x1024xf32, #tpu.memory_space<vmem>>, vector<16xf32>,
          %add3A_742 = vector.broadcast %mul3A_655 : i32 to vector<16xi32>
          %add3A_743 = arith.addi %add3A_742, %add3A_66 : vector<16xi32>
          tpu.vector_store_idx %arg10[%add3A_743], %get3A_741 : memref<16384xf32, #tpu.memory_space<vmem>>[vector<16xi32>], vector<16xf32>,
          %mul3A_744 = arith.constant 16 : i32
          %mul3A_745 = arith.muli %scan3A_653, %mul3A_744 : i32
          %get3A_746 = arith.constant 11 : i32
          %get3A_747 = arith.index_cast %get3A_746 : i32 to index
          %get3A_748 = arith.index_cast %mul3A_745 : i32 to index
          %get3A_749 = tpu.vector_load %arg7[%get3A_747, %get3A_748] {strides = array<i32>} : memref<16x1024xf32, #tpu.memory_space<vmem>>, vector<16xf32>,
          %add3A_750 = vector.broadcast %mul3A_655 : i32 to vector<16xi32>
          %add3A_751 = arith.addi %add3A_750, %add3A_72 : vector<16xi32>
          tpu.vector_store_idx %arg10[%add3A_751], %get3A_749 : memref<16384xf32, #tpu.memory_space<vmem>>[vector<16xi32>], vector<16xf32>,
          %mul3A_752 = arith.constant 16 : i32
          %mul3A_753 = arith.muli %scan3A_653, %mul3A_752 : i32
          %get3A_754 = arith.constant 12 : i32
          %get3A_755 = arith.index_cast %get3A_754 : i32 to index
          %get3A_756 = arith.index_cast %mul3A_753 : i32 to index
          %get3A_757 = tpu.vector_load %arg7[%get3A_755, %get3A_756] {strides = array<i32>} : memref<16x1024xf32, #tpu.memory_space<vmem>>, vector<16xf32>,
          %add3A_758 = vector.broadcast %mul3A_655 : i32 to vector<16xi32>
          %add3A_759 = arith.addi %add3A_758, %add3A_78 : vector<16xi32>
          tpu.vector_store_idx %arg10[%add3A_759], %get3A_757 : memref<16384xf32, #tpu.memory_space<vmem>>[vector<16xi32>], vector<16xf32>,
          %mul3A_760 = arith.constant 16 : i32
          %mul3A_761 = arith.muli %scan3A_653, %mul3A_760 : i32
          %get3A_762 = arith.constant 13 : i32
          %get3A_763 = arith.index_cast %get3A_762 : i32 to index
          %get3A_764 = arith.index_cast %mul3A_761 : i32 to index
          %get3A_765 = tpu.vector_load %arg7[%get3A_763, %get3A_764] {strides = array<i32>} : memref<16x1024xf32, #tpu.memory_space<vmem>>, vector<16xf32>,
          %add3A_766 = vector.broadcast %mul3A_655 : i32 to vector<16xi32>
          %add3A_767 = arith.addi %add3A_766, %add3A_84 : vector<16xi32>
          tpu.vector_store_idx %arg10[%add3A_767], %get3A_765 : memref<16384xf32, #tpu.memory_space<vmem>>[vector<16xi32>], vector<16xf32>,
          %mul3A_768 = arith.constant 16 : i32
          %mul3A_769 = arith.muli %scan3A_653, %mul3A_768 : i32
          %get3A_770 = arith.constant 14 : i32
          %get3A_771 = arith.index_cast %get3A_770 : i32 to index
          %get3A_772 = arith.index_cast %mul3A_769 : i32 to index
          %get3A_773 = tpu.vector_load %arg7[%get3A_771, %get3A_772] {strides = array<i32>} : memref<16x1024xf32, #tpu.memory_space<vmem>>, vector<16xf32>,
          %add3A_774 = vector.broadcast %mul3A_655 : i32 to vector<16xi32>
          %add3A_775 = arith.addi %add3A_774, %add3A_90 : vector<16xi32>
          tpu.vector_store_idx %arg10[%add3A_775], %get3A_773 : memref<16384xf32, #tpu.memory_space<vmem>>[vector<16xi32>], vector<16xf32>,
          %mul3A_776 = arith.constant 16 : i32
          %mul3A_777 = arith.muli %scan3A_653, %mul3A_776 : i32
          %get3A_778 = arith.constant 15 : i32
          %get3A_779 = arith.index_cast %get3A_778 : i32 to index
          %get3A_780 = arith.index_cast %mul3A_777 : i32 to index
          %get3A_781 = tpu.vector_load %arg7[%get3A_779, %get3A_780] {strides = array<i32>} : memref<16x1024xf32, #tpu.memory_space<vmem>>, vector<16xf32>,
          %add3A_782 = vector.broadcast %mul3A_655 : i32 to vector<16xi32>
          %add3A_783 = arith.addi %add3A_782, %add3A_96 : vector<16xi32>
          tpu.vector_store_idx %arg10[%add3A_783], %get3A_781 : memref<16384xf32, #tpu.memory_space<vmem>>[vector<16xi32>], vector<16xf32>,
          %scan3A_784 = arith.constant 4 : i32
          %scan3A_785 = arith.addi %scan3A_258, %scan3A_784 : i32
          %mul3A_786 = arith.constant 256 : i32
          %mul3A_787 = arith.muli %scan3A_785, %mul3A_786 : i32
          %mul3A_788 = arith.constant 16 : i32
          %mul3A_789 = arith.muli %scan3A_785, %mul3A_788 : i32
          %get3A_790 = arith.constant 0 : i32
          %get3A_791 = arith.index_cast %get3A_790 : i32 to index
          %get3A_792 = arith.index_cast %mul3A_789 : i32 to index
          %get3A_793 = tpu.vector_load %arg7[%get3A_791, %get3A_792] {strides = array<i32>} : memref<16x1024xf32, #tpu.memory_space<vmem>>, vector<16xf32>,
          %add3A_794 = vector.broadcast %mul3A_787 : i32 to vector<16xi32>
          %add3A_795 = arith.addi %add3A_794, %add3A_6 : vector<16xi32>
          tpu.vector_store_idx %arg10[%add3A_795], %get3A_793 : memref<16384xf32, #tpu.memory_space<vmem>>[vector<16xi32>], vector<16xf32>,
          %mul3A_796 = arith.constant 16 : i32
          %mul3A_797 = arith.muli %scan3A_785, %mul3A_796 : i32
          %get3A_798 = arith.constant 1 : i32
          %get3A_799 = arith.index_cast %get3A_798 : i32 to index
          %get3A_800 = arith.index_cast %mul3A_797 : i32 to index
          %get3A_801 = tpu.vector_load %arg7[%get3A_799, %get3A_800] {strides = array<i32>} : memref<16x1024xf32, #tpu.memory_space<vmem>>, vector<16xf32>,
          %add3A_802 = vector.broadcast %mul3A_787 : i32 to vector<16xi32>
          %add3A_803 = arith.addi %add3A_802, %add3A_12 : vector<16xi32>
          tpu.vector_store_idx %arg10[%add3A_803], %get3A_801 : memref<16384xf32, #tpu.memory_space<vmem>>[vector<16xi32>], vector<16xf32>,
          %mul3A_804 = arith.constant 16 : i32
          %mul3A_805 = arith.muli %scan3A_785, %mul3A_804 : i32
          %get3A_806 = arith.constant 2 : i32
          %get3A_807 = arith.index_cast %get3A_806 : i32 to index
          %get3A_808 = arith.index_cast %mul3A_805 : i32 to index
          %get3A_809 = tpu.vector_load %arg7[%get3A_807, %get3A_808] {strides = array<i32>} : memref<16x1024xf32, #tpu.memory_space<vmem>>, vector<16xf32>,
          %add3A_810 = vector.broadcast %mul3A_787 : i32 to vector<16xi32>
          %add3A_811 = arith.addi %add3A_810, %add3A_18 : vector<16xi32>
          tpu.vector_store_idx %arg10[%add3A_811], %get3A_809 : memref<16384xf32, #tpu.memory_space<vmem>>[vector<16xi32>], vector<16xf32>,
          %mul3A_812 = arith.constant 16 : i32
          %mul3A_813 = arith.muli %scan3A_785, %mul3A_812 : i32
          %get3A_814 = arith.constant 3 : i32
          %get3A_815 = arith.index_cast %get3A_814 : i32 to index
          %get3A_816 = arith.index_cast %mul3A_813 : i32 to index
          %get3A_817 = tpu.vector_load %arg7[%get3A_815, %get3A_816] {strides = array<i32>} : memref<16x1024xf32, #tpu.memory_space<vmem>>, vector<16xf32>,
          %add3A_818 = vector.broadcast %mul3A_787 : i32 to vector<16xi32>
          %add3A_819 = arith.addi %add3A_818, %add3A_24 : vector<16xi32>
          tpu.vector_store_idx %arg10[%add3A_819], %get3A_817 : memref<16384xf32, #tpu.memory_space<vmem>>[vector<16xi32>], vector<16xf32>,
          %mul3A_820 = arith.constant 16 : i32
          %mul3A_821 = arith.muli %scan3A_785, %mul3A_820 : i32
          %get3A_822 = arith.constant 4 : i32
          %get3A_823 = arith.index_cast %get3A_822 : i32 to index
          %get3A_824 = arith.index_cast %mul3A_821 : i32 to index
          %get3A_825 = tpu.vector_load %arg7[%get3A_823, %get3A_824] {strides = array<i32>} : memref<16x1024xf32, #tpu.memory_space<vmem>>, vector<16xf32>,
          %add3A_826 = vector.broadcast %mul3A_787 : i32 to vector<16xi32>
          %add3A_827 = arith.addi %add3A_826, %add3A_30 : vector<16xi32>
          tpu.vector_store_idx %arg10[%add3A_827], %get3A_825 : memref<16384xf32, #tpu.memory_space<vmem>>[vector<16xi32>], vector<16xf32>,
          %mul3A_828 = arith.constant 16 : i32
          %mul3A_829 = arith.muli %scan3A_785, %mul3A_828 : i32
          %get3A_830 = arith.constant 5 : i32
          %get3A_831 = arith.index_cast %get3A_830 : i32 to index
          %get3A_832 = arith.index_cast %mul3A_829 : i32 to index
          %get3A_833 = tpu.vector_load %arg7[%get3A_831, %get3A_832] {strides = array<i32>} : memref<16x1024xf32, #tpu.memory_space<vmem>>, vector<16xf32>,
          %add3A_834 = vector.broadcast %mul3A_787 : i32 to vector<16xi32>
          %add3A_835 = arith.addi %add3A_834, %add3A_36 : vector<16xi32>
          tpu.vector_store_idx %arg10[%add3A_835], %get3A_833 : memref<16384xf32, #tpu.memory_space<vmem>>[vector<16xi32>], vector<16xf32>,
          %mul3A_836 = arith.constant 16 : i32
          %mul3A_837 = arith.muli %scan3A_785, %mul3A_836 : i32
          %get3A_838 = arith.constant 6 : i32
          %get3A_839 = arith.index_cast %get3A_838 : i32 to index
          %get3A_840 = arith.index_cast %mul3A_837 : i32 to index
          %get3A_841 = tpu.vector_load %arg7[%get3A_839, %get3A_840] {strides = array<i32>} : memref<16x1024xf32, #tpu.memory_space<vmem>>, vector<16xf32>,
          %add3A_842 = vector.broadcast %mul3A_787 : i32 to vector<16xi32>
          %add3A_843 = arith.addi %add3A_842, %add3A_42 : vector<16xi32>
          tpu.vector_store_idx %arg10[%add3A_843], %get3A_841 : memref<16384xf32, #tpu.memory_space<vmem>>[vector<16xi32>], vector<16xf32>,
          %mul3A_844 = arith.constant 16 : i32
          %mul3A_845 = arith.muli %scan3A_785, %mul3A_844 : i32
          %get3A_846 = arith.constant 7 : i32
          %get3A_847 = arith.index_cast %get3A_846 : i32 to index
          %get3A_848 = arith.index_cast %mul3A_845 : i32 to index
          %get3A_849 = tpu.vector_load %arg7[%get3A_847, %get3A_848] {strides = array<i32>} : memref<16x1024xf32, #tpu.memory_space<vmem>>, vector<16xf32>,
          %add3A_850 = vector.broadcast %mul3A_787 : i32 to vector<16xi32>
          %add3A_851 = arith.addi %add3A_850, %add3A_48 : vector<16xi32>
          tpu.vector_store_idx %arg10[%add3A_851], %get3A_849 : memref<16384xf32, #tpu.memory_space<vmem>>[vector<16xi32>], vector<16xf32>,
          %mul3A_852 = arith.constant 16 : i32
          %mul3A_853 = arith.muli %scan3A_785, %mul3A_852 : i32
          %get3A_854 = arith.constant 8 : i32
          %get3A_855 = arith.index_cast %get3A_854 : i32 to index
          %get3A_856 = arith.index_cast %mul3A_853 : i32 to index
          %get3A_857 = tpu.vector_load %arg7[%get3A_855, %get3A_856] {strides = array<i32>} : memref<16x1024xf32, #tpu.memory_space<vmem>>, vector<16xf32>,
          %add3A_858 = vector.broadcast %mul3A_787 : i32 to vector<16xi32>
          %add3A_859 = arith.addi %add3A_858, %add3A_54 : vector<16xi32>
          tpu.vector_store_idx %arg10[%add3A_859], %get3A_857 : memref<16384xf32, #tpu.memory_space<vmem>>[vector<16xi32>], vector<16xf32>,
          %mul3A_860 = arith.constant 16 : i32
          %mul3A_861 = arith.muli %scan3A_785, %mul3A_860 : i32
          %get3A_862 = arith.constant 9 : i32
          %get3A_863 = arith.index_cast %get3A_862 : i32 to index
          %get3A_864 = arith.index_cast %mul3A_861 : i32 to index
          %get3A_865 = tpu.vector_load %arg7[%get3A_863, %get3A_864] {strides = array<i32>} : memref<16x1024xf32, #tpu.memory_space<vmem>>, vector<16xf32>,
          %add3A_866 = vector.broadcast %mul3A_787 : i32 to vector<16xi32>
          %add3A_867 = arith.addi %add3A_866, %add3A_60 : vector<16xi32>
          tpu.vector_store_idx %arg10[%add3A_867], %get3A_865 : memref<16384xf32, #tpu.memory_space<vmem>>[vector<16xi32>], vector<16xf32>,
          %mul3A_868 = arith.constant 16 : i32
          %mul3A_869 = arith.muli %scan3A_785, %mul3A_868 : i32
          %get3A_870 = arith.constant 10 : i32
          %get3A_871 = arith.index_cast %get3A_870 : i32 to index
          %get3A_872 = arith.index_cast %mul3A_869 : i32 to index
          %get3A_873 = tpu.vector_load %arg7[%get3A_871, %get3A_872] {strides = array<i32>} : memref<16x1024xf32, #tpu.memory_space<vmem>>, vector<16xf32>,
          %add3A_874 = vector.broadcast %mul3A_787 : i32 to vector<16xi32>
          %add3A_875 = arith.addi %add3A_874, %add3A_66 : vector<16xi32>
          tpu.vector_store_idx %arg10[%add3A_875], %get3A_873 : memref<16384xf32, #tpu.memory_space<vmem>>[vector<16xi32>], vector<16xf32>,
          %mul3A_876 = arith.constant 16 : i32
          %mul3A_877 = arith.muli %scan3A_785, %mul3A_876 : i32
          %get3A_878 = arith.constant 11 : i32
          %get3A_879 = arith.index_cast %get3A_878 : i32 to index
          %get3A_880 = arith.index_cast %mul3A_877 : i32 to index
          %get3A_881 = tpu.vector_load %arg7[%get3A_879, %get3A_880] {strides = array<i32>} : memref<16x1024xf32, #tpu.memory_space<vmem>>, vector<16xf32>,
          %add3A_882 = vector.broadcast %mul3A_787 : i32 to vector<16xi32>
          %add3A_883 = arith.addi %add3A_882, %add3A_72 : vector<16xi32>
          tpu.vector_store_idx %arg10[%add3A_883], %get3A_881 : memref<16384xf32, #tpu.memory_space<vmem>>[vector<16xi32>], vector<16xf32>,
          %mul3A_884 = arith.constant 16 : i32
          %mul3A_885 = arith.muli %scan3A_785, %mul3A_884 : i32
          %get3A_886 = arith.constant 12 : i32
          %get3A_887 = arith.index_cast %get3A_886 : i32 to index
          %get3A_888 = arith.index_cast %mul3A_885 : i32 to index
          %get3A_889 = tpu.vector_load %arg7[%get3A_887, %get3A_888] {strides = array<i32>} : memref<16x1024xf32, #tpu.memory_space<vmem>>, vector<16xf32>,
          %add3A_890 = vector.broadcast %mul3A_787 : i32 to vector<16xi32>
          %add3A_891 = arith.addi %add3A_890, %add3A_78 : vector<16xi32>
          tpu.vector_store_idx %arg10[%add3A_891], %get3A_889 : memref<16384xf32, #tpu.memory_space<vmem>>[vector<16xi32>], vector<16xf32>,
          %mul3A_892 = arith.constant 16 : i32
          %mul3A_893 = arith.muli %scan3A_785, %mul3A_892 : i32
          %get3A_894 = arith.constant 13 : i32
          %get3A_895 = arith.index_cast %get3A_894 : i32 to index
          %get3A_896 = arith.index_cast %mul3A_893 : i32 to index
          %get3A_897 = tpu.vector_load %arg7[%get3A_895, %get3A_896] {strides = array<i32>} : memref<16x1024xf32, #tpu.memory_space<vmem>>, vector<16xf32>,
          %add3A_898 = vector.broadcast %mul3A_787 : i32 to vector<16xi32>
          %add3A_899 = arith.addi %add3A_898, %add3A_84 : vector<16xi32>
          tpu.vector_store_idx %arg10[%add3A_899], %get3A_897 : memref<16384xf32, #tpu.memory_space<vmem>>[vector<16xi32>], vector<16xf32>,
          %mul3A_900 = arith.constant 16 : i32
          %mul3A_901 = arith.muli %scan3A_785, %mul3A_900 : i32
          %get3A_902 = arith.constant 14 : i32
          %get3A_903 = arith.index_cast %get3A_902 : i32 to index
          %get3A_904 = arith.index_cast %mul3A_901 : i32 to index
          %get3A_905 = tpu.vector_load %arg7[%get3A_903, %get3A_904] {strides = array<i32>} : memref<16x1024xf32, #tpu.memory_space<vmem>>, vector<16xf32>,
          %add3A_906 = vector.broadcast %mul3A_787 : i32 to vector<16xi32>
          %add3A_907 = arith.addi %add3A_906, %add3A_90 : vector<16xi32>
          tpu.vector_store_idx %arg10[%add3A_907], %get3A_905 : memref<16384xf32, #tpu.memory_space<vmem>>[vector<16xi32>], vector<16xf32>,
          %mul3A_908 = arith.constant 16 : i32
          %mul3A_909 = arith.muli %scan3A_785, %mul3A_908 : i32
          %get3A_910 = arith.constant 15 : i32
          %get3A_911 = arith.index_cast %get3A_910 : i32 to index
          %get3A_912 = arith.index_cast %mul3A_909 : i32 to index
          %get3A_913 = tpu.vector_load %arg7[%get3A_911, %get3A_912] {strides = array<i32>} : memref<16x1024xf32, #tpu.memory_space<vmem>>, vector<16xf32>,
          %add3A_914 = vector.broadcast %mul3A_787 : i32 to vector<16xi32>
          %add3A_915 = arith.addi %add3A_914, %add3A_96 : vector<16xi32>
          tpu.vector_store_idx %arg10[%add3A_915], %get3A_913 : memref<16384xf32, #tpu.memory_space<vmem>>[vector<16xi32>], vector<16xf32>,
          %scan3A_916 = arith.constant 5 : i32
          %scan3A_917 = arith.addi %scan3A_258, %scan3A_916 : i32
          %mul3A_918 = arith.constant 256 : i32
          %mul3A_919 = arith.muli %scan3A_917, %mul3A_918 : i32
          %mul3A_920 = arith.constant 16 : i32
          %mul3A_921 = arith.muli %scan3A_917, %mul3A_920 : i32
          %get3A_922 = arith.constant 0 : i32
          %get3A_923 = arith.index_cast %get3A_922 : i32 to index
          %get3A_924 = arith.index_cast %mul3A_921 : i32 to index
          %get3A_925 = tpu.vector_load %arg7[%get3A_923, %get3A_924] {strides = array<i32>} : memref<16x1024xf32, #tpu.memory_space<vmem>>, vector<16xf32>,
          %add3A_926 = vector.broadcast %mul3A_919 : i32 to vector<16xi32>
          %add3A_927 = arith.addi %add3A_926, %add3A_6 : vector<16xi32>
          tpu.vector_store_idx %arg10[%add3A_927], %get3A_925 : memref<16384xf32, #tpu.memory_space<vmem>>[vector<16xi32>], vector<16xf32>,
          %mul3A_928 = arith.constant 16 : i32
          %mul3A_929 = arith.muli %scan3A_917, %mul3A_928 : i32
          %get3A_930 = arith.constant 1 : i32
          %get3A_931 = arith.index_cast %get3A_930 : i32 to index
          %get3A_932 = arith.index_cast %mul3A_929 : i32 to index
          %get3A_933 = tpu.vector_load %arg7[%get3A_931, %get3A_932] {strides = array<i32>} : memref<16x1024xf32, #tpu.memory_space<vmem>>, vector<16xf32>,
          %add3A_934 = vector.broadcast %mul3A_919 : i32 to vector<16xi32>
          %add3A_935 = arith.addi %add3A_934, %add3A_12 : vector<16xi32>
          tpu.vector_store_idx %arg10[%add3A_935], %get3A_933 : memref<16384xf32, #tpu.memory_space<vmem>>[vector<16xi32>], vector<16xf32>,
          %mul3A_936 = arith.constant 16 : i32
          %mul3A_937 = arith.muli %scan3A_917, %mul3A_936 : i32
          %get3A_938 = arith.constant 2 : i32
          %get3A_939 = arith.index_cast %get3A_938 : i32 to index
          %get3A_940 = arith.index_cast %mul3A_937 : i32 to index
          %get3A_941 = tpu.vector_load %arg7[%get3A_939, %get3A_940] {strides = array<i32>} : memref<16x1024xf32, #tpu.memory_space<vmem>>, vector<16xf32>,
          %add3A_942 = vector.broadcast %mul3A_919 : i32 to vector<16xi32>
          %add3A_943 = arith.addi %add3A_942, %add3A_18 : vector<16xi32>
          tpu.vector_store_idx %arg10[%add3A_943], %get3A_941 : memref<16384xf32, #tpu.memory_space<vmem>>[vector<16xi32>], vector<16xf32>,
          %mul3A_944 = arith.constant 16 : i32
          %mul3A_945 = arith.muli %scan3A_917, %mul3A_944 : i32
          %get3A_946 = arith.constant 3 : i32
          %get3A_947 = arith.index_cast %get3A_946 : i32 to index
          %get3A_948 = arith.index_cast %mul3A_945 : i32 to index
          %get3A_949 = tpu.vector_load %arg7[%get3A_947, %get3A_948] {strides = array<i32>} : memref<16x1024xf32, #tpu.memory_space<vmem>>, vector<16xf32>,
          %add3A_950 = vector.broadcast %mul3A_919 : i32 to vector<16xi32>
          %add3A_951 = arith.addi %add3A_950, %add3A_24 : vector<16xi32>
          tpu.vector_store_idx %arg10[%add3A_951], %get3A_949 : memref<16384xf32, #tpu.memory_space<vmem>>[vector<16xi32>], vector<16xf32>,
          %mul3A_952 = arith.constant 16 : i32
          %mul3A_953 = arith.muli %scan3A_917, %mul3A_952 : i32
          %get3A_954 = arith.constant 4 : i32
          %get3A_955 = arith.index_cast %get3A_954 : i32 to index
          %get3A_956 = arith.index_cast %mul3A_953 : i32 to index
          %get3A_957 = tpu.vector_load %arg7[%get3A_955, %get3A_956] {strides = array<i32>} : memref<16x1024xf32, #tpu.memory_space<vmem>>, vector<16xf32>,
          %add3A_958 = vector.broadcast %mul3A_919 : i32 to vector<16xi32>
          %add3A_959 = arith.addi %add3A_958, %add3A_30 : vector<16xi32>
          tpu.vector_store_idx %arg10[%add3A_959], %get3A_957 : memref<16384xf32, #tpu.memory_space<vmem>>[vector<16xi32>], vector<16xf32>,
          %mul3A_960 = arith.constant 16 : i32
          %mul3A_961 = arith.muli %scan3A_917, %mul3A_960 : i32
          %get3A_962 = arith.constant 5 : i32
          %get3A_963 = arith.index_cast %get3A_962 : i32 to index
          %get3A_964 = arith.index_cast %mul3A_961 : i32 to index
          %get3A_965 = tpu.vector_load %arg7[%get3A_963, %get3A_964] {strides = array<i32>} : memref<16x1024xf32, #tpu.memory_space<vmem>>, vector<16xf32>,
          %add3A_966 = vector.broadcast %mul3A_919 : i32 to vector<16xi32>
          %add3A_967 = arith.addi %add3A_966, %add3A_36 : vector<16xi32>
          tpu.vector_store_idx %arg10[%add3A_967], %get3A_965 : memref<16384xf32, #tpu.memory_space<vmem>>[vector<16xi32>], vector<16xf32>,
          %mul3A_968 = arith.constant 16 : i32
          %mul3A_969 = arith.muli %scan3A_917, %mul3A_968 : i32
          %get3A_970 = arith.constant 6 : i32
          %get3A_971 = arith.index_cast %get3A_970 : i32 to index
          %get3A_972 = arith.index_cast %mul3A_969 : i32 to index
          %get3A_973 = tpu.vector_load %arg7[%get3A_971, %get3A_972] {strides = array<i32>} : memref<16x1024xf32, #tpu.memory_space<vmem>>, vector<16xf32>,
          %add3A_974 = vector.broadcast %mul3A_919 : i32 to vector<16xi32>
          %add3A_975 = arith.addi %add3A_974, %add3A_42 : vector<16xi32>
          tpu.vector_store_idx %arg10[%add3A_975], %get3A_973 : memref<16384xf32, #tpu.memory_space<vmem>>[vector<16xi32>], vector<16xf32>,
          %mul3A_976 = arith.constant 16 : i32
          %mul3A_977 = arith.muli %scan3A_917, %mul3A_976 : i32
          %get3A_978 = arith.constant 7 : i32
          %get3A_979 = arith.index_cast %get3A_978 : i32 to index
          %get3A_980 = arith.index_cast %mul3A_977 : i32 to index
          %get3A_981 = tpu.vector_load %arg7[%get3A_979, %get3A_980] {strides = array<i32>} : memref<16x1024xf32, #tpu.memory_space<vmem>>, vector<16xf32>,
          %add3A_982 = vector.broadcast %mul3A_919 : i32 to vector<16xi32>
          %add3A_983 = arith.addi %add3A_982, %add3A_48 : vector<16xi32>
          tpu.vector_store_idx %arg10[%add3A_983], %get3A_981 : memref<16384xf32, #tpu.memory_space<vmem>>[vector<16xi32>], vector<16xf32>,
          %mul3A_984 = arith.constant 16 : i32
          %mul3A_985 = arith.muli %scan3A_917, %mul3A_984 : i32
          %get3A_986 = arith.constant 8 : i32
          %get3A_987 = arith.index_cast %get3A_986 : i32 to index
          %get3A_988 = arith.index_cast %mul3A_985 : i32 to index
          %get3A_989 = tpu.vector_load %arg7[%get3A_987, %get3A_988] {strides = array<i32>} : memref<16x1024xf32, #tpu.memory_space<vmem>>, vector<16xf32>,
          %add3A_990 = vector.broadcast %mul3A_919 : i32 to vector<16xi32>
          %add3A_991 = arith.addi %add3A_990, %add3A_54 : vector<16xi32>
          tpu.vector_store_idx %arg10[%add3A_991], %get3A_989 : memref<16384xf32, #tpu.memory_space<vmem>>[vector<16xi32>], vector<16xf32>,
          %mul3A_992 = arith.constant 16 : i32
          %mul3A_993 = arith.muli %scan3A_917, %mul3A_992 : i32
          %get3A_994 = arith.constant 9 : i32
          %get3A_995 = arith.index_cast %get3A_994 : i32 to index
          %get3A_996 = arith.index_cast %mul3A_993 : i32 to index
          %get3A_997 = tpu.vector_load %arg7[%get3A_995, %get3A_996] {strides = array<i32>} : memref<16x1024xf32, #tpu.memory_space<vmem>>, vector<16xf32>,
          %add3A_998 = vector.broadcast %mul3A_919 : i32 to vector<16xi32>
          %add3A_999 = arith.addi %add3A_998, %add3A_60 : vector<16xi32>
          tpu.vector_store_idx %arg10[%add3A_999], %get3A_997 : memref<16384xf32, #tpu.memory_space<vmem>>[vector<16xi32>], vector<16xf32>,
          %mul3A_1000 = arith.constant 16 : i32
          %mul3A_1001 = arith.muli %scan3A_917, %mul3A_1000 : i32
          %get3A_1002 = arith.constant 10 : i32
          %get3A_1003 = arith.index_cast %get3A_1002 : i32 to index
          %get3A_1004 = arith.index_cast %mul3A_1001 : i32 to index
          %get3A_1005 = tpu.vector_load %arg7[%get3A_1003, %get3A_1004] {strides = array<i32>} : memref<16x1024xf32, #tpu.memory_space<vmem>>, vector<16xf32>,
          %add3A_1006 = vector.broadcast %mul3A_919 : i32 to vector<16xi32>
          %add3A_1007 = arith.addi %add3A_1006, %add3A_66 : vector<16xi32>
          tpu.vector_store_idx %arg10[%add3A_1007], %get3A_1005 : memref<16384xf32, #tpu.memory_space<vmem>>[vector<16xi32>], vector<16xf32>,
          %mul3A_1008 = arith.constant 16 : i32
          %mul3A_1009 = arith.muli %scan3A_917, %mul3A_1008 : i32
          %get3A_1010 = arith.constant 11 : i32
          %get3A_1011 = arith.index_cast %get3A_1010 : i32 to index
          %get3A_1012 = arith.index_cast %mul3A_1009 : i32 to index
          %get3A_1013 = tpu.vector_load %arg7[%get3A_1011, %get3A_1012] {strides = array<i32>} : memref<16x1024xf32, #tpu.memory_space<vmem>>, vector<16xf32>,
          %add3A_1014 = vector.broadcast %mul3A_919 : i32 to vector<16xi32>
          %add3A_1015 = arith.addi %add3A_1014, %add3A_72 : vector<16xi32>
          tpu.vector_store_idx %arg10[%add3A_1015], %get3A_1013 : memref<16384xf32, #tpu.memory_space<vmem>>[vector<16xi32>], vector<16xf32>,
          %mul3A_1016 = arith.constant 16 : i32
          %mul3A_1017 = arith.muli %scan3A_917, %mul3A_1016 : i32
          %get3A_1018 = arith.constant 12 : i32
          %get3A_1019 = arith.index_cast %get3A_1018 : i32 to index
          %get3A_1020 = arith.index_cast %mul3A_1017 : i32 to index
          %get3A_1021 = tpu.vector_load %arg7[%get3A_1019, %get3A_1020] {strides = array<i32>} : memref<16x1024xf32, #tpu.memory_space<vmem>>, vector<16xf32>,
          %add3A_1022 = vector.broadcast %mul3A_919 : i32 to vector<16xi32>
          %add3A_1023 = arith.addi %add3A_1022, %add3A_78 : vector<16xi32>
          tpu.vector_store_idx %arg10[%add3A_1023], %get3A_1021 : memref<16384xf32, #tpu.memory_space<vmem>>[vector<16xi32>], vector<16xf32>,
          %mul3A_1024 = arith.constant 16 : i32
          %mul3A_1025 = arith.muli %scan3A_917, %mul3A_1024 : i32
          %get3A_1026 = arith.constant 13 : i32
          %get3A_1027 = arith.index_cast %get3A_1026 : i32 to index
          %get3A_1028 = arith.index_cast %mul3A_1025 : i32 to index
          %get3A_1029 = tpu.vector_load %arg7[%get3A_1027, %get3A_1028] {strides = array<i32>} : memref<16x1024xf32, #tpu.memory_space<vmem>>, vector<16xf32>,
          %add3A_1030 = vector.broadcast %mul3A_919 : i32 to vector<16xi32>
          %add3A_1031 = arith.addi %add3A_1030, %add3A_84 : vector<16xi32>
          tpu.vector_store_idx %arg10[%add3A_1031], %get3A_1029 : memref<16384xf32, #tpu.memory_space<vmem>>[vector<16xi32>], vector<16xf32>,
          %mul3A_1032 = arith.constant 16 : i32
          %mul3A_1033 = arith.muli %scan3A_917, %mul3A_1032 : i32
          %get3A_1034 = arith.constant 14 : i32
          %get3A_1035 = arith.index_cast %get3A_1034 : i32 to index
          %get3A_1036 = arith.index_cast %mul3A_1033 : i32 to index
          %get3A_1037 = tpu.vector_load %arg7[%get3A_1035, %get3A_1036] {strides = array<i32>} : memref<16x1024xf32, #tpu.memory_space<vmem>>, vector<16xf32>,
          %add3A_1038 = vector.broadcast %mul3A_919 : i32 to vector<16xi32>
          %add3A_1039 = arith.addi %add3A_1038, %add3A_90 : vector<16xi32>
          tpu.vector_store_idx %arg10[%add3A_1039], %get3A_1037 : memref<16384xf32, #tpu.memory_space<vmem>>[vector<16xi32>], vector<16xf32>,
          %mul3A_1040 = arith.constant 16 : i32
          %mul3A_1041 = arith.muli %scan3A_917, %mul3A_1040 : i32
          %get3A_1042 = arith.constant 15 : i32
          %get3A_1043 = arith.index_cast %get3A_1042 : i32 to index
          %get3A_1044 = arith.index_cast %mul3A_1041 : i32 to index
          %get3A_1045 = tpu.vector_load %arg7[%get3A_1043, %get3A_1044] {strides = array<i32>} : memref<16x1024xf32, #tpu.memory_space<vmem>>, vector<16xf32>,
          %add3A_1046 = vector.broadcast %mul3A_919 : i32 to vector<16xi32>
          %add3A_1047 = arith.addi %add3A_1046, %add3A_96 : vector<16xi32>
          tpu.vector_store_idx %arg10[%add3A_1047], %get3A_1045 : memref<16384xf32, #tpu.memory_space<vmem>>[vector<16xi32>], vector<16xf32>,
          %scan3A_1048 = arith.constant 6 : i32
          %scan3A_1049 = arith.addi %scan3A_258, %scan3A_1048 : i32
          %mul3A_1050 = arith.constant 256 : i32
          %mul3A_1051 = arith.muli %scan3A_1049, %mul3A_1050 : i32
          %mul3A_1052 = arith.constant 16 : i32
          %mul3A_1053 = arith.muli %scan3A_1049, %mul3A_1052 : i32
          %get3A_1054 = arith.constant 0 : i32
          %get3A_1055 = arith.index_cast %get3A_1054 : i32 to index
          %get3A_1056 = arith.index_cast %mul3A_1053 : i32 to index
          %get3A_1057 = tpu.vector_load %arg7[%get3A_1055, %get3A_1056] {strides = array<i32>} : memref<16x1024xf32, #tpu.memory_space<vmem>>, vector<16xf32>,
          %add3A_1058 = vector.broadcast %mul3A_1051 : i32 to vector<16xi32>
          %add3A_1059 = arith.addi %add3A_1058, %add3A_6 : vector<16xi32>
          tpu.vector_store_idx %arg10[%add3A_1059], %get3A_1057 : memref<16384xf32, #tpu.memory_space<vmem>>[vector<16xi32>], vector<16xf32>,
          %mul3A_1060 = arith.constant 16 : i32
          %mul3A_1061 = arith.muli %scan3A_1049, %mul3A_1060 : i32
          %get3A_1062 = arith.constant 1 : i32
          %get3A_1063 = arith.index_cast %get3A_1062 : i32 to index
          %get3A_1064 = arith.index_cast %mul3A_1061 : i32 to index
          %get3A_1065 = tpu.vector_load %arg7[%get3A_1063, %get3A_1064] {strides = array<i32>} : memref<16x1024xf32, #tpu.memory_space<vmem>>, vector<16xf32>,
          %add3A_1066 = vector.broadcast %mul3A_1051 : i32 to vector<16xi32>
          %add3A_1067 = arith.addi %add3A_1066, %add3A_12 : vector<16xi32>
          tpu.vector_store_idx %arg10[%add3A_1067], %get3A_1065 : memref<16384xf32, #tpu.memory_space<vmem>>[vector<16xi32>], vector<16xf32>,
          %mul3A_1068 = arith.constant 16 : i32
          %mul3A_1069 = arith.muli %scan3A_1049, %mul3A_1068 : i32
          %get3A_1070 = arith.constant 2 : i32
          %get3A_1071 = arith.index_cast %get3A_1070 : i32 to index
          %get3A_1072 = arith.index_cast %mul3A_1069 : i32 to index
          %get3A_1073 = tpu.vector_load %arg7[%get3A_1071, %get3A_1072] {strides = array<i32>} : memref<16x1024xf32, #tpu.memory_space<vmem>>, vector<16xf32>,
          %add3A_1074 = vector.broadcast %mul3A_1051 : i32 to vector<16xi32>
          %add3A_1075 = arith.addi %add3A_1074, %add3A_18 : vector<16xi32>
          tpu.vector_store_idx %arg10[%add3A_1075], %get3A_1073 : memref<16384xf32, #tpu.memory_space<vmem>>[vector<16xi32>], vector<16xf32>,
          %mul3A_1076 = arith.constant 16 : i32
          %mul3A_1077 = arith.muli %scan3A_1049, %mul3A_1076 : i32
          %get3A_1078 = arith.constant 3 : i32
          %get3A_1079 = arith.index_cast %get3A_1078 : i32 to index
          %get3A_1080 = arith.index_cast %mul3A_1077 : i32 to index
          %get3A_1081 = tpu.vector_load %arg7[%get3A_1079, %get3A_1080] {strides = array<i32>} : memref<16x1024xf32, #tpu.memory_space<vmem>>, vector<16xf32>,
          %add3A_1082 = vector.broadcast %mul3A_1051 : i32 to vector<16xi32>
          %add3A_1083 = arith.addi %add3A_1082, %add3A_24 : vector<16xi32>
          tpu.vector_store_idx %arg10[%add3A_1083], %get3A_1081 : memref<16384xf32, #tpu.memory_space<vmem>>[vector<16xi32>], vector<16xf32>,
          %mul3A_1084 = arith.constant 16 : i32
          %mul3A_1085 = arith.muli %scan3A_1049, %mul3A_1084 : i32
          %get3A_1086 = arith.constant 4 : i32
          %get3A_1087 = arith.index_cast %get3A_1086 : i32 to index
          %get3A_1088 = arith.index_cast %mul3A_1085 : i32 to index
          %get3A_1089 = tpu.vector_load %arg7[%get3A_1087, %get3A_1088] {strides = array<i32>} : memref<16x1024xf32, #tpu.memory_space<vmem>>, vector<16xf32>,
          %add3A_1090 = vector.broadcast %mul3A_1051 : i32 to vector<16xi32>
          %add3A_1091 = arith.addi %add3A_1090, %add3A_30 : vector<16xi32>
          tpu.vector_store_idx %arg10[%add3A_1091], %get3A_1089 : memref<16384xf32, #tpu.memory_space<vmem>>[vector<16xi32>], vector<16xf32>,
          %mul3A_1092 = arith.constant 16 : i32
          %mul3A_1093 = arith.muli %scan3A_1049, %mul3A_1092 : i32
          %get3A_1094 = arith.constant 5 : i32
          %get3A_1095 = arith.index_cast %get3A_1094 : i32 to index
          %get3A_1096 = arith.index_cast %mul3A_1093 : i32 to index
          %get3A_1097 = tpu.vector_load %arg7[%get3A_1095, %get3A_1096] {strides = array<i32>} : memref<16x1024xf32, #tpu.memory_space<vmem>>, vector<16xf32>,
          %add3A_1098 = vector.broadcast %mul3A_1051 : i32 to vector<16xi32>
          %add3A_1099 = arith.addi %add3A_1098, %add3A_36 : vector<16xi32>
          tpu.vector_store_idx %arg10[%add3A_1099], %get3A_1097 : memref<16384xf32, #tpu.memory_space<vmem>>[vector<16xi32>], vector<16xf32>,
          %mul3A_1100 = arith.constant 16 : i32
          %mul3A_1101 = arith.muli %scan3A_1049, %mul3A_1100 : i32
          %get3A_1102 = arith.constant 6 : i32
          %get3A_1103 = arith.index_cast %get3A_1102 : i32 to index
          %get3A_1104 = arith.index_cast %mul3A_1101 : i32 to index
          %get3A_1105 = tpu.vector_load %arg7[%get3A_1103, %get3A_1104] {strides = array<i32>} : memref<16x1024xf32, #tpu.memory_space<vmem>>, vector<16xf32>,
          %add3A_1106 = vector.broadcast %mul3A_1051 : i32 to vector<16xi32>
          %add3A_1107 = arith.addi %add3A_1106, %add3A_42 : vector<16xi32>
          tpu.vector_store_idx %arg10[%add3A_1107], %get3A_1105 : memref<16384xf32, #tpu.memory_space<vmem>>[vector<16xi32>], vector<16xf32>,
          %mul3A_1108 = arith.constant 16 : i32
          %mul3A_1109 = arith.muli %scan3A_1049, %mul3A_1108 : i32
          %get3A_1110 = arith.constant 7 : i32
          %get3A_1111 = arith.index_cast %get3A_1110 : i32 to index
          %get3A_1112 = arith.index_cast %mul3A_1109 : i32 to index
          %get3A_1113 = tpu.vector_load %arg7[%get3A_1111, %get3A_1112] {strides = array<i32>} : memref<16x1024xf32, #tpu.memory_space<vmem>>, vector<16xf32>,
          %add3A_1114 = vector.broadcast %mul3A_1051 : i32 to vector<16xi32>
          %add3A_1115 = arith.addi %add3A_1114, %add3A_48 : vector<16xi32>
          tpu.vector_store_idx %arg10[%add3A_1115], %get3A_1113 : memref<16384xf32, #tpu.memory_space<vmem>>[vector<16xi32>], vector<16xf32>,
          %mul3A_1116 = arith.constant 16 : i32
          %mul3A_1117 = arith.muli %scan3A_1049, %mul3A_1116 : i32
          %get3A_1118 = arith.constant 8 : i32
          %get3A_1119 = arith.index_cast %get3A_1118 : i32 to index
          %get3A_1120 = arith.index_cast %mul3A_1117 : i32 to index
          %get3A_1121 = tpu.vector_load %arg7[%get3A_1119, %get3A_1120] {strides = array<i32>} : memref<16x1024xf32, #tpu.memory_space<vmem>>, vector<16xf32>,
          %add3A_1122 = vector.broadcast %mul3A_1051 : i32 to vector<16xi32>
          %add3A_1123 = arith.addi %add3A_1122, %add3A_54 : vector<16xi32>
          tpu.vector_store_idx %arg10[%add3A_1123], %get3A_1121 : memref<16384xf32, #tpu.memory_space<vmem>>[vector<16xi32>], vector<16xf32>,
          %mul3A_1124 = arith.constant 16 : i32
          %mul3A_1125 = arith.muli %scan3A_1049, %mul3A_1124 : i32
          %get3A_1126 = arith.constant 9 : i32
          %get3A_1127 = arith.index_cast %get3A_1126 : i32 to index
          %get3A_1128 = arith.index_cast %mul3A_1125 : i32 to index
          %get3A_1129 = tpu.vector_load %arg7[%get3A_1127, %get3A_1128] {strides = array<i32>} : memref<16x1024xf32, #tpu.memory_space<vmem>>, vector<16xf32>,
          %add3A_1130 = vector.broadcast %mul3A_1051 : i32 to vector<16xi32>
          %add3A_1131 = arith.addi %add3A_1130, %add3A_60 : vector<16xi32>
          tpu.vector_store_idx %arg10[%add3A_1131], %get3A_1129 : memref<16384xf32, #tpu.memory_space<vmem>>[vector<16xi32>], vector<16xf32>,
          %mul3A_1132 = arith.constant 16 : i32
          %mul3A_1133 = arith.muli %scan3A_1049, %mul3A_1132 : i32
          %get3A_1134 = arith.constant 10 : i32
          %get3A_1135 = arith.index_cast %get3A_1134 : i32 to index
          %get3A_1136 = arith.index_cast %mul3A_1133 : i32 to index
          %get3A_1137 = tpu.vector_load %arg7[%get3A_1135, %get3A_1136] {strides = array<i32>} : memref<16x1024xf32, #tpu.memory_space<vmem>>, vector<16xf32>,
          %add3A_1138 = vector.broadcast %mul3A_1051 : i32 to vector<16xi32>
          %add3A_1139 = arith.addi %add3A_1138, %add3A_66 : vector<16xi32>
          tpu.vector_store_idx %arg10[%add3A_1139], %get3A_1137 : memref<16384xf32, #tpu.memory_space<vmem>>[vector<16xi32>], vector<16xf32>,
          %mul3A_1140 = arith.constant 16 : i32
          %mul3A_1141 = arith.muli %scan3A_1049, %mul3A_1140 : i32
          %get3A_1142 = arith.constant 11 : i32
          %get3A_1143 = arith.index_cast %get3A_1142 : i32 to index
          %get3A_1144 = arith.index_cast %mul3A_1141 : i32 to index
          %get3A_1145 = tpu.vector_load %arg7[%get3A_1143, %get3A_1144] {strides = array<i32>} : memref<16x1024xf32, #tpu.memory_space<vmem>>, vector<16xf32>,
          %add3A_1146 = vector.broadcast %mul3A_1051 : i32 to vector<16xi32>
          %add3A_1147 = arith.addi %add3A_1146, %add3A_72 : vector<16xi32>
          tpu.vector_store_idx %arg10[%add3A_1147], %get3A_1145 : memref<16384xf32, #tpu.memory_space<vmem>>[vector<16xi32>], vector<16xf32>,
          %mul3A_1148 = arith.constant 16 : i32
          %mul3A_1149 = arith.muli %scan3A_1049, %mul3A_1148 : i32
          %get3A_1150 = arith.constant 12 : i32
          %get3A_1151 = arith.index_cast %get3A_1150 : i32 to index
          %get3A_1152 = arith.index_cast %mul3A_1149 : i32 to index
          %get3A_1153 = tpu.vector_load %arg7[%get3A_1151, %get3A_1152] {strides = array<i32>} : memref<16x1024xf32, #tpu.memory_space<vmem>>, vector<16xf32>,
          %add3A_1154 = vector.broadcast %mul3A_1051 : i32 to vector<16xi32>
          %add3A_1155 = arith.addi %add3A_1154, %add3A_78 : vector<16xi32>
          tpu.vector_store_idx %arg10[%add3A_1155], %get3A_1153 : memref<16384xf32, #tpu.memory_space<vmem>>[vector<16xi32>], vector<16xf32>,
          %mul3A_1156 = arith.constant 16 : i32
          %mul3A_1157 = arith.muli %scan3A_1049, %mul3A_1156 : i32
          %get3A_1158 = arith.constant 13 : i32
          %get3A_1159 = arith.index_cast %get3A_1158 : i32 to index
          %get3A_1160 = arith.index_cast %mul3A_1157 : i32 to index
          %get3A_1161 = tpu.vector_load %arg7[%get3A_1159, %get3A_1160] {strides = array<i32>} : memref<16x1024xf32, #tpu.memory_space<vmem>>, vector<16xf32>,
          %add3A_1162 = vector.broadcast %mul3A_1051 : i32 to vector<16xi32>
          %add3A_1163 = arith.addi %add3A_1162, %add3A_84 : vector<16xi32>
          tpu.vector_store_idx %arg10[%add3A_1163], %get3A_1161 : memref<16384xf32, #tpu.memory_space<vmem>>[vector<16xi32>], vector<16xf32>,
          %mul3A_1164 = arith.constant 16 : i32
          %mul3A_1165 = arith.muli %scan3A_1049, %mul3A_1164 : i32
          %get3A_1166 = arith.constant 14 : i32
          %get3A_1167 = arith.index_cast %get3A_1166 : i32 to index
          %get3A_1168 = arith.index_cast %mul3A_1165 : i32 to index
          %get3A_1169 = tpu.vector_load %arg7[%get3A_1167, %get3A_1168] {strides = array<i32>} : memref<16x1024xf32, #tpu.memory_space<vmem>>, vector<16xf32>,
          %add3A_1170 = vector.broadcast %mul3A_1051 : i32 to vector<16xi32>
          %add3A_1171 = arith.addi %add3A_1170, %add3A_90 : vector<16xi32>
          tpu.vector_store_idx %arg10[%add3A_1171], %get3A_1169 : memref<16384xf32, #tpu.memory_space<vmem>>[vector<16xi32>], vector<16xf32>,
          %mul3A_1172 = arith.constant 16 : i32
          %mul3A_1173 = arith.muli %scan3A_1049, %mul3A_1172 : i32
          %get3A_1174 = arith.constant 15 : i32
          %get3A_1175 = arith.index_cast %get3A_1174 : i32 to index
          %get3A_1176 = arith.index_cast %mul3A_1173 : i32 to index
          %get3A_1177 = tpu.vector_load %arg7[%get3A_1175, %get3A_1176] {strides = array<i32>} : memref<16x1024xf32, #tpu.memory_space<vmem>>, vector<16xf32>,
          %add3A_1178 = vector.broadcast %mul3A_1051 : i32 to vector<16xi32>
          %add3A_1179 = arith.addi %add3A_1178, %add3A_96 : vector<16xi32>
          tpu.vector_store_idx %arg10[%add3A_1179], %get3A_1177 : memref<16384xf32, #tpu.memory_space<vmem>>[vector<16xi32>], vector<16xf32>,
          %scan3A_1180 = arith.constant 7 : i32
          %scan3A_1181 = arith.addi %scan3A_258, %scan3A_1180 : i32
          %mul3A_1182 = arith.constant 256 : i32
          %mul3A_1183 = arith.muli %scan3A_1181, %mul3A_1182 : i32
          %mul3A_1184 = arith.constant 16 : i32
          %mul3A_1185 = arith.muli %scan3A_1181, %mul3A_1184 : i32
          %get3A_1186 = arith.constant 0 : i32
          %get3A_1187 = arith.index_cast %get3A_1186 : i32 to index
          %get3A_1188 = arith.index_cast %mul3A_1185 : i32 to index
          %get3A_1189 = tpu.vector_load %arg7[%get3A_1187, %get3A_1188] {strides = array<i32>} : memref<16x1024xf32, #tpu.memory_space<vmem>>, vector<16xf32>,
          %add3A_1190 = vector.broadcast %mul3A_1183 : i32 to vector<16xi32>
          %add3A_1191 = arith.addi %add3A_1190, %add3A_6 : vector<16xi32>
          tpu.vector_store_idx %arg10[%add3A_1191], %get3A_1189 : memref<16384xf32, #tpu.memory_space<vmem>>[vector<16xi32>], vector<16xf32>,
          %mul3A_1192 = arith.constant 16 : i32
          %mul3A_1193 = arith.muli %scan3A_1181, %mul3A_1192 : i32
          %get3A_1194 = arith.constant 1 : i32
          %get3A_1195 = arith.index_cast %get3A_1194 : i32 to index
          %get3A_1196 = arith.index_cast %mul3A_1193 : i32 to index
          %get3A_1197 = tpu.vector_load %arg7[%get3A_1195, %get3A_1196] {strides = array<i32>} : memref<16x1024xf32, #tpu.memory_space<vmem>>, vector<16xf32>,
          %add3A_1198 = vector.broadcast %mul3A_1183 : i32 to vector<16xi32>
          %add3A_1199 = arith.addi %add3A_1198, %add3A_12 : vector<16xi32>
          tpu.vector_store_idx %arg10[%add3A_1199], %get3A_1197 : memref<16384xf32, #tpu.memory_space<vmem>>[vector<16xi32>], vector<16xf32>,
          %mul3A_1200 = arith.constant 16 : i32
          %mul3A_1201 = arith.muli %scan3A_1181, %mul3A_1200 : i32
          %get3A_1202 = arith.constant 2 : i32
          %get3A_1203 = arith.index_cast %get3A_1202 : i32 to index
          %get3A_1204 = arith.index_cast %mul3A_1201 : i32 to index
          %get3A_1205 = tpu.vector_load %arg7[%get3A_1203, %get3A_1204] {strides = array<i32>} : memref<16x1024xf32, #tpu.memory_space<vmem>>, vector<16xf32>,
          %add3A_1206 = vector.broadcast %mul3A_1183 : i32 to vector<16xi32>
          %add3A_1207 = arith.addi %add3A_1206, %add3A_18 : vector<16xi32>
          tpu.vector_store_idx %arg10[%add3A_1207], %get3A_1205 : memref<16384xf32, #tpu.memory_space<vmem>>[vector<16xi32>], vector<16xf32>,
          %mul3A_1208 = arith.constant 16 : i32
          %mul3A_1209 = arith.muli %scan3A_1181, %mul3A_1208 : i32
          %get3A_1210 = arith.constant 3 : i32
          %get3A_1211 = arith.index_cast %get3A_1210 : i32 to index
          %get3A_1212 = arith.index_cast %mul3A_1209 : i32 to index
          %get3A_1213 = tpu.vector_load %arg7[%get3A_1211, %get3A_1212] {strides = array<i32>} : memref<16x1024xf32, #tpu.memory_space<vmem>>, vector<16xf32>,
          %add3A_1214 = vector.broadcast %mul3A_1183 : i32 to vector<16xi32>
          %add3A_1215 = arith.addi %add3A_1214, %add3A_24 : vector<16xi32>
          tpu.vector_store_idx %arg10[%add3A_1215], %get3A_1213 : memref<16384xf32, #tpu.memory_space<vmem>>[vector<16xi32>], vector<16xf32>,
          %mul3A_1216 = arith.constant 16 : i32
          %mul3A_1217 = arith.muli %scan3A_1181, %mul3A_1216 : i32
          %get3A_1218 = arith.constant 4 : i32
          %get3A_1219 = arith.index_cast %get3A_1218 : i32 to index
          %get3A_1220 = arith.index_cast %mul3A_1217 : i32 to index
          %get3A_1221 = tpu.vector_load %arg7[%get3A_1219, %get3A_1220] {strides = array<i32>} : memref<16x1024xf32, #tpu.memory_space<vmem>>, vector<16xf32>,
          %add3A_1222 = vector.broadcast %mul3A_1183 : i32 to vector<16xi32>
          %add3A_1223 = arith.addi %add3A_1222, %add3A_30 : vector<16xi32>
          tpu.vector_store_idx %arg10[%add3A_1223], %get3A_1221 : memref<16384xf32, #tpu.memory_space<vmem>>[vector<16xi32>], vector<16xf32>,
          %mul3A_1224 = arith.constant 16 : i32
          %mul3A_1225 = arith.muli %scan3A_1181, %mul3A_1224 : i32
          %get3A_1226 = arith.constant 5 : i32
          %get3A_1227 = arith.index_cast %get3A_1226 : i32 to index
          %get3A_1228 = arith.index_cast %mul3A_1225 : i32 to index
          %get3A_1229 = tpu.vector_load %arg7[%get3A_1227, %get3A_1228] {strides = array<i32>} : memref<16x1024xf32, #tpu.memory_space<vmem>>, vector<16xf32>,
          %add3A_1230 = vector.broadcast %mul3A_1183 : i32 to vector<16xi32>
          %add3A_1231 = arith.addi %add3A_1230, %add3A_36 : vector<16xi32>
          tpu.vector_store_idx %arg10[%add3A_1231], %get3A_1229 : memref<16384xf32, #tpu.memory_space<vmem>>[vector<16xi32>], vector<16xf32>,
          %mul3A_1232 = arith.constant 16 : i32
          %mul3A_1233 = arith.muli %scan3A_1181, %mul3A_1232 : i32
          %get3A_1234 = arith.constant 6 : i32
          %get3A_1235 = arith.index_cast %get3A_1234 : i32 to index
          %get3A_1236 = arith.index_cast %mul3A_1233 : i32 to index
          %get3A_1237 = tpu.vector_load %arg7[%get3A_1235, %get3A_1236] {strides = array<i32>} : memref<16x1024xf32, #tpu.memory_space<vmem>>, vector<16xf32>,
          %add3A_1238 = vector.broadcast %mul3A_1183 : i32 to vector<16xi32>
          %add3A_1239 = arith.addi %add3A_1238, %add3A_42 : vector<16xi32>
          tpu.vector_store_idx %arg10[%add3A_1239], %get3A_1237 : memref<16384xf32, #tpu.memory_space<vmem>>[vector<16xi32>], vector<16xf32>,
          %mul3A_1240 = arith.constant 16 : i32
          %mul3A_1241 = arith.muli %scan3A_1181, %mul3A_1240 : i32
          %get3A_1242 = arith.constant 7 : i32
          %get3A_1243 = arith.index_cast %get3A_1242 : i32 to index
          %get3A_1244 = arith.index_cast %mul3A_1241 : i32 to index
          %get3A_1245 = tpu.vector_load %arg7[%get3A_1243, %get3A_1244] {strides = array<i32>} : memref<16x1024xf32, #tpu.memory_space<vmem>>, vector<16xf32>,
          %add3A_1246 = vector.broadcast %mul3A_1183 : i32 to vector<16xi32>
          %add3A_1247 = arith.addi %add3A_1246, %add3A_48 : vector<16xi32>
          tpu.vector_store_idx %arg10[%add3A_1247], %get3A_1245 : memref<16384xf32, #tpu.memory_space<vmem>>[vector<16xi32>], vector<16xf32>,
          %mul3A_1248 = arith.constant 16 : i32
          %mul3A_1249 = arith.muli %scan3A_1181, %mul3A_1248 : i32
          %get3A_1250 = arith.constant 8 : i32
          %get3A_1251 = arith.index_cast %get3A_1250 : i32 to index
          %get3A_1252 = arith.index_cast %mul3A_1249 : i32 to index
          %get3A_1253 = tpu.vector_load %arg7[%get3A_1251, %get3A_1252] {strides = array<i32>} : memref<16x1024xf32, #tpu.memory_space<vmem>>, vector<16xf32>,
          %add3A_1254 = vector.broadcast %mul3A_1183 : i32 to vector<16xi32>
          %add3A_1255 = arith.addi %add3A_1254, %add3A_54 : vector<16xi32>
          tpu.vector_store_idx %arg10[%add3A_1255], %get3A_1253 : memref<16384xf32, #tpu.memory_space<vmem>>[vector<16xi32>], vector<16xf32>,
          %mul3A_1256 = arith.constant 16 : i32
          %mul3A_1257 = arith.muli %scan3A_1181, %mul3A_1256 : i32
          %get3A_1258 = arith.constant 9 : i32
          %get3A_1259 = arith.index_cast %get3A_1258 : i32 to index
          %get3A_1260 = arith.index_cast %mul3A_1257 : i32 to index
          %get3A_1261 = tpu.vector_load %arg7[%get3A_1259, %get3A_1260] {strides = array<i32>} : memref<16x1024xf32, #tpu.memory_space<vmem>>, vector<16xf32>,
          %add3A_1262 = vector.broadcast %mul3A_1183 : i32 to vector<16xi32>
          %add3A_1263 = arith.addi %add3A_1262, %add3A_60 : vector<16xi32>
          tpu.vector_store_idx %arg10[%add3A_1263], %get3A_1261 : memref<16384xf32, #tpu.memory_space<vmem>>[vector<16xi32>], vector<16xf32>,
          %mul3A_1264 = arith.constant 16 : i32
          %mul3A_1265 = arith.muli %scan3A_1181, %mul3A_1264 : i32
          %get3A_1266 = arith.constant 10 : i32
          %get3A_1267 = arith.index_cast %get3A_1266 : i32 to index
          %get3A_1268 = arith.index_cast %mul3A_1265 : i32 to index
          %get3A_1269 = tpu.vector_load %arg7[%get3A_1267, %get3A_1268] {strides = array<i32>} : memref<16x1024xf32, #tpu.memory_space<vmem>>, vector<16xf32>,
          %add3A_1270 = vector.broadcast %mul3A_1183 : i32 to vector<16xi32>
          %add3A_1271 = arith.addi %add3A_1270, %add3A_66 : vector<16xi32>
          tpu.vector_store_idx %arg10[%add3A_1271], %get3A_1269 : memref<16384xf32, #tpu.memory_space<vmem>>[vector<16xi32>], vector<16xf32>,
          %mul3A_1272 = arith.constant 16 : i32
          %mul3A_1273 = arith.muli %scan3A_1181, %mul3A_1272 : i32
          %get3A_1274 = arith.constant 11 : i32
          %get3A_1275 = arith.index_cast %get3A_1274 : i32 to index
          %get3A_1276 = arith.index_cast %mul3A_1273 : i32 to index
          %get3A_1277 = tpu.vector_load %arg7[%get3A_1275, %get3A_1276] {strides = array<i32>} : memref<16x1024xf32, #tpu.memory_space<vmem>>, vector<16xf32>,
          %add3A_1278 = vector.broadcast %mul3A_1183 : i32 to vector<16xi32>
          %add3A_1279 = arith.addi %add3A_1278, %add3A_72 : vector<16xi32>
          tpu.vector_store_idx %arg10[%add3A_1279], %get3A_1277 : memref<16384xf32, #tpu.memory_space<vmem>>[vector<16xi32>], vector<16xf32>,
          %mul3A_1280 = arith.constant 16 : i32
          %mul3A_1281 = arith.muli %scan3A_1181, %mul3A_1280 : i32
          %get3A_1282 = arith.constant 12 : i32
          %get3A_1283 = arith.index_cast %get3A_1282 : i32 to index
          %get3A_1284 = arith.index_cast %mul3A_1281 : i32 to index
          %get3A_1285 = tpu.vector_load %arg7[%get3A_1283, %get3A_1284] {strides = array<i32>} : memref<16x1024xf32, #tpu.memory_space<vmem>>, vector<16xf32>,
          %add3A_1286 = vector.broadcast %mul3A_1183 : i32 to vector<16xi32>
          %add3A_1287 = arith.addi %add3A_1286, %add3A_78 : vector<16xi32>
          tpu.vector_store_idx %arg10[%add3A_1287], %get3A_1285 : memref<16384xf32, #tpu.memory_space<vmem>>[vector<16xi32>], vector<16xf32>,
          %mul3A_1288 = arith.constant 16 : i32
          %mul3A_1289 = arith.muli %scan3A_1181, %mul3A_1288 : i32
          %get3A_1290 = arith.constant 13 : i32
          %get3A_1291 = arith.index_cast %get3A_1290 : i32 to index
          %get3A_1292 = arith.index_cast %mul3A_1289 : i32 to index
          %get3A_1293 = tpu.vector_load %arg7[%get3A_1291, %get3A_1292] {strides = array<i32>} : memref<16x1024xf32, #tpu.memory_space<vmem>>, vector<16xf32>,
          %add3A_1294 = vector.broadcast %mul3A_1183 : i32 to vector<16xi32>
          %add3A_1295 = arith.addi %add3A_1294, %add3A_84 : vector<16xi32>
          tpu.vector_store_idx %arg10[%add3A_1295], %get3A_1293 : memref<16384xf32, #tpu.memory_space<vmem>>[vector<16xi32>], vector<16xf32>,
          %mul3A_1296 = arith.constant 16 : i32
          %mul3A_1297 = arith.muli %scan3A_1181, %mul3A_1296 : i32
          %get3A_1298 = arith.constant 14 : i32
          %get3A_1299 = arith.index_cast %get3A_1298 : i32 to index
          %get3A_1300 = arith.index_cast %mul3A_1297 : i32 to index
          %get3A_1301 = tpu.vector_load %arg7[%get3A_1299, %get3A_1300] {strides = array<i32>} : memref<16x1024xf32, #tpu.memory_space<vmem>>, vector<16xf32>,
          %add3A_1302 = vector.broadcast %mul3A_1183 : i32 to vector<16xi32>
          %add3A_1303 = arith.addi %add3A_1302, %add3A_90 : vector<16xi32>
          tpu.vector_store_idx %arg10[%add3A_1303], %get3A_1301 : memref<16384xf32, #tpu.memory_space<vmem>>[vector<16xi32>], vector<16xf32>,
          %mul3A_1304 = arith.constant 16 : i32
          %mul3A_1305 = arith.muli %scan3A_1181, %mul3A_1304 : i32
          %get3A_1306 = arith.constant 15 : i32
          %get3A_1307 = arith.index_cast %get3A_1306 : i32 to index
          %get3A_1308 = arith.index_cast %mul3A_1305 : i32 to index
          %get3A_1309 = tpu.vector_load %arg7[%get3A_1307, %get3A_1308] {strides = array<i32>} : memref<16x1024xf32, #tpu.memory_space<vmem>>, vector<16xf32>,
          %add3A_1310 = vector.broadcast %mul3A_1183 : i32 to vector<16xi32>
          %add3A_1311 = arith.addi %add3A_1310, %add3A_96 : vector<16xi32>
          tpu.vector_store_idx %arg10[%add3A_1311], %get3A_1309 : memref<16384xf32, #tpu.memory_space<vmem>>[vector<16xi32>], vector<16xf32>,
        }
        %scan3A_245 = arith.constant 64 : i32
        %mul3A_246 = arith.constant 3 : i32
        %mul3A_247 = arith.muli %scan3A_145, %mul3A_246 : i32
        %add3A_248 = arith.constant 2 : i32
        %add3A_249 = arith.addi %mul3A_247, %add3A_248 : i32
        %mul3A_250 = arith.constant 32 : i32
        %mul3A_251 = arith.muli %mul3A_250, %add3A_249 : i32
        %add3A_252 = arith.addi %add3A, %mul3A_251 : i32
        %mul3A_253 = arith.constant 1024 : i32
        %mul3A_254 = arith.muli %add3A_252, %mul3A_253 : i32
        %mul3A_255 = arith.constant 16 : i32
        %mul3A_256 = arith.muli %mul3A_254, %mul3A_255 : i32
        %dma_start3A = tpu.memref_slice %arg4[%mul3A_256] : memref<41600000xf32, #tpu.memory_space<hbm>> -> memref<16384xf32, #tpu.memory_space<hbm>>
        %dma_start3A_257 = tpu.memref_slice %arg4[%mul3A_256] : memref<41600000xf32, #tpu.memory_space<hbm>> -> memref<16384xf32, #tpu.memory_space<hbm>>
        tpu.enqueue_dma source(%arg10 : memref<16384xf32, #tpu.memory_space<vmem>>) target(%dma_start3A_257 : memref<16384xf32, #tpu.memory_space<hbm>>) target_semaphore(%arg16 : memref<!tpu.dma_semaphore, #tpu.memory_space<semaphore_mem>>)
      } else {
      }
      %add3A_210 = arith.constant 1 : i32
      %add3A_211 = arith.addi %scan3A_145, %add3A_210 : i32
      %mul3A_212 = arith.constant 3 : i32
      %mul3A_213 = arith.muli %add3A_211, %mul3A_212 : i32
      %add3A_214 = arith.constant 2 : i32
      %add3A_215 = arith.addi %mul3A_213, %add3A_214 : i32
      %mul3A_216 = arith.constant 32 : i32
      %mul3A_217 = arith.muli %mul3A_216, %add3A_215 : i32
      %add3A_218 = arith.addi %add3A, %mul3A_217 : i32
      %lt3A_219 = arith.constant 2539 : i32
      %lt3A_220 = arith.cmpi slt, %add3A_218, %lt3A_219 : i32
      %convert_element_type3A_221 = arith.extui %lt3A_220 : i1 to i32
      %cond3A_222 = arith.constant 0 : i32
      %cond3A_223 = arith.cmpi ne, %convert_element_type3A_221, %cond3A_222 : i32
      scf.if %cond3A_223 {
        %mul3A_224 = arith.constant 1024 : i32
        %mul3A_225 = arith.muli %add3A_218, %mul3A_224 : i32
        %dma_start3A = arith.constant 0 : i32
        %dma_start3A_226 = tpu.memref_slice %arg2[%dma_start3A, %mul3A_225] : memref<16x2600000xf32, #tpu.memory_space<hbm>> -> memref<16x1024xf32, #tpu.memory_space<hbm>>
        %dma_start3A_227 = arith.constant 0 : i32
        %dma_start3A_228 = tpu.memref_slice %arg2[%dma_start3A_227, %mul3A_225] : memref<16x2600000xf32, #tpu.memory_space<hbm>> -> memref<16x1024xf32, #tpu.memory_space<hbm>>
        tpu.enqueue_dma source(%dma_start3A_228 : memref<16x1024xf32, #tpu.memory_space<hbm>>) target(%arg7 : memref<16x1024xf32, #tpu.memory_space<vmem>>) target_semaphore(%arg13 : memref<!tpu.dma_semaphore, #tpu.memory_space<semaphore_mem>>)
      } else {
      }
    }
    %scan3A_119 = arith.constant 27 : i32
    %add3A_120 = arith.constant 2496 : i32
    %add3A_121 = arith.addi %add3A, %add3A_120 : i32
    %lt3A_122 = arith.constant 2539 : i32
    %lt3A_123 = arith.cmpi slt, %add3A_121, %lt3A_122 : i32
    %convert_element_type3A_124 = arith.extui %lt3A_123 : i1 to i32
    %cond3A_125 = arith.constant 0 : i32
    %cond3A_126 = arith.cmpi ne, %convert_element_type3A_124, %cond3A_125 : i32
    scf.if %cond3A_126 {
      %add3A_145 = arith.constant 2496 : i32
      %add3A_146 = arith.addi %add3A, %add3A_145 : i32
      %mul3A_147 = arith.constant 1024 : i32
      %mul3A_148 = arith.muli %add3A_146, %mul3A_147 : i32
      %mul3A_149 = arith.constant 16 : i32
      %mul3A_150 = arith.muli %mul3A_148, %mul3A_149 : i32
      %dma_wait3A = tpu.memref_slice %arg4[%mul3A_150] : memref<41600000xf32, #tpu.memory_space<hbm>> -> memref<16384xf32, #tpu.memory_space<hbm>>
      %dma_wait3A_151 = tpu.memref_slice %arg4[%mul3A_150] : memref<41600000xf32, #tpu.memory_space<hbm>> -> memref<16384xf32, #tpu.memory_space<hbm>>
      tpu.wait_dma2 semaphore(%arg14 : memref<!tpu.dma_semaphore, #tpu.memory_space<semaphore_mem>>) src(%arg8 : memref<16384xf32, #tpu.memory_space<vmem>>) dst(%dma_wait3A_151 : memref<16384xf32, #tpu.memory_space<hbm>>)
    } else {
    }
    %add3A_127 = arith.constant 2528 : i32
    %add3A_128 = arith.addi %add3A, %add3A_127 : i32
    %lt3A_129 = arith.constant 2539 : i32
    %lt3A_130 = arith.cmpi slt, %add3A_128, %lt3A_129 : i32
    %convert_element_type3A_131 = arith.extui %lt3A_130 : i1 to i32
    %cond3A_132 = arith.constant 0 : i32
    %cond3A_133 = arith.cmpi ne, %convert_element_type3A_131, %cond3A_132 : i32
    scf.if %cond3A_133 {
      %add3A_145 = arith.constant 2528 : i32
      %add3A_146 = arith.addi %add3A, %add3A_145 : i32
      %mul3A_147 = arith.constant 1024 : i32
      %mul3A_148 = arith.muli %add3A_146, %mul3A_147 : i32
      %mul3A_149 = arith.constant 16 : i32
      %mul3A_150 = arith.muli %mul3A_148, %mul3A_149 : i32
      %dma_wait3A = tpu.memref_slice %arg4[%mul3A_150] : memref<41600000xf32, #tpu.memory_space<hbm>> -> memref<16384xf32, #tpu.memory_space<hbm>>
      %dma_wait3A_151 = tpu.memref_slice %arg4[%mul3A_150] : memref<41600000xf32, #tpu.memory_space<hbm>> -> memref<16384xf32, #tpu.memory_space<hbm>>
      tpu.wait_dma2 semaphore(%arg15 : memref<!tpu.dma_semaphore, #tpu.memory_space<semaphore_mem>>) src(%arg9 : memref<16384xf32, #tpu.memory_space<vmem>>) dst(%dma_wait3A_151 : memref<16384xf32, #tpu.memory_space<hbm>>)
    } else {
    }
    %add3A_134 = arith.constant 2560 : i32
    %add3A_135 = arith.addi %add3A, %add3A_134 : i32
    %lt3A_136 = arith.constant 2539 : i32
    %lt3A_137 = arith.cmpi slt, %add3A_135, %lt3A_136 : i32
    %convert_element_type3A_138 = arith.extui %lt3A_137 : i1 to i32
    %cond3A_139 = arith.constant 0 : i32
    %cond3A_140 = arith.cmpi ne, %convert_element_type3A_138, %cond3A_139 : i32
    scf.if %cond3A_140 {
      %add3A_145 = arith.constant 2560 : i32
      %add3A_146 = arith.addi %add3A, %add3A_145 : i32
      %mul3A_147 = arith.constant 1024 : i32
      %mul3A_148 = arith.muli %add3A_146, %mul3A_147 : i32
      %mul3A_149 = arith.constant 16 : i32
      %mul3A_150 = arith.muli %mul3A_148, %mul3A_149 : i32
      %dma_wait3A = tpu.memref_slice %arg4[%mul3A_150] : memref<41600000xf32, #tpu.memory_space<hbm>> -> memref<16384xf32, #tpu.memory_space<hbm>>
      %dma_wait3A_151 = tpu.memref_slice %arg4[%mul3A_150] : memref<41600000xf32, #tpu.memory_space<hbm>> -> memref<16384xf32, #tpu.memory_space<hbm>>
      tpu.wait_dma2 semaphore(%arg16 : memref<!tpu.dma_semaphore, #tpu.memory_space<semaphore_mem>>) src(%arg10 : memref<16384xf32, #tpu.memory_space<vmem>>) dst(%dma_wait3A_151 : memref<16384xf32, #tpu.memory_space<hbm>>)
    } else {
    }
    %eq3A = arith.constant 0 : i32
    %eq3A_141 = arith.cmpi eq, %add3A, %eq3A : i32
    %convert_element_type3A_142 = arith.extui %eq3A_141 : i1 to i32
    %cond3A_143 = arith.constant 0 : i32
    %cond3A_144 = arith.cmpi ne, %convert_element_type3A_142, %cond3A_143 : i32
    scf.if %cond3A_144 {
      "tpu.region"() ({
        %run_scoped3A = tpu.sem_alloc : memref<!tpu.dma_semaphore, #tpu.memory_space<semaphore_mem>>
        %dma_start3A = arith.constant 0 : i32
        %dma_start3A_145 = tpu.memref_slice %arg8[%dma_start3A] : memref<16384xf32, #tpu.memory_space<vmem>> -> memref<1024xf32, #tpu.memory_space<vmem>>
        %dma_start3A_146 = arith.constant 0 : i32
        %dma_start3A_147 = tpu.memref_slice %arg8[%dma_start3A_146] : memref<16384xf32, #tpu.memory_space<vmem>> -> memref<1024xf32, #tpu.memory_space<vmem>>
        tpu.enqueue_dma source(%arg3 : memref<1024xf32, #tpu.memory_space<hbm>>) target(%dma_start3A_147 : memref<1024xf32, #tpu.memory_space<vmem>>) target_semaphore(%run_scoped3A : memref<!tpu.dma_semaphore, #tpu.memory_space<semaphore_mem>>)
        %dma_wait3A = arith.constant 0 : i32
        %dma_wait3A_148 = tpu.memref_slice %arg8[%dma_wait3A] : memref<16384xf32, #tpu.memory_space<vmem>> -> memref<1024xf32, #tpu.memory_space<vmem>>
        %dma_wait3A_149 = arith.constant 0 : i32
        %dma_wait3A_150 = tpu.memref_slice %arg8[%dma_wait3A_149] : memref<16384xf32, #tpu.memory_space<vmem>> -> memref<1024xf32, #tpu.memory_space<vmem>>
        tpu.wait_dma2 semaphore(%run_scoped3A : memref<!tpu.dma_semaphore, #tpu.memory_space<semaphore_mem>>) src(%arg3 : memref<1024xf32, #tpu.memory_space<hbm>>) dst(%dma_wait3A_150 : memref<1024xf32, #tpu.memory_space<vmem>>)
        tpu.yield
      }) : () -> ()
      "tpu.region"() ({
        %run_scoped3A = tpu.sem_alloc : memref<!tpu.dma_semaphore, #tpu.memory_space<semaphore_mem>>
        %dma_start3A = arith.constant 0 : i32
        %dma_start3A_145 = tpu.memref_slice %arg8[%dma_start3A] : memref<16384xf32, #tpu.memory_space<vmem>> -> memref<1024xf32, #tpu.memory_space<vmem>>
        %dma_start3A_146 = arith.constant 41598976 : i32
        %dma_start3A_147 = tpu.memref_slice %arg4[%dma_start3A_146] : memref<41600000xf32, #tpu.memory_space<hbm>> -> memref<1024xf32, #tpu.memory_space<hbm>>
        %dma_start3A_148 = arith.constant 41598976 : i32
        %dma_start3A_149 = tpu.memref_slice %arg4[%dma_start3A_148] : memref<41600000xf32, #tpu.memory_space<hbm>> -> memref<1024xf32, #tpu.memory_space<hbm>>
        %dma_start3A_150 = arith.constant 0 : i32
        %dma_start3A_151 = tpu.memref_slice %arg8[%dma_start3A_150] : memref<16384xf32, #tpu.memory_space<vmem>> -> memref<1024xf32, #tpu.memory_space<vmem>>
        tpu.enqueue_dma source(%dma_start3A_151 : memref<1024xf32, #tpu.memory_space<vmem>>) target(%dma_start3A_149 : memref<1024xf32, #tpu.memory_space<hbm>>) target_semaphore(%run_scoped3A : memref<!tpu.dma_semaphore, #tpu.memory_space<semaphore_mem>>)
        %dma_wait3A = arith.constant 0 : i32
        %dma_wait3A_152 = tpu.memref_slice %arg8[%dma_wait3A] : memref<16384xf32, #tpu.memory_space<vmem>> -> memref<1024xf32, #tpu.memory_space<vmem>>
        %dma_wait3A_153 = arith.constant 41598976 : i32
        %dma_wait3A_154 = tpu.memref_slice %arg4[%dma_wait3A_153] : memref<41600000xf32, #tpu.memory_space<hbm>> -> memref<1024xf32, #tpu.memory_space<hbm>>
        %dma_wait3A_155 = arith.constant 41598976 : i32
        %dma_wait3A_156 = tpu.memref_slice %arg4[%dma_wait3A_155] : memref<41600000xf32, #tpu.memory_space<hbm>> -> memref<1024xf32, #tpu.memory_space<hbm>>
        %dma_wait3A_157 = arith.constant 0 : i32
        %dma_wait3A_158 = tpu.memref_slice %arg8[%dma_wait3A_157] : memref<16384xf32, #tpu.memory_space<vmem>> -> memref<1024xf32, #tpu.memory_space<vmem>>
        tpu.wait_dma2 semaphore(%run_scoped3A : memref<!tpu.dma_semaphore, #tpu.memory_space<semaphore_mem>>) src(%dma_wait3A_158 : memref<1024xf32, #tpu.memory_space<vmem>>) dst(%dma_wait3A_156 : memref<1024xf32, #tpu.memory_space<hbm>>)
        tpu.yield
      }) : () -> ()
    } else {
    }
    return
  }
}

</mosaic_0001>

<sc_bundles>
// kernel: _to_row_major.3.cloned.1.call-start
scs
__scs_entry_jumppad:
0x0: {  	(pc) =	sbr.rel $0x88, $3  }
0x1: {  	(tag) =	ssettag $0x0;
	lr =	simm.s32 $0x1  }
0x2: {  	[smem:$0x3F9F] =	sst lr;
	_ =	strace $0xD0000000  }
0x3: {  	_ = 	snop  }
0x4: {  	_ = 	snop  }
0x5: {  	_ = 	snop  }
0x6: {  	_ = 	snop  }
0x7: {  	_ = 	snop  }
__scs_overlays_trampoline_lowered:
0x8: {  	[smem:$0x3FAE] =	sst s0  }
0x9: {  	[smem:$0x3FAF] =	sst s1  }
0xa: {  	[smem:$0x3FB0] =	sst s2  }
0xb: {  	[smem:$0x3FB1] =	sst s3  }
0xc: {  	[smem:$0x3FB2] =	sst s4  }
0xd: {  	[smem:$0x3FB3] =	sst s5  }
0xe: {  	[smem:$0x3FB4] =	sst s6  }
0xf: {  	[smem:$0x3FB5] =	sst s7  }
0x10: {  	[smem:$0x3FB6] =	sst s8  }
0x11: {  	[smem:$0x3FB7] =	sst s9;
	s0 =	simm.s32 @!p0 $0x0  }
0x12: {  	s1 =	sld [smem:$0x3F9D];
	s0 =	simm.s32 @p0 $0x1  }
0x13: {  	[smem:$0x3FB8] =	sst s0;
	s0 =	simm.s32 @!p1 $0x0  }
0x14: {  	s2 =	sld [smem:$0x3F9C];
	s0 =	simm.s32 @p1 $0x1  }
0x15: {  	[smem:$0x3FB9] =	sst s0;
	s0 =	simm.s32 @!p2 $0x0  }
0x16: {  	s3 =	sld [smem:$0x3FDB];
	s0 =	simm.s32 @p2 $0x1  }
0x17: {  	s4 =	simm.s32 $0x1BF5;
	[smem:$0x3FBB] =	sst s0  }
0x18: {  	s0 =	sld [smem:$0x3F9E];
	_ =	swait.ge [sflag:s4], $0x0  }
0x19: {  	s7 =	sld [smem:$0x3F9F]  }
0x1a: {  	s8 =	sadd.s32 $0xFFFFE003, lr  }
0x1b: {  	s9 =	sadd.s32 $0xFFFFFEF7, lr;
	s5 =	simm.s32 $0xFFFFFFFF;
	p2 =	slt.u32 s8, $0xFFFFF086  }
0x1c: {  	p1 =	slt.u32 s9, $0xF7A;
	s5 =	simm.s32 @!p2 $0x0  }
0x1d: {  	s5 =	simm.s32 @p1 $0x1;
	p0 =	seq.s32 s7, s2  }
0x1e: {  	s7 =	smul.u32 @!p0 $0xF7A, s2;
	p2 =	seq.s32 @!p0 s5, $0x0  }
0x1f: {  	s9 =	smul.u32 $0xF7A, s1;
	s8 =	simm.s32 @!p0 $0x1BF5;
	p2 =	por !p2, p0  }
0x20: {  	[sflag:s8] =	ssyncset.s32 @!p0 $0xFFFFF086;
	s6 =	sadd.s32 @!p0 s3, s7;
	s7 =	simm.s32 @!p0 $0x108  }
0x21: {  	s3 =	sadd.s32 s3, s9;
	s6 =	sadd.s32 @!p0 $0x88, s6;
	s7 =	simm.s32 @p2 $0x1082  }
0x22: {  	[simem:s7], [sflag:s8] =	dma.local @!p0 [hbm:s6], $0xF7A  }
0x23: {  	s9 =	sor.u32 $0xD0000000, s2;
	s6 =	simm.s32 $0x108;
	_ =	swait.ge @!p0 [sflag:s8], $0x0  }
0x24: {  	s3 =	sadd.s32 $0x88, s3;
	s6 =	simm.s32 @!p1 $0x1082;
	[sflag:s4] =	ssyncset.s32 $0xFFFFF086  }
0x25: {  	[simem:s6], [sflag:s4] =	dma.local [hbm:s3], $0xF7A  }
0x26: {  	[smem:$0x3F9F] =	sst s1;
	(tag) =	ssettag s2;
	_ =	strace s9  }
0x27: {  	s1 =	sld [smem:$0x3FAF]  }
0x28: {  	s2 =	sld [smem:$0x3FB0]  }
0x29: {  	s4 =	sld [smem:$0x3FB2]  }
0x2a: {  	p0 =	seq.s32 s5, $0x0;
	s5 =	sld [smem:$0x3FB3]  }
0x2b: {  	s6 =	sld [smem:$0x3FB4]  }
0x2c: {  	s7 =	sld [smem:$0x3FB5]  }
0x2d: {  	s3 =	simm.s32 $0x108;
	s8 =	sld [smem:$0x3FB6]  }
0x2e: {  	s3 =	simm.s32 @!p0 $0x1082;
	s9 =	sld [smem:$0x3FB7]  }
0x2f: {  	lr =	sadd.s32 s0, s3;
	s0 =	sld [smem:$0x3FAE]  }
0x30: {  	s3 =	sld [smem:$0x3FB1]  }
0x31: {  	[smem:$0x3FBA] =	sst s10  }
0x32: {  	s10 =	sld [smem:$0x3FB8];
	_ =	sdelay $0x3  }
0x33: {  	p0 =	seq.s32 s10, $0x1;
	s10 =	sld [smem:$0x3FBA];
	_ =	sdelay $0x3  }
0x34: {  	[smem:$0x3FBA] =	sst s10  }
0x35: {  	s10 =	sld [smem:$0x3FB9];
	_ =	sdelay $0x3  }
0x36: {  	p1 =	seq.s32 s10, $0x1;
	s10 =	sld [smem:$0x3FBA];
	_ =	sdelay $0x3  }
0x37: {  	[smem:$0x3FBA] =	sst s10  }
0x38: {  	s10 =	sld [smem:$0x3FBB]  }
0x39: {  	_ = 	snop;
	(pc) =	sbr.ind lr, $3  }
0x3a: {  	_ = 	snop  }
0x3b: {  	_ = 	snop  }
0x3c: {  	p2 =	seq.s32 s10, $0x1;
	s10 =	sld [smem:$0x3FBA]  }
0x3d: {  	_ =	shalt  }
0x3e: {  	_ =	shalt  }
0x3f: {  	_ =	shalt  }
0x40: {  	_ =	shalt  }
0x41: {  	_ =	shalt  }
0x42: {  	_ =	shalt  }
0x43: {  	_ =	shalt  }
0x44: {  	_ =	shalt  }
0x45: {  	_ =	shalt  }
0x46: {  	_ =	shalt  }
0x47: {  	_ =	shalt  }
0x48: {  	_ =	shalt  }
0x49: {  	_ =	shalt  }
0x4a: {  	_ =	shalt  }
0x4b: {  	_ =	shalt  }
0x4c: {  	_ =	shalt  }
0x4d: {  	_ =	shalt  }
0x4e: {  	_ =	shalt  }
0x4f: {  	_ =	shalt  }
0x50: {  	_ =	shalt  }
0x51: {  	_ =	shalt  }
0x52: {  	_ =	shalt  }
0x53: {  	_ =	shalt  }
0x54: {  	_ =	shalt  }
0x55: {  	_ =	shalt  }
0x56: {  	_ =	shalt  }
0x57: {  	_ =	shalt  }
0x58: {  	_ =	shalt  }
0x59: {  	_ =	shalt  }
0x5a: {  	_ =	shalt  }
0x5b: {  	_ =	shalt  }
0x5c: {  	_ =	shalt  }
0x5d: {  	_ =	shalt  }
0x5e: {  	_ =	shalt  }
0x5f: {  	_ =	shalt  }
0x60: {  	_ =	shalt  }
0x61: {  	_ =	shalt  }
0x62: {  	_ =	shalt  }
0x63: {  	_ =	shalt  }
0x64: {  	_ =	shalt  }
0x65: {  	_ =	shalt  }
0x66: {  	_ =	shalt  }
0x67: {  	_ =	shalt  }
0x68: {  	_ =	shalt  }
0x69: {  	_ =	shalt  }
0x6a: {  	_ =	shalt  }
0x6b: {  	_ =	shalt  }
0x6c: {  	_ =	shalt  }
0x6d: {  	_ =	shalt  }
0x6e: {  	_ =	shalt  }
0x6f: {  	_ =	shalt  }
0x70: {  	_ =	shalt  }
0x71: {  	_ =	shalt  }
0x72: {  	_ =	shalt  }
0x73: {  	_ =	shalt  }
0x74: {  	_ =	shalt  }
0x75: {  	_ =	shalt  }
0x76: {  	_ =	shalt  }
0x77: {  	_ =	shalt  }
0x78: {  	_ =	shalt  }
0x79: {  	_ =	shalt  }
0x7a: {  	_ =	shalt  }
0x7b: {  	_ =	shalt  }
0x7c: {  	_ =	shalt  }
0x7d: {  	_ =	shalt  }
0x7e: {  	_ =	shalt  }
0x7f: {  	_ =	shalt  }
0x80: {  	_ =	shalt  }
0x81: {  	_ =	shalt  }
0x82: {  	_ =	shalt  }
0x83: {  	_ =	shalt  }
0x84: {  	_ =	shalt  }
0x85: {  	_ =	shalt  }
0x86: {  	_ =	shalt  }
0x87: {  	_ =	shalt  }
.Lfunc_end0:
.L_simem_size_0:
called_computation_lowered:
.L_overlay_start_0:
0x88: {  	s2 =	sld [smem:$0x3FD9]  }
0x89: {  	s3 =	sld [smem:$0x3FFE];
	_ =	sdelay $0x1  }
0x8a: {  	s1 =	srdreg.scid  }
0x8b: {  	s0 =	sand.u32 $0x1, s1  }
0x8c: {  	s18 =	sshll.u32 s0, $0xA;
	s2 =	sadd.s32 s3, s2  }
0x8d: {  	s2 =	sadd.s32 s2, s18  }
0x8e: {  	[smem:$0x3FC6] =	sst s2  }
0x8f: {  	_ = 	snop  }
0x90: {  	s2 =	sld [smem:$0x3FC9]  }
0x91: {  	s19 =	sld [smem:$0x3FC8]  }
0x92: {  	s4 =	sld [smem:$0x3FD0];
	(tm) =	ssettm $0x1  }
0x93: {  	s5 =	sld [smem:$0x3FFB];
	_ =	sdelay $0x3  }
0x94: {  	_ =	strace s5  }
0x95: {  	s5 =	sld [smem:$0x3FFC];
	_ =	sdelay $0x3  }
0x96: {  	_ =	strace s5  }
0x97: {  	s5 =	sld [smem:$0x3FFD];
	_ =	sdelay $0x3  }
0x98: {  	_ =	strace s5  }
0x99: {  	_ =	strace $0x8FFFFFFF  }
0x9a: {  	s20 =	sld [smem:$0x3FDB];
	_ =	sdelay $0x1  }
0x9b: {  	s6 =	simm.s32 $_scs_section_size  }
0x9c: {  	s7 =	simm.s32 $_size__tile_overlayer_lowered;
	s8 =	simm.s32 $_tile_overlayer_lowered  }
0x9d: {  	s23 =	simm.s32 $0x1BFF;
	s22 =	sshll.u32 s8, $0x1;
	s5 =	sadd.s32 s6, s20  }
0x9e: {  	s9 =	simm.s32 $0x0;
	s21 =	sshll.u32 s7, $0x1;
	s7 =	sadd.s32 s22, s5  }
0x9f: {  	[timem:s9], [sflag:s23] =	dma.local [hbm:s7], s21  }
0xa0: {  	_ =	swait.ge [sflag:s23], s21  }
0xa1: {  	s6 =	ssub.s32 $0x0, s21;
	[sflag:s23] =	ssyncset.done $0x0  }
0xa2: {  	[sflag:s23] =	ssyncadd.s32 s6;
	_ =	sdelay $0x1  }
0xa3: {  	s24 =	simm.s32 $0x1B8B  }
0xa4: {  	_ =	swait.ge [sflag:s24], $0x1  }
0xa5: {  	[sflag:s24] =	ssyncset.done $0x0  }
0xa6: {  	s25 =	simm.s32 $0x1B8E;
	[sflag:s24] =	ssyncadd.s32 $0xFFFFFFFF  }
0xa7: {  	s26 =	simm.s32 $execute0_lowered;
	[smem:$0x3FD2] =	sst s25  }
0xa8: {  	s6 =	sshll.u32 s26, $0x1;
	_ =	strace $0x80000046;
	[dreg:$0x1] =	wrdreg $0xFFFFFFFF  }
0xa9: {  	s28 =	simm.s32 $_size_execute0_lowered;
	s5 =	sadd.s32 s5, s6;
	[dreg:$0x0] =	wrdreg $0x0  }
0xaa: {  	s6 =	sshll.u32 s28, $0x1;
	[dreg:$0x2] =	wrdreg s5  }
0xab: {  	[dreg:$0x3] =	wrdreg s6  }
0xac: {  	[dreg:$0x4] =	wrdreg $0xC0  }
0xad: {  	_ =	task [dreg:s9], $0x5FFFF  }
0xae: {  	[dreg:$0x1] =	wrdreg $0xFFFFFFFF  }
0xaf: {  	[dreg:$0x0] =	wrdreg $0x60  }
0xb0: {  	[dreg:$0x2] =	wrdreg s2  }
0xb1: {  	[dreg:$0x3] =	wrdreg s19  }
0xb2: {  	[dreg:$0x4] =	wrdreg s4  }
0xb3: {  	[dreg:$0x5] =	wrdreg $0x9  }
0xb4: {  	_ =	task.clear_ibuf [dreg:s9], $0x6FFFF;
	_ =	strace $0x90000046  }
0xb5: {  	s29 =	simm.s32 $0x9;
	_ =	strace $0x80000048  }
0xb6: {  	_ =	swait.ge [sflag:s29], $0x1  }
0xb7: {  	[sflag:s29] =	ssyncadd.s32 $0xFFFFFFFF  }
0xb8: {  	_ =	strace $0x90000048  }
0xb9: {  	_ =	sfence  }
0xba: {  	s30 =	sld [smem:$0x0];
	_ =	sdelay $0x2  }
0xbb: {  	s31 =	sshll.u32 s1, $0xD;
	s1 =	sshrl.u32 s1, $0x2  }
0xbc: {  	s3 =	sand.u32 $0x4000, s31;
	s1 =	sadd.s32 s1, s30  }
0xbd: {  	s0 =	sor.u32 s3, s0;
	s1 =	sshll.u32 s1, $0x11  }
0xbe: {  	s0 =	sor.u32 s1, s0  }
0xbf: {  	s0 =	sadd.s32 $0x8F2B, s0  }
0xc0: {  	[sflag:s0] =	ssyncadd.remote.s32 $0x1  }
0xc1: {  	_ =	sfence.sel $0xFFFF  }
0xc2: {  	[dreg:$0x0] =	wrdreg $0xFFFFFFFF;
	(pc) =	sbr.abs _section_cstart, $3  }
0xc3: {  	[dreg:$0x1] =	wrdreg $0xFFFFFFFF  }
0xc4: {  	_ =	task.clear_ibuf [dreg:s9], $0x2FFFF;
	_ =	strace $0x9FFFFFFF  }
0xc5: {  	(tm) =	ssettm $0x7FFFFFFF  }
tec
execute0_lowered:
.L_overlay_start_1:
0x0: {  	(tag) =	ssettag $0x1  }
0x1: {  	s2 =	rddreg [dreg:$0x0]  }
0x2: {  	s4 =	rddreg [dreg:$0x2]  }
0x3: {  	s0 =	srdreg.scid;
	s1 =	stileid.u32  }
0x4: {  	s5 =	simm.s32 $0x0;
	s14 =	simm.s32 $0x2000;
	s15 =	simm.s32 $0x13D6400  }
0x5: {  	s16 =	simm.s32 $0x4000;
	s17 =	simm.s32 $0x8000;
	s18 =	simm.s32 $0x1  }
0x6: {  	s19 =	simm.s32 $0xC000;
	s20 =	simm.s32 $0x2;
	s21 =	simm.s32 $0x10000  }
0x7: {  	v0 =	vlaneseq.u32;
	s22 =	simm.s32 $0x3;
	s23 =	simm.s32 $0x14000;
	s24 =	simm.s32 $0x4  }
0x8: {  	s25 =	simm.s32 $0x0;
	s0 =	sand.u32 $0x1, s0;
	s1 =	sshll.u32 s1, $0x1;
	v0 =	vmul.u32 $0x10, v0  }
0x9: {  	[smem:$0x7FF] =	sst s5;
	s12 =	sadd.s32 $0x4F5800, s4;
	s7 =	ssub.s32 $0x2, s0  }
.Ltmp0:
0xa: {  	s6 =	sor.u32 s0, s1;
	_ =	strace $0x80000047;
	v1 =	vor.u32 $0x1, v0;
	v2 =	vor.u32 $0x2, v0;
	v3 =	vor.u32 $0x3, v0;
	(pc) =	sbr.rel .LBB2_1-.Ltmp0, $4  }
0xb: {  	s31 =	sshrl.u32 s7, $0x1;
	s1 =	sshll.u32 s6, $0xA;
	s10 =	sor.u32 $0x20, s6;
	v4 =	vor.u32 $0x4, v0;
	v5 =	vor.u32 $0x5, v0;
	v6 =	vor.u32 $0x6, v0  }
0xc: {  	v7 =	vor.u32 $0x7, v0;
	v8 =	vor.u32 $0x8, v0;
	v9 =	vor.u32 $0x9, v0;
	p0 =	sgt.u32 s6, $0xA;
	s0 =	ssub.s32 s7, s31;
	s7 =	sadd.s32 s2, s1  }
0xd: {  	s11 =	sor.u32 $0x40, s6;
	v10 =	vor.u32 $0xA, v0;
	v11 =	vor.u32 $0xB, v0;
	v12 =	vor.u32 $0xC, v0;
	p1 =	sne.s32 @!p0 s6, $0x0;
	s8 =	sadd.s32 $0x8000, s7  }
0xe: {  	v13 =	vor.u32 $0xD, v0;
	v14 =	vor.u32 $0xE, v0;
	v15 =	vor.u32 $0xF, v0;
	s9 =	sadd.s32 $0x10000, s7;
	s13 =	smax.u32 s0, $0x1;
	p1 =	por p1, p0  }
.LBB2_13:
0xf: {  	_ =	swait.ge [sflag:s24], $0x4000  }
0x10: {  	[sflag:s24] =	ssyncset.done $0x0  }
0x11: {  	s0 =	simm.s32 @!p0 $0x5;
	[sflag:s24] =	ssyncadd.s32 $0xFFFFC000  }
0x12: {  	_ =	swait.ge @!p0 [sflag:s0], $0x4000  }
0x13: {  	[sflag:s0] =	ssyncset.done @!p0 $0x0  }
0x14: {  	[sflag:s0] =	ssyncadd.s32 @!p0 $0xFFFFC000  }
0x15: {  	s1 =	simm.s32 @!p1 $0xC000;
	s0 =	simm.s32 @!p1 $0x0;
	s3 =	rddreg [dreg:$0x1]  }
0x16: {  	[tilespmem:s1], [sflag:$0x7] =	stream.linear.gather @!p1 [hbm4b:s3+s0], $0x400, $0x38;
	[tilespmem:$0x18000] =	vst v63  }
0x17: {  	s3 =	simm.s32 @!p1 $0x7  }
0x18: {  	s25 =	sadd.s32 $0x1, s25;
	_ =	swait.ge @!p1 [sflag:s3], $0x400  }
0x19: {  	p2 =	sne.s32 s25, s13;
	[sflag:s3] =	ssyncset.done @!p1 $0x0  }
.Ltmp1:
0x1a: {  	[sflag:s3] =	ssyncadd.s32 @!p1 $0xFFFFFC00;
	(pc) =	sbr.rel @!p2 .LBB2_14-.Ltmp1, $4  }
0x1b: {  	[hbm4b:s12+s0] =	stream.linear.scatter @!p1 [tilespmem:s1], [sflag:$0x7], $0x400, $0x38;
	[tilespmem:$0x18000] =	vst v63  }
0x1c: {  	_ =	swait.ge @!p1 [sflag:s3], $0x400  }
0x1d: {  	[sflag:s3] =	ssyncset.done @!p1 $0x0  }
0x1e: {  	[sflag:s3] =	ssyncadd.s32 @!p1 $0xFFFFFC00  }
.LBB2_1:
0x1f: {  	[tilespmem:s5], [sflag:$0x1] =	stream.strided.gather [hbm4b:s7+s14], $0x4000, s15, s14, $0x38;
	[tilespmem:$0x18000] =	vst v63  }
.Ltmp2:
0x20: {  	_ = 	snop;
	(pc) =	sbr.rel .LBB2_2-.Ltmp2, $4  }
0x21: {  	_ = 	snop  }
0x22: {  	[tilespmem:s16], [sflag:$0x2] =	stream.strided.gather [hbm4b:s8+s14], $0x4000, s15, s14, $0x38;
	[tilespmem:$0x18000] =	vst v63  }
0x23: {  	s26 =	simm.s32 $0x0  }
0x24: {  	[tilespmem:s17], [sflag:$0x3] =	stream.strided.gather [hbm4b:s9+s14], $0x4000, s15, s14, $0x38;
	[tilespmem:$0x18000] =	vst v63  }
.LBB2_12:
0x25: {  	s0 =	sadd.s32 s11, s28  }
0x26: {  	p2 =	sgt.u32 s0, $0x9EA  }
0x27: {  	s0 =	sshll.u32 @!p2 s0, $0xA;
	s1 =	simm.s32 @!p2 $0x2000  }
0x28: {  	s3 =	simm.s32 @!p2 $0x13D6400;
	s28 =	simm.s32 @!p2 $0x8000;
	s0 =	sadd.s32 @!p2 s2, s0  }
0x29: {  	[tilespmem:s28], [sflag:$0x3] =	stream.strided.gather @!p2 [hbm4b:s0+s1], $0x4000, s3, s1, $0x38;
	[tilespmem:$0x18000] =	vst v63  }
0x2a: {  	p2 =	sne.s32 s26, $0x1B  }
.Ltmp3:
0x2b: {  	_ = 	snop;
	(pc) =	sbr.rel @!p2 .LBB2_13-.Ltmp3, $1  }
0x2c: {  	_ =	sdelay $0x3  }
.LBB2_2:
0x2d: {  	_ =	swait.ge [sflag:s18], $0x4000  }
0x2e: {  	p2 =	seq.s32 s26, $0x0;
	[sflag:s18] =	ssyncset.done $0x0  }
0x2f: {  	s0 =	simm.s32 @!p2 $0x4;
	[sflag:s18] =	ssyncadd.s32 $0xFFFFC000  }
0x30: {  	s29 =	smul.u32 $0x60, s26;
	_ =	swait.ge @!p2 [sflag:s0], $0x4000  }
0x31: {  	s30 =	simm.s32 $0xFFFFFFF8;
	s31 =	simm.s32 $0x700;
	[sflag:s0] =	ssyncset.done @!p2 $0x0  }
0x32: {  	s28 =	sor.u32 s6, s29;
	[sflag:s0] =	ssyncadd.s32 @!p2 $0xFFFFC000;
	s0 =	simm.s32 $0x2000  }
.LBB2_3:
0x33: {  	s1 =	sadd.s32 $0xFFFFF900, s31  }
0x34: {  	v16 =	vld [tilespmem:s0+$0xFFFFE000];
	v17 =	vor.u32 s1, v0;
	_ =	sdelay $0x4  }
0x35: {  	[tilespmem:v17+s19+$0x0] =	vst.idx.msk $0xffff, v16  }
0x36: {  	v17 =	vor.u32 s1, v1;
	v16 =	vld [tilespmem:s0+$0xFFFFE080];
	_ =	sdelay $0x4  }
0x37: {  	[tilespmem:v17+s19+$0x0] =	vst.idx.msk $0xffff, v16  }
0x38: {  	v17 =	vor.u32 s1, v2;
	v16 =	vld [tilespmem:s0+$0xFFFFE100];
	_ =	sdelay $0x4  }
0x39: {  	[tilespmem:v17+s19+$0x0] =	vst.idx.msk $0xffff, v16  }
0x3a: {  	v17 =	vor.u32 s1, v3;
	v16 =	vld [tilespmem:s0+$0xFFFFE180];
	_ =	sdelay $0x4  }
0x3b: {  	[tilespmem:v17+s19+$0x0] =	vst.idx.msk $0xffff, v16  }
0x3c: {  	v17 =	vor.u32 s1, v4;
	v16 =	vld [tilespmem:s0+$0xFFFFE200];
	_ =	sdelay $0x4  }
0x3d: {  	[tilespmem:v17+s19+$0x0] =	vst.idx.msk $0xffff, v16  }
0x3e: {  	v17 =	vor.u32 s1, v5;
	v16 =	vld [tilespmem:s0+$0xFFFFE280];
	_ =	sdelay $0x4  }
0x3f: {  	[tilespmem:v17+s19+$0x0] =	vst.idx.msk $0xffff, v16  }
0x40: {  	v17 =	vor.u32 s1, v6;
	v16 =	vld [tilespmem:s0+$0xFFFFE300];
	_ =	sdelay $0x4  }
0x41: {  	[tilespmem:v17+s19+$0x0] =	vst.idx.msk $0xffff, v16  }
0x42: {  	v17 =	vor.u32 s1, v7;
	v16 =	vld [tilespmem:s0+$0xFFFFE380];
	_ =	sdelay $0x4  }
0x43: {  	[tilespmem:v17+s19+$0x0] =	vst.idx.msk $0xffff, v16  }
0x44: {  	v17 =	vor.u32 s1, v8;
	v16 =	vld [tilespmem:s0+$0x0];
	_ =	sdelay $0x4  }
0x45: {  	[tilespmem:v17+s19+$0x0] =	vst.idx.msk $0xffff, v16  }
0x46: {  	v17 =	vor.u32 s1, v9;
	v16 =	vld [tilespmem:s0+$0x80];
	_ =	sdelay $0x4  }
0x47: {  	[tilespmem:v17+s19+$0x0] =	vst.idx.msk $0xffff, v16  }
0x48: {  	v17 =	vor.u32 s1, v10;
	v16 =	vld [tilespmem:s0+$0x100];
	_ =	sdelay $0x4  }
0x49: {  	[tilespmem:v17+s19+$0x0] =	vst.idx.msk $0xffff, v16  }
0x4a: {  	v17 =	vor.u32 s1, v11;
	v16 =	vld [tilespmem:s0+$0x180];
	_ =	sdelay $0x4  }
0x4b: {  	[tilespmem:v17+s19+$0x0] =	vst.idx.msk $0xffff, v16  }
0x4c: {  	v17 =	vor.u32 s1, v12;
	v16 =	vld [tilespmem:s0+$0x200];
	_ =	sdelay $0x4  }
0x4d: {  	[tilespmem:v17+s19+$0x0] =	vst.idx.msk $0xffff, v16  }
0x4e: {  	v17 =	vor.u32 s1, v13;
	v16 =	vld [tilespmem:s0+$0x280];
	_ =	sdelay $0x4  }
0x4f: {  	[tilespmem:v17+s19+$0x0] =	vst.idx.msk $0xffff, v16  }
0x50: {  	v17 =	vor.u32 s1, v14;
	v16 =	vld [tilespmem:s0+$0x300];
	_ =	sdelay $0x4  }
0x51: {  	[tilespmem:v17+s19+$0x0] =	vst.idx.msk $0xffff, v16  }
0x52: {  	v17 =	vor.u32 s1, v15;
	v16 =	vld [tilespmem:s0+$0x380];
	_ =	sdelay $0x4  }
0x53: {  	s3 =	sadd.s32 $0xFFFFFA00, s31;
	[tilespmem:v17+s19+$0x0] =	vst.idx.msk $0xffff, v16  }
0x54: {  	v17 =	vor.u32 s3, v0;
	v16 =	vld [tilespmem:s0+$0xFFFFE010];
	_ =	sdelay $0x4  }
0x55: {  	[tilespmem:v17+s19+$0x0] =	vst.idx.msk $0xffff, v16  }
0x56: {  	v17 =	vor.u32 s3, v1;
	v16 =	vld [tilespmem:s0+$0xFFFFE090];
	_ =	sdelay $0x4  }
0x57: {  	[tilespmem:v17+s19+$0x0] =	vst.idx.msk $0xffff, v16  }
0x58: {  	v17 =	vor.u32 s3, v2;
	v16 =	vld [tilespmem:s0+$0xFFFFE110];
	_ =	sdelay $0x4  }
0x59: {  	[tilespmem:v17+s19+$0x0] =	vst.idx.msk $0xffff, v16  }
0x5a: {  	v17 =	vor.u32 s3, v3;
	v16 =	vld [tilespmem:s0+$0xFFFFE190];
	_ =	sdelay $0x4  }
0x5b: {  	[tilespmem:v17+s19+$0x0] =	vst.idx.msk $0xffff, v16  }
0x5c: {  	v17 =	vor.u32 s3, v4;
	v16 =	vld [tilespmem:s0+$0xFFFFE210];
	_ =	sdelay $0x4  }
0x5d: {  	[tilespmem:v17+s19+$0x0] =	vst.idx.msk $0xffff, v16  }
0x5e: {  	v17 =	vor.u32 s3, v5;
	v16 =	vld [tilespmem:s0+$0xFFFFE290];
	_ =	sdelay $0x4  }
0x5f: {  	[tilespmem:v17+s19+$0x0] =	vst.idx.msk $0xffff, v16  }
0x60: {  	v17 =	vor.u32 s3, v6;
	v16 =	vld [tilespmem:s0+$0xFFFFE310];
	_ =	sdelay $0x4  }
0x61: {  	[tilespmem:v17+s19+$0x0] =	vst.idx.msk $0xffff, v16  }
0x62: {  	v17 =	vor.u32 s3, v7;
	v16 =	vld [tilespmem:s0+$0xFFFFE390];
	_ =	sdelay $0x4  }
0x63: {  	[tilespmem:v17+s19+$0x0] =	vst.idx.msk $0xffff, v16  }
0x64: {  	v17 =	vor.u32 s3, v8;
	v16 =	vld [tilespmem:s0+$0x10];
	_ =	sdelay $0x4  }
0x65: {  	[tilespmem:v17+s19+$0x0] =	vst.idx.msk $0xffff, v16  }
0x66: {  	v17 =	vor.u32 s3, v9;
	v16 =	vld [tilespmem:s0+$0x90];
	_ =	sdelay $0x4  }
0x67: {  	[tilespmem:v17+s19+$0x0] =	vst.idx.msk $0xffff, v16  }
0x68: {  	v17 =	vor.u32 s3, v10;
	v16 =	vld [tilespmem:s0+$0x110];
	_ =	sdelay $0x4  }
0x69: {  	[tilespmem:v17+s19+$0x0] =	vst.idx.msk $0xffff, v16  }
0x6a: {  	v17 =	vor.u32 s3, v11;
	v16 =	vld [tilespmem:s0+$0x190];
	_ =	sdelay $0x4  }
0x6b: {  	[tilespmem:v17+s19+$0x0] =	vst.idx.msk $0xffff, v16  }
0x6c: {  	v17 =	vor.u32 s3, v12;
	v16 =	vld [tilespmem:s0+$0x210];
	_ =	sdelay $0x4  }
0x6d: {  	[tilespmem:v17+s19+$0x0] =	vst.idx.msk $0xffff, v16  }
0x6e: {  	v17 =	vor.u32 s3, v13;
	v16 =	vld [tilespmem:s0+$0x290];
	_ =	sdelay $0x4  }
0x6f: {  	[tilespmem:v17+s19+$0x0] =	vst.idx.msk $0xffff, v16  }
0x70: {  	v17 =	vor.u32 s3, v14;
	v16 =	vld [tilespmem:s0+$0x310];
	_ =	sdelay $0x4  }
0x71: {  	[tilespmem:v17+s19+$0x0] =	vst.idx.msk $0xffff, v16  }
0x72: {  	v17 =	vor.u32 s3, v15;
	v16 =	vld [tilespmem:s0+$0x390];
	_ =	sdelay $0x4  }
0x73: {  	s3 =	sadd.s32 $0xFFFFFB00, s31;
	[tilespmem:v17+s19+$0x0] =	vst.idx.msk $0xffff, v16  }
0x74: {  	v17 =	vor.u32 s3, v0;
	v16 =	vld [tilespmem:s0+$0xFFFFE020];
	_ =	sdelay $0x4  }
0x75: {  	[tilespmem:v17+s19+$0x0] =	vst.idx.msk $0xffff, v16  }
0x76: {  	v17 =	vor.u32 s3, v1;
	v16 =	vld [tilespmem:s0+$0xFFFFE0A0];
	_ =	sdelay $0x4  }
0x77: {  	[tilespmem:v17+s19+$0x0] =	vst.idx.msk $0xffff, v16  }
0x78: {  	v17 =	vor.u32 s3, v2;
	v16 =	vld [tilespmem:s0+$0xFFFFE120];
	_ =	sdelay $0x4  }
0x79: {  	[tilespmem:v17+s19+$0x0] =	vst.idx.msk $0xffff, v16  }
0x7a: {  	v17 =	vor.u32 s3, v3;
	v16 =	vld [tilespmem:s0+$0xFFFFE1A0];
	_ =	sdelay $0x4  }
0x7b: {  	[tilespmem:v17+s19+$0x0] =	vst.idx.msk $0xffff, v16  }
0x7c: {  	v17 =	vor.u32 s3, v4;
	v16 =	vld [tilespmem:s0+$0xFFFFE220];
	_ =	sdelay $0x4  }
0x7d: {  	[tilespmem:v17+s19+$0x0] =	vst.idx.msk $0xffff, v16  }
0x7e: {  	v17 =	vor.u32 s3, v5;
	v16 =	vld [tilespmem:s0+$0xFFFFE2A0];
	_ =	sdelay $0x4  }
0x7f: {  	[tilespmem:v17+s19+$0x0] =	vst.idx.msk $0xffff, v16  }
0x80: {  	v17 =	vor.u32 s3, v6;
	v16 =	vld [tilespmem:s0+$0xFFFFE320];
	_ =	sdelay $0x4  }
0x81: {  	[tilespmem:v17+s19+$0x0] =	vst.idx.msk $0xffff, v16  }
0x82: {  	v17 =	vor.u32 s3, v7;
	v16 =	vld [tilespmem:s0+$0xFFFFE3A0];
	_ =	sdelay $0x4  }
0x83: {  	[tilespmem:v17+s19+$0x0] =	vst.idx.msk $0xffff, v16  }
0x84: {  	v17 =	vor.u32 s3, v8;
	v16 =	vld [tilespmem:s0+$0x20];
	_ =	sdelay $0x4  }
0x85: {  	[tilespmem:v17+s19+$0x0] =	vst.idx.msk $0xffff, v16  }
0x86: {  	v17 =	vor.u32 s3, v9;
	v16 =	vld [tilespmem:s0+$0xA0];
	_ =	sdelay $0x4  }
0x87: {  	[tilespmem:v17+s19+$0x0] =	vst.idx.msk $0xffff, v16  }
0x88: {  	v17 =	vor.u32 s3, v10;
	v16 =	vld [tilespmem:s0+$0x120];
	_ =	sdelay $0x4  }
0x89: {  	[tilespmem:v17+s19+$0x0] =	vst.idx.msk $0xffff, v16  }
0x8a: {  	v17 =	vor.u32 s3, v11;
	v16 =	vld [tilespmem:s0+$0x1A0];
	_ =	sdelay $0x4  }
0x8b: {  	[tilespmem:v17+s19+$0x0] =	vst.idx.msk $0xffff, v16  }
0x8c: {  	v17 =	vor.u32 s3, v12;
	v16 =	vld [tilespmem:s0+$0x220];
	_ =	sdelay $0x4  }
0x8d: {  	[tilespmem:v17+s19+$0x0] =	vst.idx.msk $0xffff, v16  }
0x8e: {  	v17 =	vor.u32 s3, v13;
	v16 =	vld [tilespmem:s0+$0x2A0];
	_ =	sdelay $0x4  }
0x8f: {  	[tilespmem:v17+s19+$0x0] =	vst.idx.msk $0xffff, v16  }
0x90: {  	v17 =	vor.u32 s3, v14;
	v16 =	vld [tilespmem:s0+$0x320];
	_ =	sdelay $0x4  }
0x91: {  	[tilespmem:v17+s19+$0x0] =	vst.idx.msk $0xffff, v16  }
0x92: {  	v17 =	vor.u32 s3, v15;
	v16 =	vld [tilespmem:s0+$0x3A0];
	_ =	sdelay $0x4  }
0x93: {  	s3 =	sadd.s32 $0xFFFFFC00, s31;
	[tilespmem:v17+s19+$0x0] =	vst.idx.msk $0xffff, v16  }
0x94: {  	v17 =	vor.u32 s3, v0;
	v16 =	vld [tilespmem:s0+$0xFFFFE030];
	_ =	sdelay $0x4  }
0x95: {  	[tilespmem:v17+s19+$0x0] =	vst.idx.msk $0xffff, v16  }
0x96: {  	v17 =	vor.u32 s3, v1;
	v16 =	vld [tilespmem:s0+$0xFFFFE0B0];
	_ =	sdelay $0x4  }
0x97: {  	[tilespmem:v17+s19+$0x0] =	vst.idx.msk $0xffff, v16  }
0x98: {  	v17 =	vor.u32 s3, v2;
	v16 =	vld [tilespmem:s0+$0xFFFFE130];
	_ =	sdelay $0x4  }
0x99: {  	[tilespmem:v17+s19+$0x0] =	vst.idx.msk $0xffff, v16  }
0x9a: {  	v17 =	vor.u32 s3, v3;
	v16 =	vld [tilespmem:s0+$0xFFFFE1B0];
	_ =	sdelay $0x4  }
0x9b: {  	[tilespmem:v17+s19+$0x0] =	vst.idx.msk $0xffff, v16  }
0x9c: {  	v17 =	vor.u32 s3, v4;
	v16 =	vld [tilespmem:s0+$0xFFFFE230];
	_ =	sdelay $0x4  }
0x9d: {  	[tilespmem:v17+s19+$0x0] =	vst.idx.msk $0xffff, v16  }
0x9e: {  	v17 =	vor.u32 s3, v5;
	v16 =	vld [tilespmem:s0+$0xFFFFE2B0];
	_ =	sdelay $0x4  }
0x9f: {  	[tilespmem:v17+s19+$0x0] =	vst.idx.msk $0xffff, v16  }
0xa0: {  	v17 =	vor.u32 s3, v6;
	v16 =	vld [tilespmem:s0+$0xFFFFE330];
	_ =	sdelay $0x4  }
0xa1: {  	[tilespmem:v17+s19+$0x0] =	vst.idx.msk $0xffff, v16  }
0xa2: {  	v17 =	vor.u32 s3, v7;
	v16 =	vld [tilespmem:s0+$0xFFFFE3B0];
	_ =	sdelay $0x4  }
0xa3: {  	[tilespmem:v17+s19+$0x0] =	vst.idx.msk $0xffff, v16  }
0xa4: {  	v17 =	vor.u32 s3, v8;
	v16 =	vld [tilespmem:s0+$0x30];
	_ =	sdelay $0x4  }
0xa5: {  	[tilespmem:v17+s19+$0x0] =	vst.idx.msk $0xffff, v16  }
0xa6: {  	v17 =	vor.u32 s3, v9;
	v16 =	vld [tilespmem:s0+$0xB0];
	_ =	sdelay $0x4  }
0xa7: {  	[tilespmem:v17+s19+$0x0] =	vst.idx.msk $0xffff, v16  }
0xa8: {  	v17 =	vor.u32 s3, v10;
	v16 =	vld [tilespmem:s0+$0x130];
	_ =	sdelay $0x4  }
0xa9: {  	[tilespmem:v17+s19+$0x0] =	vst.idx.msk $0xffff, v16  }
0xaa: {  	v17 =	vor.u32 s3, v11;
	v16 =	vld [tilespmem:s0+$0x1B0];
	_ =	sdelay $0x4  }
0xab: {  	[tilespmem:v17+s19+$0x0] =	vst.idx.msk $0xffff, v16  }
0xac: {  	v17 =	vor.u32 s3, v12;
	v16 =	vld [tilespmem:s0+$0x230];
	_ =	sdelay $0x4  }
0xad: {  	[tilespmem:v17+s19+$0x0] =	vst.idx.msk $0xffff, v16  }
0xae: {  	v17 =	vor.u32 s3, v13;
	v16 =	vld [tilespmem:s0+$0x2B0];
	_ =	sdelay $0x4  }
0xaf: {  	[tilespmem:v17+s19+$0x0] =	vst.idx.msk $0xffff, v16  }
0xb0: {  	v17 =	vor.u32 s3, v14;
	v16 =	vld [tilespmem:s0+$0x330];
	_ =	sdelay $0x4  }
0xb1: {  	[tilespmem:v17+s19+$0x0] =	vst.idx.msk $0xffff, v16  }
0xb2: {  	v17 =	vor.u32 s3, v15;
	v16 =	vld [tilespmem:s0+$0x3B0];
	_ =	sdelay $0x4  }
0xb3: {  	s3 =	sadd.s32 $0xFFFFFD00, s31;
	[tilespmem:v17+s19+$0x0] =	vst.idx.msk $0xffff, v16  }
0xb4: {  	v17 =	vor.u32 s3, v0;
	v16 =	vld [tilespmem:s0+$0xFFFFE040];
	_ =	sdelay $0x4  }
0xb5: {  	[tilespmem:v17+s19+$0x0] =	vst.idx.msk $0xffff, v16  }
0xb6: {  	v17 =	vor.u32 s3, v1;
	v16 =	vld [tilespmem:s0+$0xFFFFE0C0];
	_ =	sdelay $0x4  }
0xb7: {  	[tilespmem:v17+s19+$0x0] =	vst.idx.msk $0xffff, v16  }
0xb8: {  	v17 =	vor.u32 s3, v2;
	v16 =	vld [tilespmem:s0+$0xFFFFE140];
	_ =	sdelay $0x4  }
0xb9: {  	[tilespmem:v17+s19+$0x0] =	vst.idx.msk $0xffff, v16  }
0xba: {  	v17 =	vor.u32 s3, v3;
	v16 =	vld [tilespmem:s0+$0xFFFFE1C0];
	_ =	sdelay $0x4  }
0xbb: {  	[tilespmem:v17+s19+$0x0] =	vst.idx.msk $0xffff, v16  }
0xbc: {  	v17 =	vor.u32 s3, v4;
	v16 =	vld [tilespmem:s0+$0xFFFFE240];
	_ =	sdelay $0x4  }
0xbd: {  	[tilespmem:v17+s19+$0x0] =	vst.idx.msk $0xffff, v16  }
0xbe: {  	v17 =	vor.u32 s3, v5;
	v16 =	vld [tilespmem:s0+$0xFFFFE2C0];
	_ =	sdelay $0x4  }
0xbf: {  	[tilespmem:v17+s19+$0x0] =	vst.idx.msk $0xffff, v16  }
0xc0: {  	v17 =	vor.u32 s3, v6;
	v16 =	vld [tilespmem:s0+$0xFFFFE340];
	_ =	sdelay $0x4  }
0xc1: {  	[tilespmem:v17+s19+$0x0] =	vst.idx.msk $0xffff, v16  }
0xc2: {  	v17 =	vor.u32 s3, v7;
	v16 =	vld [tilespmem:s0+$0xFFFFE3C0];
	_ =	sdelay $0x4  }
0xc3: {  	[tilespmem:v17+s19+$0x0] =	vst.idx.msk $0xffff, v16  }
0xc4: {  	v17 =	vor.u32 s3, v8;
	v16 =	vld [tilespmem:s0+$0x40];
	_ =	sdelay $0x4  }
0xc5: {  	[tilespmem:v17+s19+$0x0] =	vst.idx.msk $0xffff, v16  }
0xc6: {  	v17 =	vor.u32 s3, v9;
	v16 =	vld [tilespmem:s0+$0xC0];
	_ =	sdelay $0x4  }
0xc7: {  	[tilespmem:v17+s19+$0x0] =	vst.idx.msk $0xffff, v16  }
0xc8: {  	v17 =	vor.u32 s3, v10;
	v16 =	vld [tilespmem:s0+$0x140];
	_ =	sdelay $0x4  }
0xc9: {  	[tilespmem:v17+s19+$0x0] =	vst.idx.msk $0xffff, v16  }
0xca: {  	v17 =	vor.u32 s3, v11;
	v16 =	vld [tilespmem:s0+$0x1C0];
	_ =	sdelay $0x4  }
0xcb: {  	[tilespmem:v17+s19+$0x0] =	vst.idx.msk $0xffff, v16  }
0xcc: {  	v17 =	vor.u32 s3, v12;
	v16 =	vld [tilespmem:s0+$0x240];
	_ =	sdelay $0x4  }
0xcd: {  	[tilespmem:v17+s19+$0x0] =	vst.idx.msk $0xffff, v16  }
0xce: {  	v17 =	vor.u32 s3, v13;
	v16 =	vld [tilespmem:s0+$0x2C0];
	_ =	sdelay $0x4  }
0xcf: {  	[tilespmem:v17+s19+$0x0] =	vst.idx.msk $0xffff, v16  }
0xd0: {  	v17 =	vor.u32 s3, v14;
	v16 =	vld [tilespmem:s0+$0x340];
	_ =	sdelay $0x4  }
0xd1: {  	[tilespmem:v17+s19+$0x0] =	vst.idx.msk $0xffff, v16  }
0xd2: {  	v17 =	vor.u32 s3, v15;
	v16 =	vld [tilespmem:s0+$0x3C0];
	_ =	sdelay $0x4  }
0xd3: {  	s3 =	sadd.s32 $0xFFFFFE00, s31;
	[tilespmem:v17+s19+$0x0] =	vst.idx.msk $0xffff, v16  }
0xd4: {  	v17 =	vor.u32 s3, v0;
	v16 =	vld [tilespmem:s0+$0xFFFFE050];
	_ =	sdelay $0x4  }
0xd5: {  	[tilespmem:v17+s19+$0x0] =	vst.idx.msk $0xffff, v16  }
0xd6: {  	v17 =	vor.u32 s3, v1;
	v16 =	vld [tilespmem:s0+$0xFFFFE0D0];
	_ =	sdelay $0x4  }
0xd7: {  	[tilespmem:v17+s19+$0x0] =	vst.idx.msk $0xffff, v16  }
0xd8: {  	v17 =	vor.u32 s3, v2;
	v16 =	vld [tilespmem:s0+$0xFFFFE150];
	_ =	sdelay $0x4  }
0xd9: {  	[tilespmem:v17+s19+$0x0] =	vst.idx.msk $0xffff, v16  }
0xda: {  	v17 =	vor.u32 s3, v3;
	v16 =	vld [tilespmem:s0+$0xFFFFE1D0];
	_ =	sdelay $0x4  }
0xdb: {  	[tilespmem:v17+s19+$0x0] =	vst.idx.msk $0xffff, v16  }
0xdc: {  	v17 =	vor.u32 s3, v4;
	v16 =	vld [tilespmem:s0+$0xFFFFE250];
	_ =	sdelay $0x4  }
0xdd: {  	[tilespmem:v17+s19+$0x0] =	vst.idx.msk $0xffff, v16  }
0xde: {  	v17 =	vor.u32 s3, v5;
	v16 =	vld [tilespmem:s0+$0xFFFFE2D0];
	_ =	sdelay $0x4  }
0xdf: {  	[tilespmem:v17+s19+$0x0] =	vst.idx.msk $0xffff, v16  }
0xe0: {  	v17 =	vor.u32 s3, v6;
	v16 =	vld [tilespmem:s0+$0xFFFFE350];
	_ =	sdelay $0x4  }
0xe1: {  	[tilespmem:v17+s19+$0x0] =	vst.idx.msk $0xffff, v16  }
0xe2: {  	v17 =	vor.u32 s3, v7;
	v16 =	vld [tilespmem:s0+$0xFFFFE3D0];
	_ =	sdelay $0x4  }
0xe3: {  	[tilespmem:v17+s19+$0x0] =	vst.idx.msk $0xffff, v16  }
0xe4: {  	v17 =	vor.u32 s3, v8;
	v16 =	vld [tilespmem:s0+$0x50];
	_ =	sdelay $0x4  }
0xe5: {  	[tilespmem:v17+s19+$0x0] =	vst.idx.msk $0xffff, v16  }
0xe6: {  	v17 =	vor.u32 s3, v9;
	v16 =	vld [tilespmem:s0+$0xD0];
	_ =	sdelay $0x4  }
0xe7: {  	[tilespmem:v17+s19+$0x0] =	vst.idx.msk $0xffff, v16  }
0xe8: {  	v17 =	vor.u32 s3, v10;
	v16 =	vld [tilespmem:s0+$0x150];
	_ =	sdelay $0x4  }
0xe9: {  	[tilespmem:v17+s19+$0x0] =	vst.idx.msk $0xffff, v16  }
0xea: {  	v17 =	vor.u32 s3, v11;
	v16 =	vld [tilespmem:s0+$0x1D0];
	_ =	sdelay $0x4  }
0xeb: {  	[tilespmem:v17+s19+$0x0] =	vst.idx.msk $0xffff, v16  }
0xec: {  	v17 =	vor.u32 s3, v12;
	v16 =	vld [tilespmem:s0+$0x250];
	_ =	sdelay $0x4  }
0xed: {  	[tilespmem:v17+s19+$0x0] =	vst.idx.msk $0xffff, v16  }
0xee: {  	v17 =	vor.u32 s3, v13;
	v16 =	vld [tilespmem:s0+$0x2D0];
	_ =	sdelay $0x4  }
0xef: {  	[tilespmem:v17+s19+$0x0] =	vst.idx.msk $0xffff, v16  }
0xf0: {  	v17 =	vor.u32 s3, v14;
	v16 =	vld [tilespmem:s0+$0x350];
	_ =	sdelay $0x4  }
0xf1: {  	[tilespmem:v17+s19+$0x0] =	vst.idx.msk $0xffff, v16  }
0xf2: {  	v17 =	vor.u32 s3, v15;
	v16 =	vld [tilespmem:s0+$0x3D0];
	_ =	sdelay $0x4  }
0xf3: {  	s3 =	sadd.s32 $0xFFFFFF00, s31;
	[tilespmem:v17+s19+$0x0] =	vst.idx.msk $0xffff, v16  }
0xf4: {  	v17 =	vor.u32 s3, v0;
	v16 =	vld [tilespmem:s0+$0xFFFFE060];
	_ =	sdelay $0x4  }
0xf5: {  	[tilespmem:v17+s19+$0x0] =	vst.idx.msk $0xffff, v16  }
0xf6: {  	v17 =	vor.u32 s3, v1;
	v16 =	vld [tilespmem:s0+$0xFFFFE0E0];
	_ =	sdelay $0x4  }
0xf7: {  	[tilespmem:v17+s19+$0x0] =	vst.idx.msk $0xffff, v16  }
0xf8: {  	v17 =	vor.u32 s3, v2;
	v16 =	vld [tilespmem:s0+$0xFFFFE160];
	_ =	sdelay $0x4  }
0xf9: {  	[tilespmem:v17+s19+$0x0] =	vst.idx.msk $0xffff, v16  }
0xfa: {  	v17 =	vor.u32 s3, v3;
	v16 =	vld [tilespmem:s0+$0xFFFFE1E0];
	_ =	sdelay $0x4  }
0xfb: {  	[tilespmem:v17+s19+$0x0] =	vst.idx.msk $0xffff, v16  }
0xfc: {  	v17 =	vor.u32 s3, v4;
	v16 =	vld [tilespmem:s0+$0xFFFFE260];
	_ =	sdelay $0x4  }
0xfd: {  	[tilespmem:v17+s19+$0x0] =	vst.idx.msk $0xffff, v16  }
0xfe: {  	v17 =	vor.u32 s3, v5;
	v16 =	vld [tilespmem:s0+$0xFFFFE2E0];
	_ =	sdelay $0x4  }
0xff: {  	[tilespmem:v17+s19+$0x0] =	vst.idx.msk $0xffff, v16  }
0x100: {  	v17 =	vor.u32 s3, v6;
	v16 =	vld [tilespmem:s0+$0xFFFFE360];
	_ =	sdelay $0x4  }
0x101: {  	[tilespmem:v17+s19+$0x0] =	vst.idx.msk $0xffff, v16  }
0x102: {  	v17 =	vor.u32 s3, v7;
	v16 =	vld [tilespmem:s0+$0xFFFFE3E0];
	_ =	sdelay $0x4  }
0x103: {  	[tilespmem:v17+s19+$0x0] =	vst.idx.msk $0xffff, v16  }
0x104: {  	v17 =	vor.u32 s3, v8;
	v16 =	vld [tilespmem:s0+$0x60];
	_ =	sdelay $0x4  }
0x105: {  	[tilespmem:v17+s19+$0x0] =	vst.idx.msk $0xffff, v16  }
0x106: {  	v17 =	vor.u32 s3, v9;
	v16 =	vld [tilespmem:s0+$0xE0];
	_ =	sdelay $0x4  }
0x107: {  	[tilespmem:v17+s19+$0x0] =	vst.idx.msk $0xffff, v16  }
0x108: {  	v17 =	vor.u32 s3, v10;
	v16 =	vld [tilespmem:s0+$0x160];
	_ =	sdelay $0x4  }
0x109: {  	[tilespmem:v17+s19+$0x0] =	vst.idx.msk $0xffff, v16  }
0x10a: {  	v17 =	vor.u32 s3, v11;
	v16 =	vld [tilespmem:s0+$0x1E0];
	_ =	sdelay $0x4  }
0x10b: {  	[tilespmem:v17+s19+$0x0] =	vst.idx.msk $0xffff, v16  }
0x10c: {  	v17 =	vor.u32 s3, v12;
	v16 =	vld [tilespmem:s0+$0x260];
	_ =	sdelay $0x4  }
0x10d: {  	[tilespmem:v17+s19+$0x0] =	vst.idx.msk $0xffff, v16  }
0x10e: {  	v17 =	vor.u32 s3, v13;
	v16 =	vld [tilespmem:s0+$0x2E0];
	_ =	sdelay $0x4  }
0x10f: {  	[tilespmem:v17+s19+$0x0] =	vst.idx.msk $0xffff, v16  }
0x110: {  	v17 =	vor.u32 s3, v14;
	v16 =	vld [tilespmem:s0+$0x360];
	_ =	sdelay $0x4  }
0x111: {  	[tilespmem:v17+s19+$0x0] =	vst.idx.msk $0xffff, v16  }
0x112: {  	v17 =	vor.u32 s3, v15;
	v16 =	vld [tilespmem:s0+$0x3E0];
	_ =	sdelay $0x4  }
0x113: {  	[tilespmem:v17+s19+$0x0] =	vst.idx.msk $0xffff, v16  }
0x114: {  	v17 =	vor.u32 s31, v0;
	v16 =	vld [tilespmem:s0+$0xFFFFE070];
	_ =	sdelay $0x4  }
0x115: {  	[tilespmem:v17+s19+$0x0] =	vst.idx.msk $0xffff, v16  }
0x116: {  	v17 =	vor.u32 s31, v1;
	v16 =	vld [tilespmem:s0+$0xFFFFE0F0];
	_ =	sdelay $0x4  }
0x117: {  	[tilespmem:v17+s19+$0x0] =	vst.idx.msk $0xffff, v16  }
0x118: {  	v17 =	vor.u32 s31, v2;
	v16 =	vld [tilespmem:s0+$0xFFFFE170];
	_ =	sdelay $0x4  }
0x119: {  	[tilespmem:v17+s19+$0x0] =	vst.idx.msk $0xffff, v16  }
0x11a: {  	v17 =	vor.u32 s31, v3;
	v16 =	vld [tilespmem:s0+$0xFFFFE1F0];
	_ =	sdelay $0x4  }
0x11b: {  	[tilespmem:v17+s19+$0x0] =	vst.idx.msk $0xffff, v16  }
0x11c: {  	v17 =	vor.u32 s31, v4;
	v16 =	vld [tilespmem:s0+$0xFFFFE270];
	_ =	sdelay $0x4  }
0x11d: {  	[tilespmem:v17+s19+$0x0] =	vst.idx.msk $0xffff, v16  }
0x11e: {  	v17 =	vor.u32 s31, v5;
	v16 =	vld [tilespmem:s0+$0xFFFFE2F0];
	_ =	sdelay $0x4  }
0x11f: {  	[tilespmem:v17+s19+$0x0] =	vst.idx.msk $0xffff, v16  }
0x120: {  	v17 =	vor.u32 s31, v6;
	v16 =	vld [tilespmem:s0+$0xFFFFE370];
	_ =	sdelay $0x4  }
0x121: {  	[tilespmem:v17+s19+$0x0] =	vst.idx.msk $0xffff, v16  }
0x122: {  	v17 =	vor.u32 s31, v7;
	v16 =	vld [tilespmem:s0+$0xFFFFE3F0];
	_ =	sdelay $0x4  }
0x123: {  	[tilespmem:v17+s19+$0x0] =	vst.idx.msk $0xffff, v16  }
0x124: {  	v17 =	vor.u32 s31, v8;
	v16 =	vld [tilespmem:s0+$0x70];
	_ =	sdelay $0x4  }
0x125: {  	[tilespmem:v17+s19+$0x0] =	vst.idx.msk $0xffff, v16  }
0x126: {  	v17 =	vor.u32 s31, v9;
	v16 =	vld [tilespmem:s0+$0xF0];
	_ =	sdelay $0x4  }
0x127: {  	[tilespmem:v17+s19+$0x0] =	vst.idx.msk $0xffff, v16  }
0x128: {  	v17 =	vor.u32 s31, v10;
	v16 =	vld [tilespmem:s0+$0x170];
	_ =	sdelay $0x4  }
0x129: {  	[tilespmem:v17+s19+$0x0] =	vst.idx.msk $0xffff, v16  }
0x12a: {  	v17 =	vor.u32 s31, v11;
	v16 =	vld [tilespmem:s0+$0x1F0];
	_ =	sdelay $0x4  }
0x12b: {  	[tilespmem:v17+s19+$0x0] =	vst.idx.msk $0xffff, v16  }
0x12c: {  	v17 =	vor.u32 s31, v12;
	v16 =	vld [tilespmem:s0+$0x270];
	_ =	sdelay $0x4  }
0x12d: {  	[tilespmem:v17+s19+$0x0] =	vst.idx.msk $0xffff, v16  }
0x12e: {  	v17 =	vor.u32 s31, v13;
	v16 =	vld [tilespmem:s0+$0x2F0];
	_ =	sdelay $0x4  }
0x12f: {  	[tilespmem:v17+s19+$0x0] =	vst.idx.msk $0xffff, v16  }
0x130: {  	v17 =	vor.u32 s31, v14;
	v16 =	vld [tilespmem:s0+$0x370];
	_ =	sdelay $0x4  }
0x131: {  	s30 =	sadd.s32 $0x8, s30;
	[tilespmem:v17+s19+$0x0] =	vst.idx.msk $0xffff, v16  }
0x132: {  	p3 =	slt.u32 s30, $0x38;
	v17 =	vor.u32 s31, v15;
	v16 =	vld [tilespmem:s0+$0x3F0]  }
.Ltmp4:
0x133: {  	_ = 	snop;
	(pc) =	sbr.rel @p3 .LBB2_3-.Ltmp4, $2  }
0x134: {  	_ =	sdelay $0x2  }
0x135: {  	s31 =	sadd.s32 $0x800, s31;
	s0 =	sadd.s32 $0x400, s0;
	[tilespmem:v17+s19+$0x0] =	vst.idx.msk $0xffff, v16  }
0x136: {  	s0 =	sshll.u32 s28, $0xB;
	s26 =	sadd.s32 $0x1, s26  }
0x137: {  	s0 =	sadd.s32 s4, s0;
	s28 =	smul.u32 $0x60, s26  }
0x138: {  	[hbm4b:s0+s5] =	stream.linear.scatter [tilespmem:s19], [sflag:$0x4], $0x4000, $0x38;
	[tilespmem:$0x18000] =	vst v63  }
0x139: {  	s0 =	sor.u32 s6, s28  }
0x13a: {  	p3 =	sgt.u32 s0, $0x9EA  }
0x13b: {  	s0 =	sshll.u32 @!p3 s0, $0xA;
	s1 =	simm.s32 @!p3 $0x2000  }
0x13c: {  	s30 =	simm.s32 @!p3 $0x13D6400;
	s31 =	simm.s32 @!p3 $0x0;
	s0 =	sadd.s32 @!p3 s2, s0  }
0x13d: {  	[tilespmem:s31], [sflag:$0x1] =	stream.strided.gather @!p3 [hbm4b:s0+s1], $0x4000, s30, s1, $0x38;
	[tilespmem:$0x18000] =	vst v63  }
0x13e: {  	s30 =	sadd.s32 s10, s29  }
0x13f: {  	p3 =	sgt.u32 s30, $0x9EA  }
.Ltmp5:
0x140: {  	_ = 	snop;
	(pc) =	sbr.rel @p3 .LBB2_8-.Ltmp5, $1  }
0x141: {  	_ =	sdelay $0x3  }
0x142: {  	_ =	swait.ge [sflag:s20], $0x4000  }
0x143: {  	[sflag:s20] =	ssyncset.done $0x0  }
0x144: {  	s0 =	simm.s32 @!p2 $0x5;
	[sflag:s20] =	ssyncadd.s32 $0xFFFFC000  }
0x145: {  	_ =	swait.ge @!p2 [sflag:s0], $0x4000  }
0x146: {  	s31 =	simm.s32 $0xFFFFFFF8;
	[sflag:s0] =	ssyncset.done @!p2 $0x0  }
0x147: {  	s1 =	simm.s32 $0x6000;
	[sflag:s0] =	ssyncadd.s32 @!p2 $0xFFFFC000;
	s0 =	simm.s32 $0x700  }
.LBB2_6:
0x148: {  	s3 =	sadd.s32 $0xFFFFF900, s0  }
0x149: {  	v16 =	vld [tilespmem:s1+$0xFFFFE000];
	v17 =	vor.u32 s3, v0;
	_ =	sdelay $0x4  }
0x14a: {  	[tilespmem:v17+s21+$0x0] =	vst.idx.msk $0xffff, v16  }
0x14b: {  	v17 =	vor.u32 s3, v1;
	v16 =	vld [tilespmem:s1+$0xFFFFE080];
	_ =	sdelay $0x4  }
0x14c: {  	[tilespmem:v17+s21+$0x0] =	vst.idx.msk $0xffff, v16  }
0x14d: {  	v17 =	vor.u32 s3, v2;
	v16 =	vld [tilespmem:s1+$0xFFFFE100];
	_ =	sdelay $0x4  }
0x14e: {  	[tilespmem:v17+s21+$0x0] =	vst.idx.msk $0xffff, v16  }
0x14f: {  	v17 =	vor.u32 s3, v3;
	v16 =	vld [tilespmem:s1+$0xFFFFE180];
	_ =	sdelay $0x4  }
0x150: {  	[tilespmem:v17+s21+$0x0] =	vst.idx.msk $0xffff, v16  }
0x151: {  	v17 =	vor.u32 s3, v4;
	v16 =	vld [tilespmem:s1+$0xFFFFE200];
	_ =	sdelay $0x4  }
0x152: {  	[tilespmem:v17+s21+$0x0] =	vst.idx.msk $0xffff, v16  }
0x153: {  	v17 =	vor.u32 s3, v5;
	v16 =	vld [tilespmem:s1+$0xFFFFE280];
	_ =	sdelay $0x4  }
0x154: {  	[tilespmem:v17+s21+$0x0] =	vst.idx.msk $0xffff, v16  }
0x155: {  	v17 =	vor.u32 s3, v6;
	v16 =	vld [tilespmem:s1+$0xFFFFE300];
	_ =	sdelay $0x4  }
0x156: {  	[tilespmem:v17+s21+$0x0] =	vst.idx.msk $0xffff, v16  }
0x157: {  	v17 =	vor.u32 s3, v7;
	v16 =	vld [tilespmem:s1+$0xFFFFE380];
	_ =	sdelay $0x4  }
0x158: {  	[tilespmem:v17+s21+$0x0] =	vst.idx.msk $0xffff, v16  }
0x159: {  	v17 =	vor.u32 s3, v8;
	v16 =	vld [tilespmem:s1+$0x0];
	_ =	sdelay $0x4  }
0x15a: {  	[tilespmem:v17+s21+$0x0] =	vst.idx.msk $0xffff, v16  }
0x15b: {  	v17 =	vor.u32 s3, v9;
	v16 =	vld [tilespmem:s1+$0x80];
	_ =	sdelay $0x4  }
0x15c: {  	[tilespmem:v17+s21+$0x0] =	vst.idx.msk $0xffff, v16  }
0x15d: {  	v17 =	vor.u32 s3, v10;
	v16 =	vld [tilespmem:s1+$0x100];
	_ =	sdelay $0x4  }
0x15e: {  	[tilespmem:v17+s21+$0x0] =	vst.idx.msk $0xffff, v16  }
0x15f: {  	v17 =	vor.u32 s3, v11;
	v16 =	vld [tilespmem:s1+$0x180];
	_ =	sdelay $0x4  }
0x160: {  	[tilespmem:v17+s21+$0x0] =	vst.idx.msk $0xffff, v16  }
0x161: {  	v17 =	vor.u32 s3, v12;
	v16 =	vld [tilespmem:s1+$0x200];
	_ =	sdelay $0x4  }
0x162: {  	[tilespmem:v17+s21+$0x0] =	vst.idx.msk $0xffff, v16  }
0x163: {  	v17 =	vor.u32 s3, v13;
	v16 =	vld [tilespmem:s1+$0x280];
	_ =	sdelay $0x4  }
0x164: {  	[tilespmem:v17+s21+$0x0] =	vst.idx.msk $0xffff, v16  }
0x165: {  	v17 =	vor.u32 s3, v14;
	v16 =	vld [tilespmem:s1+$0x300];
	_ =	sdelay $0x4  }
0x166: {  	[tilespmem:v17+s21+$0x0] =	vst.idx.msk $0xffff, v16  }
0x167: {  	v17 =	vor.u32 s3, v15;
	v16 =	vld [tilespmem:s1+$0x380];
	_ =	sdelay $0x4  }
0x168: {  	s3 =	sadd.s32 $0xFFFFFA00, s0;
	[tilespmem:v17+s21+$0x0] =	vst.idx.msk $0xffff, v16  }
0x169: {  	v17 =	vor.u32 s3, v0;
	v16 =	vld [tilespmem:s1+$0xFFFFE010];
	_ =	sdelay $0x4  }
0x16a: {  	[tilespmem:v17+s21+$0x0] =	vst.idx.msk $0xffff, v16  }
0x16b: {  	v17 =	vor.u32 s3, v1;
	v16 =	vld [tilespmem:s1+$0xFFFFE090];
	_ =	sdelay $0x4  }
0x16c: {  	[tilespmem:v17+s21+$0x0] =	vst.idx.msk $0xffff, v16  }
0x16d: {  	v17 =	vor.u32 s3, v2;
	v16 =	vld [tilespmem:s1+$0xFFFFE110];
	_ =	sdelay $0x4  }
0x16e: {  	[tilespmem:v17+s21+$0x0] =	vst.idx.msk $0xffff, v16  }
0x16f: {  	v17 =	vor.u32 s3, v3;
	v16 =	vld [tilespmem:s1+$0xFFFFE190];
	_ =	sdelay $0x4  }
0x170: {  	[tilespmem:v17+s21+$0x0] =	vst.idx.msk $0xffff, v16  }
0x171: {  	v17 =	vor.u32 s3, v4;
	v16 =	vld [tilespmem:s1+$0xFFFFE210];
	_ =	sdelay $0x4  }
0x172: {  	[tilespmem:v17+s21+$0x0] =	vst.idx.msk $0xffff, v16  }
0x173: {  	v17 =	vor.u32 s3, v5;
	v16 =	vld [tilespmem:s1+$0xFFFFE290];
	_ =	sdelay $0x4  }
0x174: {  	[tilespmem:v17+s21+$0x0] =	vst.idx.msk $0xffff, v16  }
0x175: {  	v17 =	vor.u32 s3, v6;
	v16 =	vld [tilespmem:s1+$0xFFFFE310];
	_ =	sdelay $0x4  }
0x176: {  	[tilespmem:v17+s21+$0x0] =	vst.idx.msk $0xffff, v16  }
0x177: {  	v17 =	vor.u32 s3, v7;
	v16 =	vld [tilespmem:s1+$0xFFFFE390];
	_ =	sdelay $0x4  }
0x178: {  	[tilespmem:v17+s21+$0x0] =	vst.idx.msk $0xffff, v16  }
0x179: {  	v17 =	vor.u32 s3, v8;
	v16 =	vld [tilespmem:s1+$0x10];
	_ =	sdelay $0x4  }
0x17a: {  	[tilespmem:v17+s21+$0x0] =	vst.idx.msk $0xffff, v16  }
0x17b: {  	v17 =	vor.u32 s3, v9;
	v16 =	vld [tilespmem:s1+$0x90];
	_ =	sdelay $0x4  }
0x17c: {  	[tilespmem:v17+s21+$0x0] =	vst.idx.msk $0xffff, v16  }
0x17d: {  	v17 =	vor.u32 s3, v10;
	v16 =	vld [tilespmem:s1+$0x110];
	_ =	sdelay $0x4  }
0x17e: {  	[tilespmem:v17+s21+$0x0] =	vst.idx.msk $0xffff, v16  }
0x17f: {  	v17 =	vor.u32 s3, v11;
	v16 =	vld [tilespmem:s1+$0x190];
	_ =	sdelay $0x4  }
0x180: {  	[tilespmem:v17+s21+$0x0] =	vst.idx.msk $0xffff, v16  }
0x181: {  	v17 =	vor.u32 s3, v12;
	v16 =	vld [tilespmem:s1+$0x210];
	_ =	sdelay $0x4  }
0x182: {  	[tilespmem:v17+s21+$0x0] =	vst.idx.msk $0xffff, v16  }
0x183: {  	v17 =	vor.u32 s3, v13;
	v16 =	vld [tilespmem:s1+$0x290];
	_ =	sdelay $0x4  }
0x184: {  	[tilespmem:v17+s21+$0x0] =	vst.idx.msk $0xffff, v16  }
0x185: {  	v17 =	vor.u32 s3, v14;
	v16 =	vld [tilespmem:s1+$0x310];
	_ =	sdelay $0x4  }
0x186: {  	[tilespmem:v17+s21+$0x0] =	vst.idx.msk $0xffff, v16  }
0x187: {  	v17 =	vor.u32 s3, v15;
	v16 =	vld [tilespmem:s1+$0x390];
	_ =	sdelay $0x4  }
0x188: {  	s3 =	sadd.s32 $0xFFFFFB00, s0;
	[tilespmem:v17+s21+$0x0] =	vst.idx.msk $0xffff, v16  }
0x189: {  	v17 =	vor.u32 s3, v0;
	v16 =	vld [tilespmem:s1+$0xFFFFE020];
	_ =	sdelay $0x4  }
0x18a: {  	[tilespmem:v17+s21+$0x0] =	vst.idx.msk $0xffff, v16  }
0x18b: {  	v17 =	vor.u32 s3, v1;
	v16 =	vld [tilespmem:s1+$0xFFFFE0A0];
	_ =	sdelay $0x4  }
0x18c: {  	[tilespmem:v17+s21+$0x0] =	vst.idx.msk $0xffff, v16  }
0x18d: {  	v17 =	vor.u32 s3, v2;
	v16 =	vld [tilespmem:s1+$0xFFFFE120];
	_ =	sdelay $0x4  }
0x18e: {  	[tilespmem:v17+s21+$0x0] =	vst.idx.msk $0xffff, v16  }
0x18f: {  	v17 =	vor.u32 s3, v3;
	v16 =	vld [tilespmem:s1+$0xFFFFE1A0];
	_ =	sdelay $0x4  }
0x190: {  	[tilespmem:v17+s21+$0x0] =	vst.idx.msk $0xffff, v16  }
0x191: {  	v17 =	vor.u32 s3, v4;
	v16 =	vld [tilespmem:s1+$0xFFFFE220];
	_ =	sdelay $0x4  }
0x192: {  	[tilespmem:v17+s21+$0x0] =	vst.idx.msk $0xffff, v16  }
0x193: {  	v17 =	vor.u32 s3, v5;
	v16 =	vld [tilespmem:s1+$0xFFFFE2A0];
	_ =	sdelay $0x4  }
0x194: {  	[tilespmem:v17+s21+$0x0] =	vst.idx.msk $0xffff, v16  }
0x195: {  	v17 =	vor.u32 s3, v6;
	v16 =	vld [tilespmem:s1+$0xFFFFE320];
	_ =	sdelay $0x4  }
0x196: {  	[tilespmem:v17+s21+$0x0] =	vst.idx.msk $0xffff, v16  }
0x197: {  	v17 =	vor.u32 s3, v7;
	v16 =	vld [tilespmem:s1+$0xFFFFE3A0];
	_ =	sdelay $0x4  }
0x198: {  	[tilespmem:v17+s21+$0x0] =	vst.idx.msk $0xffff, v16  }
0x199: {  	v17 =	vor.u32 s3, v8;
	v16 =	vld [tilespmem:s1+$0x20];
	_ =	sdelay $0x4  }
0x19a: {  	[tilespmem:v17+s21+$0x0] =	vst.idx.msk $0xffff, v16  }
0x19b: {  	v17 =	vor.u32 s3, v9;
	v16 =	vld [tilespmem:s1+$0xA0];
	_ =	sdelay $0x4  }
0x19c: {  	[tilespmem:v17+s21+$0x0] =	vst.idx.msk $0xffff, v16  }
0x19d: {  	v17 =	vor.u32 s3, v10;
	v16 =	vld [tilespmem:s1+$0x120];
	_ =	sdelay $0x4  }
0x19e: {  	[tilespmem:v17+s21+$0x0] =	vst.idx.msk $0xffff, v16  }
0x19f: {  	v17 =	vor.u32 s3, v11;
	v16 =	vld [tilespmem:s1+$0x1A0];
	_ =	sdelay $0x4  }
0x1a0: {  	[tilespmem:v17+s21+$0x0] =	vst.idx.msk $0xffff, v16  }
0x1a1: {  	v17 =	vor.u32 s3, v12;
	v16 =	vld [tilespmem:s1+$0x220];
	_ =	sdelay $0x4  }
0x1a2: {  	[tilespmem:v17+s21+$0x0] =	vst.idx.msk $0xffff, v16  }
0x1a3: {  	v17 =	vor.u32 s3, v13;
	v16 =	vld [tilespmem:s1+$0x2A0];
	_ =	sdelay $0x4  }
0x1a4: {  	[tilespmem:v17+s21+$0x0] =	vst.idx.msk $0xffff, v16  }
0x1a5: {  	v17 =	vor.u32 s3, v14;
	v16 =	vld [tilespmem:s1+$0x320];
	_ =	sdelay $0x4  }
0x1a6: {  	[tilespmem:v17+s21+$0x0] =	vst.idx.msk $0xffff, v16  }
0x1a7: {  	v17 =	vor.u32 s3, v15;
	v16 =	vld [tilespmem:s1+$0x3A0];
	_ =	sdelay $0x4  }
0x1a8: {  	s3 =	sadd.s32 $0xFFFFFC00, s0;
	[tilespmem:v17+s21+$0x0] =	vst.idx.msk $0xffff, v16  }
0x1a9: {  	v17 =	vor.u32 s3, v0;
	v16 =	vld [tilespmem:s1+$0xFFFFE030];
	_ =	sdelay $0x4  }
0x1aa: {  	[tilespmem:v17+s21+$0x0] =	vst.idx.msk $0xffff, v16  }
0x1ab: {  	v17 =	vor.u32 s3, v1;
	v16 =	vld [tilespmem:s1+$0xFFFFE0B0];
	_ =	sdelay $0x4  }
0x1ac: {  	[tilespmem:v17+s21+$0x0] =	vst.idx.msk $0xffff, v16  }
0x1ad: {  	v17 =	vor.u32 s3, v2;
	v16 =	vld [tilespmem:s1+$0xFFFFE130];
	_ =	sdelay $0x4  }
0x1ae: {  	[tilespmem:v17+s21+$0x0] =	vst.idx.msk $0xffff, v16  }
0x1af: {  	v17 =	vor.u32 s3, v3;
	v16 =	vld [tilespmem:s1+$0xFFFFE1B0];
	_ =	sdelay $0x4  }
0x1b0: {  	[tilespmem:v17+s21+$0x0] =	vst.idx.msk $0xffff, v16  }
0x1b1: {  	v17 =	vor.u32 s3, v4;
	v16 =	vld [tilespmem:s1+$0xFFFFE230];
	_ =	sdelay $0x4  }
0x1b2: {  	[tilespmem:v17+s21+$0x0] =	vst.idx.msk $0xffff, v16  }
0x1b3: {  	v17 =	vor.u32 s3, v5;
	v16 =	vld [tilespmem:s1+$0xFFFFE2B0];
	_ =	sdelay $0x4  }
0x1b4: {  	[tilespmem:v17+s21+$0x0] =	vst.idx.msk $0xffff, v16  }
0x1b5: {  	v17 =	vor.u32 s3, v6;
	v16 =	vld [tilespmem:s1+$0xFFFFE330];
	_ =	sdelay $0x4  }
0x1b6: {  	[tilespmem:v17+s21+$0x0] =	vst.idx.msk $0xffff, v16  }
0x1b7: {  	v17 =	vor.u32 s3, v7;
	v16 =	vld [tilespmem:s1+$0xFFFFE3B0];
	_ =	sdelay $0x4  }
0x1b8: {  	[tilespmem:v17+s21+$0x0] =	vst.idx.msk $0xffff, v16  }
0x1b9: {  	v17 =	vor.u32 s3, v8;
	v16 =	vld [tilespmem:s1+$0x30];
	_ =	sdelay $0x4  }
0x1ba: {  	[tilespmem:v17+s21+$0x0] =	vst.idx.msk $0xffff, v16  }
0x1bb: {  	v17 =	vor.u32 s3, v9;
	v16 =	vld [tilespmem:s1+$0xB0];
	_ =	sdelay $0x4  }
0x1bc: {  	[tilespmem:v17+s21+$0x0] =	vst.idx.msk $0xffff, v16  }
0x1bd: {  	v17 =	vor.u32 s3, v10;
	v16 =	vld [tilespmem:s1+$0x130];
	_ =	sdelay $0x4  }
0x1be: {  	[tilespmem:v17+s21+$0x0] =	vst.idx.msk $0xffff, v16  }
0x1bf: {  	v17 =	vor.u32 s3, v11;
	v16 =	vld [tilespmem:s1+$0x1B0];
	_ =	sdelay $0x4  }
0x1c0: {  	[tilespmem:v17+s21+$0x0] =	vst.idx.msk $0xffff, v16  }
0x1c1: {  	v17 =	vor.u32 s3, v12;
	v16 =	vld [tilespmem:s1+$0x230];
	_ =	sdelay $0x4  }
0x1c2: {  	[tilespmem:v17+s21+$0x0] =	vst.idx.msk $0xffff, v16  }
0x1c3: {  	v17 =	vor.u32 s3, v13;
	v16 =	vld [tilespmem:s1+$0x2B0];
	_ =	sdelay $0x4  }
0x1c4: {  	[tilespmem:v17+s21+$0x0] =	vst.idx.msk $0xffff, v16  }
0x1c5: {  	v17 =	vor.u32 s3, v14;
	v16 =	vld [tilespmem:s1+$0x330];
	_ =	sdelay $0x4  }
0x1c6: {  	[tilespmem:v17+s21+$0x0] =	vst.idx.msk $0xffff, v16  }
0x1c7: {  	v17 =	vor.u32 s3, v15;
	v16 =	vld [tilespmem:s1+$0x3B0];
	_ =	sdelay $0x4  }
0x1c8: {  	s3 =	sadd.s32 $0xFFFFFD00, s0;
	[tilespmem:v17+s21+$0x0] =	vst.idx.msk $0xffff, v16  }
0x1c9: {  	v17 =	vor.u32 s3, v0;
	v16 =	vld [tilespmem:s1+$0xFFFFE040];
	_ =	sdelay $0x4  }
0x1ca: {  	[tilespmem:v17+s21+$0x0] =	vst.idx.msk $0xffff, v16  }
0x1cb: {  	v17 =	vor.u32 s3, v1;
	v16 =	vld [tilespmem:s1+$0xFFFFE0C0];
	_ =	sdelay $0x4  }
0x1cc: {  	[tilespmem:v17+s21+$0x0] =	vst.idx.msk $0xffff, v16  }
0x1cd: {  	v17 =	vor.u32 s3, v2;
	v16 =	vld [tilespmem:s1+$0xFFFFE140];
	_ =	sdelay $0x4  }
0x1ce: {  	[tilespmem:v17+s21+$0x0] =	vst.idx.msk $0xffff, v16  }
0x1cf: {  	v17 =	vor.u32 s3, v3;
	v16 =	vld [tilespmem:s1+$0xFFFFE1C0];
	_ =	sdelay $0x4  }
0x1d0: {  	[tilespmem:v17+s21+$0x0] =	vst.idx.msk $0xffff, v16  }
0x1d1: {  	v17 =	vor.u32 s3, v4;
	v16 =	vld [tilespmem:s1+$0xFFFFE240];
	_ =	sdelay $0x4  }
0x1d2: {  	[tilespmem:v17+s21+$0x0] =	vst.idx.msk $0xffff, v16  }
0x1d3: {  	v17 =	vor.u32 s3, v5;
	v16 =	vld [tilespmem:s1+$0xFFFFE2C0];
	_ =	sdelay $0x4  }
0x1d4: {  	[tilespmem:v17+s21+$0x0] =	vst.idx.msk $0xffff, v16  }
0x1d5: {  	v17 =	vor.u32 s3, v6;
	v16 =	vld [tilespmem:s1+$0xFFFFE340];
	_ =	sdelay $0x4  }
0x1d6: {  	[tilespmem:v17+s21+$0x0] =	vst.idx.msk $0xffff, v16  }
0x1d7: {  	v17 =	vor.u32 s3, v7;
	v16 =	vld [tilespmem:s1+$0xFFFFE3C0];
	_ =	sdelay $0x4  }
0x1d8: {  	[tilespmem:v17+s21+$0x0] =	vst.idx.msk $0xffff, v16  }
0x1d9: {  	v17 =	vor.u32 s3, v8;
	v16 =	vld [tilespmem:s1+$0x40];
	_ =	sdelay $0x4  }
0x1da: {  	[tilespmem:v17+s21+$0x0] =	vst.idx.msk $0xffff, v16  }
0x1db: {  	v17 =	vor.u32 s3, v9;
	v16 =	vld [tilespmem:s1+$0xC0];
	_ =	sdelay $0x4  }
0x1dc: {  	[tilespmem:v17+s21+$0x0] =	vst.idx.msk $0xffff, v16  }
0x1dd: {  	v17 =	vor.u32 s3, v10;
	v16 =	vld [tilespmem:s1+$0x140];
	_ =	sdelay $0x4  }
0x1de: {  	[tilespmem:v17+s21+$0x0] =	vst.idx.msk $0xffff, v16  }
0x1df: {  	v17 =	vor.u32 s3, v11;
	v16 =	vld [tilespmem:s1+$0x1C0];
	_ =	sdelay $0x4  }
0x1e0: {  	[tilespmem:v17+s21+$0x0] =	vst.idx.msk $0xffff, v16  }
0x1e1: {  	v17 =	vor.u32 s3, v12;
	v16 =	vld [tilespmem:s1+$0x240];
	_ =	sdelay $0x4  }
0x1e2: {  	[tilespmem:v17+s21+$0x0] =	vst.idx.msk $0xffff, v16  }
0x1e3: {  	v17 =	vor.u32 s3, v13;
	v16 =	vld [tilespmem:s1+$0x2C0];
	_ =	sdelay $0x4  }
0x1e4: {  	[tilespmem:v17+s21+$0x0] =	vst.idx.msk $0xffff, v16  }
0x1e5: {  	v17 =	vor.u32 s3, v14;
	v16 =	vld [tilespmem:s1+$0x340];
	_ =	sdelay $0x4  }
0x1e6: {  	[tilespmem:v17+s21+$0x0] =	vst.idx.msk $0xffff, v16  }
0x1e7: {  	v17 =	vor.u32 s3, v15;
	v16 =	vld [tilespmem:s1+$0x3C0];
	_ =	sdelay $0x4  }
0x1e8: {  	s3 =	sadd.s32 $0xFFFFFE00, s0;
	[tilespmem:v17+s21+$0x0] =	vst.idx.msk $0xffff, v16  }
0x1e9: {  	v17 =	vor.u32 s3, v0;
	v16 =	vld [tilespmem:s1+$0xFFFFE050];
	_ =	sdelay $0x4  }
0x1ea: {  	[tilespmem:v17+s21+$0x0] =	vst.idx.msk $0xffff, v16  }
0x1eb: {  	v17 =	vor.u32 s3, v1;
	v16 =	vld [tilespmem:s1+$0xFFFFE0D0];
	_ =	sdelay $0x4  }
0x1ec: {  	[tilespmem:v17+s21+$0x0] =	vst.idx.msk $0xffff, v16  }
0x1ed: {  	v17 =	vor.u32 s3, v2;
	v16 =	vld [tilespmem:s1+$0xFFFFE150];
	_ =	sdelay $0x4  }
0x1ee: {  	[tilespmem:v17+s21+$0x0] =	vst.idx.msk $0xffff, v16  }
0x1ef: {  	v17 =	vor.u32 s3, v3;
	v16 =	vld [tilespmem:s1+$0xFFFFE1D0];
	_ =	sdelay $0x4  }
0x1f0: {  	[tilespmem:v17+s21+$0x0] =	vst.idx.msk $0xffff, v16  }
0x1f1: {  	v17 =	vor.u32 s3, v4;
	v16 =	vld [tilespmem:s1+$0xFFFFE250];
	_ =	sdelay $0x4  }
0x1f2: {  	[tilespmem:v17+s21+$0x0] =	vst.idx.msk $0xffff, v16  }
0x1f3: {  	v17 =	vor.u32 s3, v5;
	v16 =	vld [tilespmem:s1+$0xFFFFE2D0];
	_ =	sdelay $0x4  }
0x1f4: {  	[tilespmem:v17+s21+$0x0] =	vst.idx.msk $0xffff, v16  }
0x1f5: {  	v17 =	vor.u32 s3, v6;
	v16 =	vld [tilespmem:s1+$0xFFFFE350];
	_ =	sdelay $0x4  }
0x1f6: {  	[tilespmem:v17+s21+$0x0] =	vst.idx.msk $0xffff, v16  }
0x1f7: {  	v17 =	vor.u32 s3, v7;
	v16 =	vld [tilespmem:s1+$0xFFFFE3D0];
	_ =	sdelay $0x4  }
0x1f8: {  	[tilespmem:v17+s21+$0x0] =	vst.idx.msk $0xffff, v16  }
0x1f9: {  	v17 =	vor.u32 s3, v8;
	v16 =	vld [tilespmem:s1+$0x50];
	_ =	sdelay $0x4  }
0x1fa: {  	[tilespmem:v17+s21+$0x0] =	vst.idx.msk $0xffff, v16  }
0x1fb: {  	v17 =	vor.u32 s3, v9;
	v16 =	vld [tilespmem:s1+$0xD0];
	_ =	sdelay $0x4  }
0x1fc: {  	[tilespmem:v17+s21+$0x0] =	vst.idx.msk $0xffff, v16  }
0x1fd: {  	v17 =	vor.u32 s3, v10;
	v16 =	vld [tilespmem:s1+$0x150];
	_ =	sdelay $0x4  }
0x1fe: {  	[tilespmem:v17+s21+$0x0] =	vst.idx.msk $0xffff, v16  }
0x1ff: {  	v17 =	vor.u32 s3, v11;
	v16 =	vld [tilespmem:s1+$0x1D0];
	_ =	sdelay $0x4  }
0x200: {  	[tilespmem:v17+s21+$0x0] =	vst.idx.msk $0xffff, v16  }
0x201: {  	v17 =	vor.u32 s3, v12;
	v16 =	vld [tilespmem:s1+$0x250];
	_ =	sdelay $0x4  }
0x202: {  	[tilespmem:v17+s21+$0x0] =	vst.idx.msk $0xffff, v16  }
0x203: {  	v17 =	vor.u32 s3, v13;
	v16 =	vld [tilespmem:s1+$0x2D0];
	_ =	sdelay $0x4  }
0x204: {  	[tilespmem:v17+s21+$0x0] =	vst.idx.msk $0xffff, v16  }
0x205: {  	v17 =	vor.u32 s3, v14;
	v16 =	vld [tilespmem:s1+$0x350];
	_ =	sdelay $0x4  }
0x206: {  	[tilespmem:v17+s21+$0x0] =	vst.idx.msk $0xffff, v16  }
0x207: {  	v17 =	vor.u32 s3, v15;
	v16 =	vld [tilespmem:s1+$0x3D0];
	_ =	sdelay $0x4  }
0x208: {  	s3 =	sadd.s32 $0xFFFFFF00, s0;
	[tilespmem:v17+s21+$0x0] =	vst.idx.msk $0xffff, v16  }
0x209: {  	v17 =	vor.u32 s3, v0;
	v16 =	vld [tilespmem:s1+$0xFFFFE060];
	_ =	sdelay $0x4  }
0x20a: {  	[tilespmem:v17+s21+$0x0] =	vst.idx.msk $0xffff, v16  }
0x20b: {  	v17 =	vor.u32 s3, v1;
	v16 =	vld [tilespmem:s1+$0xFFFFE0E0];
	_ =	sdelay $0x4  }
0x20c: {  	[tilespmem:v17+s21+$0x0] =	vst.idx.msk $0xffff, v16  }
0x20d: {  	v17 =	vor.u32 s3, v2;
	v16 =	vld [tilespmem:s1+$0xFFFFE160];
	_ =	sdelay $0x4  }
0x20e: {  	[tilespmem:v17+s21+$0x0] =	vst.idx.msk $0xffff, v16  }
0x20f: {  	v17 =	vor.u32 s3, v3;
	v16 =	vld [tilespmem:s1+$0xFFFFE1E0];
	_ =	sdelay $0x4  }
0x210: {  	[tilespmem:v17+s21+$0x0] =	vst.idx.msk $0xffff, v16  }
0x211: {  	v17 =	vor.u32 s3, v4;
	v16 =	vld [tilespmem:s1+$0xFFFFE260];
	_ =	sdelay $0x4  }
0x212: {  	[tilespmem:v17+s21+$0x0] =	vst.idx.msk $0xffff, v16  }
0x213: {  	v17 =	vor.u32 s3, v5;
	v16 =	vld [tilespmem:s1+$0xFFFFE2E0];
	_ =	sdelay $0x4  }
0x214: {  	[tilespmem:v17+s21+$0x0] =	vst.idx.msk $0xffff, v16  }
0x215: {  	v17 =	vor.u32 s3, v6;
	v16 =	vld [tilespmem:s1+$0xFFFFE360];
	_ =	sdelay $0x4  }
0x216: {  	[tilespmem:v17+s21+$0x0] =	vst.idx.msk $0xffff, v16  }
0x217: {  	v17 =	vor.u32 s3, v7;
	v16 =	vld [tilespmem:s1+$0xFFFFE3E0];
	_ =	sdelay $0x4  }
0x218: {  	[tilespmem:v17+s21+$0x0] =	vst.idx.msk $0xffff, v16  }
0x219: {  	v17 =	vor.u32 s3, v8;
	v16 =	vld [tilespmem:s1+$0x60];
	_ =	sdelay $0x4  }
0x21a: {  	[tilespmem:v17+s21+$0x0] =	vst.idx.msk $0xffff, v16  }
0x21b: {  	v17 =	vor.u32 s3, v9;
	v16 =	vld [tilespmem:s1+$0xE0];
	_ =	sdelay $0x4  }
0x21c: {  	[tilespmem:v17+s21+$0x0] =	vst.idx.msk $0xffff, v16  }
0x21d: {  	v17 =	vor.u32 s3, v10;
	v16 =	vld [tilespmem:s1+$0x160];
	_ =	sdelay $0x4  }
0x21e: {  	[tilespmem:v17+s21+$0x0] =	vst.idx.msk $0xffff, v16  }
0x21f: {  	v17 =	vor.u32 s3, v11;
	v16 =	vld [tilespmem:s1+$0x1E0];
	_ =	sdelay $0x4  }
0x220: {  	[tilespmem:v17+s21+$0x0] =	vst.idx.msk $0xffff, v16  }
0x221: {  	v17 =	vor.u32 s3, v12;
	v16 =	vld [tilespmem:s1+$0x260];
	_ =	sdelay $0x4  }
0x222: {  	[tilespmem:v17+s21+$0x0] =	vst.idx.msk $0xffff, v16  }
0x223: {  	v17 =	vor.u32 s3, v13;
	v16 =	vld [tilespmem:s1+$0x2E0];
	_ =	sdelay $0x4  }
0x224: {  	[tilespmem:v17+s21+$0x0] =	vst.idx.msk $0xffff, v16  }
0x225: {  	v17 =	vor.u32 s3, v14;
	v16 =	vld [tilespmem:s1+$0x360];
	_ =	sdelay $0x4  }
0x226: {  	[tilespmem:v17+s21+$0x0] =	vst.idx.msk $0xffff, v16  }
0x227: {  	v17 =	vor.u32 s3, v15;
	v16 =	vld [tilespmem:s1+$0x3E0];
	_ =	sdelay $0x4  }
0x228: {  	[tilespmem:v17+s21+$0x0] =	vst.idx.msk $0xffff, v16  }
0x229: {  	v17 =	vor.u32 s0, v0;
	v16 =	vld [tilespmem:s1+$0xFFFFE070];
	_ =	sdelay $0x4  }
0x22a: {  	[tilespmem:v17+s21+$0x0] =	vst.idx.msk $0xffff, v16  }
0x22b: {  	v17 =	vor.u32 s0, v1;
	v16 =	vld [tilespmem:s1+$0xFFFFE0F0];
	_ =	sdelay $0x4  }
0x22c: {  	[tilespmem:v17+s21+$0x0] =	vst.idx.msk $0xffff, v16  }
0x22d: {  	v17 =	vor.u32 s0, v2;
	v16 =	vld [tilespmem:s1+$0xFFFFE170];
	_ =	sdelay $0x4  }
0x22e: {  	[tilespmem:v17+s21+$0x0] =	vst.idx.msk $0xffff, v16  }
0x22f: {  	v17 =	vor.u32 s0, v3;
	v16 =	vld [tilespmem:s1+$0xFFFFE1F0];
	_ =	sdelay $0x4  }
0x230: {  	[tilespmem:v17+s21+$0x0] =	vst.idx.msk $0xffff, v16  }
0x231: {  	v17 =	vor.u32 s0, v4;
	v16 =	vld [tilespmem:s1+$0xFFFFE270];
	_ =	sdelay $0x4  }
0x232: {  	[tilespmem:v17+s21+$0x0] =	vst.idx.msk $0xffff, v16  }
0x233: {  	v17 =	vor.u32 s0, v5;
	v16 =	vld [tilespmem:s1+$0xFFFFE2F0];
	_ =	sdelay $0x4  }
0x234: {  	[tilespmem:v17+s21+$0x0] =	vst.idx.msk $0xffff, v16  }
0x235: {  	v17 =	vor.u32 s0, v6;
	v16 =	vld [tilespmem:s1+$0xFFFFE370];
	_ =	sdelay $0x4  }
0x236: {  	[tilespmem:v17+s21+$0x0] =	vst.idx.msk $0xffff, v16  }
0x237: {  	v17 =	vor.u32 s0, v7;
	v16 =	vld [tilespmem:s1+$0xFFFFE3F0];
	_ =	sdelay $0x4  }
0x238: {  	[tilespmem:v17+s21+$0x0] =	vst.idx.msk $0xffff, v16  }
0x239: {  	v17 =	vor.u32 s0, v8;
	v16 =	vld [tilespmem:s1+$0x70];
	_ =	sdelay $0x4  }
0x23a: {  	[tilespmem:v17+s21+$0x0] =	vst.idx.msk $0xffff, v16  }
0x23b: {  	v17 =	vor.u32 s0, v9;
	v16 =	vld [tilespmem:s1+$0xF0];
	_ =	sdelay $0x4  }
0x23c: {  	[tilespmem:v17+s21+$0x0] =	vst.idx.msk $0xffff, v16  }
0x23d: {  	v17 =	vor.u32 s0, v10;
	v16 =	vld [tilespmem:s1+$0x170];
	_ =	sdelay $0x4  }
0x23e: {  	[tilespmem:v17+s21+$0x0] =	vst.idx.msk $0xffff, v16  }
0x23f: {  	v17 =	vor.u32 s0, v11;
	v16 =	vld [tilespmem:s1+$0x1F0];
	_ =	sdelay $0x4  }
0x240: {  	[tilespmem:v17+s21+$0x0] =	vst.idx.msk $0xffff, v16  }
0x241: {  	v17 =	vor.u32 s0, v12;
	v16 =	vld [tilespmem:s1+$0x270];
	_ =	sdelay $0x4  }
0x242: {  	[tilespmem:v17+s21+$0x0] =	vst.idx.msk $0xffff, v16  }
0x243: {  	v17 =	vor.u32 s0, v13;
	v16 =	vld [tilespmem:s1+$0x2F0];
	_ =	sdelay $0x4  }
0x244: {  	[tilespmem:v17+s21+$0x0] =	vst.idx.msk $0xffff, v16  }
0x245: {  	v17 =	vor.u32 s0, v14;
	v16 =	vld [tilespmem:s1+$0x370];
	_ =	sdelay $0x4  }
0x246: {  	s31 =	sadd.s32 $0x8, s31;
	[tilespmem:v17+s21+$0x0] =	vst.idx.msk $0xffff, v16  }
0x247: {  	p3 =	slt.u32 s31, $0x38;
	v17 =	vor.u32 s0, v15;
	v16 =	vld [tilespmem:s1+$0x3F0]  }
.Ltmp6:
0x248: {  	_ = 	snop;
	(pc) =	sbr.rel @p3 .LBB2_6-.Ltmp6, $2  }
0x249: {  	_ =	sdelay $0x2  }
0x24a: {  	s0 =	sadd.s32 $0x800, s0;
	s1 =	sadd.s32 $0x400, s1;
	[tilespmem:v17+s21+$0x0] =	vst.idx.msk $0xffff, v16  }
0x24b: {  	s0 =	sshll.u32 s30, $0xB  }
0x24c: {  	s0 =	sadd.s32 s4, s0  }
0x24d: {  	[hbm4b:s0+s5] =	stream.linear.scatter [tilespmem:s21], [sflag:$0x5], $0x4000, $0x38;
	[tilespmem:$0x18000] =	vst v63  }
.LBB2_8:
0x24e: {  	s0 =	sadd.s32 s10, s28  }
0x24f: {  	p3 =	sgt.u32 s0, $0x9EA  }
0x250: {  	s29 =	sadd.s32 s11, s29;
	s0 =	sshll.u32 @!p3 s0, $0xA;
	s1 =	simm.s32 @!p3 $0x2000  }
0x251: {  	s3 =	simm.s32 @!p3 $0x13D6400;
	s30 =	simm.s32 @!p3 $0x4000;
	s0 =	sadd.s32 @!p3 s2, s0  }
0x252: {  	[tilespmem:s30], [sflag:$0x2] =	stream.strided.gather @!p3 [hbm4b:s0+s1], $0x4000, s3, s1, $0x38;
	[tilespmem:$0x18000] =	vst v63  }
0x253: {  	p3 =	sgt.u32 s29, $0x9EA  }
.Ltmp7:
0x254: {  	_ = 	snop;
	(pc) =	sbr.rel @p3 .LBB2_12-.Ltmp7, $1  }
0x255: {  	_ =	sdelay $0x3  }
0x256: {  	_ =	swait.ge [sflag:s22], $0x4000  }
0x257: {  	[sflag:s22] =	ssyncset.done $0x0  }
0x258: {  	s0 =	simm.s32 @!p2 $0x6;
	[sflag:s22] =	ssyncadd.s32 $0xFFFFC000  }
0x259: {  	_ =	swait.ge @!p2 [sflag:s0], $0x4000  }
0x25a: {  	s30 =	simm.s32 $0xFFFFFFF8;
	[sflag:s0] =	ssyncset.done @!p2 $0x0  }
0x25b: {  	s1 =	simm.s32 $0xA000;
	[sflag:s0] =	ssyncadd.s32 @!p2 $0xFFFFC000;
	s0 =	simm.s32 $0x700  }
.LBB2_10:
0x25c: {  	s3 =	sadd.s32 $0xFFFFF900, s0  }
0x25d: {  	v16 =	vld [tilespmem:s1+$0xFFFFE000];
	v17 =	vor.u32 s3, v0;
	_ =	sdelay $0x4  }
0x25e: {  	[tilespmem:v17+s23+$0x0] =	vst.idx.msk $0xffff, v16  }
0x25f: {  	v17 =	vor.u32 s3, v1;
	v16 =	vld [tilespmem:s1+$0xFFFFE080];
	_ =	sdelay $0x4  }
0x260: {  	[tilespmem:v17+s23+$0x0] =	vst.idx.msk $0xffff, v16  }
0x261: {  	v17 =	vor.u32 s3, v2;
	v16 =	vld [tilespmem:s1+$0xFFFFE100];
	_ =	sdelay $0x4  }
0x262: {  	[tilespmem:v17+s23+$0x0] =	vst.idx.msk $0xffff, v16  }
0x263: {  	v17 =	vor.u32 s3, v3;
	v16 =	vld [tilespmem:s1+$0xFFFFE180];
	_ =	sdelay $0x4  }
0x264: {  	[tilespmem:v17+s23+$0x0] =	vst.idx.msk $0xffff, v16  }
0x265: {  	v17 =	vor.u32 s3, v4;
	v16 =	vld [tilespmem:s1+$0xFFFFE200];
	_ =	sdelay $0x4  }
0x266: {  	[tilespmem:v17+s23+$0x0] =	vst.idx.msk $0xffff, v16  }
0x267: {  	v17 =	vor.u32 s3, v5;
	v16 =	vld [tilespmem:s1+$0xFFFFE280];
	_ =	sdelay $0x4  }
0x268: {  	[tilespmem:v17+s23+$0x0] =	vst.idx.msk $0xffff, v16  }
0x269: {  	v17 =	vor.u32 s3, v6;
	v16 =	vld [tilespmem:s1+$0xFFFFE300];
	_ =	sdelay $0x4  }
0x26a: {  	[tilespmem:v17+s23+$0x0] =	vst.idx.msk $0xffff, v16  }
0x26b: {  	v17 =	vor.u32 s3, v7;
	v16 =	vld [tilespmem:s1+$0xFFFFE380];
	_ =	sdelay $0x4  }
0x26c: {  	[tilespmem:v17+s23+$0x0] =	vst.idx.msk $0xffff, v16  }
0x26d: {  	v17 =	vor.u32 s3, v8;
	v16 =	vld [tilespmem:s1+$0x0];
	_ =	sdelay $0x4  }
0x26e: {  	[tilespmem:v17+s23+$0x0] =	vst.idx.msk $0xffff, v16  }
0x26f: {  	v17 =	vor.u32 s3, v9;
	v16 =	vld [tilespmem:s1+$0x80];
	_ =	sdelay $0x4  }
0x270: {  	[tilespmem:v17+s23+$0x0] =	vst.idx.msk $0xffff, v16  }
0x271: {  	v17 =	vor.u32 s3, v10;
	v16 =	vld [tilespmem:s1+$0x100];
	_ =	sdelay $0x4  }
0x272: {  	[tilespmem:v17+s23+$0x0] =	vst.idx.msk $0xffff, v16  }
0x273: {  	v17 =	vor.u32 s3, v11;
	v16 =	vld [tilespmem:s1+$0x180];
	_ =	sdelay $0x4  }
0x274: {  	[tilespmem:v17+s23+$0x0] =	vst.idx.msk $0xffff, v16  }
0x275: {  	v17 =	vor.u32 s3, v12;
	v16 =	vld [tilespmem:s1+$0x200];
	_ =	sdelay $0x4  }
0x276: {  	[tilespmem:v17+s23+$0x0] =	vst.idx.msk $0xffff, v16  }
0x277: {  	v17 =	vor.u32 s3, v13;
	v16 =	vld [tilespmem:s1+$0x280];
	_ =	sdelay $0x4  }
0x278: {  	[tilespmem:v17+s23+$0x0] =	vst.idx.msk $0xffff, v16  }
0x279: {  	v17 =	vor.u32 s3, v14;
	v16 =	vld [tilespmem:s1+$0x300];
	_ =	sdelay $0x4  }
0x27a: {  	[tilespmem:v17+s23+$0x0] =	vst.idx.msk $0xffff, v16  }
0x27b: {  	v17 =	vor.u32 s3, v15;
	v16 =	vld [tilespmem:s1+$0x380];
	_ =	sdelay $0x4  }
0x27c: {  	s31 =	sadd.s32 $0xFFFFFA00, s0;
	[tilespmem:v17+s23+$0x0] =	vst.idx.msk $0xffff, v16  }
0x27d: {  	v17 =	vor.u32 s31, v0;
	v16 =	vld [tilespmem:s1+$0xFFFFE010];
	_ =	sdelay $0x4  }
0x27e: {  	[tilespmem:v17+s23+$0x0] =	vst.idx.msk $0xffff, v16  }
0x27f: {  	v17 =	vor.u32 s31, v1;
	v16 =	vld [tilespmem:s1+$0xFFFFE090];
	_ =	sdelay $0x4  }
0x280: {  	[tilespmem:v17+s23+$0x0] =	vst.idx.msk $0xffff, v16  }
0x281: {  	v17 =	vor.u32 s31, v2;
	v16 =	vld [tilespmem:s1+$0xFFFFE110];
	_ =	sdelay $0x4  }
0x282: {  	[tilespmem:v17+s23+$0x0] =	vst.idx.msk $0xffff, v16  }
0x283: {  	v17 =	vor.u32 s31, v3;
	v16 =	vld [tilespmem:s1+$0xFFFFE190];
	_ =	sdelay $0x4  }
0x284: {  	[tilespmem:v17+s23+$0x0] =	vst.idx.msk $0xffff, v16  }
0x285: {  	v17 =	vor.u32 s31, v4;
	v16 =	vld [tilespmem:s1+$0xFFFFE210];
	_ =	sdelay $0x4  }
0x286: {  	[tilespmem:v17+s23+$0x0] =	vst.idx.msk $0xffff, v16  }
0x287: {  	v17 =	vor.u32 s31, v5;
	v16 =	vld [tilespmem:s1+$0xFFFFE290];
	_ =	sdelay $0x4  }
0x288: {  	[tilespmem:v17+s23+$0x0] =	vst.idx.msk $0xffff, v16  }
0x289: {  	v17 =	vor.u32 s31, v6;
	v16 =	vld [tilespmem:s1+$0xFFFFE310];
	_ =	sdelay $0x4  }
0x28a: {  	[tilespmem:v17+s23+$0x0] =	vst.idx.msk $0xffff, v16  }
0x28b: {  	v17 =	vor.u32 s31, v7;
	v16 =	vld [tilespmem:s1+$0xFFFFE390];
	_ =	sdelay $0x4  }
0x28c: {  	[tilespmem:v17+s23+$0x0] =	vst.idx.msk $0xffff, v16  }
0x28d: {  	v17 =	vor.u32 s31, v8;
	v16 =	vld [tilespmem:s1+$0x10];
	_ =	sdelay $0x4  }
0x28e: {  	[tilespmem:v17+s23+$0x0] =	vst.idx.msk $0xffff, v16  }
0x28f: {  	v17 =	vor.u32 s31, v9;
	v16 =	vld [tilespmem:s1+$0x90];
	_ =	sdelay $0x4  }
0x290: {  	[tilespmem:v17+s23+$0x0] =	vst.idx.msk $0xffff, v16  }
0x291: {  	v17 =	vor.u32 s31, v10;
	v16 =	vld [tilespmem:s1+$0x110];
	_ =	sdelay $0x4  }
0x292: {  	[tilespmem:v17+s23+$0x0] =	vst.idx.msk $0xffff, v16  }
0x293: {  	v17 =	vor.u32 s31, v11;
	v16 =	vld [tilespmem:s1+$0x190];
	_ =	sdelay $0x4  }
0x294: {  	[tilespmem:v17+s23+$0x0] =	vst.idx.msk $0xffff, v16  }
0x295: {  	v17 =	vor.u32 s31, v12;
	v16 =	vld [tilespmem:s1+$0x210];
	_ =	sdelay $0x4  }
0x296: {  	[tilespmem:v17+s23+$0x0] =	vst.idx.msk $0xffff, v16  }
0x297: {  	v17 =	vor.u32 s31, v13;
	v16 =	vld [tilespmem:s1+$0x290];
	_ =	sdelay $0x4  }
0x298: {  	[tilespmem:v17+s23+$0x0] =	vst.idx.msk $0xffff, v16  }
0x299: {  	v17 =	vor.u32 s31, v14;
	v16 =	vld [tilespmem:s1+$0x310];
	_ =	sdelay $0x4  }
0x29a: {  	[tilespmem:v17+s23+$0x0] =	vst.idx.msk $0xffff, v16  }
0x29b: {  	v17 =	vor.u32 s31, v15;
	v16 =	vld [tilespmem:s1+$0x390];
	_ =	sdelay $0x4  }
0x29c: {  	s31 =	sadd.s32 $0xFFFFFB00, s0;
	[tilespmem:v17+s23+$0x0] =	vst.idx.msk $0xffff, v16  }
0x29d: {  	v17 =	vor.u32 s31, v0;
	v16 =	vld [tilespmem:s1+$0xFFFFE020];
	_ =	sdelay $0x4  }
0x29e: {  	[tilespmem:v17+s23+$0x0] =	vst.idx.msk $0xffff, v16  }
0x29f: {  	v17 =	vor.u32 s31, v1;
	v16 =	vld [tilespmem:s1+$0xFFFFE0A0];
	_ =	sdelay $0x4  }
0x2a0: {  	[tilespmem:v17+s23+$0x0] =	vst.idx.msk $0xffff, v16  }
0x2a1: {  	v17 =	vor.u32 s31, v2;
	v16 =	vld [tilespmem:s1+$0xFFFFE120];
	_ =	sdelay $0x4  }
0x2a2: {  	[tilespmem:v17+s23+$0x0] =	vst.idx.msk $0xffff, v16  }
0x2a3: {  	v17 =	vor.u32 s31, v3;
	v16 =	vld [tilespmem:s1+$0xFFFFE1A0];
	_ =	sdelay $0x4  }
0x2a4: {  	[tilespmem:v17+s23+$0x0] =	vst.idx.msk $0xffff, v16  }
0x2a5: {  	v17 =	vor.u32 s31, v4;
	v16 =	vld [tilespmem:s1+$0xFFFFE220];
	_ =	sdelay $0x4  }
0x2a6: {  	[tilespmem:v17+s23+$0x0] =	vst.idx.msk $0xffff, v16  }
0x2a7: {  	v17 =	vor.u32 s31, v5;
	v16 =	vld [tilespmem:s1+$0xFFFFE2A0];
	_ =	sdelay $0x4  }
0x2a8: {  	[tilespmem:v17+s23+$0x0] =	vst.idx.msk $0xffff, v16  }
0x2a9: {  	v17 =	vor.u32 s31, v6;
	v16 =	vld [tilespmem:s1+$0xFFFFE320];
	_ =	sdelay $0x4  }
0x2aa: {  	[tilespmem:v17+s23+$0x0] =	vst.idx.msk $0xffff, v16  }
0x2ab: {  	v17 =	vor.u32 s31, v7;
	v16 =	vld [tilespmem:s1+$0xFFFFE3A0];
	_ =	sdelay $0x4  }
0x2ac: {  	[tilespmem:v17+s23+$0x0] =	vst.idx.msk $0xffff, v16  }
0x2ad: {  	v17 =	vor.u32 s31, v8;
	v16 =	vld [tilespmem:s1+$0x20];
	_ =	sdelay $0x4  }
0x2ae: {  	[tilespmem:v17+s23+$0x0] =	vst.idx.msk $0xffff, v16  }
0x2af: {  	v17 =	vor.u32 s31, v9;
	v16 =	vld [tilespmem:s1+$0xA0];
	_ =	sdelay $0x4  }
0x2b0: {  	[tilespmem:v17+s23+$0x0] =	vst.idx.msk $0xffff, v16  }
0x2b1: {  	v17 =	vor.u32 s31, v10;
	v16 =	vld [tilespmem:s1+$0x120];
	_ =	sdelay $0x4  }
0x2b2: {  	[tilespmem:v17+s23+$0x0] =	vst.idx.msk $0xffff, v16  }
0x2b3: {  	v17 =	vor.u32 s31, v11;
	v16 =	vld [tilespmem:s1+$0x1A0];
	_ =	sdelay $0x4  }
0x2b4: {  	[tilespmem:v17+s23+$0x0] =	vst.idx.msk $0xffff, v16  }
0x2b5: {  	v17 =	vor.u32 s31, v12;
	v16 =	vld [tilespmem:s1+$0x220];
	_ =	sdelay $0x4  }
0x2b6: {  	[tilespmem:v17+s23+$0x0] =	vst.idx.msk $0xffff, v16  }
0x2b7: {  	v17 =	vor.u32 s31, v13;
	v16 =	vld [tilespmem:s1+$0x2A0];
	_ =	sdelay $0x4  }
0x2b8: {  	[tilespmem:v17+s23+$0x0] =	vst.idx.msk $0xffff, v16  }
0x2b9: {  	v17 =	vor.u32 s31, v14;
	v16 =	vld [tilespmem:s1+$0x320];
	_ =	sdelay $0x4  }
0x2ba: {  	[tilespmem:v17+s23+$0x0] =	vst.idx.msk $0xffff, v16  }
0x2bb: {  	v17 =	vor.u32 s31, v15;
	v16 =	vld [tilespmem:s1+$0x3A0];
	_ =	sdelay $0x4  }
0x2bc: {  	s31 =	sadd.s32 $0xFFFFFC00, s0;
	[tilespmem:v17+s23+$0x0] =	vst.idx.msk $0xffff, v16  }
0x2bd: {  	v17 =	vor.u32 s31, v0;
	v16 =	vld [tilespmem:s1+$0xFFFFE030];
	_ =	sdelay $0x4  }
0x2be: {  	[tilespmem:v17+s23+$0x0] =	vst.idx.msk $0xffff, v16  }
0x2bf: {  	v17 =	vor.u32 s31, v1;
	v16 =	vld [tilespmem:s1+$0xFFFFE0B0];
	_ =	sdelay $0x4  }
0x2c0: {  	[tilespmem:v17+s23+$0x0] =	vst.idx.msk $0xffff, v16  }
0x2c1: {  	v17 =	vor.u32 s31, v2;
	v16 =	vld [tilespmem:s1+$0xFFFFE130];
	_ =	sdelay $0x4  }
0x2c2: {  	[tilespmem:v17+s23+$0x0] =	vst.idx.msk $0xffff, v16  }
0x2c3: {  	v17 =	vor.u32 s31, v3;
	v16 =	vld [tilespmem:s1+$0xFFFFE1B0];
	_ =	sdelay $0x4  }
0x2c4: {  	[tilespmem:v17+s23+$0x0] =	vst.idx.msk $0xffff, v16  }
0x2c5: {  	v17 =	vor.u32 s31, v4;
	v16 =	vld [tilespmem:s1+$0xFFFFE230];
	_ =	sdelay $0x4  }
0x2c6: {  	[tilespmem:v17+s23+$0x0] =	vst.idx.msk $0xffff, v16  }
0x2c7: {  	v17 =	vor.u32 s31, v5;
	v16 =	vld [tilespmem:s1+$0xFFFFE2B0];
	_ =	sdelay $0x4  }
0x2c8: {  	[tilespmem:v17+s23+$0x0] =	vst.idx.msk $0xffff, v16  }
0x2c9: {  	v17 =	vor.u32 s31, v6;
	v16 =	vld [tilespmem:s1+$0xFFFFE330];
	_ =	sdelay $0x4  }
0x2ca: {  	[tilespmem:v17+s23+$0x0] =	vst.idx.msk $0xffff, v16  }
0x2cb: {  	v17 =	vor.u32 s31, v7;
	v16 =	vld [tilespmem:s1+$0xFFFFE3B0];
	_ =	sdelay $0x4  }
0x2cc: {  	[tilespmem:v17+s23+$0x0] =	vst.idx.msk $0xffff, v16  }
0x2cd: {  	v17 =	vor.u32 s31, v8;
	v16 =	vld [tilespmem:s1+$0x30];
	_ =	sdelay $0x4  }
0x2ce: {  	[tilespmem:v17+s23+$0x0] =	vst.idx.msk $0xffff, v16  }
0x2cf: {  	v17 =	vor.u32 s31, v9;
	v16 =	vld [tilespmem:s1+$0xB0];
	_ =	sdelay $0x4  }
0x2d0: {  	[tilespmem:v17+s23+$0x0] =	vst.idx.msk $0xffff, v16  }
0x2d1: {  	v17 =	vor.u32 s31, v10;
	v16 =	vld [tilespmem:s1+$0x130];
	_ =	sdelay $0x4  }
0x2d2: {  	[tilespmem:v17+s23+$0x0] =	vst.idx.msk $0xffff, v16  }
0x2d3: {  	v17 =	vor.u32 s31, v11;
	v16 =	vld [tilespmem:s1+$0x1B0];
	_ =	sdelay $0x4  }
0x2d4: {  	[tilespmem:v17+s23+$0x0] =	vst.idx.msk $0xffff, v16  }
0x2d5: {  	v17 =	vor.u32 s31, v12;
	v16 =	vld [tilespmem:s1+$0x230];
	_ =	sdelay $0x4  }
0x2d6: {  	[tilespmem:v17+s23+$0x0] =	vst.idx.msk $0xffff, v16  }
0x2d7: {  	v17 =	vor.u32 s31, v13;
	v16 =	vld [tilespmem:s1+$0x2B0];
	_ =	sdelay $0x4  }
0x2d8: {  	[tilespmem:v17+s23+$0x0] =	vst.idx.msk $0xffff, v16  }
0x2d9: {  	v17 =	vor.u32 s31, v14;
	v16 =	vld [tilespmem:s1+$0x330];
	_ =	sdelay $0x4  }
0x2da: {  	[tilespmem:v17+s23+$0x0] =	vst.idx.msk $0xffff, v16  }
0x2db: {  	v17 =	vor.u32 s31, v15;
	v16 =	vld [tilespmem:s1+$0x3B0];
	_ =	sdelay $0x4  }
0x2dc: {  	s31 =	sadd.s32 $0xFFFFFD00, s0;
	[tilespmem:v17+s23+$0x0] =	vst.idx.msk $0xffff, v16  }
0x2dd: {  	v17 =	vor.u32 s31, v0;
	v16 =	vld [tilespmem:s1+$0xFFFFE040];
	_ =	sdelay $0x4  }
0x2de: {  	[tilespmem:v17+s23+$0x0] =	vst.idx.msk $0xffff, v16  }
0x2df: {  	v17 =	vor.u32 s31, v1;
	v16 =	vld [tilespmem:s1+$0xFFFFE0C0];
	_ =	sdelay $0x4  }
0x2e0: {  	[tilespmem:v17+s23+$0x0] =	vst.idx.msk $0xffff, v16  }
0x2e1: {  	v17 =	vor.u32 s31, v2;
	v16 =	vld [tilespmem:s1+$0xFFFFE140];
	_ =	sdelay $0x4  }
0x2e2: {  	[tilespmem:v17+s23+$0x0] =	vst.idx.msk $0xffff, v16  }
0x2e3: {  	v17 =	vor.u32 s31, v3;
	v16 =	vld [tilespmem:s1+$0xFFFFE1C0];
	_ =	sdelay $0x4  }
0x2e4: {  	[tilespmem:v17+s23+$0x0] =	vst.idx.msk $0xffff, v16  }
0x2e5: {  	v17 =	vor.u32 s31, v4;
	v16 =	vld [tilespmem:s1+$0xFFFFE240];
	_ =	sdelay $0x4  }
0x2e6: {  	[tilespmem:v17+s23+$0x0] =	vst.idx.msk $0xffff, v16  }
0x2e7: {  	v17 =	vor.u32 s31, v5;
	v16 =	vld [tilespmem:s1+$0xFFFFE2C0];
	_ =	sdelay $0x4  }
0x2e8: {  	[tilespmem:v17+s23+$0x0] =	vst.idx.msk $0xffff, v16  }
0x2e9: {  	v17 =	vor.u32 s31, v6;
	v16 =	vld [tilespmem:s1+$0xFFFFE340];
	_ =	sdelay $0x4  }
0x2ea: {  	[tilespmem:v17+s23+$0x0] =	vst.idx.msk $0xffff, v16  }
0x2eb: {  	v17 =	vor.u32 s31, v7;
	v16 =	vld [tilespmem:s1+$0xFFFFE3C0];
	_ =	sdelay $0x4  }
0x2ec: {  	[tilespmem:v17+s23+$0x0] =	vst.idx.msk $0xffff, v16  }
0x2ed: {  	v17 =	vor.u32 s31, v8;
	v16 =	vld [tilespmem:s1+$0x40];
	_ =	sdelay $0x4  }
0x2ee: {  	[tilespmem:v17+s23+$0x0] =	vst.idx.msk $0xffff, v16  }
0x2ef: {  	v17 =	vor.u32 s31, v9;
	v16 =	vld [tilespmem:s1+$0xC0];
	_ =	sdelay $0x4  }
0x2f0: {  	[tilespmem:v17+s23+$0x0] =	vst.idx.msk $0xffff, v16  }
0x2f1: {  	v17 =	vor.u32 s31, v10;
	v16 =	vld [tilespmem:s1+$0x140];
	_ =	sdelay $0x4  }
0x2f2: {  	[tilespmem:v17+s23+$0x0] =	vst.idx.msk $0xffff, v16  }
0x2f3: {  	v17 =	vor.u32 s31, v11;
	v16 =	vld [tilespmem:s1+$0x1C0];
	_ =	sdelay $0x4  }
0x2f4: {  	[tilespmem:v17+s23+$0x0] =	vst.idx.msk $0xffff, v16  }
0x2f5: {  	v17 =	vor.u32 s31, v12;
	v16 =	vld [tilespmem:s1+$0x240];
	_ =	sdelay $0x4  }
0x2f6: {  	[tilespmem:v17+s23+$0x0] =	vst.idx.msk $0xffff, v16  }
0x2f7: {  	v17 =	vor.u32 s31, v13;
	v16 =	vld [tilespmem:s1+$0x2C0];
	_ =	sdelay $0x4  }
0x2f8: {  	[tilespmem:v17+s23+$0x0] =	vst.idx.msk $0xffff, v16  }
0x2f9: {  	v17 =	vor.u32 s31, v14;
	v16 =	vld [tilespmem:s1+$0x340];
	_ =	sdelay $0x4  }
0x2fa: {  	[tilespmem:v17+s23+$0x0] =	vst.idx.msk $0xffff, v16  }
0x2fb: {  	v17 =	vor.u32 s31, v15;
	v16 =	vld [tilespmem:s1+$0x3C0];
	_ =	sdelay $0x4  }
0x2fc: {  	s31 =	sadd.s32 $0xFFFFFE00, s0;
	[tilespmem:v17+s23+$0x0] =	vst.idx.msk $0xffff, v16  }
0x2fd: {  	v17 =	vor.u32 s31, v0;
	v16 =	vld [tilespmem:s1+$0xFFFFE050];
	_ =	sdelay $0x4  }
0x2fe: {  	[tilespmem:v17+s23+$0x0] =	vst.idx.msk $0xffff, v16  }
0x2ff: {  	v17 =	vor.u32 s31, v1;
	v16 =	vld [tilespmem:s1+$0xFFFFE0D0];
	_ =	sdelay $0x4  }
0x300: {  	[tilespmem:v17+s23+$0x0] =	vst.idx.msk $0xffff, v16  }
0x301: {  	v17 =	vor.u32 s31, v2;
	v16 =	vld [tilespmem:s1+$0xFFFFE150];
	_ =	sdelay $0x4  }
0x302: {  	[tilespmem:v17+s23+$0x0] =	vst.idx.msk $0xffff, v16  }
0x303: {  	v17 =	vor.u32 s31, v3;
	v16 =	vld [tilespmem:s1+$0xFFFFE1D0];
	_ =	sdelay $0x4  }
0x304: {  	[tilespmem:v17+s23+$0x0] =	vst.idx.msk $0xffff, v16  }
0x305: {  	v17 =	vor.u32 s31, v4;
	v16 =	vld [tilespmem:s1+$0xFFFFE250];
	_ =	sdelay $0x4  }
0x306: {  	[tilespmem:v17+s23+$0x0] =	vst.idx.msk $0xffff, v16  }
0x307: {  	v17 =	vor.u32 s31, v5;
	v16 =	vld [tilespmem:s1+$0xFFFFE2D0];
	_ =	sdelay $0x4  }
0x308: {  	[tilespmem:v17+s23+$0x0] =	vst.idx.msk $0xffff, v16  }
0x309: {  	v17 =	vor.u32 s31, v6;
	v16 =	vld [tilespmem:s1+$0xFFFFE350];
	_ =	sdelay $0x4  }
0x30a: {  	[tilespmem:v17+s23+$0x0] =	vst.idx.msk $0xffff, v16  }
0x30b: {  	v17 =	vor.u32 s31, v7;
	v16 =	vld [tilespmem:s1+$0xFFFFE3D0];
	_ =	sdelay $0x4  }
0x30c: {  	[tilespmem:v17+s23+$0x0] =	vst.idx.msk $0xffff, v16  }
0x30d: {  	v17 =	vor.u32 s31, v8;
	v16 =	vld [tilespmem:s1+$0x50];
	_ =	sdelay $0x4  }
0x30e: {  	[tilespmem:v17+s23+$0x0] =	vst.idx.msk $0xffff, v16  }
0x30f: {  	v17 =	vor.u32 s31, v9;
	v16 =	vld [tilespmem:s1+$0xD0];
	_ =	sdelay $0x4  }
0x310: {  	[tilespmem:v17+s23+$0x0] =	vst.idx.msk $0xffff, v16  }
0x311: {  	v17 =	vor.u32 s31, v10;
	v16 =	vld [tilespmem:s1+$0x150];
	_ =	sdelay $0x4  }
0x312: {  	[tilespmem:v17+s23+$0x0] =	vst.idx.msk $0xffff, v16  }
0x313: {  	v17 =	vor.u32 s31, v11;
	v16 =	vld [tilespmem:s1+$0x1D0];
	_ =	sdelay $0x4  }
0x314: {  	[tilespmem:v17+s23+$0x0] =	vst.idx.msk $0xffff, v16  }
0x315: {  	v17 =	vor.u32 s31, v12;
	v16 =	vld [tilespmem:s1+$0x250];
	_ =	sdelay $0x4  }
0x316: {  	[tilespmem:v17+s23+$0x0] =	vst.idx.msk $0xffff, v16  }
0x317: {  	v17 =	vor.u32 s31, v13;
	v16 =	vld [tilespmem:s1+$0x2D0];
	_ =	sdelay $0x4  }
0x318: {  	[tilespmem:v17+s23+$0x0] =	vst.idx.msk $0xffff, v16  }
0x319: {  	v17 =	vor.u32 s31, v14;
	v16 =	vld [tilespmem:s1+$0x350];
	_ =	sdelay $0x4  }
0x31a: {  	[tilespmem:v17+s23+$0x0] =	vst.idx.msk $0xffff, v16  }
0x31b: {  	v17 =	vor.u32 s31, v15;
	v16 =	vld [tilespmem:s1+$0x3D0];
	_ =	sdelay $0x4  }
0x31c: {  	s31 =	sadd.s32 $0xFFFFFF00, s0;
	[tilespmem:v17+s23+$0x0] =	vst.idx.msk $0xffff, v16  }
0x31d: {  	v17 =	vor.u32 s31, v0;
	v16 =	vld [tilespmem:s1+$0xFFFFE060];
	_ =	sdelay $0x4  }
0x31e: {  	[tilespmem:v17+s23+$0x0] =	vst.idx.msk $0xffff, v16  }
0x31f: {  	v17 =	vor.u32 s31, v1;
	v16 =	vld [tilespmem:s1+$0xFFFFE0E0];
	_ =	sdelay $0x4  }
0x320: {  	[tilespmem:v17+s23+$0x0] =	vst.idx.msk $0xffff, v16  }
0x321: {  	v17 =	vor.u32 s31, v2;
	v16 =	vld [tilespmem:s1+$0xFFFFE160];
	_ =	sdelay $0x4  }
0x322: {  	[tilespmem:v17+s23+$0x0] =	vst.idx.msk $0xffff, v16  }
0x323: {  	v17 =	vor.u32 s31, v3;
	v16 =	vld [tilespmem:s1+$0xFFFFE1E0];
	_ =	sdelay $0x4  }
0x324: {  	[tilespmem:v17+s23+$0x0] =	vst.idx.msk $0xffff, v16  }
0x325: {  	v17 =	vor.u32 s31, v4;
	v16 =	vld [tilespmem:s1+$0xFFFFE260];
	_ =	sdelay $0x4  }
0x326: {  	[tilespmem:v17+s23+$0x0] =	vst.idx.msk $0xffff, v16  }
0x327: {  	v17 =	vor.u32 s31, v5;
	v16 =	vld [tilespmem:s1+$0xFFFFE2E0];
	_ =	sdelay $0x4  }
0x328: {  	[tilespmem:v17+s23+$0x0] =	vst.idx.msk $0xffff, v16  }
0x329: {  	v17 =	vor.u32 s31, v6;
	v16 =	vld [tilespmem:s1+$0xFFFFE360];
	_ =	sdelay $0x4  }
0x32a: {  	[tilespmem:v17+s23+$0x0] =	vst.idx.msk $0xffff, v16  }
0x32b: {  	v17 =	vor.u32 s31, v7;
	v16 =	vld [tilespmem:s1+$0xFFFFE3E0];
	_ =	sdelay $0x4  }
0x32c: {  	[tilespmem:v17+s23+$0x0] =	vst.idx.msk $0xffff, v16  }
0x32d: {  	v17 =	vor.u32 s31, v8;
	v16 =	vld [tilespmem:s1+$0x60];
	_ =	sdelay $0x4  }
0x32e: {  	[tilespmem:v17+s23+$0x0] =	vst.idx.msk $0xffff, v16  }
0x32f: {  	v17 =	vor.u32 s31, v9;
	v16 =	vld [tilespmem:s1+$0xE0];
	_ =	sdelay $0x4  }
0x330: {  	[tilespmem:v17+s23+$0x0] =	vst.idx.msk $0xffff, v16  }
0x331: {  	v17 =	vor.u32 s31, v10;
	v16 =	vld [tilespmem:s1+$0x160];
	_ =	sdelay $0x4  }
0x332: {  	[tilespmem:v17+s23+$0x0] =	vst.idx.msk $0xffff, v16  }
0x333: {  	v17 =	vor.u32 s31, v11;
	v16 =	vld [tilespmem:s1+$0x1E0];
	_ =	sdelay $0x4  }
0x334: {  	[tilespmem:v17+s23+$0x0] =	vst.idx.msk $0xffff, v16  }
0x335: {  	v17 =	vor.u32 s31, v12;
	v16 =	vld [tilespmem:s1+$0x260];
	_ =	sdelay $0x4  }
0x336: {  	[tilespmem:v17+s23+$0x0] =	vst.idx.msk $0xffff, v16  }
0x337: {  	v17 =	vor.u32 s31, v13;
	v16 =	vld [tilespmem:s1+$0x2E0];
	_ =	sdelay $0x4  }
0x338: {  	[tilespmem:v17+s23+$0x0] =	vst.idx.msk $0xffff, v16  }
0x339: {  	v17 =	vor.u32 s31, v14;
	v16 =	vld [tilespmem:s1+$0x360];
	_ =	sdelay $0x4  }
0x33a: {  	[tilespmem:v17+s23+$0x0] =	vst.idx.msk $0xffff, v16  }
0x33b: {  	v17 =	vor.u32 s31, v15;
	v16 =	vld [tilespmem:s1+$0x3E0];
	_ =	sdelay $0x4  }
0x33c: {  	[tilespmem:v17+s23+$0x0] =	vst.idx.msk $0xffff, v16  }
0x33d: {  	v17 =	vor.u32 s0, v0;
	v16 =	vld [tilespmem:s1+$0xFFFFE070];
	_ =	sdelay $0x4  }
0x33e: {  	[tilespmem:v17+s23+$0x0] =	vst.idx.msk $0xffff, v16  }
0x33f: {  	v17 =	vor.u32 s0, v1;
	v16 =	vld [tilespmem:s1+$0xFFFFE0F0];
	_ =	sdelay $0x4  }
0x340: {  	[tilespmem:v17+s23+$0x0] =	vst.idx.msk $0xffff, v16  }
0x341: {  	v17 =	vor.u32 s0, v2;
	v16 =	vld [tilespmem:s1+$0xFFFFE170];
	_ =	sdelay $0x4  }
0x342: {  	[tilespmem:v17+s23+$0x0] =	vst.idx.msk $0xffff, v16  }
0x343: {  	v17 =	vor.u32 s0, v3;
	v16 =	vld [tilespmem:s1+$0xFFFFE1F0];
	_ =	sdelay $0x4  }
0x344: {  	[tilespmem:v17+s23+$0x0] =	vst.idx.msk $0xffff, v16  }
0x345: {  	v17 =	vor.u32 s0, v4;
	v16 =	vld [tilespmem:s1+$0xFFFFE270];
	_ =	sdelay $0x4  }
0x346: {  	[tilespmem:v17+s23+$0x0] =	vst.idx.msk $0xffff, v16  }
0x347: {  	v17 =	vor.u32 s0, v5;
	v16 =	vld [tilespmem:s1+$0xFFFFE2F0];
	_ =	sdelay $0x4  }
0x348: {  	[tilespmem:v17+s23+$0x0] =	vst.idx.msk $0xffff, v16  }
0x349: {  	v17 =	vor.u32 s0, v6;
	v16 =	vld [tilespmem:s1+$0xFFFFE370];
	_ =	sdelay $0x4  }
0x34a: {  	[tilespmem:v17+s23+$0x0] =	vst.idx.msk $0xffff, v16  }
0x34b: {  	v17 =	vor.u32 s0, v7;
	v16 =	vld [tilespmem:s1+$0xFFFFE3F0];
	_ =	sdelay $0x4  }
0x34c: {  	[tilespmem:v17+s23+$0x0] =	vst.idx.msk $0xffff, v16  }
0x34d: {  	v17 =	vor.u32 s0, v8;
	v16 =	vld [tilespmem:s1+$0x70];
	_ =	sdelay $0x4  }
0x34e: {  	[tilespmem:v17+s23+$0x0] =	vst.idx.msk $0xffff, v16  }
0x34f: {  	v17 =	vor.u32 s0, v9;
	v16 =	vld [tilespmem:s1+$0xF0];
	_ =	sdelay $0x4  }
0x350: {  	[tilespmem:v17+s23+$0x0] =	vst.idx.msk $0xffff, v16  }
0x351: {  	v17 =	vor.u32 s0, v10;
	v16 =	vld [tilespmem:s1+$0x170];
	_ =	sdelay $0x4  }
0x352: {  	[tilespmem:v17+s23+$0x0] =	vst.idx.msk $0xffff, v16  }
0x353: {  	v17 =	vor.u32 s0, v11;
	v16 =	vld [tilespmem:s1+$0x1F0];
	_ =	sdelay $0x4  }
0x354: {  	[tilespmem:v17+s23+$0x0] =	vst.idx.msk $0xffff, v16  }
0x355: {  	v17 =	vor.u32 s0, v12;
	v16 =	vld [tilespmem:s1+$0x270];
	_ =	sdelay $0x4  }
0x356: {  	[tilespmem:v17+s23+$0x0] =	vst.idx.msk $0xffff, v16  }
0x357: {  	v17 =	vor.u32 s0, v13;
	v16 =	vld [tilespmem:s1+$0x2F0];
	_ =	sdelay $0x4  }
0x358: {  	[tilespmem:v17+s23+$0x0] =	vst.idx.msk $0xffff, v16  }
0x359: {  	v17 =	vor.u32 s0, v14;
	v16 =	vld [tilespmem:s1+$0x370];
	_ =	sdelay $0x4  }
0x35a: {  	s30 =	sadd.s32 $0x8, s30;
	[tilespmem:v17+s23+$0x0] =	vst.idx.msk $0xffff, v16  }
0x35b: {  	p2 =	slt.u32 s30, $0x38;
	v17 =	vor.u32 s0, v15;
	v16 =	vld [tilespmem:s1+$0x3F0]  }
.Ltmp8:
0x35c: {  	_ = 	snop;
	(pc) =	sbr.rel @p2 .LBB2_10-.Ltmp8, $2  }
0x35d: {  	_ =	sdelay $0x2  }
0x35e: {  	s0 =	sadd.s32 $0x800, s0;
	s1 =	sadd.s32 $0x400, s1;
	[tilespmem:v17+s23+$0x0] =	vst.idx.msk $0xffff, v16  }
.Ltmp9:
0x35f: {  	(pc) =	sbr.rel .LBB2_12-.Ltmp9, $4  }
0x360: {  	_ = 	snop  }
0x361: {  	s0 =	sshll.u32 s29, $0xB  }
0x362: {  	s0 =	sadd.s32 s4, s0  }
0x363: {  	[hbm4b:s0+s5] =	stream.linear.scatter [tilespmem:s23], [sflag:$0x6], $0x4000, $0x38;
	[tilespmem:$0x18000] =	vst v63  }
.LBB2_14:
0x364: {  	_ =	sfence.sel $0x180000  }
0x365: {  	[bflag:$0x0] =	sbarrier.arrive $0xFFFF  }
0x366: {  	_ =	strace $0x90000047  }
0x367: {  	s0 =	stileid.u32;
	[bflag:$0x2] =	sbarrier.arrive $0xFFFF  }
0x368: {  	p0 =	sne.s32 s0, $0x0;
	s0 =	rddreg [dreg:$0x3]  }
0x369: {  	s0 =	sadd.s32 @!p0 $0x100000, s0  }
0x36a: {  	[sflag:s0] =	ssyncadd.tile.s32 @!p0 $0x1;
	_ =	shalt  }
.Lfunc_end2:
_tile_overlayer_lowered:
.L_overlay_start_2:
0x36b: {  	(tag) =	ssettag $0x2  }
0x36c: {  	s0 =	rddreg [dreg:$0x0];
	s2 =	stileid.u32  }
0x36d: {  	s1 =	rddreg [dreg:$0x1];
	p0 =	sne.s32 s2, $0x0  }
0x36e: {  	s3 =	rddreg [dreg:$0x2];
	[bflag:$0x3] =	sbarrier.arrive $0xFFFF;
	s2 =	simm.s32 @!p0 $0x1C07  }
0x36f: {  	[timem:s3], [sflag:s2] =	dma.local @!p0 [hbm:s0], s1  }
0x370: {  	s0 =	simm.s32 @!p0 $0x7  }
0x371: {  	_ =	swait.ge @!p0 [sflag:s0], s1  }
0x372: {  	s1 =	ssub.s32 @!p0 $0x0, s1;
	[sflag:s0] =	ssyncset.done @!p0 $0x0  }
0x373: {  	[sflag:s0] =	ssyncadd.s32 @!p0 s1  }
0x374: {  	[bflag:$0x3] =	sbarrier.arrive $0xFFFF  }
0x375: {  	_ =	shalt  }

</sc_bundles>
